<compile_context>
chip_gen: v7x
topology: tpu7x:2x2x1
jax: 0.10.2.dev20260603
libtpu: 0.0.44.dev20260713+nightly
codegen_flags: <defaults>
</compile_context>

<pallas_src>
import functools

import numpy as np

import jax
import jax.numpy as jnp
from jax import lax
from jax.experimental import pallas as pl
from jax.experimental.pallas import tpu as pltpu
from jax.experimental.pallas import tpu_sc as plsc

D = 200
W = 128
S = 25
K = 3
RW = 80
RW2 = 2 * RW
B = 4096
NC, NS, L = 2, 16, 16
NW = NC * NS
PER_W = B // NW
NCH = -(-D // (2 * L))


def _sc_scores(tpk, wpad, lists):
    mesh = plsc.VectorSubcoreMesh(core_axis_name="c", subcore_axis_name="s")

    @functools.partial(
        pl.kernel,
        out_type=jax.ShapeDtypeStruct((NW, PER_W), jnp.float32),
        mesh=mesh,
        compiler_params=pltpu.CompilerParams(use_tc_tiling_on_sc=False,
                                             needs_layout_passes=False),
        scratch_types=[
            pltpu.VMEM((L,), jnp.float32),
            pltpu.VMEM((2 * PER_W, W), jnp.int32),
            pltpu.VMEM((RW2, W), jnp.float32),
            pltpu.VMEM((RW2, W), jnp.float32),
            pltpu.VMEM((PER_W,), jnp.float32),
            pltpu.SemaphoreType.DMA,
            pltpu.SemaphoreType.DMA,
        ],
    )
    def body(tpk_hbm, w_hbm, lists_hbm, out_hbm, w_v, idx_v, rows_a, rows_b,
             out_v, sem_a, sem_b):
        wid = lax.axis_index("s") * NC + lax.axis_index("c")
        pltpu.sync_copy(w_hbm, w_v)
        pltpu.sync_copy(lists_hbm.at[pl.ds(wid * 2 * PER_W, 2 * PER_W)],
                        idx_v)

        lanes = lax.iota(jnp.int32, L)
        zero = jnp.zeros((L,), jnp.float32)

        wv = w_v[...]
        e = jnp.exp(wv - jnp.max(wv))
        wn = e / jnp.full((L,), jnp.sum(e), jnp.float32)
        w0 = jnp.sum(jnp.where(lanes == 0, wn, zero))
        w1 = jnp.sum(jnp.where(lanes == 1, wn, zero)) * (1.0 / S)
        w2 = jnp.sum(jnp.where(lanes == 2, wn, zero)) * (1.0 / S)
        w3 = jnp.sum(jnp.where(lanes == 3, wn, zero)) * (1.0 / S)

        def issue(n, rows_v, sem):
            pltpu.async_copy(tpk_hbm.at[idx_v.at[2 * n]],
                             rows_v.at[pl.ds(0, W)], sem)
            pltpu.async_copy(tpk_hbm.at[idx_v.at[2 * n + 1, pl.ds(0, RW2 - W)]],
                             rows_v.at[pl.ds(W, RW2 - W)], sem)

        def drain(rows_v, sem):
            pltpu.make_async_copy(tpk_hbm.at[pl.ds(0, RW2)], rows_v,
                                  sem).wait()

        def row_chunks(rows_v, base, j):
            out = []
            for c in range(NCH):
                bv = rows_v[base + j, pl.ds(c * L, L)]
                out.append(plsc.bitcast(bv, jnp.int32))
            return out

        def unpack_acc(accs, chunks):
            res = list(accs)
            for i, v in enumerate(chunks):
                eo = (lax.bitcast_convert_type(lax.shift_left(v, 16),
                                               jnp.float32),
                      lax.bitcast_convert_type(
                          jnp.bitwise_and(v, jnp.int32(-65536)), jnp.float32))
                for h in range(2):
                    res[2 * i + h] = res[2 * i + h] + eo[h]
            return res

        NACC = 2 * NCH

        def side_repr(rows_v, base):
            e0 = unpack_acc([zero] * NACC, row_chunks(rows_v, base, 0))

            def group(first):
                def gbody(r, accs):
                    return tuple(unpack_acc(accs,
                                            row_chunks(rows_v, base,
                                                       first + r)))
                return lax.fori_loop(0, S, gbody, tuple([zero] * NACC))

            g1 = group(1)
            g2 = group(1 + S)
            g3 = group(1 + 2 * S)
            return [w0 * a + w1 * b + w2 * c + w3 * d
                    for a, b, c, d in zip(e0, g1, g2, g3)]

        def compute(n, rows_v):
            u = side_repr(rows_v, 0)
            v = side_repr(rows_v, RW)
            p = u[0] * v[0]
            for c in range(1, NACC):
                p = p + u[c] * v[c]
            dot = jnp.sum(p)
            plsc.store_scatter(out_v, [jnp.full((L,), n, jnp.int32)],
                               jnp.full((L,), dot, jnp.float32),
                               mask=lanes == 0)

        issue(0, rows_a, sem_a)
        issue(1, rows_b, sem_b)

        def grp(g, carry):
            for n, rows_v, sem in ((2 * g, rows_a, sem_a),
                                   (2 * g + 1, rows_b, sem_b)):
                drain(rows_v, sem)
                compute(n, rows_v)

                @pl.when(n + 2 < PER_W)
                def _():
                    issue(n + 2, rows_v, sem)
            return carry

        lax.fori_loop(0, PER_W // 2, grp, 0)
        pltpu.sync_copy(out_v, out_hbm.at[wid])

    return body(tpk, wpad, lists)


def _pack_lists(ind, walks):
    wt = walks.transpose(0, 2, 1)
    w75 = wt[:, 1:, :].reshape(B, S * K)
    pad = wt[:, 0, :4]
    return jnp.concatenate([ind[:, None], w75, pad], axis=1)


def kernel(node_embeddings, user_weights, item_weights,
           user_indices, item_indices, user_walks, item_walks):
    del item_weights
    wpad = jnp.pad(user_weights, (0, L - user_weights.shape[0]),
                   constant_values=-jnp.inf)
    def rnd(half):
        x = lax.bitcast_convert_type(half, jnp.int32)
        return lax.shift_right_logical(
            x + 0x7FFF + (lax.shift_right_logical(x, 16) & 1), 16)

    packed = rnd(node_embeddings[:, :D // 2]) | lax.shift_left(
        rnd(node_embeddings[:, D // 2:]), 16)
    packed = jnp.pad(packed, ((0, 0), (0, W - D // 2)))
    tpk = lax.bitcast_convert_type(packed, jnp.float32)
    ulists = _pack_lists(user_indices.astype(jnp.int32),
                         user_walks.astype(jnp.int32))
    ilists = _pack_lists(item_indices.astype(jnp.int32),
                         item_walks.astype(jnp.int32))
    zpad = jnp.zeros((B, 2 * W - RW2), jnp.int32)
    lists = jnp.concatenate([ulists, ilists, zpad], axis=1).reshape(-1, W)
    out = _sc_scores(tpk, wpad, lists)
    return out.reshape(B)

# --- scband reference (transcript-rebuilt; emitter-appended) ---
"""Pipeline reference for scband-gnp-88622355186327 (READ-ONLY COPY).

The authoritative reference and input builder live on the scoring server;
editing this copy changes nothing except your own understanding.
"""

import jax, jax.numpy as jnp
import numpy as np

NUM_NODES = 100000
EMBED_DIM = 200
NUM_LAYERS = 3
NUM_WALKS = 25
BATCH = 4096


def setup_inputs(seed: int = 0) -> dict:
    key = jax.random.key(seed)
    k1, k2, k3, k4, k5 = jax.random.split(key, 5)
    node_embeddings = jax.random.normal(k1, (NUM_NODES, EMBED_DIM), dtype=jnp.float32) * 0.05
    user_weights = jnp.ones((NUM_LAYERS + 1,), dtype=jnp.float32)
    item_weights = jnp.ones((NUM_LAYERS + 1,), dtype=jnp.float32)
    user_indices = jax.random.randint(k2, (BATCH,), 0, NUM_NODES)
    item_indices = jax.random.randint(k3, (BATCH,), 0, NUM_NODES)
    user_walks = jax.random.randint(k4, (BATCH, NUM_WALKS, NUM_LAYERS + 1), 0, NUM_NODES)
    item_walks = jax.random.randint(k5, (BATCH, NUM_WALKS, NUM_LAYERS + 1), 0, NUM_NODES)
    return {
        'node_embeddings': node_embeddings,
        'user_weights': user_weights,
        'item_weights': item_weights,
        'user_indices': user_indices,
        'item_indices': item_indices,
        'user_walks': user_walks,
        'item_walks': item_walks,
    }


def _gwarmer(embeddings, weights, node_indices, walks):
    # layer 0: own embedding; layer k>=1: mean over S walks of embedding at step k
    B, S, Kp1 = walks.shape
    e0 = jnp.take(embeddings, node_indices, axis=0)  # [B, d]
    walk_emb = jnp.take(embeddings, walks.reshape(-1), axis=0).reshape(B, S, Kp1, EMBED_DIM)
    layer_means = walk_emb.mean(axis=1)  # [B, K+1, d]
    layer_reprs = jnp.concatenate([e0[:, None, :], layer_means[:, 1:, :]], axis=1)  # [B, K+1, d]
    w = jax.nn.softmax(weights, axis=0)  # self-adaptive weighting (softmax of user_weights)
    return jnp.sum(layer_reprs * w[None, :, None], axis=1)  # [B, d]


def reference(node_embeddings, user_weights, item_weights, user_indices, item_indices, user_walks, item_walks):
    # GWarmer.forward uses self.user_weights for both user and item reprs (faithful to torch code)
    u_repr = _gwarmer(node_embeddings, user_weights, user_indices, user_walks)
    i_repr = _gwarmer(node_embeddings, user_weights, item_indices, item_walks)
    scores = jnp.sum(u_repr * i_repr, axis=-1)  # warm recommendation scores [B]
    return scores

if __name__ == "__main__":
    import jax
    _d = setup_inputs()
    print(jax.jit(kernel)(*tuple(_d.values())))

</pallas_src>

<mosaic_0001>
#map = affine_map<(d0, d1) -> (0, 0)>
#map1 = affine_map<(d0, d1) -> (0)>
module attributes {stable_mosaic.version = 14 : i64} {
  func.func @body(%arg0: i32, %arg1: i32, %arg2: memref<100000x128xf32, #tpu.memory_space<hbm>>, %arg3: memref<16xf32, #tpu.memory_space<hbm>>, %arg4: memref<8192x128xi32, #tpu.memory_space<hbm>>, %arg5: memref<32x128xf32, #tpu.memory_space<hbm>>, %arg6: memref<16xf32, #tpu.memory_space<vmem>>, %arg7: memref<256x128xi32, #tpu.memory_space<vmem>>, %arg8: memref<160x128xf32, #tpu.memory_space<vmem>>, %arg9: memref<160x128xf32, #tpu.memory_space<vmem>>, %arg10: memref<128xf32, #tpu.memory_space<vmem>>, %arg11: memref<!tpu.dma_semaphore, #tpu.memory_space<semaphore_mem>>, %arg12: memref<!tpu.dma_semaphore, #tpu.memory_space<semaphore_mem>>) attributes {dimension_semantics = [#tpu.dimension_semantics<core_parallel>, #tpu.dimension_semantics<subcore_parallel>], iteration_bounds = array<i64: 2, 16>, scalar_prefetch = 0 : i64, scratch_operands = 7 : i64, tpu.core_type = #tpu.core_type<sc_vector_subcore>, window_params = [{transform_indices = #map}, {transform_indices = #map1}, {transform_indices = #map}, {transform_indices = #map}]} {
    %mul3A = arith.constant 2 : i32
    %mul3A_0 = arith.muli %arg1, %mul3A : i32
    %add3A = arith.addi %mul3A_0, %arg0 : i32
    "tpu.region"() ({
      %run_scoped3A = tpu.sem_alloc : memref<!tpu.dma_semaphore, #tpu.memory_space<semaphore_mem>>
      tpu.enqueue_dma source(%arg3 : memref<16xf32, #tpu.memory_space<hbm>>) target(%arg6 : memref<16xf32, #tpu.memory_space<vmem>>) target_semaphore(%run_scoped3A : memref<!tpu.dma_semaphore, #tpu.memory_space<semaphore_mem>>)
      tpu.wait_dma2 semaphore(%run_scoped3A : memref<!tpu.dma_semaphore, #tpu.memory_space<semaphore_mem>>) src(%arg3 : memref<16xf32, #tpu.memory_space<hbm>>) dst(%arg6 : memref<16xf32, #tpu.memory_space<vmem>>)
      tpu.yield
    }) : () -> ()
    %mul3A_1 = arith.constant 2 : i32
    %mul3A_2 = arith.muli %add3A, %mul3A_1 : i32
    %mul3A_3 = arith.constant 128 : i32
    %mul3A_4 = arith.muli %mul3A_2, %mul3A_3 : i32
    "tpu.region"() ({
      %run_scoped3A = tpu.sem_alloc : memref<!tpu.dma_semaphore, #tpu.memory_space<semaphore_mem>>
      %dma_start3A_95 = arith.constant 0 : i32
      %dma_start3A_96 = tpu.memref_slice %arg4[%mul3A_4, %dma_start3A_95] : memref<8192x128xi32, #tpu.memory_space<hbm>> -> memref<256x128xi32, #tpu.memory_space<hbm>>
      %dma_start3A_97 = arith.constant 0 : i32
      %dma_start3A_98 = tpu.memref_slice %arg4[%mul3A_4, %dma_start3A_97] : memref<8192x128xi32, #tpu.memory_space<hbm>> -> memref<256x128xi32, #tpu.memory_space<hbm>>
      tpu.enqueue_dma source(%dma_start3A_98 : memref<256x128xi32, #tpu.memory_space<hbm>>) target(%arg7 : memref<256x128xi32, #tpu.memory_space<vmem>>) target_semaphore(%run_scoped3A : memref<!tpu.dma_semaphore, #tpu.memory_space<semaphore_mem>>)
      %dma_wait3A = arith.constant 0 : i32
      %dma_wait3A_99 = tpu.memref_slice %arg4[%mul3A_4, %dma_wait3A] : memref<8192x128xi32, #tpu.memory_space<hbm>> -> memref<256x128xi32, #tpu.memory_space<hbm>>
      %dma_wait3A_100 = arith.constant 0 : i32
      %dma_wait3A_101 = tpu.memref_slice %arg4[%mul3A_4, %dma_wait3A_100] : memref<8192x128xi32, #tpu.memory_space<hbm>> -> memref<256x128xi32, #tpu.memory_space<hbm>>
      tpu.wait_dma2 semaphore(%run_scoped3A : memref<!tpu.dma_semaphore, #tpu.memory_space<semaphore_mem>>) src(%dma_wait3A_101 : memref<256x128xi32, #tpu.memory_space<hbm>>) dst(%arg7 : memref<256x128xi32, #tpu.memory_space<vmem>>)
      tpu.yield
    }) : () -> ()
    %iota3A = tpu.iota {dimensions = array<i32: 0>} : vector<16xi32>
    %broadcast_in_dim3A = arith.constant 0.000000e+00 : f32
    %broadcast_in_dim3A_5 = vector.broadcast %broadcast_in_dim3A : f32 to vector<16xf32>
    %get3A = arith.constant 0 : index
    %get3A_6 = tpu.vector_load %arg6[%get3A] {strides = array<i32>} : memref<16xf32, #tpu.memory_space<vmem>>, vector<16xf32>,
    %reduce_max3A = arith.constant true
    %reduce_max3A_7 = vector.broadcast %reduce_max3A : i1 to vector<16xi1>
    %reduce_max3A_8 = tpu.scan <max>, %get3A_6 masked %reduce_max3A_7 : vector<16xf32>, vector<16xi1> -> vector<16xf32>
    %reduce_max3A_9 = vector.extract %reduce_max3A_8[15] : f32 from vector<16xf32>
    %sub3A = vector.broadcast %reduce_max3A_9 : f32 to vector<16xf32>
    %sub3A_10 = arith.subf %get3A_6, %sub3A : vector<16xf32>
    %exp3A = math.exp %sub3A_10 : vector<16xf32>
    %reduce_sum3A = arith.constant true
    %reduce_sum3A_11 = vector.broadcast %reduce_sum3A : i1 to vector<16xi1>
    %reduce_sum3A_12 = tpu.scan <sum>, %exp3A masked %reduce_sum3A_11 : vector<16xf32>, vector<16xi1> -> vector<16xf32>
    %reduce_sum3A_13 = vector.extract %reduce_sum3A_12[15] : f32 from vector<16xf32>
    %broadcast_in_dim3A_14 = vector.broadcast %reduce_sum3A_13 : f32 to vector<16xf32>
    %div3A = arith.divf %exp3A, %broadcast_in_dim3A_14 : vector<16xf32>
    %eq3A = arith.constant 0 : i32
    %eq3A_15 = vector.broadcast %eq3A : i32 to vector<16xi32>
    %eq3A_16 = arith.cmpi eq, %iota3A, %eq3A_15 : vector<16xi32>
    %select_n3A = arith.select %eq3A_16, %div3A, %broadcast_in_dim3A_5 : vector<16xi1>, vector<16xf32>
    %reduce_sum3A_17 = arith.constant true
    %reduce_sum3A_18 = vector.broadcast %reduce_sum3A_17 : i1 to vector<16xi1>
    %reduce_sum3A_19 = tpu.scan <sum>, %select_n3A masked %reduce_sum3A_18 : vector<16xf32>, vector<16xi1> -> vector<16xf32>
    %reduce_sum3A_20 = vector.extract %reduce_sum3A_19[15] : f32 from vector<16xf32>
    %eq3A_21 = arith.constant 1 : i32
    %eq3A_22 = vector.broadcast %eq3A_21 : i32 to vector<16xi32>
    %eq3A_23 = arith.cmpi eq, %iota3A, %eq3A_22 : vector<16xi32>
    %select_n3A_24 = arith.select %eq3A_23, %div3A, %broadcast_in_dim3A_5 : vector<16xi1>, vector<16xf32>
    %reduce_sum3A_25 = arith.constant true
    %reduce_sum3A_26 = vector.broadcast %reduce_sum3A_25 : i1 to vector<16xi1>
    %reduce_sum3A_27 = tpu.scan <sum>, %select_n3A_24 masked %reduce_sum3A_26 : vector<16xf32>, vector<16xi1> -> vector<16xf32>
    %reduce_sum3A_28 = vector.extract %reduce_sum3A_27[15] : f32 from vector<16xf32>
    %mul3A_29 = arith.constant 4.000000e-02 : f32
    %mul3A_30 = arith.mulf %reduce_sum3A_28, %mul3A_29 : f32
    %eq3A_31 = arith.constant 2 : i32
    %eq3A_32 = vector.broadcast %eq3A_31 : i32 to vector<16xi32>
    %eq3A_33 = arith.cmpi eq, %iota3A, %eq3A_32 : vector<16xi32>
    %select_n3A_34 = arith.select %eq3A_33, %div3A, %broadcast_in_dim3A_5 : vector<16xi1>, vector<16xf32>
    %reduce_sum3A_35 = arith.constant true
    %reduce_sum3A_36 = vector.broadcast %reduce_sum3A_35 : i1 to vector<16xi1>
    %reduce_sum3A_37 = tpu.scan <sum>, %select_n3A_34 masked %reduce_sum3A_36 : vector<16xf32>, vector<16xi1> -> vector<16xf32>
    %reduce_sum3A_38 = vector.extract %reduce_sum3A_37[15] : f32 from vector<16xf32>
    %mul3A_39 = arith.constant 4.000000e-02 : f32
    %mul3A_40 = arith.mulf %reduce_sum3A_38, %mul3A_39 : f32
    %eq3A_41 = arith.constant 3 : i32
    %eq3A_42 = vector.broadcast %eq3A_41 : i32 to vector<16xi32>
    %eq3A_43 = arith.cmpi eq, %iota3A, %eq3A_42 : vector<16xi32>
    %select_n3A_44 = arith.select %eq3A_43, %div3A, %broadcast_in_dim3A_5 : vector<16xi1>, vector<16xf32>
    %reduce_sum3A_45 = arith.constant true
    %reduce_sum3A_46 = vector.broadcast %reduce_sum3A_45 : i1 to vector<16xi1>
    %reduce_sum3A_47 = tpu.scan <sum>, %select_n3A_44 masked %reduce_sum3A_46 : vector<16xf32>, vector<16xi1> -> vector<16xf32>
    %reduce_sum3A_48 = vector.extract %reduce_sum3A_47[15] : f32 from vector<16xf32>
    %mul3A_49 = arith.constant 4.000000e-02 : f32
    %mul3A_50 = arith.mulf %reduce_sum3A_48, %mul3A_49 : f32
    %dma_start3A = arith.constant 0 : i32
    %dma_start3A_51 = arith.constant 0 : i32
    %dma_start3A_52 = arith.constant 0 : i32
    %dma_start3A_53 = tpu.memref_slice %arg8[%dma_start3A_51, %dma_start3A_52] : memref<160x128xf32, #tpu.memory_space<vmem>> -> memref<128x128xf32, #tpu.memory_space<vmem>>
    %dma_start3A_54 = arith.constant 0 : i32
    %dma_start3A_55 = tpu.memref_slice %arg7[%dma_start3A, %dma_start3A_54] : memref<256x128xi32, #tpu.memory_space<vmem>> -> memref<1x128xi32, #tpu.memory_space<vmem>>
    %dma_start3A_56 = tpu.memref_squeeze %dma_start3A_55 : memref<1x128xi32, #tpu.memory_space<vmem>> -> memref<128xi32, #tpu.memory_space<vmem>>
    %dma_start3A_57 = arith.constant 0 : i32
    %dma_start3A_58 = arith.constant 0 : i32
    %dma_start3A_59 = tpu.memref_slice %arg2[%dma_start3A_57, %dma_start3A_58] : memref<100000x128xf32, #tpu.memory_space<hbm>> -> memref<100000x128xf32, #tpu.memory_space<hbm>>
    tpu.enqueue_indirect_dma source(%dma_start3A_59 : memref<100000x128xf32, #tpu.memory_space<hbm>>) target(%dma_start3A_53 : memref<128x128xf32, #tpu.memory_space<vmem>>) offsets(%dma_start3A_56 : memref<128xi32, #tpu.memory_space<vmem>>) semaphore(%arg11 : memref<!tpu.dma_semaphore, #tpu.memory_space<semaphore_mem>>)
    %dma_start3A_60 = arith.constant 1 : i32
    %dma_start3A_61 = arith.constant 128 : i32
    %dma_start3A_62 = arith.constant 0 : i32
    %dma_start3A_63 = tpu.memref_slice %arg8[%dma_start3A_61, %dma_start3A_62] : memref<160x128xf32, #tpu.memory_space<vmem>> -> memref<32x128xf32, #tpu.memory_space<vmem>>
    %dma_start3A_64 = arith.constant 0 : i32
    %dma_start3A_65 = tpu.memref_slice %arg7[%dma_start3A_60, %dma_start3A_64] : memref<256x128xi32, #tpu.memory_space<vmem>> -> memref<1x32xi32, #tpu.memory_space<vmem>>
    %dma_start3A_66 = tpu.memref_squeeze %dma_start3A_65 : memref<1x32xi32, #tpu.memory_space<vmem>> -> memref<32xi32, #tpu.memory_space<vmem>>
    %dma_start3A_67 = arith.constant 0 : i32
    %dma_start3A_68 = arith.constant 0 : i32
    %dma_start3A_69 = tpu.memref_slice %arg2[%dma_start3A_67, %dma_start3A_68] : memref<100000x128xf32, #tpu.memory_space<hbm>> -> memref<100000x128xf32, #tpu.memory_space<hbm>>
    tpu.enqueue_indirect_dma source(%dma_start3A_69 : memref<100000x128xf32, #tpu.memory_space<hbm>>) target(%dma_start3A_63 : memref<32x128xf32, #tpu.memory_space<vmem>>) offsets(%dma_start3A_66 : memref<32xi32, #tpu.memory_space<vmem>>) semaphore(%arg11 : memref<!tpu.dma_semaphore, #tpu.memory_space<semaphore_mem>>)
    %dma_start3A_70 = arith.constant 2 : i32
    %dma_start3A_71 = arith.constant 0 : i32
    %dma_start3A_72 = arith.constant 0 : i32
    %dma_start3A_73 = tpu.memref_slice %arg9[%dma_start3A_71, %dma_start3A_72] : memref<160x128xf32, #tpu.memory_space<vmem>> -> memref<128x128xf32, #tpu.memory_space<vmem>>
    %dma_start3A_74 = arith.constant 0 : i32
    %dma_start3A_75 = tpu.memref_slice %arg7[%dma_start3A_70, %dma_start3A_74] : memref<256x128xi32, #tpu.memory_space<vmem>> -> memref<1x128xi32, #tpu.memory_space<vmem>>
    %dma_start3A_76 = tpu.memref_squeeze %dma_start3A_75 : memref<1x128xi32, #tpu.memory_space<vmem>> -> memref<128xi32, #tpu.memory_space<vmem>>
    %dma_start3A_77 = arith.constant 0 : i32
    %dma_start3A_78 = arith.constant 0 : i32
    %dma_start3A_79 = tpu.memref_slice %arg2[%dma_start3A_77, %dma_start3A_78] : memref<100000x128xf32, #tpu.memory_space<hbm>> -> memref<100000x128xf32, #tpu.memory_space<hbm>>
    tpu.enqueue_indirect_dma source(%dma_start3A_79 : memref<100000x128xf32, #tpu.memory_space<hbm>>) target(%dma_start3A_73 : memref<128x128xf32, #tpu.memory_space<vmem>>) offsets(%dma_start3A_76 : memref<128xi32, #tpu.memory_space<vmem>>) semaphore(%arg12 : memref<!tpu.dma_semaphore, #tpu.memory_space<semaphore_mem>>)
    %dma_start3A_80 = arith.constant 3 : i32
    %dma_start3A_81 = arith.constant 128 : i32
    %dma_start3A_82 = arith.constant 0 : i32
    %dma_start3A_83 = tpu.memref_slice %arg9[%dma_start3A_81, %dma_start3A_82] : memref<160x128xf32, #tpu.memory_space<vmem>> -> memref<32x128xf32, #tpu.memory_space<vmem>>
    %dma_start3A_84 = arith.constant 0 : i32
    %dma_start3A_85 = tpu.memref_slice %arg7[%dma_start3A_80, %dma_start3A_84] : memref<256x128xi32, #tpu.memory_space<vmem>> -> memref<1x32xi32, #tpu.memory_space<vmem>>
    %dma_start3A_86 = tpu.memref_squeeze %dma_start3A_85 : memref<1x32xi32, #tpu.memory_space<vmem>> -> memref<32xi32, #tpu.memory_space<vmem>>
    %dma_start3A_87 = arith.constant 0 : i32
    %dma_start3A_88 = arith.constant 0 : i32
    %dma_start3A_89 = tpu.memref_slice %arg2[%dma_start3A_87, %dma_start3A_88] : memref<100000x128xf32, #tpu.memory_space<hbm>> -> memref<100000x128xf32, #tpu.memory_space<hbm>>
    tpu.enqueue_indirect_dma source(%dma_start3A_89 : memref<100000x128xf32, #tpu.memory_space<hbm>>) target(%dma_start3A_83 : memref<32x128xf32, #tpu.memory_space<vmem>>) offsets(%dma_start3A_86 : memref<32xi32, #tpu.memory_space<vmem>>) semaphore(%arg12 : memref<!tpu.dma_semaphore, #tpu.memory_space<semaphore_mem>>)
    %scan3A = arith.constant 0 : i32
    %scan3A_90 = arith.constant 0 : i32
    %scan3A_91 = arith.constant 64 : i32
    %scan3A_92 = arith.addi %scan3A_90, %scan3A_91 : i32
    %scan3A_93 = arith.constant 1 : i32
    scf.for %scan3A_95 = %scan3A_90 to %scan3A_92 step %scan3A_93  : i32 {
      %mul3A_96 = arith.constant 2 : i32
      %mul3A_97 = arith.muli %mul3A_96, %scan3A_95 : i32
      %mul3A_98 = arith.constant 2 : i32
      %mul3A_99 = arith.muli %mul3A_98, %scan3A_95 : i32
      %add3A_100 = arith.constant 1 : i32
      %add3A_101 = arith.addi %mul3A_99, %add3A_100 : i32
      %dma_wait3A = arith.constant 0 : i32
      %dma_wait3A_102 = arith.constant 0 : i32
      %dma_wait3A_103 = tpu.memref_slice %arg2[%dma_wait3A, %dma_wait3A_102] : memref<100000x128xf32, #tpu.memory_space<hbm>> -> memref<160x128xf32, #tpu.memory_space<hbm>>
      %dma_wait3A_104 = arith.constant 0 : i32
      %dma_wait3A_105 = arith.constant 0 : i32
      %dma_wait3A_106 = tpu.memref_slice %arg2[%dma_wait3A_104, %dma_wait3A_105] : memref<100000x128xf32, #tpu.memory_space<hbm>> -> memref<160x128xf32, #tpu.memory_space<hbm>>
      tpu.wait_dma2 semaphore(%arg11 : memref<!tpu.dma_semaphore, #tpu.memory_space<semaphore_mem>>) src(%dma_wait3A_106 : memref<160x128xf32, #tpu.memory_space<hbm>>) dst(%arg8 : memref<160x128xf32, #tpu.memory_space<vmem>>)
      %get3A_107 = arith.constant 0 : i32
      %get3A_108 = arith.index_cast %get3A_107 : i32 to index
      %get3A_109 = arith.constant 0 : index
      %get3A_110 = tpu.vector_load %arg8[%get3A_108, %get3A_109] {strides = array<i32>} : memref<160x128xf32, #tpu.memory_space<vmem>>, vector<16xf32>,
      %bitcast3A = vector.bitcast %get3A_110 : vector<16xf32> to vector<16xi32>
      %get3A_111 = arith.constant 0 : i32
      %get3A_112 = arith.index_cast %get3A_111 : i32 to index
      %get3A_113 = arith.constant 16 : index
      %get3A_114 = tpu.vector_load %arg8[%get3A_112, %get3A_113] {strides = array<i32>} : memref<160x128xf32, #tpu.memory_space<vmem>>, vector<16xf32>,
      %bitcast3A_115 = vector.bitcast %get3A_114 : vector<16xf32> to vector<16xi32>
      %get3A_116 = arith.constant 0 : i32
      %get3A_117 = arith.index_cast %get3A_116 : i32 to index
      %get3A_118 = arith.constant 32 : index
      %get3A_119 = tpu.vector_load %arg8[%get3A_117, %get3A_118] {strides = array<i32>} : memref<160x128xf32, #tpu.memory_space<vmem>>, vector<16xf32>,
      %bitcast3A_120 = vector.bitcast %get3A_119 : vector<16xf32> to vector<16xi32>
      %get3A_121 = arith.constant 0 : i32
      %get3A_122 = arith.index_cast %get3A_121 : i32 to index
      %get3A_123 = arith.constant 48 : index
      %get3A_124 = tpu.vector_load %arg8[%get3A_122, %get3A_123] {strides = array<i32>} : memref<160x128xf32, #tpu.memory_space<vmem>>, vector<16xf32>,
      %bitcast3A_125 = vector.bitcast %get3A_124 : vector<16xf32> to vector<16xi32>
      %get3A_126 = arith.constant 0 : i32
      %get3A_127 = arith.index_cast %get3A_126 : i32 to index
      %get3A_128 = arith.constant 64 : index
      %get3A_129 = tpu.vector_load %arg8[%get3A_127, %get3A_128] {strides = array<i32>} : memref<160x128xf32, #tpu.memory_space<vmem>>, vector<16xf32>,
      %bitcast3A_130 = vector.bitcast %get3A_129 : vector<16xf32> to vector<16xi32>
      %get3A_131 = arith.constant 0 : i32
      %get3A_132 = arith.index_cast %get3A_131 : i32 to index
      %get3A_133 = arith.constant 80 : index
      %get3A_134 = tpu.vector_load %arg8[%get3A_132, %get3A_133] {strides = array<i32>} : memref<160x128xf32, #tpu.memory_space<vmem>>, vector<16xf32>,
      %bitcast3A_135 = vector.bitcast %get3A_134 : vector<16xf32> to vector<16xi32>
      %get3A_136 = arith.constant 0 : i32
      %get3A_137 = arith.index_cast %get3A_136 : i32 to index
      %get3A_138 = arith.constant 96 : index
      %get3A_139 = tpu.vector_load %arg8[%get3A_137, %get3A_138] {strides = array<i32>} : memref<160x128xf32, #tpu.memory_space<vmem>>, vector<16xf32>,
      %bitcast3A_140 = vector.bitcast %get3A_139 : vector<16xf32> to vector<16xi32>
      %shift_left3A = arith.constant 16 : i32
      %shift_left3A_141 = vector.broadcast %shift_left3A : i32 to vector<16xi32>
      %shift_left3A_142 = arith.shli %bitcast3A, %shift_left3A_141 : vector<16xi32>
      %bitcast_convert_type3A = tpu.bitcast %shift_left3A_142 : vector<16xi32> -> vector<16xf32>
      %and3A = arith.constant -65536 : i32
      %and3A_143 = vector.broadcast %and3A : i32 to vector<16xi32>
      %and3A_144 = arith.andi %bitcast3A, %and3A_143 : vector<16xi32>
      %bitcast_convert_type3A_145 = tpu.bitcast %and3A_144 : vector<16xi32> -> vector<16xf32>
      %add3A_146 = arith.addf %broadcast_in_dim3A_5, %bitcast_convert_type3A : vector<16xf32>
      %add3A_147 = arith.addf %broadcast_in_dim3A_5, %bitcast_convert_type3A_145 : vector<16xf32>
      %shift_left3A_148 = arith.constant 16 : i32
      %shift_left3A_149 = vector.broadcast %shift_left3A_148 : i32 to vector<16xi32>
      %shift_left3A_150 = arith.shli %bitcast3A_115, %shift_left3A_149 : vector<16xi32>
      %bitcast_convert_type3A_151 = tpu.bitcast %shift_left3A_150 : vector<16xi32> -> vector<16xf32>
      %and3A_152 = arith.constant -65536 : i32
      %and3A_153 = vector.broadcast %and3A_152 : i32 to vector<16xi32>
      %and3A_154 = arith.andi %bitcast3A_115, %and3A_153 : vector<16xi32>
      %bitcast_convert_type3A_155 = tpu.bitcast %and3A_154 : vector<16xi32> -> vector<16xf32>
      %add3A_156 = arith.addf %broadcast_in_dim3A_5, %bitcast_convert_type3A_151 : vector<16xf32>
      %add3A_157 = arith.addf %broadcast_in_dim3A_5, %bitcast_convert_type3A_155 : vector<16xf32>
      %shift_left3A_158 = arith.constant 16 : i32
      %shift_left3A_159 = vector.broadcast %shift_left3A_158 : i32 to vector<16xi32>
      %shift_left3A_160 = arith.shli %bitcast3A_120, %shift_left3A_159 : vector<16xi32>
      %bitcast_convert_type3A_161 = tpu.bitcast %shift_left3A_160 : vector<16xi32> -> vector<16xf32>
      %and3A_162 = arith.constant -65536 : i32
      %and3A_163 = vector.broadcast %and3A_162 : i32 to vector<16xi32>
      %and3A_164 = arith.andi %bitcast3A_120, %and3A_163 : vector<16xi32>
      %bitcast_convert_type3A_165 = tpu.bitcast %and3A_164 : vector<16xi32> -> vector<16xf32>
      %add3A_166 = arith.addf %broadcast_in_dim3A_5, %bitcast_convert_type3A_161 : vector<16xf32>
      %add3A_167 = arith.addf %broadcast_in_dim3A_5, %bitcast_convert_type3A_165 : vector<16xf32>
      %shift_left3A_168 = arith.constant 16 : i32
      %shift_left3A_169 = vector.broadcast %shift_left3A_168 : i32 to vector<16xi32>
      %shift_left3A_170 = arith.shli %bitcast3A_125, %shift_left3A_169 : vector<16xi32>
      %bitcast_convert_type3A_171 = tpu.bitcast %shift_left3A_170 : vector<16xi32> -> vector<16xf32>
      %and3A_172 = arith.constant -65536 : i32
      %and3A_173 = vector.broadcast %and3A_172 : i32 to vector<16xi32>
      %and3A_174 = arith.andi %bitcast3A_125, %and3A_173 : vector<16xi32>
      %bitcast_convert_type3A_175 = tpu.bitcast %and3A_174 : vector<16xi32> -> vector<16xf32>
      %add3A_176 = arith.addf %broadcast_in_dim3A_5, %bitcast_convert_type3A_171 : vector<16xf32>
      %add3A_177 = arith.addf %broadcast_in_dim3A_5, %bitcast_convert_type3A_175 : vector<16xf32>
      %shift_left3A_178 = arith.constant 16 : i32
      %shift_left3A_179 = vector.broadcast %shift_left3A_178 : i32 to vector<16xi32>
      %shift_left3A_180 = arith.shli %bitcast3A_130, %shift_left3A_179 : vector<16xi32>
      %bitcast_convert_type3A_181 = tpu.bitcast %shift_left3A_180 : vector<16xi32> -> vector<16xf32>
      %and3A_182 = arith.constant -65536 : i32
      %and3A_183 = vector.broadcast %and3A_182 : i32 to vector<16xi32>
      %and3A_184 = arith.andi %bitcast3A_130, %and3A_183 : vector<16xi32>
      %bitcast_convert_type3A_185 = tpu.bitcast %and3A_184 : vector<16xi32> -> vector<16xf32>
      %add3A_186 = arith.addf %broadcast_in_dim3A_5, %bitcast_convert_type3A_181 : vector<16xf32>
      %add3A_187 = arith.addf %broadcast_in_dim3A_5, %bitcast_convert_type3A_185 : vector<16xf32>
      %shift_left3A_188 = arith.constant 16 : i32
      %shift_left3A_189 = vector.broadcast %shift_left3A_188 : i32 to vector<16xi32>
      %shift_left3A_190 = arith.shli %bitcast3A_135, %shift_left3A_189 : vector<16xi32>
      %bitcast_convert_type3A_191 = tpu.bitcast %shift_left3A_190 : vector<16xi32> -> vector<16xf32>
      %and3A_192 = arith.constant -65536 : i32
      %and3A_193 = vector.broadcast %and3A_192 : i32 to vector<16xi32>
      %and3A_194 = arith.andi %bitcast3A_135, %and3A_193 : vector<16xi32>
      %bitcast_convert_type3A_195 = tpu.bitcast %and3A_194 : vector<16xi32> -> vector<16xf32>
      %add3A_196 = arith.addf %broadcast_in_dim3A_5, %bitcast_convert_type3A_191 : vector<16xf32>
      %add3A_197 = arith.addf %broadcast_in_dim3A_5, %bitcast_convert_type3A_195 : vector<16xf32>
      %shift_left3A_198 = arith.constant 16 : i32
      %shift_left3A_199 = vector.broadcast %shift_left3A_198 : i32 to vector<16xi32>
      %shift_left3A_200 = arith.shli %bitcast3A_140, %shift_left3A_199 : vector<16xi32>
      %bitcast_convert_type3A_201 = tpu.bitcast %shift_left3A_200 : vector<16xi32> -> vector<16xf32>
      %and3A_202 = arith.constant -65536 : i32
      %and3A_203 = vector.broadcast %and3A_202 : i32 to vector<16xi32>
      %and3A_204 = arith.andi %bitcast3A_140, %and3A_203 : vector<16xi32>
      %bitcast_convert_type3A_205 = tpu.bitcast %and3A_204 : vector<16xi32> -> vector<16xf32>
      %add3A_206 = arith.addf %broadcast_in_dim3A_5, %bitcast_convert_type3A_201 : vector<16xf32>
      %add3A_207 = arith.addf %broadcast_in_dim3A_5, %bitcast_convert_type3A_205 : vector<16xf32>
      %scan3A_208 = arith.constant 0 : i32
      %scan3A_209 = arith.constant 25 : i32
      %scan3A_210 = arith.addi %scan3A_208, %scan3A_209 : i32
      %scan3A_211 = arith.constant 1 : i32
      %scan3A_212:14 = scf.for %scan3A_1300 = %scan3A_208 to %scan3A_210 step %scan3A_211 iter_args(%scan3A_1301 = %broadcast_in_dim3A_5, %scan3A_1302 = %broadcast_in_dim3A_5, %scan3A_1303 = %broadcast_in_dim3A_5, %scan3A_1304 = %broadcast_in_dim3A_5, %scan3A_1305 = %broadcast_in_dim3A_5, %scan3A_1306 = %broadcast_in_dim3A_5, %scan3A_1307 = %broadcast_in_dim3A_5, %scan3A_1308 = %broadcast_in_dim3A_5, %scan3A_1309 = %broadcast_in_dim3A_5, %scan3A_1310 = %broadcast_in_dim3A_5, %scan3A_1311 = %broadcast_in_dim3A_5, %scan3A_1312 = %broadcast_in_dim3A_5, %scan3A_1313 = %broadcast_in_dim3A_5, %scan3A_1314 = %broadcast_in_dim3A_5) -> (vector<16xf32>, vector<16xf32>, vector<16xf32>, vector<16xf32>, vector<16xf32>, vector<16xf32>, vector<16xf32>, vector<16xf32>, vector<16xf32>, vector<16xf32>, vector<16xf32>, vector<16xf32>, vector<16xf32>, vector<16xf32>)  : i32 {
        %add3A_1315 = arith.constant 1 : i32
        %add3A_1316 = arith.addi %add3A_1315, %scan3A_1300 : i32
        %add3A_1317 = arith.constant 0 : i32
        %add3A_1318 = arith.addi %add3A_1317, %add3A_1316 : i32
        %get3A_1319 = arith.index_cast %add3A_1318 : i32 to index
        %get3A_1320 = arith.constant 0 : index
        %get3A_1321 = tpu.vector_load %arg8[%get3A_1319, %get3A_1320] {strides = array<i32>} : memref<160x128xf32, #tpu.memory_space<vmem>>, vector<16xf32>,
        %bitcast3A_1322 = vector.bitcast %get3A_1321 : vector<16xf32> to vector<16xi32>
        %add3A_1323 = arith.constant 0 : i32
        %add3A_1324 = arith.addi %add3A_1323, %add3A_1316 : i32
        %get3A_1325 = arith.index_cast %add3A_1324 : i32 to index
        %get3A_1326 = arith.constant 16 : index
        %get3A_1327 = tpu.vector_load %arg8[%get3A_1325, %get3A_1326] {strides = array<i32>} : memref<160x128xf32, #tpu.memory_space<vmem>>, vector<16xf32>,
        %bitcast3A_1328 = vector.bitcast %get3A_1327 : vector<16xf32> to vector<16xi32>
        %add3A_1329 = arith.constant 0 : i32
        %add3A_1330 = arith.addi %add3A_1329, %add3A_1316 : i32
        %get3A_1331 = arith.index_cast %add3A_1330 : i32 to index
        %get3A_1332 = arith.constant 32 : index
        %get3A_1333 = tpu.vector_load %arg8[%get3A_1331, %get3A_1332] {strides = array<i32>} : memref<160x128xf32, #tpu.memory_space<vmem>>, vector<16xf32>,
        %bitcast3A_1334 = vector.bitcast %get3A_1333 : vector<16xf32> to vector<16xi32>
        %add3A_1335 = arith.constant 0 : i32
        %add3A_1336 = arith.addi %add3A_1335, %add3A_1316 : i32
        %get3A_1337 = arith.index_cast %add3A_1336 : i32 to index
        %get3A_1338 = arith.constant 48 : index
        %get3A_1339 = tpu.vector_load %arg8[%get3A_1337, %get3A_1338] {strides = array<i32>} : memref<160x128xf32, #tpu.memory_space<vmem>>, vector<16xf32>,
        %bitcast3A_1340 = vector.bitcast %get3A_1339 : vector<16xf32> to vector<16xi32>
        %add3A_1341 = arith.constant 0 : i32
        %add3A_1342 = arith.addi %add3A_1341, %add3A_1316 : i32
        %get3A_1343 = arith.index_cast %add3A_1342 : i32 to index
        %get3A_1344 = arith.constant 64 : index
        %get3A_1345 = tpu.vector_load %arg8[%get3A_1343, %get3A_1344] {strides = array<i32>} : memref<160x128xf32, #tpu.memory_space<vmem>>, vector<16xf32>,
        %bitcast3A_1346 = vector.bitcast %get3A_1345 : vector<16xf32> to vector<16xi32>
        %add3A_1347 = arith.constant 0 : i32
        %add3A_1348 = arith.addi %add3A_1347, %add3A_1316 : i32
        %get3A_1349 = arith.index_cast %add3A_1348 : i32 to index
        %get3A_1350 = arith.constant 80 : index
        %get3A_1351 = tpu.vector_load %arg8[%get3A_1349, %get3A_1350] {strides = array<i32>} : memref<160x128xf32, #tpu.memory_space<vmem>>, vector<16xf32>,
        %bitcast3A_1352 = vector.bitcast %get3A_1351 : vector<16xf32> to vector<16xi32>
        %add3A_1353 = arith.constant 0 : i32
        %add3A_1354 = arith.addi %add3A_1353, %add3A_1316 : i32
        %get3A_1355 = arith.index_cast %add3A_1354 : i32 to index
        %get3A_1356 = arith.constant 96 : index
        %get3A_1357 = tpu.vector_load %arg8[%get3A_1355, %get3A_1356] {strides = array<i32>} : memref<160x128xf32, #tpu.memory_space<vmem>>, vector<16xf32>,
        %bitcast3A_1358 = vector.bitcast %get3A_1357 : vector<16xf32> to vector<16xi32>
        %shift_left3A_1359 = arith.constant 16 : i32
        %shift_left3A_1360 = vector.broadcast %shift_left3A_1359 : i32 to vector<16xi32>
        %shift_left3A_1361 = arith.shli %bitcast3A_1322, %shift_left3A_1360 : vector<16xi32>
        %bitcast_convert_type3A_1362 = tpu.bitcast %shift_left3A_1361 : vector<16xi32> -> vector<16xf32>
        %and3A_1363 = arith.constant -65536 : i32
        %and3A_1364 = vector.broadcast %and3A_1363 : i32 to vector<16xi32>
        %and3A_1365 = arith.andi %bitcast3A_1322, %and3A_1364 : vector<16xi32>
        %bitcast_convert_type3A_1366 = tpu.bitcast %and3A_1365 : vector<16xi32> -> vector<16xf32>
        %add3A_1367 = arith.addf %scan3A_1301, %bitcast_convert_type3A_1362 : vector<16xf32>
        %add3A_1368 = arith.addf %scan3A_1302, %bitcast_convert_type3A_1366 : vector<16xf32>
        %shift_left3A_1369 = arith.constant 16 : i32
        %shift_left3A_1370 = vector.broadcast %shift_left3A_1369 : i32 to vector<16xi32>
        %shift_left3A_1371 = arith.shli %bitcast3A_1328, %shift_left3A_1370 : vector<16xi32>
        %bitcast_convert_type3A_1372 = tpu.bitcast %shift_left3A_1371 : vector<16xi32> -> vector<16xf32>
        %and3A_1373 = arith.constant -65536 : i32
        %and3A_1374 = vector.broadcast %and3A_1373 : i32 to vector<16xi32>
        %and3A_1375 = arith.andi %bitcast3A_1328, %and3A_1374 : vector<16xi32>
        %bitcast_convert_type3A_1376 = tpu.bitcast %and3A_1375 : vector<16xi32> -> vector<16xf32>
        %add3A_1377 = arith.addf %scan3A_1303, %bitcast_convert_type3A_1372 : vector<16xf32>
        %add3A_1378 = arith.addf %scan3A_1304, %bitcast_convert_type3A_1376 : vector<16xf32>
        %shift_left3A_1379 = arith.constant 16 : i32
        %shift_left3A_1380 = vector.broadcast %shift_left3A_1379 : i32 to vector<16xi32>
        %shift_left3A_1381 = arith.shli %bitcast3A_1334, %shift_left3A_1380 : vector<16xi32>
        %bitcast_convert_type3A_1382 = tpu.bitcast %shift_left3A_1381 : vector<16xi32> -> vector<16xf32>
        %and3A_1383 = arith.constant -65536 : i32
        %and3A_1384 = vector.broadcast %and3A_1383 : i32 to vector<16xi32>
        %and3A_1385 = arith.andi %bitcast3A_1334, %and3A_1384 : vector<16xi32>
        %bitcast_convert_type3A_1386 = tpu.bitcast %and3A_1385 : vector<16xi32> -> vector<16xf32>
        %add3A_1387 = arith.addf %scan3A_1305, %bitcast_convert_type3A_1382 : vector<16xf32>
        %add3A_1388 = arith.addf %scan3A_1306, %bitcast_convert_type3A_1386 : vector<16xf32>
        %shift_left3A_1389 = arith.constant 16 : i32
        %shift_left3A_1390 = vector.broadcast %shift_left3A_1389 : i32 to vector<16xi32>
        %shift_left3A_1391 = arith.shli %bitcast3A_1340, %shift_left3A_1390 : vector<16xi32>
        %bitcast_convert_type3A_1392 = tpu.bitcast %shift_left3A_1391 : vector<16xi32> -> vector<16xf32>
        %and3A_1393 = arith.constant -65536 : i32
        %and3A_1394 = vector.broadcast %and3A_1393 : i32 to vector<16xi32>
        %and3A_1395 = arith.andi %bitcast3A_1340, %and3A_1394 : vector<16xi32>
        %bitcast_convert_type3A_1396 = tpu.bitcast %and3A_1395 : vector<16xi32> -> vector<16xf32>
        %add3A_1397 = arith.addf %scan3A_1307, %bitcast_convert_type3A_1392 : vector<16xf32>
        %add3A_1398 = arith.addf %scan3A_1308, %bitcast_convert_type3A_1396 : vector<16xf32>
        %shift_left3A_1399 = arith.constant 16 : i32
        %shift_left3A_1400 = vector.broadcast %shift_left3A_1399 : i32 to vector<16xi32>
        %shift_left3A_1401 = arith.shli %bitcast3A_1346, %shift_left3A_1400 : vector<16xi32>
        %bitcast_convert_type3A_1402 = tpu.bitcast %shift_left3A_1401 : vector<16xi32> -> vector<16xf32>
        %and3A_1403 = arith.constant -65536 : i32
        %and3A_1404 = vector.broadcast %and3A_1403 : i32 to vector<16xi32>
        %and3A_1405 = arith.andi %bitcast3A_1346, %and3A_1404 : vector<16xi32>
        %bitcast_convert_type3A_1406 = tpu.bitcast %and3A_1405 : vector<16xi32> -> vector<16xf32>
        %add3A_1407 = arith.addf %scan3A_1309, %bitcast_convert_type3A_1402 : vector<16xf32>
        %add3A_1408 = arith.addf %scan3A_1310, %bitcast_convert_type3A_1406 : vector<16xf32>
        %shift_left3A_1409 = arith.constant 16 : i32
        %shift_left3A_1410 = vector.broadcast %shift_left3A_1409 : i32 to vector<16xi32>
        %shift_left3A_1411 = arith.shli %bitcast3A_1352, %shift_left3A_1410 : vector<16xi32>
        %bitcast_convert_type3A_1412 = tpu.bitcast %shift_left3A_1411 : vector<16xi32> -> vector<16xf32>
        %and3A_1413 = arith.constant -65536 : i32
        %and3A_1414 = vector.broadcast %and3A_1413 : i32 to vector<16xi32>
        %and3A_1415 = arith.andi %bitcast3A_1352, %and3A_1414 : vector<16xi32>
        %bitcast_convert_type3A_1416 = tpu.bitcast %and3A_1415 : vector<16xi32> -> vector<16xf32>
        %add3A_1417 = arith.addf %scan3A_1311, %bitcast_convert_type3A_1412 : vector<16xf32>
        %add3A_1418 = arith.addf %scan3A_1312, %bitcast_convert_type3A_1416 : vector<16xf32>
        %shift_left3A_1419 = arith.constant 16 : i32
        %shift_left3A_1420 = vector.broadcast %shift_left3A_1419 : i32 to vector<16xi32>
        %shift_left3A_1421 = arith.shli %bitcast3A_1358, %shift_left3A_1420 : vector<16xi32>
        %bitcast_convert_type3A_1422 = tpu.bitcast %shift_left3A_1421 : vector<16xi32> -> vector<16xf32>
        %and3A_1423 = arith.constant -65536 : i32
        %and3A_1424 = vector.broadcast %and3A_1423 : i32 to vector<16xi32>
        %and3A_1425 = arith.andi %bitcast3A_1358, %and3A_1424 : vector<16xi32>
        %bitcast_convert_type3A_1426 = tpu.bitcast %and3A_1425 : vector<16xi32> -> vector<16xf32>
        %add3A_1427 = arith.addf %scan3A_1313, %bitcast_convert_type3A_1422 : vector<16xf32>
        %add3A_1428 = arith.addf %scan3A_1314, %bitcast_convert_type3A_1426 : vector<16xf32>
        scf.yield %add3A_1367, %add3A_1368, %add3A_1377, %add3A_1378, %add3A_1387, %add3A_1388, %add3A_1397, %add3A_1398, %add3A_1407, %add3A_1408, %add3A_1417, %add3A_1418, %add3A_1427, %add3A_1428 : vector<16xf32>, vector<16xf32>, vector<16xf32>, vector<16xf32>, vector<16xf32>, vector<16xf32>, vector<16xf32>, vector<16xf32>, vector<16xf32>, vector<16xf32>, vector<16xf32>, vector<16xf32>, vector<16xf32>, vector<16xf32>
      }
      %scan3A_213 = arith.constant 25 : i32
      %scan3A_214 = arith.constant 0 : i32
      %scan3A_215 = arith.constant 25 : i32
      %scan3A_216 = arith.addi %scan3A_214, %scan3A_215 : i32
      %scan3A_217 = arith.constant 1 : i32
      %scan3A_218:14 = scf.for %scan3A_1300 = %scan3A_214 to %scan3A_216 step %scan3A_217 iter_args(%scan3A_1301 = %broadcast_in_dim3A_5, %scan3A_1302 = %broadcast_in_dim3A_5, %scan3A_1303 = %broadcast_in_dim3A_5, %scan3A_1304 = %broadcast_in_dim3A_5, %scan3A_1305 = %broadcast_in_dim3A_5, %scan3A_1306 = %broadcast_in_dim3A_5, %scan3A_1307 = %broadcast_in_dim3A_5, %scan3A_1308 = %broadcast_in_dim3A_5, %scan3A_1309 = %broadcast_in_dim3A_5, %scan3A_1310 = %broadcast_in_dim3A_5, %scan3A_1311 = %broadcast_in_dim3A_5, %scan3A_1312 = %broadcast_in_dim3A_5, %scan3A_1313 = %broadcast_in_dim3A_5, %scan3A_1314 = %broadcast_in_dim3A_5) -> (vector<16xf32>, vector<16xf32>, vector<16xf32>, vector<16xf32>, vector<16xf32>, vector<16xf32>, vector<16xf32>, vector<16xf32>, vector<16xf32>, vector<16xf32>, vector<16xf32>, vector<16xf32>, vector<16xf32>, vector<16xf32>)  : i32 {
        %add3A_1315 = arith.constant 26 : i32
        %add3A_1316 = arith.addi %add3A_1315, %scan3A_1300 : i32
        %add3A_1317 = arith.constant 0 : i32
        %add3A_1318 = arith.addi %add3A_1317, %add3A_1316 : i32
        %get3A_1319 = arith.index_cast %add3A_1318 : i32 to index
        %get3A_1320 = arith.constant 0 : index
        %get3A_1321 = tpu.vector_load %arg8[%get3A_1319, %get3A_1320] {strides = array<i32>} : memref<160x128xf32, #tpu.memory_space<vmem>>, vector<16xf32>,
        %bitcast3A_1322 = vector.bitcast %get3A_1321 : vector<16xf32> to vector<16xi32>
        %add3A_1323 = arith.constant 0 : i32
        %add3A_1324 = arith.addi %add3A_1323, %add3A_1316 : i32
        %get3A_1325 = arith.index_cast %add3A_1324 : i32 to index
        %get3A_1326 = arith.constant 16 : index
        %get3A_1327 = tpu.vector_load %arg8[%get3A_1325, %get3A_1326] {strides = array<i32>} : memref<160x128xf32, #tpu.memory_space<vmem>>, vector<16xf32>,
        %bitcast3A_1328 = vector.bitcast %get3A_1327 : vector<16xf32> to vector<16xi32>
        %add3A_1329 = arith.constant 0 : i32
        %add3A_1330 = arith.addi %add3A_1329, %add3A_1316 : i32
        %get3A_1331 = arith.index_cast %add3A_1330 : i32 to index
        %get3A_1332 = arith.constant 32 : index
        %get3A_1333 = tpu.vector_load %arg8[%get3A_1331, %get3A_1332] {strides = array<i32>} : memref<160x128xf32, #tpu.memory_space<vmem>>, vector<16xf32>,
        %bitcast3A_1334 = vector.bitcast %get3A_1333 : vector<16xf32> to vector<16xi32>
        %add3A_1335 = arith.constant 0 : i32
        %add3A_1336 = arith.addi %add3A_1335, %add3A_1316 : i32
        %get3A_1337 = arith.index_cast %add3A_1336 : i32 to index
        %get3A_1338 = arith.constant 48 : index
        %get3A_1339 = tpu.vector_load %arg8[%get3A_1337, %get3A_1338] {strides = array<i32>} : memref<160x128xf32, #tpu.memory_space<vmem>>, vector<16xf32>,
        %bitcast3A_1340 = vector.bitcast %get3A_1339 : vector<16xf32> to vector<16xi32>
        %add3A_1341 = arith.constant 0 : i32
        %add3A_1342 = arith.addi %add3A_1341, %add3A_1316 : i32
        %get3A_1343 = arith.index_cast %add3A_1342 : i32 to index
        %get3A_1344 = arith.constant 64 : index
        %get3A_1345 = tpu.vector_load %arg8[%get3A_1343, %get3A_1344] {strides = array<i32>} : memref<160x128xf32, #tpu.memory_space<vmem>>, vector<16xf32>,
        %bitcast3A_1346 = vector.bitcast %get3A_1345 : vector<16xf32> to vector<16xi32>
        %add3A_1347 = arith.constant 0 : i32
        %add3A_1348 = arith.addi %add3A_1347, %add3A_1316 : i32
        %get3A_1349 = arith.index_cast %add3A_1348 : i32 to index
        %get3A_1350 = arith.constant 80 : index
        %get3A_1351 = tpu.vector_load %arg8[%get3A_1349, %get3A_1350] {strides = array<i32>} : memref<160x128xf32, #tpu.memory_space<vmem>>, vector<16xf32>,
        %bitcast3A_1352 = vector.bitcast %get3A_1351 : vector<16xf32> to vector<16xi32>
        %add3A_1353 = arith.constant 0 : i32
        %add3A_1354 = arith.addi %add3A_1353, %add3A_1316 : i32
        %get3A_1355 = arith.index_cast %add3A_1354 : i32 to index
        %get3A_1356 = arith.constant 96 : index
        %get3A_1357 = tpu.vector_load %arg8[%get3A_1355, %get3A_1356] {strides = array<i32>} : memref<160x128xf32, #tpu.memory_space<vmem>>, vector<16xf32>,
        %bitcast3A_1358 = vector.bitcast %get3A_1357 : vector<16xf32> to vector<16xi32>
        %shift_left3A_1359 = arith.constant 16 : i32
        %shift_left3A_1360 = vector.broadcast %shift_left3A_1359 : i32 to vector<16xi32>
        %shift_left3A_1361 = arith.shli %bitcast3A_1322, %shift_left3A_1360 : vector<16xi32>
        %bitcast_convert_type3A_1362 = tpu.bitcast %shift_left3A_1361 : vector<16xi32> -> vector<16xf32>
        %and3A_1363 = arith.constant -65536 : i32
        %and3A_1364 = vector.broadcast %and3A_1363 : i32 to vector<16xi32>
        %and3A_1365 = arith.andi %bitcast3A_1322, %and3A_1364 : vector<16xi32>
        %bitcast_convert_type3A_1366 = tpu.bitcast %and3A_1365 : vector<16xi32> -> vector<16xf32>
        %add3A_1367 = arith.addf %scan3A_1301, %bitcast_convert_type3A_1362 : vector<16xf32>
        %add3A_1368 = arith.addf %scan3A_1302, %bitcast_convert_type3A_1366 : vector<16xf32>
        %shift_left3A_1369 = arith.constant 16 : i32
        %shift_left3A_1370 = vector.broadcast %shift_left3A_1369 : i32 to vector<16xi32>
        %shift_left3A_1371 = arith.shli %bitcast3A_1328, %shift_left3A_1370 : vector<16xi32>
        %bitcast_convert_type3A_1372 = tpu.bitcast %shift_left3A_1371 : vector<16xi32> -> vector<16xf32>
        %and3A_1373 = arith.constant -65536 : i32
        %and3A_1374 = vector.broadcast %and3A_1373 : i32 to vector<16xi32>
        %and3A_1375 = arith.andi %bitcast3A_1328, %and3A_1374 : vector<16xi32>
        %bitcast_convert_type3A_1376 = tpu.bitcast %and3A_1375 : vector<16xi32> -> vector<16xf32>
        %add3A_1377 = arith.addf %scan3A_1303, %bitcast_convert_type3A_1372 : vector<16xf32>
        %add3A_1378 = arith.addf %scan3A_1304, %bitcast_convert_type3A_1376 : vector<16xf32>
        %shift_left3A_1379 = arith.constant 16 : i32
        %shift_left3A_1380 = vector.broadcast %shift_left3A_1379 : i32 to vector<16xi32>
        %shift_left3A_1381 = arith.shli %bitcast3A_1334, %shift_left3A_1380 : vector<16xi32>
        %bitcast_convert_type3A_1382 = tpu.bitcast %shift_left3A_1381 : vector<16xi32> -> vector<16xf32>
        %and3A_1383 = arith.constant -65536 : i32
        %and3A_1384 = vector.broadcast %and3A_1383 : i32 to vector<16xi32>
        %and3A_1385 = arith.andi %bitcast3A_1334, %and3A_1384 : vector<16xi32>
        %bitcast_convert_type3A_1386 = tpu.bitcast %and3A_1385 : vector<16xi32> -> vector<16xf32>
        %add3A_1387 = arith.addf %scan3A_1305, %bitcast_convert_type3A_1382 : vector<16xf32>
        %add3A_1388 = arith.addf %scan3A_1306, %bitcast_convert_type3A_1386 : vector<16xf32>
        %shift_left3A_1389 = arith.constant 16 : i32
        %shift_left3A_1390 = vector.broadcast %shift_left3A_1389 : i32 to vector<16xi32>
        %shift_left3A_1391 = arith.shli %bitcast3A_1340, %shift_left3A_1390 : vector<16xi32>
        %bitcast_convert_type3A_1392 = tpu.bitcast %shift_left3A_1391 : vector<16xi32> -> vector<16xf32>
        %and3A_1393 = arith.constant -65536 : i32
        %and3A_1394 = vector.broadcast %and3A_1393 : i32 to vector<16xi32>
        %and3A_1395 = arith.andi %bitcast3A_1340, %and3A_1394 : vector<16xi32>
        %bitcast_convert_type3A_1396 = tpu.bitcast %and3A_1395 : vector<16xi32> -> vector<16xf32>
        %add3A_1397 = arith.addf %scan3A_1307, %bitcast_convert_type3A_1392 : vector<16xf32>
        %add3A_1398 = arith.addf %scan3A_1308, %bitcast_convert_type3A_1396 : vector<16xf32>
        %shift_left3A_1399 = arith.constant 16 : i32
        %shift_left3A_1400 = vector.broadcast %shift_left3A_1399 : i32 to vector<16xi32>
        %shift_left3A_1401 = arith.shli %bitcast3A_1346, %shift_left3A_1400 : vector<16xi32>
        %bitcast_convert_type3A_1402 = tpu.bitcast %shift_left3A_1401 : vector<16xi32> -> vector<16xf32>
        %and3A_1403 = arith.constant -65536 : i32
        %and3A_1404 = vector.broadcast %and3A_1403 : i32 to vector<16xi32>
        %and3A_1405 = arith.andi %bitcast3A_1346, %and3A_1404 : vector<16xi32>
        %bitcast_convert_type3A_1406 = tpu.bitcast %and3A_1405 : vector<16xi32> -> vector<16xf32>
        %add3A_1407 = arith.addf %scan3A_1309, %bitcast_convert_type3A_1402 : vector<16xf32>
        %add3A_1408 = arith.addf %scan3A_1310, %bitcast_convert_type3A_1406 : vector<16xf32>
        %shift_left3A_1409 = arith.constant 16 : i32
        %shift_left3A_1410 = vector.broadcast %shift_left3A_1409 : i32 to vector<16xi32>
        %shift_left3A_1411 = arith.shli %bitcast3A_1352, %shift_left3A_1410 : vector<16xi32>
        %bitcast_convert_type3A_1412 = tpu.bitcast %shift_left3A_1411 : vector<16xi32> -> vector<16xf32>
        %and3A_1413 = arith.constant -65536 : i32
        %and3A_1414 = vector.broadcast %and3A_1413 : i32 to vector<16xi32>
        %and3A_1415 = arith.andi %bitcast3A_1352, %and3A_1414 : vector<16xi32>
        %bitcast_convert_type3A_1416 = tpu.bitcast %and3A_1415 : vector<16xi32> -> vector<16xf32>
        %add3A_1417 = arith.addf %scan3A_1311, %bitcast_convert_type3A_1412 : vector<16xf32>
        %add3A_1418 = arith.addf %scan3A_1312, %bitcast_convert_type3A_1416 : vector<16xf32>
        %shift_left3A_1419 = arith.constant 16 : i32
        %shift_left3A_1420 = vector.broadcast %shift_left3A_1419 : i32 to vector<16xi32>
        %shift_left3A_1421 = arith.shli %bitcast3A_1358, %shift_left3A_1420 : vector<16xi32>
        %bitcast_convert_type3A_1422 = tpu.bitcast %shift_left3A_1421 : vector<16xi32> -> vector<16xf32>
        %and3A_1423 = arith.constant -65536 : i32
        %and3A_1424 = vector.broadcast %and3A_1423 : i32 to vector<16xi32>
        %and3A_1425 = arith.andi %bitcast3A_1358, %and3A_1424 : vector<16xi32>
        %bitcast_convert_type3A_1426 = tpu.bitcast %and3A_1425 : vector<16xi32> -> vector<16xf32>
        %add3A_1427 = arith.addf %scan3A_1313, %bitcast_convert_type3A_1422 : vector<16xf32>
        %add3A_1428 = arith.addf %scan3A_1314, %bitcast_convert_type3A_1426 : vector<16xf32>
        scf.yield %add3A_1367, %add3A_1368, %add3A_1377, %add3A_1378, %add3A_1387, %add3A_1388, %add3A_1397, %add3A_1398, %add3A_1407, %add3A_1408, %add3A_1417, %add3A_1418, %add3A_1427, %add3A_1428 : vector<16xf32>, vector<16xf32>, vector<16xf32>, vector<16xf32>, vector<16xf32>, vector<16xf32>, vector<16xf32>, vector<16xf32>, vector<16xf32>, vector<16xf32>, vector<16xf32>, vector<16xf32>, vector<16xf32>, vector<16xf32>
      }
      %scan3A_219 = arith.constant 25 : i32
      %scan3A_220 = arith.constant 0 : i32
      %scan3A_221 = arith.constant 25 : i32
      %scan3A_222 = arith.addi %scan3A_220, %scan3A_221 : i32
      %scan3A_223 = arith.constant 1 : i32
      %scan3A_224:14 = scf.for %scan3A_1300 = %scan3A_220 to %scan3A_222 step %scan3A_223 iter_args(%scan3A_1301 = %broadcast_in_dim3A_5, %scan3A_1302 = %broadcast_in_dim3A_5, %scan3A_1303 = %broadcast_in_dim3A_5, %scan3A_1304 = %broadcast_in_dim3A_5, %scan3A_1305 = %broadcast_in_dim3A_5, %scan3A_1306 = %broadcast_in_dim3A_5, %scan3A_1307 = %broadcast_in_dim3A_5, %scan3A_1308 = %broadcast_in_dim3A_5, %scan3A_1309 = %broadcast_in_dim3A_5, %scan3A_1310 = %broadcast_in_dim3A_5, %scan3A_1311 = %broadcast_in_dim3A_5, %scan3A_1312 = %broadcast_in_dim3A_5, %scan3A_1313 = %broadcast_in_dim3A_5, %scan3A_1314 = %broadcast_in_dim3A_5) -> (vector<16xf32>, vector<16xf32>, vector<16xf32>, vector<16xf32>, vector<16xf32>, vector<16xf32>, vector<16xf32>, vector<16xf32>, vector<16xf32>, vector<16xf32>, vector<16xf32>, vector<16xf32>, vector<16xf32>, vector<16xf32>)  : i32 {
        %add3A_1315 = arith.constant 51 : i32
        %add3A_1316 = arith.addi %add3A_1315, %scan3A_1300 : i32
        %add3A_1317 = arith.constant 0 : i32
        %add3A_1318 = arith.addi %add3A_1317, %add3A_1316 : i32
        %get3A_1319 = arith.index_cast %add3A_1318 : i32 to index
        %get3A_1320 = arith.constant 0 : index
        %get3A_1321 = tpu.vector_load %arg8[%get3A_1319, %get3A_1320] {strides = array<i32>} : memref<160x128xf32, #tpu.memory_space<vmem>>, vector<16xf32>,
        %bitcast3A_1322 = vector.bitcast %get3A_1321 : vector<16xf32> to vector<16xi32>
        %add3A_1323 = arith.constant 0 : i32
        %add3A_1324 = arith.addi %add3A_1323, %add3A_1316 : i32
        %get3A_1325 = arith.index_cast %add3A_1324 : i32 to index
        %get3A_1326 = arith.constant 16 : index
        %get3A_1327 = tpu.vector_load %arg8[%get3A_1325, %get3A_1326] {strides = array<i32>} : memref<160x128xf32, #tpu.memory_space<vmem>>, vector<16xf32>,
        %bitcast3A_1328 = vector.bitcast %get3A_1327 : vector<16xf32> to vector<16xi32>
        %add3A_1329 = arith.constant 0 : i32
        %add3A_1330 = arith.addi %add3A_1329, %add3A_1316 : i32
        %get3A_1331 = arith.index_cast %add3A_1330 : i32 to index
        %get3A_1332 = arith.constant 32 : index
        %get3A_1333 = tpu.vector_load %arg8[%get3A_1331, %get3A_1332] {strides = array<i32>} : memref<160x128xf32, #tpu.memory_space<vmem>>, vector<16xf32>,
        %bitcast3A_1334 = vector.bitcast %get3A_1333 : vector<16xf32> to vector<16xi32>
        %add3A_1335 = arith.constant 0 : i32
        %add3A_1336 = arith.addi %add3A_1335, %add3A_1316 : i32
        %get3A_1337 = arith.index_cast %add3A_1336 : i32 to index
        %get3A_1338 = arith.constant 48 : index
        %get3A_1339 = tpu.vector_load %arg8[%get3A_1337, %get3A_1338] {strides = array<i32>} : memref<160x128xf32, #tpu.memory_space<vmem>>, vector<16xf32>,
        %bitcast3A_1340 = vector.bitcast %get3A_1339 : vector<16xf32> to vector<16xi32>
        %add3A_1341 = arith.constant 0 : i32
        %add3A_1342 = arith.addi %add3A_1341, %add3A_1316 : i32
        %get3A_1343 = arith.index_cast %add3A_1342 : i32 to index
        %get3A_1344 = arith.constant 64 : index
        %get3A_1345 = tpu.vector_load %arg8[%get3A_1343, %get3A_1344] {strides = array<i32>} : memref<160x128xf32, #tpu.memory_space<vmem>>, vector<16xf32>,
        %bitcast3A_1346 = vector.bitcast %get3A_1345 : vector<16xf32> to vector<16xi32>
        %add3A_1347 = arith.constant 0 : i32
        %add3A_1348 = arith.addi %add3A_1347, %add3A_1316 : i32
        %get3A_1349 = arith.index_cast %add3A_1348 : i32 to index
        %get3A_1350 = arith.constant 80 : index
        %get3A_1351 = tpu.vector_load %arg8[%get3A_1349, %get3A_1350] {strides = array<i32>} : memref<160x128xf32, #tpu.memory_space<vmem>>, vector<16xf32>,
        %bitcast3A_1352 = vector.bitcast %get3A_1351 : vector<16xf32> to vector<16xi32>
        %add3A_1353 = arith.constant 0 : i32
        %add3A_1354 = arith.addi %add3A_1353, %add3A_1316 : i32
        %get3A_1355 = arith.index_cast %add3A_1354 : i32 to index
        %get3A_1356 = arith.constant 96 : index
        %get3A_1357 = tpu.vector_load %arg8[%get3A_1355, %get3A_1356] {strides = array<i32>} : memref<160x128xf32, #tpu.memory_space<vmem>>, vector<16xf32>,
        %bitcast3A_1358 = vector.bitcast %get3A_1357 : vector<16xf32> to vector<16xi32>
        %shift_left3A_1359 = arith.constant 16 : i32
        %shift_left3A_1360 = vector.broadcast %shift_left3A_1359 : i32 to vector<16xi32>
        %shift_left3A_1361 = arith.shli %bitcast3A_1322, %shift_left3A_1360 : vector<16xi32>
        %bitcast_convert_type3A_1362 = tpu.bitcast %shift_left3A_1361 : vector<16xi32> -> vector<16xf32>
        %and3A_1363 = arith.constant -65536 : i32
        %and3A_1364 = vector.broadcast %and3A_1363 : i32 to vector<16xi32>
        %and3A_1365 = arith.andi %bitcast3A_1322, %and3A_1364 : vector<16xi32>
        %bitcast_convert_type3A_1366 = tpu.bitcast %and3A_1365 : vector<16xi32> -> vector<16xf32>
        %add3A_1367 = arith.addf %scan3A_1301, %bitcast_convert_type3A_1362 : vector<16xf32>
        %add3A_1368 = arith.addf %scan3A_1302, %bitcast_convert_type3A_1366 : vector<16xf32>
        %shift_left3A_1369 = arith.constant 16 : i32
        %shift_left3A_1370 = vector.broadcast %shift_left3A_1369 : i32 to vector<16xi32>
        %shift_left3A_1371 = arith.shli %bitcast3A_1328, %shift_left3A_1370 : vector<16xi32>
        %bitcast_convert_type3A_1372 = tpu.bitcast %shift_left3A_1371 : vector<16xi32> -> vector<16xf32>
        %and3A_1373 = arith.constant -65536 : i32
        %and3A_1374 = vector.broadcast %and3A_1373 : i32 to vector<16xi32>
        %and3A_1375 = arith.andi %bitcast3A_1328, %and3A_1374 : vector<16xi32>
        %bitcast_convert_type3A_1376 = tpu.bitcast %and3A_1375 : vector<16xi32> -> vector<16xf32>
        %add3A_1377 = arith.addf %scan3A_1303, %bitcast_convert_type3A_1372 : vector<16xf32>
        %add3A_1378 = arith.addf %scan3A_1304, %bitcast_convert_type3A_1376 : vector<16xf32>
        %shift_left3A_1379 = arith.constant 16 : i32
        %shift_left3A_1380 = vector.broadcast %shift_left3A_1379 : i32 to vector<16xi32>
        %shift_left3A_1381 = arith.shli %bitcast3A_1334, %shift_left3A_1380 : vector<16xi32>
        %bitcast_convert_type3A_1382 = tpu.bitcast %shift_left3A_1381 : vector<16xi32> -> vector<16xf32>
        %and3A_1383 = arith.constant -65536 : i32
        %and3A_1384 = vector.broadcast %and3A_1383 : i32 to vector<16xi32>
        %and3A_1385 = arith.andi %bitcast3A_1334, %and3A_1384 : vector<16xi32>
        %bitcast_convert_type3A_1386 = tpu.bitcast %and3A_1385 : vector<16xi32> -> vector<16xf32>
        %add3A_1387 = arith.addf %scan3A_1305, %bitcast_convert_type3A_1382 : vector<16xf32>
        %add3A_1388 = arith.addf %scan3A_1306, %bitcast_convert_type3A_1386 : vector<16xf32>
        %shift_left3A_1389 = arith.constant 16 : i32
        %shift_left3A_1390 = vector.broadcast %shift_left3A_1389 : i32 to vector<16xi32>
        %shift_left3A_1391 = arith.shli %bitcast3A_1340, %shift_left3A_1390 : vector<16xi32>
        %bitcast_convert_type3A_1392 = tpu.bitcast %shift_left3A_1391 : vector<16xi32> -> vector<16xf32>
        %and3A_1393 = arith.constant -65536 : i32
        %and3A_1394 = vector.broadcast %and3A_1393 : i32 to vector<16xi32>
        %and3A_1395 = arith.andi %bitcast3A_1340, %and3A_1394 : vector<16xi32>
        %bitcast_convert_type3A_1396 = tpu.bitcast %and3A_1395 : vector<16xi32> -> vector<16xf32>
        %add3A_1397 = arith.addf %scan3A_1307, %bitcast_convert_type3A_1392 : vector<16xf32>
        %add3A_1398 = arith.addf %scan3A_1308, %bitcast_convert_type3A_1396 : vector<16xf32>
        %shift_left3A_1399 = arith.constant 16 : i32
        %shift_left3A_1400 = vector.broadcast %shift_left3A_1399 : i32 to vector<16xi32>
        %shift_left3A_1401 = arith.shli %bitcast3A_1346, %shift_left3A_1400 : vector<16xi32>
        %bitcast_convert_type3A_1402 = tpu.bitcast %shift_left3A_1401 : vector<16xi32> -> vector<16xf32>
        %and3A_1403 = arith.constant -65536 : i32
        %and3A_1404 = vector.broadcast %and3A_1403 : i32 to vector<16xi32>
        %and3A_1405 = arith.andi %bitcast3A_1346, %and3A_1404 : vector<16xi32>
        %bitcast_convert_type3A_1406 = tpu.bitcast %and3A_1405 : vector<16xi32> -> vector<16xf32>
        %add3A_1407 = arith.addf %scan3A_1309, %bitcast_convert_type3A_1402 : vector<16xf32>
        %add3A_1408 = arith.addf %scan3A_1310, %bitcast_convert_type3A_1406 : vector<16xf32>
        %shift_left3A_1409 = arith.constant 16 : i32
        %shift_left3A_1410 = vector.broadcast %shift_left3A_1409 : i32 to vector<16xi32>
        %shift_left3A_1411 = arith.shli %bitcast3A_1352, %shift_left3A_1410 : vector<16xi32>
        %bitcast_convert_type3A_1412 = tpu.bitcast %shift_left3A_1411 : vector<16xi32> -> vector<16xf32>
        %and3A_1413 = arith.constant -65536 : i32
        %and3A_1414 = vector.broadcast %and3A_1413 : i32 to vector<16xi32>
        %and3A_1415 = arith.andi %bitcast3A_1352, %and3A_1414 : vector<16xi32>
        %bitcast_convert_type3A_1416 = tpu.bitcast %and3A_1415 : vector<16xi32> -> vector<16xf32>
        %add3A_1417 = arith.addf %scan3A_1311, %bitcast_convert_type3A_1412 : vector<16xf32>
        %add3A_1418 = arith.addf %scan3A_1312, %bitcast_convert_type3A_1416 : vector<16xf32>
        %shift_left3A_1419 = arith.constant 16 : i32
        %shift_left3A_1420 = vector.broadcast %shift_left3A_1419 : i32 to vector<16xi32>
        %shift_left3A_1421 = arith.shli %bitcast3A_1358, %shift_left3A_1420 : vector<16xi32>
        %bitcast_convert_type3A_1422 = tpu.bitcast %shift_left3A_1421 : vector<16xi32> -> vector<16xf32>
        %and3A_1423 = arith.constant -65536 : i32
        %and3A_1424 = vector.broadcast %and3A_1423 : i32 to vector<16xi32>
        %and3A_1425 = arith.andi %bitcast3A_1358, %and3A_1424 : vector<16xi32>
        %bitcast_convert_type3A_1426 = tpu.bitcast %and3A_1425 : vector<16xi32> -> vector<16xf32>
        %add3A_1427 = arith.addf %scan3A_1313, %bitcast_convert_type3A_1422 : vector<16xf32>
        %add3A_1428 = arith.addf %scan3A_1314, %bitcast_convert_type3A_1426 : vector<16xf32>
        scf.yield %add3A_1367, %add3A_1368, %add3A_1377, %add3A_1378, %add3A_1387, %add3A_1388, %add3A_1397, %add3A_1398, %add3A_1407, %add3A_1408, %add3A_1417, %add3A_1418, %add3A_1427, %add3A_1428 : vector<16xf32>, vector<16xf32>, vector<16xf32>, vector<16xf32>, vector<16xf32>, vector<16xf32>, vector<16xf32>, vector<16xf32>, vector<16xf32>, vector<16xf32>, vector<16xf32>, vector<16xf32>, vector<16xf32>, vector<16xf32>
      }
      %scan3A_225 = arith.constant 25 : i32
      %mul3A_226 = vector.broadcast %reduce_sum3A_20 : f32 to vector<16xf32>
      %mul3A_227 = arith.mulf %mul3A_226, %add3A_146 : vector<16xf32>
      %mul3A_228 = vector.broadcast %mul3A_30 : f32 to vector<16xf32>
      %mul3A_229 = arith.mulf %mul3A_228, %scan3A_212#0 : vector<16xf32>
      %add3A_230 = arith.addf %mul3A_227, %mul3A_229 : vector<16xf32>
      %mul3A_231 = vector.broadcast %mul3A_40 : f32 to vector<16xf32>
      %mul3A_232 = arith.mulf %mul3A_231, %scan3A_218#0 : vector<16xf32>
      %add3A_233 = arith.addf %add3A_230, %mul3A_232 : vector<16xf32>
      %mul3A_234 = vector.broadcast %mul3A_50 : f32 to vector<16xf32>
      %mul3A_235 = arith.mulf %mul3A_234, %scan3A_224#0 : vector<16xf32>
      %add3A_236 = arith.addf %add3A_233, %mul3A_235 : vector<16xf32>
      %mul3A_237 = vector.broadcast %reduce_sum3A_20 : f32 to vector<16xf32>
      %mul3A_238 = arith.mulf %mul3A_237, %add3A_147 : vector<16xf32>
      %mul3A_239 = vector.broadcast %mul3A_30 : f32 to vector<16xf32>
      %mul3A_240 = arith.mulf %mul3A_239, %scan3A_212#1 : vector<16xf32>
      %add3A_241 = arith.addf %mul3A_238, %mul3A_240 : vector<16xf32>
      %mul3A_242 = vector.broadcast %mul3A_40 : f32 to vector<16xf32>
      %mul3A_243 = arith.mulf %mul3A_242, %scan3A_218#1 : vector<16xf32>
      %add3A_244 = arith.addf %add3A_241, %mul3A_243 : vector<16xf32>
      %mul3A_245 = vector.broadcast %mul3A_50 : f32 to vector<16xf32>
      %mul3A_246 = arith.mulf %mul3A_245, %scan3A_224#1 : vector<16xf32>
      %add3A_247 = arith.addf %add3A_244, %mul3A_246 : vector<16xf32>
      %mul3A_248 = vector.broadcast %reduce_sum3A_20 : f32 to vector<16xf32>
      %mul3A_249 = arith.mulf %mul3A_248, %add3A_156 : vector<16xf32>
      %mul3A_250 = vector.broadcast %mul3A_30 : f32 to vector<16xf32>
      %mul3A_251 = arith.mulf %mul3A_250, %scan3A_212#2 : vector<16xf32>
      %add3A_252 = arith.addf %mul3A_249, %mul3A_251 : vector<16xf32>
      %mul3A_253 = vector.broadcast %mul3A_40 : f32 to vector<16xf32>
      %mul3A_254 = arith.mulf %mul3A_253, %scan3A_218#2 : vector<16xf32>
      %add3A_255 = arith.addf %add3A_252, %mul3A_254 : vector<16xf32>
      %mul3A_256 = vector.broadcast %mul3A_50 : f32 to vector<16xf32>
      %mul3A_257 = arith.mulf %mul3A_256, %scan3A_224#2 : vector<16xf32>
      %add3A_258 = arith.addf %add3A_255, %mul3A_257 : vector<16xf32>
      %mul3A_259 = vector.broadcast %reduce_sum3A_20 : f32 to vector<16xf32>
      %mul3A_260 = arith.mulf %mul3A_259, %add3A_157 : vector<16xf32>
      %mul3A_261 = vector.broadcast %mul3A_30 : f32 to vector<16xf32>
      %mul3A_262 = arith.mulf %mul3A_261, %scan3A_212#3 : vector<16xf32>
      %add3A_263 = arith.addf %mul3A_260, %mul3A_262 : vector<16xf32>
      %mul3A_264 = vector.broadcast %mul3A_40 : f32 to vector<16xf32>
      %mul3A_265 = arith.mulf %mul3A_264, %scan3A_218#3 : vector<16xf32>
      %add3A_266 = arith.addf %add3A_263, %mul3A_265 : vector<16xf32>
      %mul3A_267 = vector.broadcast %mul3A_50 : f32 to vector<16xf32>
      %mul3A_268 = arith.mulf %mul3A_267, %scan3A_224#3 : vector<16xf32>
      %add3A_269 = arith.addf %add3A_266, %mul3A_268 : vector<16xf32>
      %mul3A_270 = vector.broadcast %reduce_sum3A_20 : f32 to vector<16xf32>
      %mul3A_271 = arith.mulf %mul3A_270, %add3A_166 : vector<16xf32>
      %mul3A_272 = vector.broadcast %mul3A_30 : f32 to vector<16xf32>
      %mul3A_273 = arith.mulf %mul3A_272, %scan3A_212#4 : vector<16xf32>
      %add3A_274 = arith.addf %mul3A_271, %mul3A_273 : vector<16xf32>
      %mul3A_275 = vector.broadcast %mul3A_40 : f32 to vector<16xf32>
      %mul3A_276 = arith.mulf %mul3A_275, %scan3A_218#4 : vector<16xf32>
      %add3A_277 = arith.addf %add3A_274, %mul3A_276 : vector<16xf32>
      %mul3A_278 = vector.broadcast %mul3A_50 : f32 to vector<16xf32>
      %mul3A_279 = arith.mulf %mul3A_278, %scan3A_224#4 : vector<16xf32>
      %add3A_280 = arith.addf %add3A_277, %mul3A_279 : vector<16xf32>
      %mul3A_281 = vector.broadcast %reduce_sum3A_20 : f32 to vector<16xf32>
      %mul3A_282 = arith.mulf %mul3A_281, %add3A_167 : vector<16xf32>
      %mul3A_283 = vector.broadcast %mul3A_30 : f32 to vector<16xf32>
      %mul3A_284 = arith.mulf %mul3A_283, %scan3A_212#5 : vector<16xf32>
      %add3A_285 = arith.addf %mul3A_282, %mul3A_284 : vector<16xf32>
      %mul3A_286 = vector.broadcast %mul3A_40 : f32 to vector<16xf32>
      %mul3A_287 = arith.mulf %mul3A_286, %scan3A_218#5 : vector<16xf32>
      %add3A_288 = arith.addf %add3A_285, %mul3A_287 : vector<16xf32>
      %mul3A_289 = vector.broadcast %mul3A_50 : f32 to vector<16xf32>
      %mul3A_290 = arith.mulf %mul3A_289, %scan3A_224#5 : vector<16xf32>
      %add3A_291 = arith.addf %add3A_288, %mul3A_290 : vector<16xf32>
      %mul3A_292 = vector.broadcast %reduce_sum3A_20 : f32 to vector<16xf32>
      %mul3A_293 = arith.mulf %mul3A_292, %add3A_176 : vector<16xf32>
      %mul3A_294 = vector.broadcast %mul3A_30 : f32 to vector<16xf32>
      %mul3A_295 = arith.mulf %mul3A_294, %scan3A_212#6 : vector<16xf32>
      %add3A_296 = arith.addf %mul3A_293, %mul3A_295 : vector<16xf32>
      %mul3A_297 = vector.broadcast %mul3A_40 : f32 to vector<16xf32>
      %mul3A_298 = arith.mulf %mul3A_297, %scan3A_218#6 : vector<16xf32>
      %add3A_299 = arith.addf %add3A_296, %mul3A_298 : vector<16xf32>
      %mul3A_300 = vector.broadcast %mul3A_50 : f32 to vector<16xf32>
      %mul3A_301 = arith.mulf %mul3A_300, %scan3A_224#6 : vector<16xf32>
      %add3A_302 = arith.addf %add3A_299, %mul3A_301 : vector<16xf32>
      %mul3A_303 = vector.broadcast %reduce_sum3A_20 : f32 to vector<16xf32>
      %mul3A_304 = arith.mulf %mul3A_303, %add3A_177 : vector<16xf32>
      %mul3A_305 = vector.broadcast %mul3A_30 : f32 to vector<16xf32>
      %mul3A_306 = arith.mulf %mul3A_305, %scan3A_212#7 : vector<16xf32>
      %add3A_307 = arith.addf %mul3A_304, %mul3A_306 : vector<16xf32>
      %mul3A_308 = vector.broadcast %mul3A_40 : f32 to vector<16xf32>
      %mul3A_309 = arith.mulf %mul3A_308, %scan3A_218#7 : vector<16xf32>
      %add3A_310 = arith.addf %add3A_307, %mul3A_309 : vector<16xf32>
      %mul3A_311 = vector.broadcast %mul3A_50 : f32 to vector<16xf32>
      %mul3A_312 = arith.mulf %mul3A_311, %scan3A_224#7 : vector<16xf32>
      %add3A_313 = arith.addf %add3A_310, %mul3A_312 : vector<16xf32>
      %mul3A_314 = vector.broadcast %reduce_sum3A_20 : f32 to vector<16xf32>
      %mul3A_315 = arith.mulf %mul3A_314, %add3A_186 : vector<16xf32>
      %mul3A_316 = vector.broadcast %mul3A_30 : f32 to vector<16xf32>
      %mul3A_317 = arith.mulf %mul3A_316, %scan3A_212#8 : vector<16xf32>
      %add3A_318 = arith.addf %mul3A_315, %mul3A_317 : vector<16xf32>
      %mul3A_319 = vector.broadcast %mul3A_40 : f32 to vector<16xf32>
      %mul3A_320 = arith.mulf %mul3A_319, %scan3A_218#8 : vector<16xf32>
      %add3A_321 = arith.addf %add3A_318, %mul3A_320 : vector<16xf32>
      %mul3A_322 = vector.broadcast %mul3A_50 : f32 to vector<16xf32>
      %mul3A_323 = arith.mulf %mul3A_322, %scan3A_224#8 : vector<16xf32>
      %add3A_324 = arith.addf %add3A_321, %mul3A_323 : vector<16xf32>
      %mul3A_325 = vector.broadcast %reduce_sum3A_20 : f32 to vector<16xf32>
      %mul3A_326 = arith.mulf %mul3A_325, %add3A_187 : vector<16xf32>
      %mul3A_327 = vector.broadcast %mul3A_30 : f32 to vector<16xf32>
      %mul3A_328 = arith.mulf %mul3A_327, %scan3A_212#9 : vector<16xf32>
      %add3A_329 = arith.addf %mul3A_326, %mul3A_328 : vector<16xf32>
      %mul3A_330 = vector.broadcast %mul3A_40 : f32 to vector<16xf32>
      %mul3A_331 = arith.mulf %mul3A_330, %scan3A_218#9 : vector<16xf32>
      %add3A_332 = arith.addf %add3A_329, %mul3A_331 : vector<16xf32>
      %mul3A_333 = vector.broadcast %mul3A_50 : f32 to vector<16xf32>
      %mul3A_334 = arith.mulf %mul3A_333, %scan3A_224#9 : vector<16xf32>
      %add3A_335 = arith.addf %add3A_332, %mul3A_334 : vector<16xf32>
      %mul3A_336 = vector.broadcast %reduce_sum3A_20 : f32 to vector<16xf32>
      %mul3A_337 = arith.mulf %mul3A_336, %add3A_196 : vector<16xf32>
      %mul3A_338 = vector.broadcast %mul3A_30 : f32 to vector<16xf32>
      %mul3A_339 = arith.mulf %mul3A_338, %scan3A_212#10 : vector<16xf32>
      %add3A_340 = arith.addf %mul3A_337, %mul3A_339 : vector<16xf32>
      %mul3A_341 = vector.broadcast %mul3A_40 : f32 to vector<16xf32>
      %mul3A_342 = arith.mulf %mul3A_341, %scan3A_218#10 : vector<16xf32>
      %add3A_343 = arith.addf %add3A_340, %mul3A_342 : vector<16xf32>
      %mul3A_344 = vector.broadcast %mul3A_50 : f32 to vector<16xf32>
      %mul3A_345 = arith.mulf %mul3A_344, %scan3A_224#10 : vector<16xf32>
      %add3A_346 = arith.addf %add3A_343, %mul3A_345 : vector<16xf32>
      %mul3A_347 = vector.broadcast %reduce_sum3A_20 : f32 to vector<16xf32>
      %mul3A_348 = arith.mulf %mul3A_347, %add3A_197 : vector<16xf32>
      %mul3A_349 = vector.broadcast %mul3A_30 : f32 to vector<16xf32>
      %mul3A_350 = arith.mulf %mul3A_349, %scan3A_212#11 : vector<16xf32>
      %add3A_351 = arith.addf %mul3A_348, %mul3A_350 : vector<16xf32>
      %mul3A_352 = vector.broadcast %mul3A_40 : f32 to vector<16xf32>
      %mul3A_353 = arith.mulf %mul3A_352, %scan3A_218#11 : vector<16xf32>
      %add3A_354 = arith.addf %add3A_351, %mul3A_353 : vector<16xf32>
      %mul3A_355 = vector.broadcast %mul3A_50 : f32 to vector<16xf32>
      %mul3A_356 = arith.mulf %mul3A_355, %scan3A_224#11 : vector<16xf32>
      %add3A_357 = arith.addf %add3A_354, %mul3A_356 : vector<16xf32>
      %mul3A_358 = vector.broadcast %reduce_sum3A_20 : f32 to vector<16xf32>
      %mul3A_359 = arith.mulf %mul3A_358, %add3A_206 : vector<16xf32>
      %mul3A_360 = vector.broadcast %mul3A_30 : f32 to vector<16xf32>
      %mul3A_361 = arith.mulf %mul3A_360, %scan3A_212#12 : vector<16xf32>
      %add3A_362 = arith.addf %mul3A_359, %mul3A_361 : vector<16xf32>
      %mul3A_363 = vector.broadcast %mul3A_40 : f32 to vector<16xf32>
      %mul3A_364 = arith.mulf %mul3A_363, %scan3A_218#12 : vector<16xf32>
      %add3A_365 = arith.addf %add3A_362, %mul3A_364 : vector<16xf32>
      %mul3A_366 = vector.broadcast %mul3A_50 : f32 to vector<16xf32>
      %mul3A_367 = arith.mulf %mul3A_366, %scan3A_224#12 : vector<16xf32>
      %add3A_368 = arith.addf %add3A_365, %mul3A_367 : vector<16xf32>
      %mul3A_369 = vector.broadcast %reduce_sum3A_20 : f32 to vector<16xf32>
      %mul3A_370 = arith.mulf %mul3A_369, %add3A_207 : vector<16xf32>
      %mul3A_371 = vector.broadcast %mul3A_30 : f32 to vector<16xf32>
      %mul3A_372 = arith.mulf %mul3A_371, %scan3A_212#13 : vector<16xf32>
      %add3A_373 = arith.addf %mul3A_370, %mul3A_372 : vector<16xf32>
      %mul3A_374 = vector.broadcast %mul3A_40 : f32 to vector<16xf32>
      %mul3A_375 = arith.mulf %mul3A_374, %scan3A_218#13 : vector<16xf32>
      %add3A_376 = arith.addf %add3A_373, %mul3A_375 : vector<16xf32>
      %mul3A_377 = vector.broadcast %mul3A_50 : f32 to vector<16xf32>
      %mul3A_378 = arith.mulf %mul3A_377, %scan3A_224#13 : vector<16xf32>
      %add3A_379 = arith.addf %add3A_376, %mul3A_378 : vector<16xf32>
      %get3A_380 = arith.constant 80 : i32
      %get3A_381 = arith.index_cast %get3A_380 : i32 to index
      %get3A_382 = arith.constant 0 : index
      %get3A_383 = tpu.vector_load %arg8[%get3A_381, %get3A_382] {strides = array<i32>} : memref<160x128xf32, #tpu.memory_space<vmem>>, vector<16xf32>,
      %bitcast3A_384 = vector.bitcast %get3A_383 : vector<16xf32> to vector<16xi32>
      %get3A_385 = arith.constant 80 : i32
      %get3A_386 = arith.index_cast %get3A_385 : i32 to index
      %get3A_387 = arith.constant 16 : index
      %get3A_388 = tpu.vector_load %arg8[%get3A_386, %get3A_387] {strides = array<i32>} : memref<160x128xf32, #tpu.memory_space<vmem>>, vector<16xf32>,
      %bitcast3A_389 = vector.bitcast %get3A_388 : vector<16xf32> to vector<16xi32>
      %get3A_390 = arith.constant 80 : i32
      %get3A_391 = arith.index_cast %get3A_390 : i32 to index
      %get3A_392 = arith.constant 32 : index
      %get3A_393 = tpu.vector_load %arg8[%get3A_391, %get3A_392] {strides = array<i32>} : memref<160x128xf32, #tpu.memory_space<vmem>>, vector<16xf32>,
      %bitcast3A_394 = vector.bitcast %get3A_393 : vector<16xf32> to vector<16xi32>
      %get3A_395 = arith.constant 80 : i32
      %get3A_396 = arith.index_cast %get3A_395 : i32 to index
      %get3A_397 = arith.constant 48 : index
      %get3A_398 = tpu.vector_load %arg8[%get3A_396, %get3A_397] {strides = array<i32>} : memref<160x128xf32, #tpu.memory_space<vmem>>, vector<16xf32>,
      %bitcast3A_399 = vector.bitcast %get3A_398 : vector<16xf32> to vector<16xi32>
      %get3A_400 = arith.constant 80 : i32
      %get3A_401 = arith.index_cast %get3A_400 : i32 to index
      %get3A_402 = arith.constant 64 : index
      %get3A_403 = tpu.vector_load %arg8[%get3A_401, %get3A_402] {strides = array<i32>} : memref<160x128xf32, #tpu.memory_space<vmem>>, vector<16xf32>,
      %bitcast3A_404 = vector.bitcast %get3A_403 : vector<16xf32> to vector<16xi32>
      %get3A_405 = arith.constant 80 : i32
      %get3A_406 = arith.index_cast %get3A_405 : i32 to index
      %get3A_407 = arith.constant 80 : index
      %get3A_408 = tpu.vector_load %arg8[%get3A_406, %get3A_407] {strides = array<i32>} : memref<160x128xf32, #tpu.memory_space<vmem>>, vector<16xf32>,
      %bitcast3A_409 = vector.bitcast %get3A_408 : vector<16xf32> to vector<16xi32>
      %get3A_410 = arith.constant 80 : i32
      %get3A_411 = arith.index_cast %get3A_410 : i32 to index
      %get3A_412 = arith.constant 96 : index
      %get3A_413 = tpu.vector_load %arg8[%get3A_411, %get3A_412] {strides = array<i32>} : memref<160x128xf32, #tpu.memory_space<vmem>>, vector<16xf32>,
      %bitcast3A_414 = vector.bitcast %get3A_413 : vector<16xf32> to vector<16xi32>
      %shift_left3A_415 = arith.constant 16 : i32
      %shift_left3A_416 = vector.broadcast %shift_left3A_415 : i32 to vector<16xi32>
      %shift_left3A_417 = arith.shli %bitcast3A_384, %shift_left3A_416 : vector<16xi32>
      %bitcast_convert_type3A_418 = tpu.bitcast %shift_left3A_417 : vector<16xi32> -> vector<16xf32>
      %and3A_419 = arith.constant -65536 : i32
      %and3A_420 = vector.broadcast %and3A_419 : i32 to vector<16xi32>
      %and3A_421 = arith.andi %bitcast3A_384, %and3A_420 : vector<16xi32>
      %bitcast_convert_type3A_422 = tpu.bitcast %and3A_421 : vector<16xi32> -> vector<16xf32>
      %add3A_423 = arith.addf %broadcast_in_dim3A_5, %bitcast_convert_type3A_418 : vector<16xf32>
      %add3A_424 = arith.addf %broadcast_in_dim3A_5, %bitcast_convert_type3A_422 : vector<16xf32>
      %shift_left3A_425 = arith.constant 16 : i32
      %shift_left3A_426 = vector.broadcast %shift_left3A_425 : i32 to vector<16xi32>
      %shift_left3A_427 = arith.shli %bitcast3A_389, %shift_left3A_426 : vector<16xi32>
      %bitcast_convert_type3A_428 = tpu.bitcast %shift_left3A_427 : vector<16xi32> -> vector<16xf32>
      %and3A_429 = arith.constant -65536 : i32
      %and3A_430 = vector.broadcast %and3A_429 : i32 to vector<16xi32>
      %and3A_431 = arith.andi %bitcast3A_389, %and3A_430 : vector<16xi32>
      %bitcast_convert_type3A_432 = tpu.bitcast %and3A_431 : vector<16xi32> -> vector<16xf32>
      %add3A_433 = arith.addf %broadcast_in_dim3A_5, %bitcast_convert_type3A_428 : vector<16xf32>
      %add3A_434 = arith.addf %broadcast_in_dim3A_5, %bitcast_convert_type3A_432 : vector<16xf32>
      %shift_left3A_435 = arith.constant 16 : i32
      %shift_left3A_436 = vector.broadcast %shift_left3A_435 : i32 to vector<16xi32>
      %shift_left3A_437 = arith.shli %bitcast3A_394, %shift_left3A_436 : vector<16xi32>
      %bitcast_convert_type3A_438 = tpu.bitcast %shift_left3A_437 : vector<16xi32> -> vector<16xf32>
      %and3A_439 = arith.constant -65536 : i32
      %and3A_440 = vector.broadcast %and3A_439 : i32 to vector<16xi32>
      %and3A_441 = arith.andi %bitcast3A_394, %and3A_440 : vector<16xi32>
      %bitcast_convert_type3A_442 = tpu.bitcast %and3A_441 : vector<16xi32> -> vector<16xf32>
      %add3A_443 = arith.addf %broadcast_in_dim3A_5, %bitcast_convert_type3A_438 : vector<16xf32>
      %add3A_444 = arith.addf %broadcast_in_dim3A_5, %bitcast_convert_type3A_442 : vector<16xf32>
      %shift_left3A_445 = arith.constant 16 : i32
      %shift_left3A_446 = vector.broadcast %shift_left3A_445 : i32 to vector<16xi32>
      %shift_left3A_447 = arith.shli %bitcast3A_399, %shift_left3A_446 : vector<16xi32>
      %bitcast_convert_type3A_448 = tpu.bitcast %shift_left3A_447 : vector<16xi32> -> vector<16xf32>
      %and3A_449 = arith.constant -65536 : i32
      %and3A_450 = vector.broadcast %and3A_449 : i32 to vector<16xi32>
      %and3A_451 = arith.andi %bitcast3A_399, %and3A_450 : vector<16xi32>
      %bitcast_convert_type3A_452 = tpu.bitcast %and3A_451 : vector<16xi32> -> vector<16xf32>
      %add3A_453 = arith.addf %broadcast_in_dim3A_5, %bitcast_convert_type3A_448 : vector<16xf32>
      %add3A_454 = arith.addf %broadcast_in_dim3A_5, %bitcast_convert_type3A_452 : vector<16xf32>
      %shift_left3A_455 = arith.constant 16 : i32
      %shift_left3A_456 = vector.broadcast %shift_left3A_455 : i32 to vector<16xi32>
      %shift_left3A_457 = arith.shli %bitcast3A_404, %shift_left3A_456 : vector<16xi32>
      %bitcast_convert_type3A_458 = tpu.bitcast %shift_left3A_457 : vector<16xi32> -> vector<16xf32>
      %and3A_459 = arith.constant -65536 : i32
      %and3A_460 = vector.broadcast %and3A_459 : i32 to vector<16xi32>
      %and3A_461 = arith.andi %bitcast3A_404, %and3A_460 : vector<16xi32>
      %bitcast_convert_type3A_462 = tpu.bitcast %and3A_461 : vector<16xi32> -> vector<16xf32>
      %add3A_463 = arith.addf %broadcast_in_dim3A_5, %bitcast_convert_type3A_458 : vector<16xf32>
      %add3A_464 = arith.addf %broadcast_in_dim3A_5, %bitcast_convert_type3A_462 : vector<16xf32>
      %shift_left3A_465 = arith.constant 16 : i32
      %shift_left3A_466 = vector.broadcast %shift_left3A_465 : i32 to vector<16xi32>
      %shift_left3A_467 = arith.shli %bitcast3A_409, %shift_left3A_466 : vector<16xi32>
      %bitcast_convert_type3A_468 = tpu.bitcast %shift_left3A_467 : vector<16xi32> -> vector<16xf32>
      %and3A_469 = arith.constant -65536 : i32
      %and3A_470 = vector.broadcast %and3A_469 : i32 to vector<16xi32>
      %and3A_471 = arith.andi %bitcast3A_409, %and3A_470 : vector<16xi32>
      %bitcast_convert_type3A_472 = tpu.bitcast %and3A_471 : vector<16xi32> -> vector<16xf32>
      %add3A_473 = arith.addf %broadcast_in_dim3A_5, %bitcast_convert_type3A_468 : vector<16xf32>
      %add3A_474 = arith.addf %broadcast_in_dim3A_5, %bitcast_convert_type3A_472 : vector<16xf32>
      %shift_left3A_475 = arith.constant 16 : i32
      %shift_left3A_476 = vector.broadcast %shift_left3A_475 : i32 to vector<16xi32>
      %shift_left3A_477 = arith.shli %bitcast3A_414, %shift_left3A_476 : vector<16xi32>
      %bitcast_convert_type3A_478 = tpu.bitcast %shift_left3A_477 : vector<16xi32> -> vector<16xf32>
      %and3A_479 = arith.constant -65536 : i32
      %and3A_480 = vector.broadcast %and3A_479 : i32 to vector<16xi32>
      %and3A_481 = arith.andi %bitcast3A_414, %and3A_480 : vector<16xi32>
      %bitcast_convert_type3A_482 = tpu.bitcast %and3A_481 : vector<16xi32> -> vector<16xf32>
      %add3A_483 = arith.addf %broadcast_in_dim3A_5, %bitcast_convert_type3A_478 : vector<16xf32>
      %add3A_484 = arith.addf %broadcast_in_dim3A_5, %bitcast_convert_type3A_482 : vector<16xf32>
      %scan3A_485 = arith.constant 0 : i32
      %scan3A_486 = arith.constant 25 : i32
      %scan3A_487 = arith.addi %scan3A_485, %scan3A_486 : i32
      %scan3A_488 = arith.constant 1 : i32
      %scan3A_489:14 = scf.for %scan3A_1300 = %scan3A_485 to %scan3A_487 step %scan3A_488 iter_args(%scan3A_1301 = %broadcast_in_dim3A_5, %scan3A_1302 = %broadcast_in_dim3A_5, %scan3A_1303 = %broadcast_in_dim3A_5, %scan3A_1304 = %broadcast_in_dim3A_5, %scan3A_1305 = %broadcast_in_dim3A_5, %scan3A_1306 = %broadcast_in_dim3A_5, %scan3A_1307 = %broadcast_in_dim3A_5, %scan3A_1308 = %broadcast_in_dim3A_5, %scan3A_1309 = %broadcast_in_dim3A_5, %scan3A_1310 = %broadcast_in_dim3A_5, %scan3A_1311 = %broadcast_in_dim3A_5, %scan3A_1312 = %broadcast_in_dim3A_5, %scan3A_1313 = %broadcast_in_dim3A_5, %scan3A_1314 = %broadcast_in_dim3A_5) -> (vector<16xf32>, vector<16xf32>, vector<16xf32>, vector<16xf32>, vector<16xf32>, vector<16xf32>, vector<16xf32>, vector<16xf32>, vector<16xf32>, vector<16xf32>, vector<16xf32>, vector<16xf32>, vector<16xf32>, vector<16xf32>)  : i32 {
        %add3A_1315 = arith.constant 1 : i32
        %add3A_1316 = arith.addi %add3A_1315, %scan3A_1300 : i32
        %add3A_1317 = arith.constant 80 : i32
        %add3A_1318 = arith.addi %add3A_1317, %add3A_1316 : i32
        %get3A_1319 = arith.index_cast %add3A_1318 : i32 to index
        %get3A_1320 = arith.constant 0 : index
        %get3A_1321 = tpu.vector_load %arg8[%get3A_1319, %get3A_1320] {strides = array<i32>} : memref<160x128xf32, #tpu.memory_space<vmem>>, vector<16xf32>,
        %bitcast3A_1322 = vector.bitcast %get3A_1321 : vector<16xf32> to vector<16xi32>
        %add3A_1323 = arith.constant 80 : i32
        %add3A_1324 = arith.addi %add3A_1323, %add3A_1316 : i32
        %get3A_1325 = arith.index_cast %add3A_1324 : i32 to index
        %get3A_1326 = arith.constant 16 : index
        %get3A_1327 = tpu.vector_load %arg8[%get3A_1325, %get3A_1326] {strides = array<i32>} : memref<160x128xf32, #tpu.memory_space<vmem>>, vector<16xf32>,
        %bitcast3A_1328 = vector.bitcast %get3A_1327 : vector<16xf32> to vector<16xi32>
        %add3A_1329 = arith.constant 80 : i32
        %add3A_1330 = arith.addi %add3A_1329, %add3A_1316 : i32
        %get3A_1331 = arith.index_cast %add3A_1330 : i32 to index
        %get3A_1332 = arith.constant 32 : index
        %get3A_1333 = tpu.vector_load %arg8[%get3A_1331, %get3A_1332] {strides = array<i32>} : memref<160x128xf32, #tpu.memory_space<vmem>>, vector<16xf32>,
        %bitcast3A_1334 = vector.bitcast %get3A_1333 : vector<16xf32> to vector<16xi32>
        %add3A_1335 = arith.constant 80 : i32
        %add3A_1336 = arith.addi %add3A_1335, %add3A_1316 : i32
        %get3A_1337 = arith.index_cast %add3A_1336 : i32 to index
        %get3A_1338 = arith.constant 48 : index
        %get3A_1339 = tpu.vector_load %arg8[%get3A_1337, %get3A_1338] {strides = array<i32>} : memref<160x128xf32, #tpu.memory_space<vmem>>, vector<16xf32>,
        %bitcast3A_1340 = vector.bitcast %get3A_1339 : vector<16xf32> to vector<16xi32>
        %add3A_1341 = arith.constant 80 : i32
        %add3A_1342 = arith.addi %add3A_1341, %add3A_1316 : i32
        %get3A_1343 = arith.index_cast %add3A_1342 : i32 to index
        %get3A_1344 = arith.constant 64 : index
        %get3A_1345 = tpu.vector_load %arg8[%get3A_1343, %get3A_1344] {strides = array<i32>} : memref<160x128xf32, #tpu.memory_space<vmem>>, vector<16xf32>,
        %bitcast3A_1346 = vector.bitcast %get3A_1345 : vector<16xf32> to vector<16xi32>
        %add3A_1347 = arith.constant 80 : i32
        %add3A_1348 = arith.addi %add3A_1347, %add3A_1316 : i32
        %get3A_1349 = arith.index_cast %add3A_1348 : i32 to index
        %get3A_1350 = arith.constant 80 : index
        %get3A_1351 = tpu.vector_load %arg8[%get3A_1349, %get3A_1350] {strides = array<i32>} : memref<160x128xf32, #tpu.memory_space<vmem>>, vector<16xf32>,
        %bitcast3A_1352 = vector.bitcast %get3A_1351 : vector<16xf32> to vector<16xi32>
        %add3A_1353 = arith.constant 80 : i32
        %add3A_1354 = arith.addi %add3A_1353, %add3A_1316 : i32
        %get3A_1355 = arith.index_cast %add3A_1354 : i32 to index
        %get3A_1356 = arith.constant 96 : index
        %get3A_1357 = tpu.vector_load %arg8[%get3A_1355, %get3A_1356] {strides = array<i32>} : memref<160x128xf32, #tpu.memory_space<vmem>>, vector<16xf32>,
        %bitcast3A_1358 = vector.bitcast %get3A_1357 : vector<16xf32> to vector<16xi32>
        %shift_left3A_1359 = arith.constant 16 : i32
        %shift_left3A_1360 = vector.broadcast %shift_left3A_1359 : i32 to vector<16xi32>
        %shift_left3A_1361 = arith.shli %bitcast3A_1322, %shift_left3A_1360 : vector<16xi32>
        %bitcast_convert_type3A_1362 = tpu.bitcast %shift_left3A_1361 : vector<16xi32> -> vector<16xf32>
        %and3A_1363 = arith.constant -65536 : i32
        %and3A_1364 = vector.broadcast %and3A_1363 : i32 to vector<16xi32>
        %and3A_1365 = arith.andi %bitcast3A_1322, %and3A_1364 : vector<16xi32>
        %bitcast_convert_type3A_1366 = tpu.bitcast %and3A_1365 : vector<16xi32> -> vector<16xf32>
        %add3A_1367 = arith.addf %scan3A_1301, %bitcast_convert_type3A_1362 : vector<16xf32>
        %add3A_1368 = arith.addf %scan3A_1302, %bitcast_convert_type3A_1366 : vector<16xf32>
        %shift_left3A_1369 = arith.constant 16 : i32
        %shift_left3A_1370 = vector.broadcast %shift_left3A_1369 : i32 to vector<16xi32>
        %shift_left3A_1371 = arith.shli %bitcast3A_1328, %shift_left3A_1370 : vector<16xi32>
        %bitcast_convert_type3A_1372 = tpu.bitcast %shift_left3A_1371 : vector<16xi32> -> vector<16xf32>
        %and3A_1373 = arith.constant -65536 : i32
        %and3A_1374 = vector.broadcast %and3A_1373 : i32 to vector<16xi32>
        %and3A_1375 = arith.andi %bitcast3A_1328, %and3A_1374 : vector<16xi32>
        %bitcast_convert_type3A_1376 = tpu.bitcast %and3A_1375 : vector<16xi32> -> vector<16xf32>
        %add3A_1377 = arith.addf %scan3A_1303, %bitcast_convert_type3A_1372 : vector<16xf32>
        %add3A_1378 = arith.addf %scan3A_1304, %bitcast_convert_type3A_1376 : vector<16xf32>
        %shift_left3A_1379 = arith.constant 16 : i32
        %shift_left3A_1380 = vector.broadcast %shift_left3A_1379 : i32 to vector<16xi32>
        %shift_left3A_1381 = arith.shli %bitcast3A_1334, %shift_left3A_1380 : vector<16xi32>
        %bitcast_convert_type3A_1382 = tpu.bitcast %shift_left3A_1381 : vector<16xi32> -> vector<16xf32>
        %and3A_1383 = arith.constant -65536 : i32
        %and3A_1384 = vector.broadcast %and3A_1383 : i32 to vector<16xi32>
        %and3A_1385 = arith.andi %bitcast3A_1334, %and3A_1384 : vector<16xi32>
        %bitcast_convert_type3A_1386 = tpu.bitcast %and3A_1385 : vector<16xi32> -> vector<16xf32>
        %add3A_1387 = arith.addf %scan3A_1305, %bitcast_convert_type3A_1382 : vector<16xf32>
        %add3A_1388 = arith.addf %scan3A_1306, %bitcast_convert_type3A_1386 : vector<16xf32>
        %shift_left3A_1389 = arith.constant 16 : i32
        %shift_left3A_1390 = vector.broadcast %shift_left3A_1389 : i32 to vector<16xi32>
        %shift_left3A_1391 = arith.shli %bitcast3A_1340, %shift_left3A_1390 : vector<16xi32>
        %bitcast_convert_type3A_1392 = tpu.bitcast %shift_left3A_1391 : vector<16xi32> -> vector<16xf32>
        %and3A_1393 = arith.constant -65536 : i32
        %and3A_1394 = vector.broadcast %and3A_1393 : i32 to vector<16xi32>
        %and3A_1395 = arith.andi %bitcast3A_1340, %and3A_1394 : vector<16xi32>
        %bitcast_convert_type3A_1396 = tpu.bitcast %and3A_1395 : vector<16xi32> -> vector<16xf32>
        %add3A_1397 = arith.addf %scan3A_1307, %bitcast_convert_type3A_1392 : vector<16xf32>
        %add3A_1398 = arith.addf %scan3A_1308, %bitcast_convert_type3A_1396 : vector<16xf32>
        %shift_left3A_1399 = arith.constant 16 : i32
        %shift_left3A_1400 = vector.broadcast %shift_left3A_1399 : i32 to vector<16xi32>
        %shift_left3A_1401 = arith.shli %bitcast3A_1346, %shift_left3A_1400 : vector<16xi32>
        %bitcast_convert_type3A_1402 = tpu.bitcast %shift_left3A_1401 : vector<16xi32> -> vector<16xf32>
        %and3A_1403 = arith.constant -65536 : i32
        %and3A_1404 = vector.broadcast %and3A_1403 : i32 to vector<16xi32>
        %and3A_1405 = arith.andi %bitcast3A_1346, %and3A_1404 : vector<16xi32>
        %bitcast_convert_type3A_1406 = tpu.bitcast %and3A_1405 : vector<16xi32> -> vector<16xf32>
        %add3A_1407 = arith.addf %scan3A_1309, %bitcast_convert_type3A_1402 : vector<16xf32>
        %add3A_1408 = arith.addf %scan3A_1310, %bitcast_convert_type3A_1406 : vector<16xf32>
        %shift_left3A_1409 = arith.constant 16 : i32
        %shift_left3A_1410 = vector.broadcast %shift_left3A_1409 : i32 to vector<16xi32>
        %shift_left3A_1411 = arith.shli %bitcast3A_1352, %shift_left3A_1410 : vector<16xi32>
        %bitcast_convert_type3A_1412 = tpu.bitcast %shift_left3A_1411 : vector<16xi32> -> vector<16xf32>
        %and3A_1413 = arith.constant -65536 : i32
        %and3A_1414 = vector.broadcast %and3A_1413 : i32 to vector<16xi32>
        %and3A_1415 = arith.andi %bitcast3A_1352, %and3A_1414 : vector<16xi32>
        %bitcast_convert_type3A_1416 = tpu.bitcast %and3A_1415 : vector<16xi32> -> vector<16xf32>
        %add3A_1417 = arith.addf %scan3A_1311, %bitcast_convert_type3A_1412 : vector<16xf32>
        %add3A_1418 = arith.addf %scan3A_1312, %bitcast_convert_type3A_1416 : vector<16xf32>
        %shift_left3A_1419 = arith.constant 16 : i32
        %shift_left3A_1420 = vector.broadcast %shift_left3A_1419 : i32 to vector<16xi32>
        %shift_left3A_1421 = arith.shli %bitcast3A_1358, %shift_left3A_1420 : vector<16xi32>
        %bitcast_convert_type3A_1422 = tpu.bitcast %shift_left3A_1421 : vector<16xi32> -> vector<16xf32>
        %and3A_1423 = arith.constant -65536 : i32
        %and3A_1424 = vector.broadcast %and3A_1423 : i32 to vector<16xi32>
        %and3A_1425 = arith.andi %bitcast3A_1358, %and3A_1424 : vector<16xi32>
        %bitcast_convert_type3A_1426 = tpu.bitcast %and3A_1425 : vector<16xi32> -> vector<16xf32>
        %add3A_1427 = arith.addf %scan3A_1313, %bitcast_convert_type3A_1422 : vector<16xf32>
        %add3A_1428 = arith.addf %scan3A_1314, %bitcast_convert_type3A_1426 : vector<16xf32>
        scf.yield %add3A_1367, %add3A_1368, %add3A_1377, %add3A_1378, %add3A_1387, %add3A_1388, %add3A_1397, %add3A_1398, %add3A_1407, %add3A_1408, %add3A_1417, %add3A_1418, %add3A_1427, %add3A_1428 : vector<16xf32>, vector<16xf32>, vector<16xf32>, vector<16xf32>, vector<16xf32>, vector<16xf32>, vector<16xf32>, vector<16xf32>, vector<16xf32>, vector<16xf32>, vector<16xf32>, vector<16xf32>, vector<16xf32>, vector<16xf32>
      }
      %scan3A_490 = arith.constant 25 : i32
      %scan3A_491 = arith.constant 0 : i32
      %scan3A_492 = arith.constant 25 : i32
      %scan3A_493 = arith.addi %scan3A_491, %scan3A_492 : i32
      %scan3A_494 = arith.constant 1 : i32
      %scan3A_495:14 = scf.for %scan3A_1300 = %scan3A_491 to %scan3A_493 step %scan3A_494 iter_args(%scan3A_1301 = %broadcast_in_dim3A_5, %scan3A_1302 = %broadcast_in_dim3A_5, %scan3A_1303 = %broadcast_in_dim3A_5, %scan3A_1304 = %broadcast_in_dim3A_5, %scan3A_1305 = %broadcast_in_dim3A_5, %scan3A_1306 = %broadcast_in_dim3A_5, %scan3A_1307 = %broadcast_in_dim3A_5, %scan3A_1308 = %broadcast_in_dim3A_5, %scan3A_1309 = %broadcast_in_dim3A_5, %scan3A_1310 = %broadcast_in_dim3A_5, %scan3A_1311 = %broadcast_in_dim3A_5, %scan3A_1312 = %broadcast_in_dim3A_5, %scan3A_1313 = %broadcast_in_dim3A_5, %scan3A_1314 = %broadcast_in_dim3A_5) -> (vector<16xf32>, vector<16xf32>, vector<16xf32>, vector<16xf32>, vector<16xf32>, vector<16xf32>, vector<16xf32>, vector<16xf32>, vector<16xf32>, vector<16xf32>, vector<16xf32>, vector<16xf32>, vector<16xf32>, vector<16xf32>)  : i32 {
        %add3A_1315 = arith.constant 26 : i32
        %add3A_1316 = arith.addi %add3A_1315, %scan3A_1300 : i32
        %add3A_1317 = arith.constant 80 : i32
        %add3A_1318 = arith.addi %add3A_1317, %add3A_1316 : i32
        %get3A_1319 = arith.index_cast %add3A_1318 : i32 to index
        %get3A_1320 = arith.constant 0 : index
        %get3A_1321 = tpu.vector_load %arg8[%get3A_1319, %get3A_1320] {strides = array<i32>} : memref<160x128xf32, #tpu.memory_space<vmem>>, vector<16xf32>,
        %bitcast3A_1322 = vector.bitcast %get3A_1321 : vector<16xf32> to vector<16xi32>
        %add3A_1323 = arith.constant 80 : i32
        %add3A_1324 = arith.addi %add3A_1323, %add3A_1316 : i32
        %get3A_1325 = arith.index_cast %add3A_1324 : i32 to index
        %get3A_1326 = arith.constant 16 : index
        %get3A_1327 = tpu.vector_load %arg8[%get3A_1325, %get3A_1326] {strides = array<i32>} : memref<160x128xf32, #tpu.memory_space<vmem>>, vector<16xf32>,
        %bitcast3A_1328 = vector.bitcast %get3A_1327 : vector<16xf32> to vector<16xi32>
        %add3A_1329 = arith.constant 80 : i32
        %add3A_1330 = arith.addi %add3A_1329, %add3A_1316 : i32
        %get3A_1331 = arith.index_cast %add3A_1330 : i32 to index
        %get3A_1332 = arith.constant 32 : index
        %get3A_1333 = tpu.vector_load %arg8[%get3A_1331, %get3A_1332] {strides = array<i32>} : memref<160x128xf32, #tpu.memory_space<vmem>>, vector<16xf32>,
        %bitcast3A_1334 = vector.bitcast %get3A_1333 : vector<16xf32> to vector<16xi32>
        %add3A_1335 = arith.constant 80 : i32
        %add3A_1336 = arith.addi %add3A_1335, %add3A_1316 : i32
        %get3A_1337 = arith.index_cast %add3A_1336 : i32 to index
        %get3A_1338 = arith.constant 48 : index
        %get3A_1339 = tpu.vector_load %arg8[%get3A_1337, %get3A_1338] {strides = array<i32>} : memref<160x128xf32, #tpu.memory_space<vmem>>, vector<16xf32>,
        %bitcast3A_1340 = vector.bitcast %get3A_1339 : vector<16xf32> to vector<16xi32>
        %add3A_1341 = arith.constant 80 : i32
        %add3A_1342 = arith.addi %add3A_1341, %add3A_1316 : i32
        %get3A_1343 = arith.index_cast %add3A_1342 : i32 to index
        %get3A_1344 = arith.constant 64 : index
        %get3A_1345 = tpu.vector_load %arg8[%get3A_1343, %get3A_1344] {strides = array<i32>} : memref<160x128xf32, #tpu.memory_space<vmem>>, vector<16xf32>,
        %bitcast3A_1346 = vector.bitcast %get3A_1345 : vector<16xf32> to vector<16xi32>
        %add3A_1347 = arith.constant 80 : i32
        %add3A_1348 = arith.addi %add3A_1347, %add3A_1316 : i32
        %get3A_1349 = arith.index_cast %add3A_1348 : i32 to index
        %get3A_1350 = arith.constant 80 : index
        %get3A_1351 = tpu.vector_load %arg8[%get3A_1349, %get3A_1350] {strides = array<i32>} : memref<160x128xf32, #tpu.memory_space<vmem>>, vector<16xf32>,
        %bitcast3A_1352 = vector.bitcast %get3A_1351 : vector<16xf32> to vector<16xi32>
        %add3A_1353 = arith.constant 80 : i32
        %add3A_1354 = arith.addi %add3A_1353, %add3A_1316 : i32
        %get3A_1355 = arith.index_cast %add3A_1354 : i32 to index
        %get3A_1356 = arith.constant 96 : index
        %get3A_1357 = tpu.vector_load %arg8[%get3A_1355, %get3A_1356] {strides = array<i32>} : memref<160x128xf32, #tpu.memory_space<vmem>>, vector<16xf32>,
        %bitcast3A_1358 = vector.bitcast %get3A_1357 : vector<16xf32> to vector<16xi32>
        %shift_left3A_1359 = arith.constant 16 : i32
        %shift_left3A_1360 = vector.broadcast %shift_left3A_1359 : i32 to vector<16xi32>
        %shift_left3A_1361 = arith.shli %bitcast3A_1322, %shift_left3A_1360 : vector<16xi32>
        %bitcast_convert_type3A_1362 = tpu.bitcast %shift_left3A_1361 : vector<16xi32> -> vector<16xf32>
        %and3A_1363 = arith.constant -65536 : i32
        %and3A_1364 = vector.broadcast %and3A_1363 : i32 to vector<16xi32>
        %and3A_1365 = arith.andi %bitcast3A_1322, %and3A_1364 : vector<16xi32>
        %bitcast_convert_type3A_1366 = tpu.bitcast %and3A_1365 : vector<16xi32> -> vector<16xf32>
        %add3A_1367 = arith.addf %scan3A_1301, %bitcast_convert_type3A_1362 : vector<16xf32>
        %add3A_1368 = arith.addf %scan3A_1302, %bitcast_convert_type3A_1366 : vector<16xf32>
        %shift_left3A_1369 = arith.constant 16 : i32
        %shift_left3A_1370 = vector.broadcast %shift_left3A_1369 : i32 to vector<16xi32>
        %shift_left3A_1371 = arith.shli %bitcast3A_1328, %shift_left3A_1370 : vector<16xi32>
        %bitcast_convert_type3A_1372 = tpu.bitcast %shift_left3A_1371 : vector<16xi32> -> vector<16xf32>
        %and3A_1373 = arith.constant -65536 : i32
        %and3A_1374 = vector.broadcast %and3A_1373 : i32 to vector<16xi32>
        %and3A_1375 = arith.andi %bitcast3A_1328, %and3A_1374 : vector<16xi32>
        %bitcast_convert_type3A_1376 = tpu.bitcast %and3A_1375 : vector<16xi32> -> vector<16xf32>
        %add3A_1377 = arith.addf %scan3A_1303, %bitcast_convert_type3A_1372 : vector<16xf32>
        %add3A_1378 = arith.addf %scan3A_1304, %bitcast_convert_type3A_1376 : vector<16xf32>
        %shift_left3A_1379 = arith.constant 16 : i32
        %shift_left3A_1380 = vector.broadcast %shift_left3A_1379 : i32 to vector<16xi32>
        %shift_left3A_1381 = arith.shli %bitcast3A_1334, %shift_left3A_1380 : vector<16xi32>
        %bitcast_convert_type3A_1382 = tpu.bitcast %shift_left3A_1381 : vector<16xi32> -> vector<16xf32>
        %and3A_1383 = arith.constant -65536 : i32
        %and3A_1384 = vector.broadcast %and3A_1383 : i32 to vector<16xi32>
        %and3A_1385 = arith.andi %bitcast3A_1334, %and3A_1384 : vector<16xi32>
        %bitcast_convert_type3A_1386 = tpu.bitcast %and3A_1385 : vector<16xi32> -> vector<16xf32>
        %add3A_1387 = arith.addf %scan3A_1305, %bitcast_convert_type3A_1382 : vector<16xf32>
        %add3A_1388 = arith.addf %scan3A_1306, %bitcast_convert_type3A_1386 : vector<16xf32>
        %shift_left3A_1389 = arith.constant 16 : i32
        %shift_left3A_1390 = vector.broadcast %shift_left3A_1389 : i32 to vector<16xi32>
        %shift_left3A_1391 = arith.shli %bitcast3A_1340, %shift_left3A_1390 : vector<16xi32>
        %bitcast_convert_type3A_1392 = tpu.bitcast %shift_left3A_1391 : vector<16xi32> -> vector<16xf32>
        %and3A_1393 = arith.constant -65536 : i32
        %and3A_1394 = vector.broadcast %and3A_1393 : i32 to vector<16xi32>
        %and3A_1395 = arith.andi %bitcast3A_1340, %and3A_1394 : vector<16xi32>
        %bitcast_convert_type3A_1396 = tpu.bitcast %and3A_1395 : vector<16xi32> -> vector<16xf32>
        %add3A_1397 = arith.addf %scan3A_1307, %bitcast_convert_type3A_1392 : vector<16xf32>
        %add3A_1398 = arith.addf %scan3A_1308, %bitcast_convert_type3A_1396 : vector<16xf32>
        %shift_left3A_1399 = arith.constant 16 : i32
        %shift_left3A_1400 = vector.broadcast %shift_left3A_1399 : i32 to vector<16xi32>
        %shift_left3A_1401 = arith.shli %bitcast3A_1346, %shift_left3A_1400 : vector<16xi32>
        %bitcast_convert_type3A_1402 = tpu.bitcast %shift_left3A_1401 : vector<16xi32> -> vector<16xf32>
        %and3A_1403 = arith.constant -65536 : i32
        %and3A_1404 = vector.broadcast %and3A_1403 : i32 to vector<16xi32>
        %and3A_1405 = arith.andi %bitcast3A_1346, %and3A_1404 : vector<16xi32>
        %bitcast_convert_type3A_1406 = tpu.bitcast %and3A_1405 : vector<16xi32> -> vector<16xf32>
        %add3A_1407 = arith.addf %scan3A_1309, %bitcast_convert_type3A_1402 : vector<16xf32>
        %add3A_1408 = arith.addf %scan3A_1310, %bitcast_convert_type3A_1406 : vector<16xf32>
        %shift_left3A_1409 = arith.constant 16 : i32
        %shift_left3A_1410 = vector.broadcast %shift_left3A_1409 : i32 to vector<16xi32>
        %shift_left3A_1411 = arith.shli %bitcast3A_1352, %shift_left3A_1410 : vector<16xi32>
        %bitcast_convert_type3A_1412 = tpu.bitcast %shift_left3A_1411 : vector<16xi32> -> vector<16xf32>
        %and3A_1413 = arith.constant -65536 : i32
        %and3A_1414 = vector.broadcast %and3A_1413 : i32 to vector<16xi32>
        %and3A_1415 = arith.andi %bitcast3A_1352, %and3A_1414 : vector<16xi32>
        %bitcast_convert_type3A_1416 = tpu.bitcast %and3A_1415 : vector<16xi32> -> vector<16xf32>
        %add3A_1417 = arith.addf %scan3A_1311, %bitcast_convert_type3A_1412 : vector<16xf32>
        %add3A_1418 = arith.addf %scan3A_1312, %bitcast_convert_type3A_1416 : vector<16xf32>
        %shift_left3A_1419 = arith.constant 16 : i32
        %shift_left3A_1420 = vector.broadcast %shift_left3A_1419 : i32 to vector<16xi32>
        %shift_left3A_1421 = arith.shli %bitcast3A_1358, %shift_left3A_1420 : vector<16xi32>
        %bitcast_convert_type3A_1422 = tpu.bitcast %shift_left3A_1421 : vector<16xi32> -> vector<16xf32>
        %and3A_1423 = arith.constant -65536 : i32
        %and3A_1424 = vector.broadcast %and3A_1423 : i32 to vector<16xi32>
        %and3A_1425 = arith.andi %bitcast3A_1358, %and3A_1424 : vector<16xi32>
        %bitcast_convert_type3A_1426 = tpu.bitcast %and3A_1425 : vector<16xi32> -> vector<16xf32>
        %add3A_1427 = arith.addf %scan3A_1313, %bitcast_convert_type3A_1422 : vector<16xf32>
        %add3A_1428 = arith.addf %scan3A_1314, %bitcast_convert_type3A_1426 : vector<16xf32>
        scf.yield %add3A_1367, %add3A_1368, %add3A_1377, %add3A_1378, %add3A_1387, %add3A_1388, %add3A_1397, %add3A_1398, %add3A_1407, %add3A_1408, %add3A_1417, %add3A_1418, %add3A_1427, %add3A_1428 : vector<16xf32>, vector<16xf32>, vector<16xf32>, vector<16xf32>, vector<16xf32>, vector<16xf32>, vector<16xf32>, vector<16xf32>, vector<16xf32>, vector<16xf32>, vector<16xf32>, vector<16xf32>, vector<16xf32>, vector<16xf32>
      }
      %scan3A_496 = arith.constant 25 : i32
      %scan3A_497 = arith.constant 0 : i32
      %scan3A_498 = arith.constant 25 : i32
      %scan3A_499 = arith.addi %scan3A_497, %scan3A_498 : i32
      %scan3A_500 = arith.constant 1 : i32
      %scan3A_501:14 = scf.for %scan3A_1300 = %scan3A_497 to %scan3A_499 step %scan3A_500 iter_args(%scan3A_1301 = %broadcast_in_dim3A_5, %scan3A_1302 = %broadcast_in_dim3A_5, %scan3A_1303 = %broadcast_in_dim3A_5, %scan3A_1304 = %broadcast_in_dim3A_5, %scan3A_1305 = %broadcast_in_dim3A_5, %scan3A_1306 = %broadcast_in_dim3A_5, %scan3A_1307 = %broadcast_in_dim3A_5, %scan3A_1308 = %broadcast_in_dim3A_5, %scan3A_1309 = %broadcast_in_dim3A_5, %scan3A_1310 = %broadcast_in_dim3A_5, %scan3A_1311 = %broadcast_in_dim3A_5, %scan3A_1312 = %broadcast_in_dim3A_5, %scan3A_1313 = %broadcast_in_dim3A_5, %scan3A_1314 = %broadcast_in_dim3A_5) -> (vector<16xf32>, vector<16xf32>, vector<16xf32>, vector<16xf32>, vector<16xf32>, vector<16xf32>, vector<16xf32>, vector<16xf32>, vector<16xf32>, vector<16xf32>, vector<16xf32>, vector<16xf32>, vector<16xf32>, vector<16xf32>)  : i32 {
        %add3A_1315 = arith.constant 51 : i32
        %add3A_1316 = arith.addi %add3A_1315, %scan3A_1300 : i32
        %add3A_1317 = arith.constant 80 : i32
        %add3A_1318 = arith.addi %add3A_1317, %add3A_1316 : i32
        %get3A_1319 = arith.index_cast %add3A_1318 : i32 to index
        %get3A_1320 = arith.constant 0 : index
        %get3A_1321 = tpu.vector_load %arg8[%get3A_1319, %get3A_1320] {strides = array<i32>} : memref<160x128xf32, #tpu.memory_space<vmem>>, vector<16xf32>,
        %bitcast3A_1322 = vector.bitcast %get3A_1321 : vector<16xf32> to vector<16xi32>
        %add3A_1323 = arith.constant 80 : i32
        %add3A_1324 = arith.addi %add3A_1323, %add3A_1316 : i32
        %get3A_1325 = arith.index_cast %add3A_1324 : i32 to index
        %get3A_1326 = arith.constant 16 : index
        %get3A_1327 = tpu.vector_load %arg8[%get3A_1325, %get3A_1326] {strides = array<i32>} : memref<160x128xf32, #tpu.memory_space<vmem>>, vector<16xf32>,
        %bitcast3A_1328 = vector.bitcast %get3A_1327 : vector<16xf32> to vector<16xi32>
        %add3A_1329 = arith.constant 80 : i32
        %add3A_1330 = arith.addi %add3A_1329, %add3A_1316 : i32
        %get3A_1331 = arith.index_cast %add3A_1330 : i32 to index
        %get3A_1332 = arith.constant 32 : index
        %get3A_1333 = tpu.vector_load %arg8[%get3A_1331, %get3A_1332] {strides = array<i32>} : memref<160x128xf32, #tpu.memory_space<vmem>>, vector<16xf32>,
        %bitcast3A_1334 = vector.bitcast %get3A_1333 : vector<16xf32> to vector<16xi32>
        %add3A_1335 = arith.constant 80 : i32
        %add3A_1336 = arith.addi %add3A_1335, %add3A_1316 : i32
        %get3A_1337 = arith.index_cast %add3A_1336 : i32 to index
        %get3A_1338 = arith.constant 48 : index
        %get3A_1339 = tpu.vector_load %arg8[%get3A_1337, %get3A_1338] {strides = array<i32>} : memref<160x128xf32, #tpu.memory_space<vmem>>, vector<16xf32>,
        %bitcast3A_1340 = vector.bitcast %get3A_1339 : vector<16xf32> to vector<16xi32>
        %add3A_1341 = arith.constant 80 : i32
        %add3A_1342 = arith.addi %add3A_1341, %add3A_1316 : i32
        %get3A_1343 = arith.index_cast %add3A_1342 : i32 to index
        %get3A_1344 = arith.constant 64 : index
        %get3A_1345 = tpu.vector_load %arg8[%get3A_1343, %get3A_1344] {strides = array<i32>} : memref<160x128xf32, #tpu.memory_space<vmem>>, vector<16xf32>,
        %bitcast3A_1346 = vector.bitcast %get3A_1345 : vector<16xf32> to vector<16xi32>
        %add3A_1347 = arith.constant 80 : i32
        %add3A_1348 = arith.addi %add3A_1347, %add3A_1316 : i32
        %get3A_1349 = arith.index_cast %add3A_1348 : i32 to index
        %get3A_1350 = arith.constant 80 : index
        %get3A_1351 = tpu.vector_load %arg8[%get3A_1349, %get3A_1350] {strides = array<i32>} : memref<160x128xf32, #tpu.memory_space<vmem>>, vector<16xf32>,
        %bitcast3A_1352 = vector.bitcast %get3A_1351 : vector<16xf32> to vector<16xi32>
        %add3A_1353 = arith.constant 80 : i32
        %add3A_1354 = arith.addi %add3A_1353, %add3A_1316 : i32
        %get3A_1355 = arith.index_cast %add3A_1354 : i32 to index
        %get3A_1356 = arith.constant 96 : index
        %get3A_1357 = tpu.vector_load %arg8[%get3A_1355, %get3A_1356] {strides = array<i32>} : memref<160x128xf32, #tpu.memory_space<vmem>>, vector<16xf32>,
        %bitcast3A_1358 = vector.bitcast %get3A_1357 : vector<16xf32> to vector<16xi32>
        %shift_left3A_1359 = arith.constant 16 : i32
        %shift_left3A_1360 = vector.broadcast %shift_left3A_1359 : i32 to vector<16xi32>
        %shift_left3A_1361 = arith.shli %bitcast3A_1322, %shift_left3A_1360 : vector<16xi32>
        %bitcast_convert_type3A_1362 = tpu.bitcast %shift_left3A_1361 : vector<16xi32> -> vector<16xf32>
        %and3A_1363 = arith.constant -65536 : i32
        %and3A_1364 = vector.broadcast %and3A_1363 : i32 to vector<16xi32>
        %and3A_1365 = arith.andi %bitcast3A_1322, %and3A_1364 : vector<16xi32>
        %bitcast_convert_type3A_1366 = tpu.bitcast %and3A_1365 : vector<16xi32> -> vector<16xf32>
        %add3A_1367 = arith.addf %scan3A_1301, %bitcast_convert_type3A_1362 : vector<16xf32>
        %add3A_1368 = arith.addf %scan3A_1302, %bitcast_convert_type3A_1366 : vector<16xf32>
        %shift_left3A_1369 = arith.constant 16 : i32
        %shift_left3A_1370 = vector.broadcast %shift_left3A_1369 : i32 to vector<16xi32>
        %shift_left3A_1371 = arith.shli %bitcast3A_1328, %shift_left3A_1370 : vector<16xi32>
        %bitcast_convert_type3A_1372 = tpu.bitcast %shift_left3A_1371 : vector<16xi32> -> vector<16xf32>
        %and3A_1373 = arith.constant -65536 : i32
        %and3A_1374 = vector.broadcast %and3A_1373 : i32 to vector<16xi32>
        %and3A_1375 = arith.andi %bitcast3A_1328, %and3A_1374 : vector<16xi32>
        %bitcast_convert_type3A_1376 = tpu.bitcast %and3A_1375 : vector<16xi32> -> vector<16xf32>
        %add3A_1377 = arith.addf %scan3A_1303, %bitcast_convert_type3A_1372 : vector<16xf32>
        %add3A_1378 = arith.addf %scan3A_1304, %bitcast_convert_type3A_1376 : vector<16xf32>
        %shift_left3A_1379 = arith.constant 16 : i32
        %shift_left3A_1380 = vector.broadcast %shift_left3A_1379 : i32 to vector<16xi32>
        %shift_left3A_1381 = arith.shli %bitcast3A_1334, %shift_left3A_1380 : vector<16xi32>
        %bitcast_convert_type3A_1382 = tpu.bitcast %shift_left3A_1381 : vector<16xi32> -> vector<16xf32>
        %and3A_1383 = arith.constant -65536 : i32
        %and3A_1384 = vector.broadcast %and3A_1383 : i32 to vector<16xi32>
        %and3A_1385 = arith.andi %bitcast3A_1334, %and3A_1384 : vector<16xi32>
        %bitcast_convert_type3A_1386 = tpu.bitcast %and3A_1385 : vector<16xi32> -> vector<16xf32>
        %add3A_1387 = arith.addf %scan3A_1305, %bitcast_convert_type3A_1382 : vector<16xf32>
        %add3A_1388 = arith.addf %scan3A_1306, %bitcast_convert_type3A_1386 : vector<16xf32>
        %shift_left3A_1389 = arith.constant 16 : i32
        %shift_left3A_1390 = vector.broadcast %shift_left3A_1389 : i32 to vector<16xi32>
        %shift_left3A_1391 = arith.shli %bitcast3A_1340, %shift_left3A_1390 : vector<16xi32>
        %bitcast_convert_type3A_1392 = tpu.bitcast %shift_left3A_1391 : vector<16xi32> -> vector<16xf32>
        %and3A_1393 = arith.constant -65536 : i32
        %and3A_1394 = vector.broadcast %and3A_1393 : i32 to vector<16xi32>
        %and3A_1395 = arith.andi %bitcast3A_1340, %and3A_1394 : vector<16xi32>
        %bitcast_convert_type3A_1396 = tpu.bitcast %and3A_1395 : vector<16xi32> -> vector<16xf32>
        %add3A_1397 = arith.addf %scan3A_1307, %bitcast_convert_type3A_1392 : vector<16xf32>
        %add3A_1398 = arith.addf %scan3A_1308, %bitcast_convert_type3A_1396 : vector<16xf32>
        %shift_left3A_1399 = arith.constant 16 : i32
        %shift_left3A_1400 = vector.broadcast %shift_left3A_1399 : i32 to vector<16xi32>
        %shift_left3A_1401 = arith.shli %bitcast3A_1346, %shift_left3A_1400 : vector<16xi32>
        %bitcast_convert_type3A_1402 = tpu.bitcast %shift_left3A_1401 : vector<16xi32> -> vector<16xf32>
        %and3A_1403 = arith.constant -65536 : i32
        %and3A_1404 = vector.broadcast %and3A_1403 : i32 to vector<16xi32>
        %and3A_1405 = arith.andi %bitcast3A_1346, %and3A_1404 : vector<16xi32>
        %bitcast_convert_type3A_1406 = tpu.bitcast %and3A_1405 : vector<16xi32> -> vector<16xf32>
        %add3A_1407 = arith.addf %scan3A_1309, %bitcast_convert_type3A_1402 : vector<16xf32>
        %add3A_1408 = arith.addf %scan3A_1310, %bitcast_convert_type3A_1406 : vector<16xf32>
        %shift_left3A_1409 = arith.constant 16 : i32
        %shift_left3A_1410 = vector.broadcast %shift_left3A_1409 : i32 to vector<16xi32>
        %shift_left3A_1411 = arith.shli %bitcast3A_1352, %shift_left3A_1410 : vector<16xi32>
        %bitcast_convert_type3A_1412 = tpu.bitcast %shift_left3A_1411 : vector<16xi32> -> vector<16xf32>
        %and3A_1413 = arith.constant -65536 : i32
        %and3A_1414 = vector.broadcast %and3A_1413 : i32 to vector<16xi32>
        %and3A_1415 = arith.andi %bitcast3A_1352, %and3A_1414 : vector<16xi32>
        %bitcast_convert_type3A_1416 = tpu.bitcast %and3A_1415 : vector<16xi32> -> vector<16xf32>
        %add3A_1417 = arith.addf %scan3A_1311, %bitcast_convert_type3A_1412 : vector<16xf32>
        %add3A_1418 = arith.addf %scan3A_1312, %bitcast_convert_type3A_1416 : vector<16xf32>
        %shift_left3A_1419 = arith.constant 16 : i32
        %shift_left3A_1420 = vector.broadcast %shift_left3A_1419 : i32 to vector<16xi32>
        %shift_left3A_1421 = arith.shli %bitcast3A_1358, %shift_left3A_1420 : vector<16xi32>
        %bitcast_convert_type3A_1422 = tpu.bitcast %shift_left3A_1421 : vector<16xi32> -> vector<16xf32>
        %and3A_1423 = arith.constant -65536 : i32
        %and3A_1424 = vector.broadcast %and3A_1423 : i32 to vector<16xi32>
        %and3A_1425 = arith.andi %bitcast3A_1358, %and3A_1424 : vector<16xi32>
        %bitcast_convert_type3A_1426 = tpu.bitcast %and3A_1425 : vector<16xi32> -> vector<16xf32>
        %add3A_1427 = arith.addf %scan3A_1313, %bitcast_convert_type3A_1422 : vector<16xf32>
        %add3A_1428 = arith.addf %scan3A_1314, %bitcast_convert_type3A_1426 : vector<16xf32>
        scf.yield %add3A_1367, %add3A_1368, %add3A_1377, %add3A_1378, %add3A_1387, %add3A_1388, %add3A_1397, %add3A_1398, %add3A_1407, %add3A_1408, %add3A_1417, %add3A_1418, %add3A_1427, %add3A_1428 : vector<16xf32>, vector<16xf32>, vector<16xf32>, vector<16xf32>, vector<16xf32>, vector<16xf32>, vector<16xf32>, vector<16xf32>, vector<16xf32>, vector<16xf32>, vector<16xf32>, vector<16xf32>, vector<16xf32>, vector<16xf32>
      }
      %scan3A_502 = arith.constant 25 : i32
      %mul3A_503 = vector.broadcast %reduce_sum3A_20 : f32 to vector<16xf32>
      %mul3A_504 = arith.mulf %mul3A_503, %add3A_423 : vector<16xf32>
      %mul3A_505 = vector.broadcast %mul3A_30 : f32 to vector<16xf32>
      %mul3A_506 = arith.mulf %mul3A_505, %scan3A_489#0 : vector<16xf32>
      %add3A_507 = arith.addf %mul3A_504, %mul3A_506 : vector<16xf32>
      %mul3A_508 = vector.broadcast %mul3A_40 : f32 to vector<16xf32>
      %mul3A_509 = arith.mulf %mul3A_508, %scan3A_495#0 : vector<16xf32>
      %add3A_510 = arith.addf %add3A_507, %mul3A_509 : vector<16xf32>
      %mul3A_511 = vector.broadcast %mul3A_50 : f32 to vector<16xf32>
      %mul3A_512 = arith.mulf %mul3A_511, %scan3A_501#0 : vector<16xf32>
      %add3A_513 = arith.addf %add3A_510, %mul3A_512 : vector<16xf32>
      %mul3A_514 = vector.broadcast %reduce_sum3A_20 : f32 to vector<16xf32>
      %mul3A_515 = arith.mulf %mul3A_514, %add3A_424 : vector<16xf32>
      %mul3A_516 = vector.broadcast %mul3A_30 : f32 to vector<16xf32>
      %mul3A_517 = arith.mulf %mul3A_516, %scan3A_489#1 : vector<16xf32>
      %add3A_518 = arith.addf %mul3A_515, %mul3A_517 : vector<16xf32>
      %mul3A_519 = vector.broadcast %mul3A_40 : f32 to vector<16xf32>
      %mul3A_520 = arith.mulf %mul3A_519, %scan3A_495#1 : vector<16xf32>
      %add3A_521 = arith.addf %add3A_518, %mul3A_520 : vector<16xf32>
      %mul3A_522 = vector.broadcast %mul3A_50 : f32 to vector<16xf32>
      %mul3A_523 = arith.mulf %mul3A_522, %scan3A_501#1 : vector<16xf32>
      %add3A_524 = arith.addf %add3A_521, %mul3A_523 : vector<16xf32>
      %mul3A_525 = vector.broadcast %reduce_sum3A_20 : f32 to vector<16xf32>
      %mul3A_526 = arith.mulf %mul3A_525, %add3A_433 : vector<16xf32>
      %mul3A_527 = vector.broadcast %mul3A_30 : f32 to vector<16xf32>
      %mul3A_528 = arith.mulf %mul3A_527, %scan3A_489#2 : vector<16xf32>
      %add3A_529 = arith.addf %mul3A_526, %mul3A_528 : vector<16xf32>
      %mul3A_530 = vector.broadcast %mul3A_40 : f32 to vector<16xf32>
      %mul3A_531 = arith.mulf %mul3A_530, %scan3A_495#2 : vector<16xf32>
      %add3A_532 = arith.addf %add3A_529, %mul3A_531 : vector<16xf32>
      %mul3A_533 = vector.broadcast %mul3A_50 : f32 to vector<16xf32>
      %mul3A_534 = arith.mulf %mul3A_533, %scan3A_501#2 : vector<16xf32>
      %add3A_535 = arith.addf %add3A_532, %mul3A_534 : vector<16xf32>
      %mul3A_536 = vector.broadcast %reduce_sum3A_20 : f32 to vector<16xf32>
      %mul3A_537 = arith.mulf %mul3A_536, %add3A_434 : vector<16xf32>
      %mul3A_538 = vector.broadcast %mul3A_30 : f32 to vector<16xf32>
      %mul3A_539 = arith.mulf %mul3A_538, %scan3A_489#3 : vector<16xf32>
      %add3A_540 = arith.addf %mul3A_537, %mul3A_539 : vector<16xf32>
      %mul3A_541 = vector.broadcast %mul3A_40 : f32 to vector<16xf32>
      %mul3A_542 = arith.mulf %mul3A_541, %scan3A_495#3 : vector<16xf32>
      %add3A_543 = arith.addf %add3A_540, %mul3A_542 : vector<16xf32>
      %mul3A_544 = vector.broadcast %mul3A_50 : f32 to vector<16xf32>
      %mul3A_545 = arith.mulf %mul3A_544, %scan3A_501#3 : vector<16xf32>
      %add3A_546 = arith.addf %add3A_543, %mul3A_545 : vector<16xf32>
      %mul3A_547 = vector.broadcast %reduce_sum3A_20 : f32 to vector<16xf32>
      %mul3A_548 = arith.mulf %mul3A_547, %add3A_443 : vector<16xf32>
      %mul3A_549 = vector.broadcast %mul3A_30 : f32 to vector<16xf32>
      %mul3A_550 = arith.mulf %mul3A_549, %scan3A_489#4 : vector<16xf32>
      %add3A_551 = arith.addf %mul3A_548, %mul3A_550 : vector<16xf32>
      %mul3A_552 = vector.broadcast %mul3A_40 : f32 to vector<16xf32>
      %mul3A_553 = arith.mulf %mul3A_552, %scan3A_495#4 : vector<16xf32>
      %add3A_554 = arith.addf %add3A_551, %mul3A_553 : vector<16xf32>
      %mul3A_555 = vector.broadcast %mul3A_50 : f32 to vector<16xf32>
      %mul3A_556 = arith.mulf %mul3A_555, %scan3A_501#4 : vector<16xf32>
      %add3A_557 = arith.addf %add3A_554, %mul3A_556 : vector<16xf32>
      %mul3A_558 = vector.broadcast %reduce_sum3A_20 : f32 to vector<16xf32>
      %mul3A_559 = arith.mulf %mul3A_558, %add3A_444 : vector<16xf32>
      %mul3A_560 = vector.broadcast %mul3A_30 : f32 to vector<16xf32>
      %mul3A_561 = arith.mulf %mul3A_560, %scan3A_489#5 : vector<16xf32>
      %add3A_562 = arith.addf %mul3A_559, %mul3A_561 : vector<16xf32>
      %mul3A_563 = vector.broadcast %mul3A_40 : f32 to vector<16xf32>
      %mul3A_564 = arith.mulf %mul3A_563, %scan3A_495#5 : vector<16xf32>
      %add3A_565 = arith.addf %add3A_562, %mul3A_564 : vector<16xf32>
      %mul3A_566 = vector.broadcast %mul3A_50 : f32 to vector<16xf32>
      %mul3A_567 = arith.mulf %mul3A_566, %scan3A_501#5 : vector<16xf32>
      %add3A_568 = arith.addf %add3A_565, %mul3A_567 : vector<16xf32>
      %mul3A_569 = vector.broadcast %reduce_sum3A_20 : f32 to vector<16xf32>
      %mul3A_570 = arith.mulf %mul3A_569, %add3A_453 : vector<16xf32>
      %mul3A_571 = vector.broadcast %mul3A_30 : f32 to vector<16xf32>
      %mul3A_572 = arith.mulf %mul3A_571, %scan3A_489#6 : vector<16xf32>
      %add3A_573 = arith.addf %mul3A_570, %mul3A_572 : vector<16xf32>
      %mul3A_574 = vector.broadcast %mul3A_40 : f32 to vector<16xf32>
      %mul3A_575 = arith.mulf %mul3A_574, %scan3A_495#6 : vector<16xf32>
      %add3A_576 = arith.addf %add3A_573, %mul3A_575 : vector<16xf32>
      %mul3A_577 = vector.broadcast %mul3A_50 : f32 to vector<16xf32>
      %mul3A_578 = arith.mulf %mul3A_577, %scan3A_501#6 : vector<16xf32>
      %add3A_579 = arith.addf %add3A_576, %mul3A_578 : vector<16xf32>
      %mul3A_580 = vector.broadcast %reduce_sum3A_20 : f32 to vector<16xf32>
      %mul3A_581 = arith.mulf %mul3A_580, %add3A_454 : vector<16xf32>
      %mul3A_582 = vector.broadcast %mul3A_30 : f32 to vector<16xf32>
      %mul3A_583 = arith.mulf %mul3A_582, %scan3A_489#7 : vector<16xf32>
      %add3A_584 = arith.addf %mul3A_581, %mul3A_583 : vector<16xf32>
      %mul3A_585 = vector.broadcast %mul3A_40 : f32 to vector<16xf32>
      %mul3A_586 = arith.mulf %mul3A_585, %scan3A_495#7 : vector<16xf32>
      %add3A_587 = arith.addf %add3A_584, %mul3A_586 : vector<16xf32>
      %mul3A_588 = vector.broadcast %mul3A_50 : f32 to vector<16xf32>
      %mul3A_589 = arith.mulf %mul3A_588, %scan3A_501#7 : vector<16xf32>
      %add3A_590 = arith.addf %add3A_587, %mul3A_589 : vector<16xf32>
      %mul3A_591 = vector.broadcast %reduce_sum3A_20 : f32 to vector<16xf32>
      %mul3A_592 = arith.mulf %mul3A_591, %add3A_463 : vector<16xf32>
      %mul3A_593 = vector.broadcast %mul3A_30 : f32 to vector<16xf32>
      %mul3A_594 = arith.mulf %mul3A_593, %scan3A_489#8 : vector<16xf32>
      %add3A_595 = arith.addf %mul3A_592, %mul3A_594 : vector<16xf32>
      %mul3A_596 = vector.broadcast %mul3A_40 : f32 to vector<16xf32>
      %mul3A_597 = arith.mulf %mul3A_596, %scan3A_495#8 : vector<16xf32>
      %add3A_598 = arith.addf %add3A_595, %mul3A_597 : vector<16xf32>
      %mul3A_599 = vector.broadcast %mul3A_50 : f32 to vector<16xf32>
      %mul3A_600 = arith.mulf %mul3A_599, %scan3A_501#8 : vector<16xf32>
      %add3A_601 = arith.addf %add3A_598, %mul3A_600 : vector<16xf32>
      %mul3A_602 = vector.broadcast %reduce_sum3A_20 : f32 to vector<16xf32>
      %mul3A_603 = arith.mulf %mul3A_602, %add3A_464 : vector<16xf32>
      %mul3A_604 = vector.broadcast %mul3A_30 : f32 to vector<16xf32>
      %mul3A_605 = arith.mulf %mul3A_604, %scan3A_489#9 : vector<16xf32>
      %add3A_606 = arith.addf %mul3A_603, %mul3A_605 : vector<16xf32>
      %mul3A_607 = vector.broadcast %mul3A_40 : f32 to vector<16xf32>
      %mul3A_608 = arith.mulf %mul3A_607, %scan3A_495#9 : vector<16xf32>
      %add3A_609 = arith.addf %add3A_606, %mul3A_608 : vector<16xf32>
      %mul3A_610 = vector.broadcast %mul3A_50 : f32 to vector<16xf32>
      %mul3A_611 = arith.mulf %mul3A_610, %scan3A_501#9 : vector<16xf32>
      %add3A_612 = arith.addf %add3A_609, %mul3A_611 : vector<16xf32>
      %mul3A_613 = vector.broadcast %reduce_sum3A_20 : f32 to vector<16xf32>
      %mul3A_614 = arith.mulf %mul3A_613, %add3A_473 : vector<16xf32>
      %mul3A_615 = vector.broadcast %mul3A_30 : f32 to vector<16xf32>
      %mul3A_616 = arith.mulf %mul3A_615, %scan3A_489#10 : vector<16xf32>
      %add3A_617 = arith.addf %mul3A_614, %mul3A_616 : vector<16xf32>
      %mul3A_618 = vector.broadcast %mul3A_40 : f32 to vector<16xf32>
      %mul3A_619 = arith.mulf %mul3A_618, %scan3A_495#10 : vector<16xf32>
      %add3A_620 = arith.addf %add3A_617, %mul3A_619 : vector<16xf32>
      %mul3A_621 = vector.broadcast %mul3A_50 : f32 to vector<16xf32>
      %mul3A_622 = arith.mulf %mul3A_621, %scan3A_501#10 : vector<16xf32>
      %add3A_623 = arith.addf %add3A_620, %mul3A_622 : vector<16xf32>
      %mul3A_624 = vector.broadcast %reduce_sum3A_20 : f32 to vector<16xf32>
      %mul3A_625 = arith.mulf %mul3A_624, %add3A_474 : vector<16xf32>
      %mul3A_626 = vector.broadcast %mul3A_30 : f32 to vector<16xf32>
      %mul3A_627 = arith.mulf %mul3A_626, %scan3A_489#11 : vector<16xf32>
      %add3A_628 = arith.addf %mul3A_625, %mul3A_627 : vector<16xf32>
      %mul3A_629 = vector.broadcast %mul3A_40 : f32 to vector<16xf32>
      %mul3A_630 = arith.mulf %mul3A_629, %scan3A_495#11 : vector<16xf32>
      %add3A_631 = arith.addf %add3A_628, %mul3A_630 : vector<16xf32>
      %mul3A_632 = vector.broadcast %mul3A_50 : f32 to vector<16xf32>
      %mul3A_633 = arith.mulf %mul3A_632, %scan3A_501#11 : vector<16xf32>
      %add3A_634 = arith.addf %add3A_631, %mul3A_633 : vector<16xf32>
      %mul3A_635 = vector.broadcast %reduce_sum3A_20 : f32 to vector<16xf32>
      %mul3A_636 = arith.mulf %mul3A_635, %add3A_483 : vector<16xf32>
      %mul3A_637 = vector.broadcast %mul3A_30 : f32 to vector<16xf32>
      %mul3A_638 = arith.mulf %mul3A_637, %scan3A_489#12 : vector<16xf32>
      %add3A_639 = arith.addf %mul3A_636, %mul3A_638 : vector<16xf32>
      %mul3A_640 = vector.broadcast %mul3A_40 : f32 to vector<16xf32>
      %mul3A_641 = arith.mulf %mul3A_640, %scan3A_495#12 : vector<16xf32>
      %add3A_642 = arith.addf %add3A_639, %mul3A_641 : vector<16xf32>
      %mul3A_643 = vector.broadcast %mul3A_50 : f32 to vector<16xf32>
      %mul3A_644 = arith.mulf %mul3A_643, %scan3A_501#12 : vector<16xf32>
      %add3A_645 = arith.addf %add3A_642, %mul3A_644 : vector<16xf32>
      %mul3A_646 = vector.broadcast %reduce_sum3A_20 : f32 to vector<16xf32>
      %mul3A_647 = arith.mulf %mul3A_646, %add3A_484 : vector<16xf32>
      %mul3A_648 = vector.broadcast %mul3A_30 : f32 to vector<16xf32>
      %mul3A_649 = arith.mulf %mul3A_648, %scan3A_489#13 : vector<16xf32>
      %add3A_650 = arith.addf %mul3A_647, %mul3A_649 : vector<16xf32>
      %mul3A_651 = vector.broadcast %mul3A_40 : f32 to vector<16xf32>
      %mul3A_652 = arith.mulf %mul3A_651, %scan3A_495#13 : vector<16xf32>
      %add3A_653 = arith.addf %add3A_650, %mul3A_652 : vector<16xf32>
      %mul3A_654 = vector.broadcast %mul3A_50 : f32 to vector<16xf32>
      %mul3A_655 = arith.mulf %mul3A_654, %scan3A_501#13 : vector<16xf32>
      %add3A_656 = arith.addf %add3A_653, %mul3A_655 : vector<16xf32>
      %mul3A_657 = arith.mulf %add3A_236, %add3A_513 : vector<16xf32>
      %mul3A_658 = arith.mulf %add3A_247, %add3A_524 : vector<16xf32>
      %add3A_659 = arith.addf %mul3A_657, %mul3A_658 : vector<16xf32>
      %mul3A_660 = arith.mulf %add3A_258, %add3A_535 : vector<16xf32>
      %add3A_661 = arith.addf %add3A_659, %mul3A_660 : vector<16xf32>
      %mul3A_662 = arith.mulf %add3A_269, %add3A_546 : vector<16xf32>
      %add3A_663 = arith.addf %add3A_661, %mul3A_662 : vector<16xf32>
      %mul3A_664 = arith.mulf %add3A_280, %add3A_557 : vector<16xf32>
      %add3A_665 = arith.addf %add3A_663, %mul3A_664 : vector<16xf32>
      %mul3A_666 = arith.mulf %add3A_291, %add3A_568 : vector<16xf32>
      %add3A_667 = arith.addf %add3A_665, %mul3A_666 : vector<16xf32>
      %mul3A_668 = arith.mulf %add3A_302, %add3A_579 : vector<16xf32>
      %add3A_669 = arith.addf %add3A_667, %mul3A_668 : vector<16xf32>
      %mul3A_670 = arith.mulf %add3A_313, %add3A_590 : vector<16xf32>
      %add3A_671 = arith.addf %add3A_669, %mul3A_670 : vector<16xf32>
      %mul3A_672 = arith.mulf %add3A_324, %add3A_601 : vector<16xf32>
      %add3A_673 = arith.addf %add3A_671, %mul3A_672 : vector<16xf32>
      %mul3A_674 = arith.mulf %add3A_335, %add3A_612 : vector<16xf32>
      %add3A_675 = arith.addf %add3A_673, %mul3A_674 : vector<16xf32>
      %mul3A_676 = arith.mulf %add3A_346, %add3A_623 : vector<16xf32>
      %add3A_677 = arith.addf %add3A_675, %mul3A_676 : vector<16xf32>
      %mul3A_678 = arith.mulf %add3A_357, %add3A_634 : vector<16xf32>
      %add3A_679 = arith.addf %add3A_677, %mul3A_678 : vector<16xf32>
      %mul3A_680 = arith.mulf %add3A_368, %add3A_645 : vector<16xf32>
      %add3A_681 = arith.addf %add3A_679, %mul3A_680 : vector<16xf32>
      %mul3A_682 = arith.mulf %add3A_379, %add3A_656 : vector<16xf32>
      %add3A_683 = arith.addf %add3A_681, %mul3A_682 : vector<16xf32>
      %reduce_sum3A_684 = arith.constant true
      %reduce_sum3A_685 = vector.broadcast %reduce_sum3A_684 : i1 to vector<16xi1>
      %reduce_sum3A_686 = tpu.scan <sum>, %add3A_683 masked %reduce_sum3A_685 : vector<16xf32>, vector<16xi1> -> vector<16xf32>
      %reduce_sum3A_687 = vector.extract %reduce_sum3A_686[15] : f32 from vector<16xf32>
      %broadcast_in_dim3A_688 = vector.broadcast %mul3A_97 : i32 to vector<16xi32>
      %broadcast_in_dim3A_689 = vector.broadcast %reduce_sum3A_687 : f32 to vector<16xf32>
      %eq3A_690 = arith.constant 0 : i32
      %eq3A_691 = vector.broadcast %eq3A_690 : i32 to vector<16xi32>
      %eq3A_692 = arith.cmpi eq, %iota3A, %eq3A_691 : vector<16xi32>
      tpu.vector_store_idx %arg10[%broadcast_in_dim3A_688], %broadcast_in_dim3A_689 masked %eq3A_692 : memref<128xf32, #tpu.memory_space<vmem>>[vector<16xi32>], vector<16xf32>, vector<16xi1>
      %add3A_693 = arith.constant 2 : i32
      %add3A_694 = arith.addi %mul3A_97, %add3A_693 : i32
      %lt3A = arith.constant 128 : i32
      %lt3A_695 = arith.cmpi slt, %add3A_694, %lt3A : i32
      %convert_element_type3A = arith.extui %lt3A_695 : i1 to i32
      %cond3A = arith.constant 0 : i32
      %cond3A_696 = arith.cmpi ne, %convert_element_type3A, %cond3A : i32
      scf.if %cond3A_696 {
        %add3A_1300 = arith.constant 2 : i32
        %add3A_1301 = arith.addi %mul3A_97, %add3A_1300 : i32
        %mul3A_1302 = arith.constant 2 : i32
        %mul3A_1303 = arith.muli %mul3A_1302, %add3A_1301 : i32
        %dma_start3A_1304 = arith.constant 0 : i32
        %dma_start3A_1305 = arith.constant 0 : i32
        %dma_start3A_1306 = tpu.memref_slice %arg8[%dma_start3A_1304, %dma_start3A_1305] : memref<160x128xf32, #tpu.memory_space<vmem>> -> memref<128x128xf32, #tpu.memory_space<vmem>>
        %dma_start3A_1307 = arith.constant 0 : i32
        %dma_start3A_1308 = tpu.memref_slice %arg7[%mul3A_1303, %dma_start3A_1307] : memref<256x128xi32, #tpu.memory_space<vmem>> -> memref<1x128xi32, #tpu.memory_space<vmem>>
        %dma_start3A_1309 = tpu.memref_squeeze %dma_start3A_1308 : memref<1x128xi32, #tpu.memory_space<vmem>> -> memref<128xi32, #tpu.memory_space<vmem>>
        %dma_start3A_1310 = arith.constant 0 : i32
        %dma_start3A_1311 = arith.constant 0 : i32
        %dma_start3A_1312 = tpu.memref_slice %arg2[%dma_start3A_1310, %dma_start3A_1311] : memref<100000x128xf32, #tpu.memory_space<hbm>> -> memref<100000x128xf32, #tpu.memory_space<hbm>>
        tpu.enqueue_indirect_dma source(%dma_start3A_1312 : memref<100000x128xf32, #tpu.memory_space<hbm>>) target(%dma_start3A_1306 : memref<128x128xf32, #tpu.memory_space<vmem>>) offsets(%dma_start3A_1309 : memref<128xi32, #tpu.memory_space<vmem>>) semaphore(%arg11 : memref<!tpu.dma_semaphore, #tpu.memory_space<semaphore_mem>>)
        %mul3A_1313 = arith.constant 2 : i32
        %mul3A_1314 = arith.muli %mul3A_1313, %add3A_1301 : i32
        %add3A_1315 = arith.constant 1 : i32
        %add3A_1316 = arith.addi %mul3A_1314, %add3A_1315 : i32
        %dma_start3A_1317 = arith.constant 128 : i32
        %dma_start3A_1318 = arith.constant 0 : i32
        %dma_start3A_1319 = tpu.memref_slice %arg8[%dma_start3A_1317, %dma_start3A_1318] : memref<160x128xf32, #tpu.memory_space<vmem>> -> memref<32x128xf32, #tpu.memory_space<vmem>>
        %dma_start3A_1320 = arith.constant 0 : i32
        %dma_start3A_1321 = tpu.memref_slice %arg7[%add3A_1316, %dma_start3A_1320] : memref<256x128xi32, #tpu.memory_space<vmem>> -> memref<1x32xi32, #tpu.memory_space<vmem>>
        %dma_start3A_1322 = tpu.memref_squeeze %dma_start3A_1321 : memref<1x32xi32, #tpu.memory_space<vmem>> -> memref<32xi32, #tpu.memory_space<vmem>>
        %dma_start3A_1323 = arith.constant 0 : i32
        %dma_start3A_1324 = arith.constant 0 : i32
        %dma_start3A_1325 = tpu.memref_slice %arg2[%dma_start3A_1323, %dma_start3A_1324] : memref<100000x128xf32, #tpu.memory_space<hbm>> -> memref<100000x128xf32, #tpu.memory_space<hbm>>
        tpu.enqueue_indirect_dma source(%dma_start3A_1325 : memref<100000x128xf32, #tpu.memory_space<hbm>>) target(%dma_start3A_1319 : memref<32x128xf32, #tpu.memory_space<vmem>>) offsets(%dma_start3A_1322 : memref<32xi32, #tpu.memory_space<vmem>>) semaphore(%arg11 : memref<!tpu.dma_semaphore, #tpu.memory_space<semaphore_mem>>)
      } else {
      }
      %dma_wait3A_697 = arith.constant 0 : i32
      %dma_wait3A_698 = arith.constant 0 : i32
      %dma_wait3A_699 = tpu.memref_slice %arg2[%dma_wait3A_697, %dma_wait3A_698] : memref<100000x128xf32, #tpu.memory_space<hbm>> -> memref<160x128xf32, #tpu.memory_space<hbm>>
      %dma_wait3A_700 = arith.constant 0 : i32
      %dma_wait3A_701 = arith.constant 0 : i32
      %dma_wait3A_702 = tpu.memref_slice %arg2[%dma_wait3A_700, %dma_wait3A_701] : memref<100000x128xf32, #tpu.memory_space<hbm>> -> memref<160x128xf32, #tpu.memory_space<hbm>>
      tpu.wait_dma2 semaphore(%arg12 : memref<!tpu.dma_semaphore, #tpu.memory_space<semaphore_mem>>) src(%dma_wait3A_702 : memref<160x128xf32, #tpu.memory_space<hbm>>) dst(%arg9 : memref<160x128xf32, #tpu.memory_space<vmem>>)
      %get3A_703 = arith.constant 0 : i32
      %get3A_704 = arith.index_cast %get3A_703 : i32 to index
      %get3A_705 = arith.constant 0 : index
      %get3A_706 = tpu.vector_load %arg9[%get3A_704, %get3A_705] {strides = array<i32>} : memref<160x128xf32, #tpu.memory_space<vmem>>, vector<16xf32>,
      %bitcast3A_707 = vector.bitcast %get3A_706 : vector<16xf32> to vector<16xi32>
      %get3A_708 = arith.constant 0 : i32
      %get3A_709 = arith.index_cast %get3A_708 : i32 to index
      %get3A_710 = arith.constant 16 : index
      %get3A_711 = tpu.vector_load %arg9[%get3A_709, %get3A_710] {strides = array<i32>} : memref<160x128xf32, #tpu.memory_space<vmem>>, vector<16xf32>,
      %bitcast3A_712 = vector.bitcast %get3A_711 : vector<16xf32> to vector<16xi32>
      %get3A_713 = arith.constant 0 : i32
      %get3A_714 = arith.index_cast %get3A_713 : i32 to index
      %get3A_715 = arith.constant 32 : index
      %get3A_716 = tpu.vector_load %arg9[%get3A_714, %get3A_715] {strides = array<i32>} : memref<160x128xf32, #tpu.memory_space<vmem>>, vector<16xf32>,
      %bitcast3A_717 = vector.bitcast %get3A_716 : vector<16xf32> to vector<16xi32>
      %get3A_718 = arith.constant 0 : i32
      %get3A_719 = arith.index_cast %get3A_718 : i32 to index
      %get3A_720 = arith.constant 48 : index
      %get3A_721 = tpu.vector_load %arg9[%get3A_719, %get3A_720] {strides = array<i32>} : memref<160x128xf32, #tpu.memory_space<vmem>>, vector<16xf32>,
      %bitcast3A_722 = vector.bitcast %get3A_721 : vector<16xf32> to vector<16xi32>
      %get3A_723 = arith.constant 0 : i32
      %get3A_724 = arith.index_cast %get3A_723 : i32 to index
      %get3A_725 = arith.constant 64 : index
      %get3A_726 = tpu.vector_load %arg9[%get3A_724, %get3A_725] {strides = array<i32>} : memref<160x128xf32, #tpu.memory_space<vmem>>, vector<16xf32>,
      %bitcast3A_727 = vector.bitcast %get3A_726 : vector<16xf32> to vector<16xi32>
      %get3A_728 = arith.constant 0 : i32
      %get3A_729 = arith.index_cast %get3A_728 : i32 to index
      %get3A_730 = arith.constant 80 : index
      %get3A_731 = tpu.vector_load %arg9[%get3A_729, %get3A_730] {strides = array<i32>} : memref<160x128xf32, #tpu.memory_space<vmem>>, vector<16xf32>,
      %bitcast3A_732 = vector.bitcast %get3A_731 : vector<16xf32> to vector<16xi32>
      %get3A_733 = arith.constant 0 : i32
      %get3A_734 = arith.index_cast %get3A_733 : i32 to index
      %get3A_735 = arith.constant 96 : index
      %get3A_736 = tpu.vector_load %arg9[%get3A_734, %get3A_735] {strides = array<i32>} : memref<160x128xf32, #tpu.memory_space<vmem>>, vector<16xf32>,
      %bitcast3A_737 = vector.bitcast %get3A_736 : vector<16xf32> to vector<16xi32>
      %shift_left3A_738 = arith.constant 16 : i32
      %shift_left3A_739 = vector.broadcast %shift_left3A_738 : i32 to vector<16xi32>
      %shift_left3A_740 = arith.shli %bitcast3A_707, %shift_left3A_739 : vector<16xi32>
      %bitcast_convert_type3A_741 = tpu.bitcast %shift_left3A_740 : vector<16xi32> -> vector<16xf32>
      %and3A_742 = arith.constant -65536 : i32
      %and3A_743 = vector.broadcast %and3A_742 : i32 to vector<16xi32>
      %and3A_744 = arith.andi %bitcast3A_707, %and3A_743 : vector<16xi32>
      %bitcast_convert_type3A_745 = tpu.bitcast %and3A_744 : vector<16xi32> -> vector<16xf32>
      %add3A_746 = arith.addf %broadcast_in_dim3A_5, %bitcast_convert_type3A_741 : vector<16xf32>
      %add3A_747 = arith.addf %broadcast_in_dim3A_5, %bitcast_convert_type3A_745 : vector<16xf32>
      %shift_left3A_748 = arith.constant 16 : i32
      %shift_left3A_749 = vector.broadcast %shift_left3A_748 : i32 to vector<16xi32>
      %shift_left3A_750 = arith.shli %bitcast3A_712, %shift_left3A_749 : vector<16xi32>
      %bitcast_convert_type3A_751 = tpu.bitcast %shift_left3A_750 : vector<16xi32> -> vector<16xf32>
      %and3A_752 = arith.constant -65536 : i32
      %and3A_753 = vector.broadcast %and3A_752 : i32 to vector<16xi32>
      %and3A_754 = arith.andi %bitcast3A_712, %and3A_753 : vector<16xi32>
      %bitcast_convert_type3A_755 = tpu.bitcast %and3A_754 : vector<16xi32> -> vector<16xf32>
      %add3A_756 = arith.addf %broadcast_in_dim3A_5, %bitcast_convert_type3A_751 : vector<16xf32>
      %add3A_757 = arith.addf %broadcast_in_dim3A_5, %bitcast_convert_type3A_755 : vector<16xf32>
      %shift_left3A_758 = arith.constant 16 : i32
      %shift_left3A_759 = vector.broadcast %shift_left3A_758 : i32 to vector<16xi32>
      %shift_left3A_760 = arith.shli %bitcast3A_717, %shift_left3A_759 : vector<16xi32>
      %bitcast_convert_type3A_761 = tpu.bitcast %shift_left3A_760 : vector<16xi32> -> vector<16xf32>
      %and3A_762 = arith.constant -65536 : i32
      %and3A_763 = vector.broadcast %and3A_762 : i32 to vector<16xi32>
      %and3A_764 = arith.andi %bitcast3A_717, %and3A_763 : vector<16xi32>
      %bitcast_convert_type3A_765 = tpu.bitcast %and3A_764 : vector<16xi32> -> vector<16xf32>
      %add3A_766 = arith.addf %broadcast_in_dim3A_5, %bitcast_convert_type3A_761 : vector<16xf32>
      %add3A_767 = arith.addf %broadcast_in_dim3A_5, %bitcast_convert_type3A_765 : vector<16xf32>
      %shift_left3A_768 = arith.constant 16 : i32
      %shift_left3A_769 = vector.broadcast %shift_left3A_768 : i32 to vector<16xi32>
      %shift_left3A_770 = arith.shli %bitcast3A_722, %shift_left3A_769 : vector<16xi32>
      %bitcast_convert_type3A_771 = tpu.bitcast %shift_left3A_770 : vector<16xi32> -> vector<16xf32>
      %and3A_772 = arith.constant -65536 : i32
      %and3A_773 = vector.broadcast %and3A_772 : i32 to vector<16xi32>
      %and3A_774 = arith.andi %bitcast3A_722, %and3A_773 : vector<16xi32>
      %bitcast_convert_type3A_775 = tpu.bitcast %and3A_774 : vector<16xi32> -> vector<16xf32>
      %add3A_776 = arith.addf %broadcast_in_dim3A_5, %bitcast_convert_type3A_771 : vector<16xf32>
      %add3A_777 = arith.addf %broadcast_in_dim3A_5, %bitcast_convert_type3A_775 : vector<16xf32>
      %shift_left3A_778 = arith.constant 16 : i32
      %shift_left3A_779 = vector.broadcast %shift_left3A_778 : i32 to vector<16xi32>
      %shift_left3A_780 = arith.shli %bitcast3A_727, %shift_left3A_779 : vector<16xi32>
      %bitcast_convert_type3A_781 = tpu.bitcast %shift_left3A_780 : vector<16xi32> -> vector<16xf32>
      %and3A_782 = arith.constant -65536 : i32
      %and3A_783 = vector.broadcast %and3A_782 : i32 to vector<16xi32>
      %and3A_784 = arith.andi %bitcast3A_727, %and3A_783 : vector<16xi32>
      %bitcast_convert_type3A_785 = tpu.bitcast %and3A_784 : vector<16xi32> -> vector<16xf32>
      %add3A_786 = arith.addf %broadcast_in_dim3A_5, %bitcast_convert_type3A_781 : vector<16xf32>
      %add3A_787 = arith.addf %broadcast_in_dim3A_5, %bitcast_convert_type3A_785 : vector<16xf32>
      %shift_left3A_788 = arith.constant 16 : i32
      %shift_left3A_789 = vector.broadcast %shift_left3A_788 : i32 to vector<16xi32>
      %shift_left3A_790 = arith.shli %bitcast3A_732, %shift_left3A_789 : vector<16xi32>
      %bitcast_convert_type3A_791 = tpu.bitcast %shift_left3A_790 : vector<16xi32> -> vector<16xf32>
      %and3A_792 = arith.constant -65536 : i32
      %and3A_793 = vector.broadcast %and3A_792 : i32 to vector<16xi32>
      %and3A_794 = arith.andi %bitcast3A_732, %and3A_793 : vector<16xi32>
      %bitcast_convert_type3A_795 = tpu.bitcast %and3A_794 : vector<16xi32> -> vector<16xf32>
      %add3A_796 = arith.addf %broadcast_in_dim3A_5, %bitcast_convert_type3A_791 : vector<16xf32>
      %add3A_797 = arith.addf %broadcast_in_dim3A_5, %bitcast_convert_type3A_795 : vector<16xf32>
      %shift_left3A_798 = arith.constant 16 : i32
      %shift_left3A_799 = vector.broadcast %shift_left3A_798 : i32 to vector<16xi32>
      %shift_left3A_800 = arith.shli %bitcast3A_737, %shift_left3A_799 : vector<16xi32>
      %bitcast_convert_type3A_801 = tpu.bitcast %shift_left3A_800 : vector<16xi32> -> vector<16xf32>
      %and3A_802 = arith.constant -65536 : i32
      %and3A_803 = vector.broadcast %and3A_802 : i32 to vector<16xi32>
      %and3A_804 = arith.andi %bitcast3A_737, %and3A_803 : vector<16xi32>
      %bitcast_convert_type3A_805 = tpu.bitcast %and3A_804 : vector<16xi32> -> vector<16xf32>
      %add3A_806 = arith.addf %broadcast_in_dim3A_5, %bitcast_convert_type3A_801 : vector<16xf32>
      %add3A_807 = arith.addf %broadcast_in_dim3A_5, %bitcast_convert_type3A_805 : vector<16xf32>
      %scan3A_808 = arith.constant 0 : i32
      %scan3A_809 = arith.constant 25 : i32
      %scan3A_810 = arith.addi %scan3A_808, %scan3A_809 : i32
      %scan3A_811 = arith.constant 1 : i32
      %scan3A_812:14 = scf.for %scan3A_1300 = %scan3A_808 to %scan3A_810 step %scan3A_811 iter_args(%scan3A_1301 = %broadcast_in_dim3A_5, %scan3A_1302 = %broadcast_in_dim3A_5, %scan3A_1303 = %broadcast_in_dim3A_5, %scan3A_1304 = %broadcast_in_dim3A_5, %scan3A_1305 = %broadcast_in_dim3A_5, %scan3A_1306 = %broadcast_in_dim3A_5, %scan3A_1307 = %broadcast_in_dim3A_5, %scan3A_1308 = %broadcast_in_dim3A_5, %scan3A_1309 = %broadcast_in_dim3A_5, %scan3A_1310 = %broadcast_in_dim3A_5, %scan3A_1311 = %broadcast_in_dim3A_5, %scan3A_1312 = %broadcast_in_dim3A_5, %scan3A_1313 = %broadcast_in_dim3A_5, %scan3A_1314 = %broadcast_in_dim3A_5) -> (vector<16xf32>, vector<16xf32>, vector<16xf32>, vector<16xf32>, vector<16xf32>, vector<16xf32>, vector<16xf32>, vector<16xf32>, vector<16xf32>, vector<16xf32>, vector<16xf32>, vector<16xf32>, vector<16xf32>, vector<16xf32>)  : i32 {
        %add3A_1315 = arith.constant 1 : i32
        %add3A_1316 = arith.addi %add3A_1315, %scan3A_1300 : i32
        %add3A_1317 = arith.constant 0 : i32
        %add3A_1318 = arith.addi %add3A_1317, %add3A_1316 : i32
        %get3A_1319 = arith.index_cast %add3A_1318 : i32 to index
        %get3A_1320 = arith.constant 0 : index
        %get3A_1321 = tpu.vector_load %arg9[%get3A_1319, %get3A_1320] {strides = array<i32>} : memref<160x128xf32, #tpu.memory_space<vmem>>, vector<16xf32>,
        %bitcast3A_1322 = vector.bitcast %get3A_1321 : vector<16xf32> to vector<16xi32>
        %add3A_1323 = arith.constant 0 : i32
        %add3A_1324 = arith.addi %add3A_1323, %add3A_1316 : i32
        %get3A_1325 = arith.index_cast %add3A_1324 : i32 to index
        %get3A_1326 = arith.constant 16 : index
        %get3A_1327 = tpu.vector_load %arg9[%get3A_1325, %get3A_1326] {strides = array<i32>} : memref<160x128xf32, #tpu.memory_space<vmem>>, vector<16xf32>,
        %bitcast3A_1328 = vector.bitcast %get3A_1327 : vector<16xf32> to vector<16xi32>
        %add3A_1329 = arith.constant 0 : i32
        %add3A_1330 = arith.addi %add3A_1329, %add3A_1316 : i32
        %get3A_1331 = arith.index_cast %add3A_1330 : i32 to index
        %get3A_1332 = arith.constant 32 : index
        %get3A_1333 = tpu.vector_load %arg9[%get3A_1331, %get3A_1332] {strides = array<i32>} : memref<160x128xf32, #tpu.memory_space<vmem>>, vector<16xf32>,
        %bitcast3A_1334 = vector.bitcast %get3A_1333 : vector<16xf32> to vector<16xi32>
        %add3A_1335 = arith.constant 0 : i32
        %add3A_1336 = arith.addi %add3A_1335, %add3A_1316 : i32
        %get3A_1337 = arith.index_cast %add3A_1336 : i32 to index
        %get3A_1338 = arith.constant 48 : index
        %get3A_1339 = tpu.vector_load %arg9[%get3A_1337, %get3A_1338] {strides = array<i32>} : memref<160x128xf32, #tpu.memory_space<vmem>>, vector<16xf32>,
        %bitcast3A_1340 = vector.bitcast %get3A_1339 : vector<16xf32> to vector<16xi32>
        %add3A_1341 = arith.constant 0 : i32
        %add3A_1342 = arith.addi %add3A_1341, %add3A_1316 : i32
        %get3A_1343 = arith.index_cast %add3A_1342 : i32 to index
        %get3A_1344 = arith.constant 64 : index
        %get3A_1345 = tpu.vector_load %arg9[%get3A_1343, %get3A_1344] {strides = array<i32>} : memref<160x128xf32, #tpu.memory_space<vmem>>, vector<16xf32>,
        %bitcast3A_1346 = vector.bitcast %get3A_1345 : vector<16xf32> to vector<16xi32>
        %add3A_1347 = arith.constant 0 : i32
        %add3A_1348 = arith.addi %add3A_1347, %add3A_1316 : i32
        %get3A_1349 = arith.index_cast %add3A_1348 : i32 to index
        %get3A_1350 = arith.constant 80 : index
        %get3A_1351 = tpu.vector_load %arg9[%get3A_1349, %get3A_1350] {strides = array<i32>} : memref<160x128xf32, #tpu.memory_space<vmem>>, vector<16xf32>,
        %bitcast3A_1352 = vector.bitcast %get3A_1351 : vector<16xf32> to vector<16xi32>
        %add3A_1353 = arith.constant 0 : i32
        %add3A_1354 = arith.addi %add3A_1353, %add3A_1316 : i32
        %get3A_1355 = arith.index_cast %add3A_1354 : i32 to index
        %get3A_1356 = arith.constant 96 : index
        %get3A_1357 = tpu.vector_load %arg9[%get3A_1355, %get3A_1356] {strides = array<i32>} : memref<160x128xf32, #tpu.memory_space<vmem>>, vector<16xf32>,
        %bitcast3A_1358 = vector.bitcast %get3A_1357 : vector<16xf32> to vector<16xi32>
        %shift_left3A_1359 = arith.constant 16 : i32
        %shift_left3A_1360 = vector.broadcast %shift_left3A_1359 : i32 to vector<16xi32>
        %shift_left3A_1361 = arith.shli %bitcast3A_1322, %shift_left3A_1360 : vector<16xi32>
        %bitcast_convert_type3A_1362 = tpu.bitcast %shift_left3A_1361 : vector<16xi32> -> vector<16xf32>
        %and3A_1363 = arith.constant -65536 : i32
        %and3A_1364 = vector.broadcast %and3A_1363 : i32 to vector<16xi32>
        %and3A_1365 = arith.andi %bitcast3A_1322, %and3A_1364 : vector<16xi32>
        %bitcast_convert_type3A_1366 = tpu.bitcast %and3A_1365 : vector<16xi32> -> vector<16xf32>
        %add3A_1367 = arith.addf %scan3A_1301, %bitcast_convert_type3A_1362 : vector<16xf32>
        %add3A_1368 = arith.addf %scan3A_1302, %bitcast_convert_type3A_1366 : vector<16xf32>
        %shift_left3A_1369 = arith.constant 16 : i32
        %shift_left3A_1370 = vector.broadcast %shift_left3A_1369 : i32 to vector<16xi32>
        %shift_left3A_1371 = arith.shli %bitcast3A_1328, %shift_left3A_1370 : vector<16xi32>
        %bitcast_convert_type3A_1372 = tpu.bitcast %shift_left3A_1371 : vector<16xi32> -> vector<16xf32>
        %and3A_1373 = arith.constant -65536 : i32
        %and3A_1374 = vector.broadcast %and3A_1373 : i32 to vector<16xi32>
        %and3A_1375 = arith.andi %bitcast3A_1328, %and3A_1374 : vector<16xi32>
        %bitcast_convert_type3A_1376 = tpu.bitcast %and3A_1375 : vector<16xi32> -> vector<16xf32>
        %add3A_1377 = arith.addf %scan3A_1303, %bitcast_convert_type3A_1372 : vector<16xf32>
        %add3A_1378 = arith.addf %scan3A_1304, %bitcast_convert_type3A_1376 : vector<16xf32>
        %shift_left3A_1379 = arith.constant 16 : i32
        %shift_left3A_1380 = vector.broadcast %shift_left3A_1379 : i32 to vector<16xi32>
        %shift_left3A_1381 = arith.shli %bitcast3A_1334, %shift_left3A_1380 : vector<16xi32>
        %bitcast_convert_type3A_1382 = tpu.bitcast %shift_left3A_1381 : vector<16xi32> -> vector<16xf32>
        %and3A_1383 = arith.constant -65536 : i32
        %and3A_1384 = vector.broadcast %and3A_1383 : i32 to vector<16xi32>
        %and3A_1385 = arith.andi %bitcast3A_1334, %and3A_1384 : vector<16xi32>
        %bitcast_convert_type3A_1386 = tpu.bitcast %and3A_1385 : vector<16xi32> -> vector<16xf32>
        %add3A_1387 = arith.addf %scan3A_1305, %bitcast_convert_type3A_1382 : vector<16xf32>
        %add3A_1388 = arith.addf %scan3A_1306, %bitcast_convert_type3A_1386 : vector<16xf32>
        %shift_left3A_1389 = arith.constant 16 : i32
        %shift_left3A_1390 = vector.broadcast %shift_left3A_1389 : i32 to vector<16xi32>
        %shift_left3A_1391 = arith.shli %bitcast3A_1340, %shift_left3A_1390 : vector<16xi32>
        %bitcast_convert_type3A_1392 = tpu.bitcast %shift_left3A_1391 : vector<16xi32> -> vector<16xf32>
        %and3A_1393 = arith.constant -65536 : i32
        %and3A_1394 = vector.broadcast %and3A_1393 : i32 to vector<16xi32>
        %and3A_1395 = arith.andi %bitcast3A_1340, %and3A_1394 : vector<16xi32>
        %bitcast_convert_type3A_1396 = tpu.bitcast %and3A_1395 : vector<16xi32> -> vector<16xf32>
        %add3A_1397 = arith.addf %scan3A_1307, %bitcast_convert_type3A_1392 : vector<16xf32>
        %add3A_1398 = arith.addf %scan3A_1308, %bitcast_convert_type3A_1396 : vector<16xf32>
        %shift_left3A_1399 = arith.constant 16 : i32
        %shift_left3A_1400 = vector.broadcast %shift_left3A_1399 : i32 to vector<16xi32>
        %shift_left3A_1401 = arith.shli %bitcast3A_1346, %shift_left3A_1400 : vector<16xi32>
        %bitcast_convert_type3A_1402 = tpu.bitcast %shift_left3A_1401 : vector<16xi32> -> vector<16xf32>
        %and3A_1403 = arith.constant -65536 : i32
        %and3A_1404 = vector.broadcast %and3A_1403 : i32 to vector<16xi32>
        %and3A_1405 = arith.andi %bitcast3A_1346, %and3A_1404 : vector<16xi32>
        %bitcast_convert_type3A_1406 = tpu.bitcast %and3A_1405 : vector<16xi32> -> vector<16xf32>
        %add3A_1407 = arith.addf %scan3A_1309, %bitcast_convert_type3A_1402 : vector<16xf32>
        %add3A_1408 = arith.addf %scan3A_1310, %bitcast_convert_type3A_1406 : vector<16xf32>
        %shift_left3A_1409 = arith.constant 16 : i32
        %shift_left3A_1410 = vector.broadcast %shift_left3A_1409 : i32 to vector<16xi32>
        %shift_left3A_1411 = arith.shli %bitcast3A_1352, %shift_left3A_1410 : vector<16xi32>
        %bitcast_convert_type3A_1412 = tpu.bitcast %shift_left3A_1411 : vector<16xi32> -> vector<16xf32>
        %and3A_1413 = arith.constant -65536 : i32
        %and3A_1414 = vector.broadcast %and3A_1413 : i32 to vector<16xi32>
        %and3A_1415 = arith.andi %bitcast3A_1352, %and3A_1414 : vector<16xi32>
        %bitcast_convert_type3A_1416 = tpu.bitcast %and3A_1415 : vector<16xi32> -> vector<16xf32>
        %add3A_1417 = arith.addf %scan3A_1311, %bitcast_convert_type3A_1412 : vector<16xf32>
        %add3A_1418 = arith.addf %scan3A_1312, %bitcast_convert_type3A_1416 : vector<16xf32>
        %shift_left3A_1419 = arith.constant 16 : i32
        %shift_left3A_1420 = vector.broadcast %shift_left3A_1419 : i32 to vector<16xi32>
        %shift_left3A_1421 = arith.shli %bitcast3A_1358, %shift_left3A_1420 : vector<16xi32>
        %bitcast_convert_type3A_1422 = tpu.bitcast %shift_left3A_1421 : vector<16xi32> -> vector<16xf32>
        %and3A_1423 = arith.constant -65536 : i32
        %and3A_1424 = vector.broadcast %and3A_1423 : i32 to vector<16xi32>
        %and3A_1425 = arith.andi %bitcast3A_1358, %and3A_1424 : vector<16xi32>
        %bitcast_convert_type3A_1426 = tpu.bitcast %and3A_1425 : vector<16xi32> -> vector<16xf32>
        %add3A_1427 = arith.addf %scan3A_1313, %bitcast_convert_type3A_1422 : vector<16xf32>
        %add3A_1428 = arith.addf %scan3A_1314, %bitcast_convert_type3A_1426 : vector<16xf32>
        scf.yield %add3A_1367, %add3A_1368, %add3A_1377, %add3A_1378, %add3A_1387, %add3A_1388, %add3A_1397, %add3A_1398, %add3A_1407, %add3A_1408, %add3A_1417, %add3A_1418, %add3A_1427, %add3A_1428 : vector<16xf32>, vector<16xf32>, vector<16xf32>, vector<16xf32>, vector<16xf32>, vector<16xf32>, vector<16xf32>, vector<16xf32>, vector<16xf32>, vector<16xf32>, vector<16xf32>, vector<16xf32>, vector<16xf32>, vector<16xf32>
      }
      %scan3A_813 = arith.constant 25 : i32
      %scan3A_814 = arith.constant 0 : i32
      %scan3A_815 = arith.constant 25 : i32
      %scan3A_816 = arith.addi %scan3A_814, %scan3A_815 : i32
      %scan3A_817 = arith.constant 1 : i32
      %scan3A_818:14 = scf.for %scan3A_1300 = %scan3A_814 to %scan3A_816 step %scan3A_817 iter_args(%scan3A_1301 = %broadcast_in_dim3A_5, %scan3A_1302 = %broadcast_in_dim3A_5, %scan3A_1303 = %broadcast_in_dim3A_5, %scan3A_1304 = %broadcast_in_dim3A_5, %scan3A_1305 = %broadcast_in_dim3A_5, %scan3A_1306 = %broadcast_in_dim3A_5, %scan3A_1307 = %broadcast_in_dim3A_5, %scan3A_1308 = %broadcast_in_dim3A_5, %scan3A_1309 = %broadcast_in_dim3A_5, %scan3A_1310 = %broadcast_in_dim3A_5, %scan3A_1311 = %broadcast_in_dim3A_5, %scan3A_1312 = %broadcast_in_dim3A_5, %scan3A_1313 = %broadcast_in_dim3A_5, %scan3A_1314 = %broadcast_in_dim3A_5) -> (vector<16xf32>, vector<16xf32>, vector<16xf32>, vector<16xf32>, vector<16xf32>, vector<16xf32>, vector<16xf32>, vector<16xf32>, vector<16xf32>, vector<16xf32>, vector<16xf32>, vector<16xf32>, vector<16xf32>, vector<16xf32>)  : i32 {
        %add3A_1315 = arith.constant 26 : i32
        %add3A_1316 = arith.addi %add3A_1315, %scan3A_1300 : i32
        %add3A_1317 = arith.constant 0 : i32
        %add3A_1318 = arith.addi %add3A_1317, %add3A_1316 : i32
        %get3A_1319 = arith.index_cast %add3A_1318 : i32 to index
        %get3A_1320 = arith.constant 0 : index
        %get3A_1321 = tpu.vector_load %arg9[%get3A_1319, %get3A_1320] {strides = array<i32>} : memref<160x128xf32, #tpu.memory_space<vmem>>, vector<16xf32>,
        %bitcast3A_1322 = vector.bitcast %get3A_1321 : vector<16xf32> to vector<16xi32>
        %add3A_1323 = arith.constant 0 : i32
        %add3A_1324 = arith.addi %add3A_1323, %add3A_1316 : i32
        %get3A_1325 = arith.index_cast %add3A_1324 : i32 to index
        %get3A_1326 = arith.constant 16 : index
        %get3A_1327 = tpu.vector_load %arg9[%get3A_1325, %get3A_1326] {strides = array<i32>} : memref<160x128xf32, #tpu.memory_space<vmem>>, vector<16xf32>,
        %bitcast3A_1328 = vector.bitcast %get3A_1327 : vector<16xf32> to vector<16xi32>
        %add3A_1329 = arith.constant 0 : i32
        %add3A_1330 = arith.addi %add3A_1329, %add3A_1316 : i32
        %get3A_1331 = arith.index_cast %add3A_1330 : i32 to index
        %get3A_1332 = arith.constant 32 : index
        %get3A_1333 = tpu.vector_load %arg9[%get3A_1331, %get3A_1332] {strides = array<i32>} : memref<160x128xf32, #tpu.memory_space<vmem>>, vector<16xf32>,
        %bitcast3A_1334 = vector.bitcast %get3A_1333 : vector<16xf32> to vector<16xi32>
        %add3A_1335 = arith.constant 0 : i32
        %add3A_1336 = arith.addi %add3A_1335, %add3A_1316 : i32
        %get3A_1337 = arith.index_cast %add3A_1336 : i32 to index
        %get3A_1338 = arith.constant 48 : index
        %get3A_1339 = tpu.vector_load %arg9[%get3A_1337, %get3A_1338] {strides = array<i32>} : memref<160x128xf32, #tpu.memory_space<vmem>>, vector<16xf32>,
        %bitcast3A_1340 = vector.bitcast %get3A_1339 : vector<16xf32> to vector<16xi32>
        %add3A_1341 = arith.constant 0 : i32
        %add3A_1342 = arith.addi %add3A_1341, %add3A_1316 : i32
        %get3A_1343 = arith.index_cast %add3A_1342 : i32 to index
        %get3A_1344 = arith.constant 64 : index
        %get3A_1345 = tpu.vector_load %arg9[%get3A_1343, %get3A_1344] {strides = array<i32>} : memref<160x128xf32, #tpu.memory_space<vmem>>, vector<16xf32>,
        %bitcast3A_1346 = vector.bitcast %get3A_1345 : vector<16xf32> to vector<16xi32>
        %add3A_1347 = arith.constant 0 : i32
        %add3A_1348 = arith.addi %add3A_1347, %add3A_1316 : i32
        %get3A_1349 = arith.index_cast %add3A_1348 : i32 to index
        %get3A_1350 = arith.constant 80 : index
        %get3A_1351 = tpu.vector_load %arg9[%get3A_1349, %get3A_1350] {strides = array<i32>} : memref<160x128xf32, #tpu.memory_space<vmem>>, vector<16xf32>,
        %bitcast3A_1352 = vector.bitcast %get3A_1351 : vector<16xf32> to vector<16xi32>
        %add3A_1353 = arith.constant 0 : i32
        %add3A_1354 = arith.addi %add3A_1353, %add3A_1316 : i32
        %get3A_1355 = arith.index_cast %add3A_1354 : i32 to index
        %get3A_1356 = arith.constant 96 : index
        %get3A_1357 = tpu.vector_load %arg9[%get3A_1355, %get3A_1356] {strides = array<i32>} : memref<160x128xf32, #tpu.memory_space<vmem>>, vector<16xf32>,
        %bitcast3A_1358 = vector.bitcast %get3A_1357 : vector<16xf32> to vector<16xi32>
        %shift_left3A_1359 = arith.constant 16 : i32
        %shift_left3A_1360 = vector.broadcast %shift_left3A_1359 : i32 to vector<16xi32>
        %shift_left3A_1361 = arith.shli %bitcast3A_1322, %shift_left3A_1360 : vector<16xi32>
        %bitcast_convert_type3A_1362 = tpu.bitcast %shift_left3A_1361 : vector<16xi32> -> vector<16xf32>
        %and3A_1363 = arith.constant -65536 : i32
        %and3A_1364 = vector.broadcast %and3A_1363 : i32 to vector<16xi32>
        %and3A_1365 = arith.andi %bitcast3A_1322, %and3A_1364 : vector<16xi32>
        %bitcast_convert_type3A_1366 = tpu.bitcast %and3A_1365 : vector<16xi32> -> vector<16xf32>
        %add3A_1367 = arith.addf %scan3A_1301, %bitcast_convert_type3A_1362 : vector<16xf32>
        %add3A_1368 = arith.addf %scan3A_1302, %bitcast_convert_type3A_1366 : vector<16xf32>
        %shift_left3A_1369 = arith.constant 16 : i32
        %shift_left3A_1370 = vector.broadcast %shift_left3A_1369 : i32 to vector<16xi32>
        %shift_left3A_1371 = arith.shli %bitcast3A_1328, %shift_left3A_1370 : vector<16xi32>
        %bitcast_convert_type3A_1372 = tpu.bitcast %shift_left3A_1371 : vector<16xi32> -> vector<16xf32>
        %and3A_1373 = arith.constant -65536 : i32
        %and3A_1374 = vector.broadcast %and3A_1373 : i32 to vector<16xi32>
        %and3A_1375 = arith.andi %bitcast3A_1328, %and3A_1374 : vector<16xi32>
        %bitcast_convert_type3A_1376 = tpu.bitcast %and3A_1375 : vector<16xi32> -> vector<16xf32>
        %add3A_1377 = arith.addf %scan3A_1303, %bitcast_convert_type3A_1372 : vector<16xf32>
        %add3A_1378 = arith.addf %scan3A_1304, %bitcast_convert_type3A_1376 : vector<16xf32>
        %shift_left3A_1379 = arith.constant 16 : i32
        %shift_left3A_1380 = vector.broadcast %shift_left3A_1379 : i32 to vector<16xi32>
        %shift_left3A_1381 = arith.shli %bitcast3A_1334, %shift_left3A_1380 : vector<16xi32>
        %bitcast_convert_type3A_1382 = tpu.bitcast %shift_left3A_1381 : vector<16xi32> -> vector<16xf32>
        %and3A_1383 = arith.constant -65536 : i32
        %and3A_1384 = vector.broadcast %and3A_1383 : i32 to vector<16xi32>
        %and3A_1385 = arith.andi %bitcast3A_1334, %and3A_1384 : vector<16xi32>
        %bitcast_convert_type3A_1386 = tpu.bitcast %and3A_1385 : vector<16xi32> -> vector<16xf32>
        %add3A_1387 = arith.addf %scan3A_1305, %bitcast_convert_type3A_1382 : vector<16xf32>
        %add3A_1388 = arith.addf %scan3A_1306, %bitcast_convert_type3A_1386 : vector<16xf32>
        %shift_left3A_1389 = arith.constant 16 : i32
        %shift_left3A_1390 = vector.broadcast %shift_left3A_1389 : i32 to vector<16xi32>
        %shift_left3A_1391 = arith.shli %bitcast3A_1340, %shift_left3A_1390 : vector<16xi32>
        %bitcast_convert_type3A_1392 = tpu.bitcast %shift_left3A_1391 : vector<16xi32> -> vector<16xf32>
        %and3A_1393 = arith.constant -65536 : i32
        %and3A_1394 = vector.broadcast %and3A_1393 : i32 to vector<16xi32>
        %and3A_1395 = arith.andi %bitcast3A_1340, %and3A_1394 : vector<16xi32>
        %bitcast_convert_type3A_1396 = tpu.bitcast %and3A_1395 : vector<16xi32> -> vector<16xf32>
        %add3A_1397 = arith.addf %scan3A_1307, %bitcast_convert_type3A_1392 : vector<16xf32>
        %add3A_1398 = arith.addf %scan3A_1308, %bitcast_convert_type3A_1396 : vector<16xf32>
        %shift_left3A_1399 = arith.constant 16 : i32
        %shift_left3A_1400 = vector.broadcast %shift_left3A_1399 : i32 to vector<16xi32>
        %shift_left3A_1401 = arith.shli %bitcast3A_1346, %shift_left3A_1400 : vector<16xi32>
        %bitcast_convert_type3A_1402 = tpu.bitcast %shift_left3A_1401 : vector<16xi32> -> vector<16xf32>
        %and3A_1403 = arith.constant -65536 : i32
        %and3A_1404 = vector.broadcast %and3A_1403 : i32 to vector<16xi32>
        %and3A_1405 = arith.andi %bitcast3A_1346, %and3A_1404 : vector<16xi32>
        %bitcast_convert_type3A_1406 = tpu.bitcast %and3A_1405 : vector<16xi32> -> vector<16xf32>
        %add3A_1407 = arith.addf %scan3A_1309, %bitcast_convert_type3A_1402 : vector<16xf32>
        %add3A_1408 = arith.addf %scan3A_1310, %bitcast_convert_type3A_1406 : vector<16xf32>
        %shift_left3A_1409 = arith.constant 16 : i32
        %shift_left3A_1410 = vector.broadcast %shift_left3A_1409 : i32 to vector<16xi32>
        %shift_left3A_1411 = arith.shli %bitcast3A_1352, %shift_left3A_1410 : vector<16xi32>
        %bitcast_convert_type3A_1412 = tpu.bitcast %shift_left3A_1411 : vector<16xi32> -> vector<16xf32>
        %and3A_1413 = arith.constant -65536 : i32
        %and3A_1414 = vector.broadcast %and3A_1413 : i32 to vector<16xi32>
        %and3A_1415 = arith.andi %bitcast3A_1352, %and3A_1414 : vector<16xi32>
        %bitcast_convert_type3A_1416 = tpu.bitcast %and3A_1415 : vector<16xi32> -> vector<16xf32>
        %add3A_1417 = arith.addf %scan3A_1311, %bitcast_convert_type3A_1412 : vector<16xf32>
        %add3A_1418 = arith.addf %scan3A_1312, %bitcast_convert_type3A_1416 : vector<16xf32>
        %shift_left3A_1419 = arith.constant 16 : i32
        %shift_left3A_1420 = vector.broadcast %shift_left3A_1419 : i32 to vector<16xi32>
        %shift_left3A_1421 = arith.shli %bitcast3A_1358, %shift_left3A_1420 : vector<16xi32>
        %bitcast_convert_type3A_1422 = tpu.bitcast %shift_left3A_1421 : vector<16xi32> -> vector<16xf32>
        %and3A_1423 = arith.constant -65536 : i32
        %and3A_1424 = vector.broadcast %and3A_1423 : i32 to vector<16xi32>
        %and3A_1425 = arith.andi %bitcast3A_1358, %and3A_1424 : vector<16xi32>
        %bitcast_convert_type3A_1426 = tpu.bitcast %and3A_1425 : vector<16xi32> -> vector<16xf32>
        %add3A_1427 = arith.addf %scan3A_1313, %bitcast_convert_type3A_1422 : vector<16xf32>
        %add3A_1428 = arith.addf %scan3A_1314, %bitcast_convert_type3A_1426 : vector<16xf32>
        scf.yield %add3A_1367, %add3A_1368, %add3A_1377, %add3A_1378, %add3A_1387, %add3A_1388, %add3A_1397, %add3A_1398, %add3A_1407, %add3A_1408, %add3A_1417, %add3A_1418, %add3A_1427, %add3A_1428 : vector<16xf32>, vector<16xf32>, vector<16xf32>, vector<16xf32>, vector<16xf32>, vector<16xf32>, vector<16xf32>, vector<16xf32>, vector<16xf32>, vector<16xf32>, vector<16xf32>, vector<16xf32>, vector<16xf32>, vector<16xf32>
      }
      %scan3A_819 = arith.constant 25 : i32
      %scan3A_820 = arith.constant 0 : i32
      %scan3A_821 = arith.constant 25 : i32
      %scan3A_822 = arith.addi %scan3A_820, %scan3A_821 : i32
      %scan3A_823 = arith.constant 1 : i32
      %scan3A_824:14 = scf.for %scan3A_1300 = %scan3A_820 to %scan3A_822 step %scan3A_823 iter_args(%scan3A_1301 = %broadcast_in_dim3A_5, %scan3A_1302 = %broadcast_in_dim3A_5, %scan3A_1303 = %broadcast_in_dim3A_5, %scan3A_1304 = %broadcast_in_dim3A_5, %scan3A_1305 = %broadcast_in_dim3A_5, %scan3A_1306 = %broadcast_in_dim3A_5, %scan3A_1307 = %broadcast_in_dim3A_5, %scan3A_1308 = %broadcast_in_dim3A_5, %scan3A_1309 = %broadcast_in_dim3A_5, %scan3A_1310 = %broadcast_in_dim3A_5, %scan3A_1311 = %broadcast_in_dim3A_5, %scan3A_1312 = %broadcast_in_dim3A_5, %scan3A_1313 = %broadcast_in_dim3A_5, %scan3A_1314 = %broadcast_in_dim3A_5) -> (vector<16xf32>, vector<16xf32>, vector<16xf32>, vector<16xf32>, vector<16xf32>, vector<16xf32>, vector<16xf32>, vector<16xf32>, vector<16xf32>, vector<16xf32>, vector<16xf32>, vector<16xf32>, vector<16xf32>, vector<16xf32>)  : i32 {
        %add3A_1315 = arith.constant 51 : i32
        %add3A_1316 = arith.addi %add3A_1315, %scan3A_1300 : i32
        %add3A_1317 = arith.constant 0 : i32
        %add3A_1318 = arith.addi %add3A_1317, %add3A_1316 : i32
        %get3A_1319 = arith.index_cast %add3A_1318 : i32 to index
        %get3A_1320 = arith.constant 0 : index
        %get3A_1321 = tpu.vector_load %arg9[%get3A_1319, %get3A_1320] {strides = array<i32>} : memref<160x128xf32, #tpu.memory_space<vmem>>, vector<16xf32>,
        %bitcast3A_1322 = vector.bitcast %get3A_1321 : vector<16xf32> to vector<16xi32>
        %add3A_1323 = arith.constant 0 : i32
        %add3A_1324 = arith.addi %add3A_1323, %add3A_1316 : i32
        %get3A_1325 = arith.index_cast %add3A_1324 : i32 to index
        %get3A_1326 = arith.constant 16 : index
        %get3A_1327 = tpu.vector_load %arg9[%get3A_1325, %get3A_1326] {strides = array<i32>} : memref<160x128xf32, #tpu.memory_space<vmem>>, vector<16xf32>,
        %bitcast3A_1328 = vector.bitcast %get3A_1327 : vector<16xf32> to vector<16xi32>
        %add3A_1329 = arith.constant 0 : i32
        %add3A_1330 = arith.addi %add3A_1329, %add3A_1316 : i32
        %get3A_1331 = arith.index_cast %add3A_1330 : i32 to index
        %get3A_1332 = arith.constant 32 : index
        %get3A_1333 = tpu.vector_load %arg9[%get3A_1331, %get3A_1332] {strides = array<i32>} : memref<160x128xf32, #tpu.memory_space<vmem>>, vector<16xf32>,
        %bitcast3A_1334 = vector.bitcast %get3A_1333 : vector<16xf32> to vector<16xi32>
        %add3A_1335 = arith.constant 0 : i32
        %add3A_1336 = arith.addi %add3A_1335, %add3A_1316 : i32
        %get3A_1337 = arith.index_cast %add3A_1336 : i32 to index
        %get3A_1338 = arith.constant 48 : index
        %get3A_1339 = tpu.vector_load %arg9[%get3A_1337, %get3A_1338] {strides = array<i32>} : memref<160x128xf32, #tpu.memory_space<vmem>>, vector<16xf32>,
        %bitcast3A_1340 = vector.bitcast %get3A_1339 : vector<16xf32> to vector<16xi32>
        %add3A_1341 = arith.constant 0 : i32
        %add3A_1342 = arith.addi %add3A_1341, %add3A_1316 : i32
        %get3A_1343 = arith.index_cast %add3A_1342 : i32 to index
        %get3A_1344 = arith.constant 64 : index
        %get3A_1345 = tpu.vector_load %arg9[%get3A_1343, %get3A_1344] {strides = array<i32>} : memref<160x128xf32, #tpu.memory_space<vmem>>, vector<16xf32>,
        %bitcast3A_1346 = vector.bitcast %get3A_1345 : vector<16xf32> to vector<16xi32>
        %add3A_1347 = arith.constant 0 : i32
        %add3A_1348 = arith.addi %add3A_1347, %add3A_1316 : i32
        %get3A_1349 = arith.index_cast %add3A_1348 : i32 to index
        %get3A_1350 = arith.constant 80 : index
        %get3A_1351 = tpu.vector_load %arg9[%get3A_1349, %get3A_1350] {strides = array<i32>} : memref<160x128xf32, #tpu.memory_space<vmem>>, vector<16xf32>,
        %bitcast3A_1352 = vector.bitcast %get3A_1351 : vector<16xf32> to vector<16xi32>
        %add3A_1353 = arith.constant 0 : i32
        %add3A_1354 = arith.addi %add3A_1353, %add3A_1316 : i32
        %get3A_1355 = arith.index_cast %add3A_1354 : i32 to index
        %get3A_1356 = arith.constant 96 : index
        %get3A_1357 = tpu.vector_load %arg9[%get3A_1355, %get3A_1356] {strides = array<i32>} : memref<160x128xf32, #tpu.memory_space<vmem>>, vector<16xf32>,
        %bitcast3A_1358 = vector.bitcast %get3A_1357 : vector<16xf32> to vector<16xi32>
        %shift_left3A_1359 = arith.constant 16 : i32
        %shift_left3A_1360 = vector.broadcast %shift_left3A_1359 : i32 to vector<16xi32>
        %shift_left3A_1361 = arith.shli %bitcast3A_1322, %shift_left3A_1360 : vector<16xi32>
        %bitcast_convert_type3A_1362 = tpu.bitcast %shift_left3A_1361 : vector<16xi32> -> vector<16xf32>
        %and3A_1363 = arith.constant -65536 : i32
        %and3A_1364 = vector.broadcast %and3A_1363 : i32 to vector<16xi32>
        %and3A_1365 = arith.andi %bitcast3A_1322, %and3A_1364 : vector<16xi32>
        %bitcast_convert_type3A_1366 = tpu.bitcast %and3A_1365 : vector<16xi32> -> vector<16xf32>
        %add3A_1367 = arith.addf %scan3A_1301, %bitcast_convert_type3A_1362 : vector<16xf32>
        %add3A_1368 = arith.addf %scan3A_1302, %bitcast_convert_type3A_1366 : vector<16xf32>
        %shift_left3A_1369 = arith.constant 16 : i32
        %shift_left3A_1370 = vector.broadcast %shift_left3A_1369 : i32 to vector<16xi32>
        %shift_left3A_1371 = arith.shli %bitcast3A_1328, %shift_left3A_1370 : vector<16xi32>
        %bitcast_convert_type3A_1372 = tpu.bitcast %shift_left3A_1371 : vector<16xi32> -> vector<16xf32>
        %and3A_1373 = arith.constant -65536 : i32
        %and3A_1374 = vector.broadcast %and3A_1373 : i32 to vector<16xi32>
        %and3A_1375 = arith.andi %bitcast3A_1328, %and3A_1374 : vector<16xi32>
        %bitcast_convert_type3A_1376 = tpu.bitcast %and3A_1375 : vector<16xi32> -> vector<16xf32>
        %add3A_1377 = arith.addf %scan3A_1303, %bitcast_convert_type3A_1372 : vector<16xf32>
        %add3A_1378 = arith.addf %scan3A_1304, %bitcast_convert_type3A_1376 : vector<16xf32>
        %shift_left3A_1379 = arith.constant 16 : i32
        %shift_left3A_1380 = vector.broadcast %shift_left3A_1379 : i32 to vector<16xi32>
        %shift_left3A_1381 = arith.shli %bitcast3A_1334, %shift_left3A_1380 : vector<16xi32>
        %bitcast_convert_type3A_1382 = tpu.bitcast %shift_left3A_1381 : vector<16xi32> -> vector<16xf32>
        %and3A_1383 = arith.constant -65536 : i32
        %and3A_1384 = vector.broadcast %and3A_1383 : i32 to vector<16xi32>
        %and3A_1385 = arith.andi %bitcast3A_1334, %and3A_1384 : vector<16xi32>
        %bitcast_convert_type3A_1386 = tpu.bitcast %and3A_1385 : vector<16xi32> -> vector<16xf32>
        %add3A_1387 = arith.addf %scan3A_1305, %bitcast_convert_type3A_1382 : vector<16xf32>
        %add3A_1388 = arith.addf %scan3A_1306, %bitcast_convert_type3A_1386 : vector<16xf32>
        %shift_left3A_1389 = arith.constant 16 : i32
        %shift_left3A_1390 = vector.broadcast %shift_left3A_1389 : i32 to vector<16xi32>
        %shift_left3A_1391 = arith.shli %bitcast3A_1340, %shift_left3A_1390 : vector<16xi32>
        %bitcast_convert_type3A_1392 = tpu.bitcast %shift_left3A_1391 : vector<16xi32> -> vector<16xf32>
        %and3A_1393 = arith.constant -65536 : i32
        %and3A_1394 = vector.broadcast %and3A_1393 : i32 to vector<16xi32>
        %and3A_1395 = arith.andi %bitcast3A_1340, %and3A_1394 : vector<16xi32>
        %bitcast_convert_type3A_1396 = tpu.bitcast %and3A_1395 : vector<16xi32> -> vector<16xf32>
        %add3A_1397 = arith.addf %scan3A_1307, %bitcast_convert_type3A_1392 : vector<16xf32>
        %add3A_1398 = arith.addf %scan3A_1308, %bitcast_convert_type3A_1396 : vector<16xf32>
        %shift_left3A_1399 = arith.constant 16 : i32
        %shift_left3A_1400 = vector.broadcast %shift_left3A_1399 : i32 to vector<16xi32>
        %shift_left3A_1401 = arith.shli %bitcast3A_1346, %shift_left3A_1400 : vector<16xi32>
        %bitcast_convert_type3A_1402 = tpu.bitcast %shift_left3A_1401 : vector<16xi32> -> vector<16xf32>
        %and3A_1403 = arith.constant -65536 : i32
        %and3A_1404 = vector.broadcast %and3A_1403 : i32 to vector<16xi32>
        %and3A_1405 = arith.andi %bitcast3A_1346, %and3A_1404 : vector<16xi32>
        %bitcast_convert_type3A_1406 = tpu.bitcast %and3A_1405 : vector<16xi32> -> vector<16xf32>
        %add3A_1407 = arith.addf %scan3A_1309, %bitcast_convert_type3A_1402 : vector<16xf32>
        %add3A_1408 = arith.addf %scan3A_1310, %bitcast_convert_type3A_1406 : vector<16xf32>
        %shift_left3A_1409 = arith.constant 16 : i32
        %shift_left3A_1410 = vector.broadcast %shift_left3A_1409 : i32 to vector<16xi32>
        %shift_left3A_1411 = arith.shli %bitcast3A_1352, %shift_left3A_1410 : vector<16xi32>
        %bitcast_convert_type3A_1412 = tpu.bitcast %shift_left3A_1411 : vector<16xi32> -> vector<16xf32>
        %and3A_1413 = arith.constant -65536 : i32
        %and3A_1414 = vector.broadcast %and3A_1413 : i32 to vector<16xi32>
        %and3A_1415 = arith.andi %bitcast3A_1352, %and3A_1414 : vector<16xi32>
        %bitcast_convert_type3A_1416 = tpu.bitcast %and3A_1415 : vector<16xi32> -> vector<16xf32>
        %add3A_1417 = arith.addf %scan3A_1311, %bitcast_convert_type3A_1412 : vector<16xf32>
        %add3A_1418 = arith.addf %scan3A_1312, %bitcast_convert_type3A_1416 : vector<16xf32>
        %shift_left3A_1419 = arith.constant 16 : i32
        %shift_left3A_1420 = vector.broadcast %shift_left3A_1419 : i32 to vector<16xi32>
        %shift_left3A_1421 = arith.shli %bitcast3A_1358, %shift_left3A_1420 : vector<16xi32>
        %bitcast_convert_type3A_1422 = tpu.bitcast %shift_left3A_1421 : vector<16xi32> -> vector<16xf32>
        %and3A_1423 = arith.constant -65536 : i32
        %and3A_1424 = vector.broadcast %and3A_1423 : i32 to vector<16xi32>
        %and3A_1425 = arith.andi %bitcast3A_1358, %and3A_1424 : vector<16xi32>
        %bitcast_convert_type3A_1426 = tpu.bitcast %and3A_1425 : vector<16xi32> -> vector<16xf32>
        %add3A_1427 = arith.addf %scan3A_1313, %bitcast_convert_type3A_1422 : vector<16xf32>
        %add3A_1428 = arith.addf %scan3A_1314, %bitcast_convert_type3A_1426 : vector<16xf32>
        scf.yield %add3A_1367, %add3A_1368, %add3A_1377, %add3A_1378, %add3A_1387, %add3A_1388, %add3A_1397, %add3A_1398, %add3A_1407, %add3A_1408, %add3A_1417, %add3A_1418, %add3A_1427, %add3A_1428 : vector<16xf32>, vector<16xf32>, vector<16xf32>, vector<16xf32>, vector<16xf32>, vector<16xf32>, vector<16xf32>, vector<16xf32>, vector<16xf32>, vector<16xf32>, vector<16xf32>, vector<16xf32>, vector<16xf32>, vector<16xf32>
      }
      %scan3A_825 = arith.constant 25 : i32
      %mul3A_826 = vector.broadcast %reduce_sum3A_20 : f32 to vector<16xf32>
      %mul3A_827 = arith.mulf %mul3A_826, %add3A_746 : vector<16xf32>
      %mul3A_828 = vector.broadcast %mul3A_30 : f32 to vector<16xf32>
      %mul3A_829 = arith.mulf %mul3A_828, %scan3A_812#0 : vector<16xf32>
      %add3A_830 = arith.addf %mul3A_827, %mul3A_829 : vector<16xf32>
      %mul3A_831 = vector.broadcast %mul3A_40 : f32 to vector<16xf32>
      %mul3A_832 = arith.mulf %mul3A_831, %scan3A_818#0 : vector<16xf32>
      %add3A_833 = arith.addf %add3A_830, %mul3A_832 : vector<16xf32>
      %mul3A_834 = vector.broadcast %mul3A_50 : f32 to vector<16xf32>
      %mul3A_835 = arith.mulf %mul3A_834, %scan3A_824#0 : vector<16xf32>
      %add3A_836 = arith.addf %add3A_833, %mul3A_835 : vector<16xf32>
      %mul3A_837 = vector.broadcast %reduce_sum3A_20 : f32 to vector<16xf32>
      %mul3A_838 = arith.mulf %mul3A_837, %add3A_747 : vector<16xf32>
      %mul3A_839 = vector.broadcast %mul3A_30 : f32 to vector<16xf32>
      %mul3A_840 = arith.mulf %mul3A_839, %scan3A_812#1 : vector<16xf32>
      %add3A_841 = arith.addf %mul3A_838, %mul3A_840 : vector<16xf32>
      %mul3A_842 = vector.broadcast %mul3A_40 : f32 to vector<16xf32>
      %mul3A_843 = arith.mulf %mul3A_842, %scan3A_818#1 : vector<16xf32>
      %add3A_844 = arith.addf %add3A_841, %mul3A_843 : vector<16xf32>
      %mul3A_845 = vector.broadcast %mul3A_50 : f32 to vector<16xf32>
      %mul3A_846 = arith.mulf %mul3A_845, %scan3A_824#1 : vector<16xf32>
      %add3A_847 = arith.addf %add3A_844, %mul3A_846 : vector<16xf32>
      %mul3A_848 = vector.broadcast %reduce_sum3A_20 : f32 to vector<16xf32>
      %mul3A_849 = arith.mulf %mul3A_848, %add3A_756 : vector<16xf32>
      %mul3A_850 = vector.broadcast %mul3A_30 : f32 to vector<16xf32>
      %mul3A_851 = arith.mulf %mul3A_850, %scan3A_812#2 : vector<16xf32>
      %add3A_852 = arith.addf %mul3A_849, %mul3A_851 : vector<16xf32>
      %mul3A_853 = vector.broadcast %mul3A_40 : f32 to vector<16xf32>
      %mul3A_854 = arith.mulf %mul3A_853, %scan3A_818#2 : vector<16xf32>
      %add3A_855 = arith.addf %add3A_852, %mul3A_854 : vector<16xf32>
      %mul3A_856 = vector.broadcast %mul3A_50 : f32 to vector<16xf32>
      %mul3A_857 = arith.mulf %mul3A_856, %scan3A_824#2 : vector<16xf32>
      %add3A_858 = arith.addf %add3A_855, %mul3A_857 : vector<16xf32>
      %mul3A_859 = vector.broadcast %reduce_sum3A_20 : f32 to vector<16xf32>
      %mul3A_860 = arith.mulf %mul3A_859, %add3A_757 : vector<16xf32>
      %mul3A_861 = vector.broadcast %mul3A_30 : f32 to vector<16xf32>
      %mul3A_862 = arith.mulf %mul3A_861, %scan3A_812#3 : vector<16xf32>
      %add3A_863 = arith.addf %mul3A_860, %mul3A_862 : vector<16xf32>
      %mul3A_864 = vector.broadcast %mul3A_40 : f32 to vector<16xf32>
      %mul3A_865 = arith.mulf %mul3A_864, %scan3A_818#3 : vector<16xf32>
      %add3A_866 = arith.addf %add3A_863, %mul3A_865 : vector<16xf32>
      %mul3A_867 = vector.broadcast %mul3A_50 : f32 to vector<16xf32>
      %mul3A_868 = arith.mulf %mul3A_867, %scan3A_824#3 : vector<16xf32>
      %add3A_869 = arith.addf %add3A_866, %mul3A_868 : vector<16xf32>
      %mul3A_870 = vector.broadcast %reduce_sum3A_20 : f32 to vector<16xf32>
      %mul3A_871 = arith.mulf %mul3A_870, %add3A_766 : vector<16xf32>
      %mul3A_872 = vector.broadcast %mul3A_30 : f32 to vector<16xf32>
      %mul3A_873 = arith.mulf %mul3A_872, %scan3A_812#4 : vector<16xf32>
      %add3A_874 = arith.addf %mul3A_871, %mul3A_873 : vector<16xf32>
      %mul3A_875 = vector.broadcast %mul3A_40 : f32 to vector<16xf32>
      %mul3A_876 = arith.mulf %mul3A_875, %scan3A_818#4 : vector<16xf32>
      %add3A_877 = arith.addf %add3A_874, %mul3A_876 : vector<16xf32>
      %mul3A_878 = vector.broadcast %mul3A_50 : f32 to vector<16xf32>
      %mul3A_879 = arith.mulf %mul3A_878, %scan3A_824#4 : vector<16xf32>
      %add3A_880 = arith.addf %add3A_877, %mul3A_879 : vector<16xf32>
      %mul3A_881 = vector.broadcast %reduce_sum3A_20 : f32 to vector<16xf32>
      %mul3A_882 = arith.mulf %mul3A_881, %add3A_767 : vector<16xf32>
      %mul3A_883 = vector.broadcast %mul3A_30 : f32 to vector<16xf32>
      %mul3A_884 = arith.mulf %mul3A_883, %scan3A_812#5 : vector<16xf32>
      %add3A_885 = arith.addf %mul3A_882, %mul3A_884 : vector<16xf32>
      %mul3A_886 = vector.broadcast %mul3A_40 : f32 to vector<16xf32>
      %mul3A_887 = arith.mulf %mul3A_886, %scan3A_818#5 : vector<16xf32>
      %add3A_888 = arith.addf %add3A_885, %mul3A_887 : vector<16xf32>
      %mul3A_889 = vector.broadcast %mul3A_50 : f32 to vector<16xf32>
      %mul3A_890 = arith.mulf %mul3A_889, %scan3A_824#5 : vector<16xf32>
      %add3A_891 = arith.addf %add3A_888, %mul3A_890 : vector<16xf32>
      %mul3A_892 = vector.broadcast %reduce_sum3A_20 : f32 to vector<16xf32>
      %mul3A_893 = arith.mulf %mul3A_892, %add3A_776 : vector<16xf32>
      %mul3A_894 = vector.broadcast %mul3A_30 : f32 to vector<16xf32>
      %mul3A_895 = arith.mulf %mul3A_894, %scan3A_812#6 : vector<16xf32>
      %add3A_896 = arith.addf %mul3A_893, %mul3A_895 : vector<16xf32>
      %mul3A_897 = vector.broadcast %mul3A_40 : f32 to vector<16xf32>
      %mul3A_898 = arith.mulf %mul3A_897, %scan3A_818#6 : vector<16xf32>
      %add3A_899 = arith.addf %add3A_896, %mul3A_898 : vector<16xf32>
      %mul3A_900 = vector.broadcast %mul3A_50 : f32 to vector<16xf32>
      %mul3A_901 = arith.mulf %mul3A_900, %scan3A_824#6 : vector<16xf32>
      %add3A_902 = arith.addf %add3A_899, %mul3A_901 : vector<16xf32>
      %mul3A_903 = vector.broadcast %reduce_sum3A_20 : f32 to vector<16xf32>
      %mul3A_904 = arith.mulf %mul3A_903, %add3A_777 : vector<16xf32>
      %mul3A_905 = vector.broadcast %mul3A_30 : f32 to vector<16xf32>
      %mul3A_906 = arith.mulf %mul3A_905, %scan3A_812#7 : vector<16xf32>
      %add3A_907 = arith.addf %mul3A_904, %mul3A_906 : vector<16xf32>
      %mul3A_908 = vector.broadcast %mul3A_40 : f32 to vector<16xf32>
      %mul3A_909 = arith.mulf %mul3A_908, %scan3A_818#7 : vector<16xf32>
      %add3A_910 = arith.addf %add3A_907, %mul3A_909 : vector<16xf32>
      %mul3A_911 = vector.broadcast %mul3A_50 : f32 to vector<16xf32>
      %mul3A_912 = arith.mulf %mul3A_911, %scan3A_824#7 : vector<16xf32>
      %add3A_913 = arith.addf %add3A_910, %mul3A_912 : vector<16xf32>
      %mul3A_914 = vector.broadcast %reduce_sum3A_20 : f32 to vector<16xf32>
      %mul3A_915 = arith.mulf %mul3A_914, %add3A_786 : vector<16xf32>
      %mul3A_916 = vector.broadcast %mul3A_30 : f32 to vector<16xf32>
      %mul3A_917 = arith.mulf %mul3A_916, %scan3A_812#8 : vector<16xf32>
      %add3A_918 = arith.addf %mul3A_915, %mul3A_917 : vector<16xf32>
      %mul3A_919 = vector.broadcast %mul3A_40 : f32 to vector<16xf32>
      %mul3A_920 = arith.mulf %mul3A_919, %scan3A_818#8 : vector<16xf32>
      %add3A_921 = arith.addf %add3A_918, %mul3A_920 : vector<16xf32>
      %mul3A_922 = vector.broadcast %mul3A_50 : f32 to vector<16xf32>
      %mul3A_923 = arith.mulf %mul3A_922, %scan3A_824#8 : vector<16xf32>
      %add3A_924 = arith.addf %add3A_921, %mul3A_923 : vector<16xf32>
      %mul3A_925 = vector.broadcast %reduce_sum3A_20 : f32 to vector<16xf32>
      %mul3A_926 = arith.mulf %mul3A_925, %add3A_787 : vector<16xf32>
      %mul3A_927 = vector.broadcast %mul3A_30 : f32 to vector<16xf32>
      %mul3A_928 = arith.mulf %mul3A_927, %scan3A_812#9 : vector<16xf32>
      %add3A_929 = arith.addf %mul3A_926, %mul3A_928 : vector<16xf32>
      %mul3A_930 = vector.broadcast %mul3A_40 : f32 to vector<16xf32>
      %mul3A_931 = arith.mulf %mul3A_930, %scan3A_818#9 : vector<16xf32>
      %add3A_932 = arith.addf %add3A_929, %mul3A_931 : vector<16xf32>
      %mul3A_933 = vector.broadcast %mul3A_50 : f32 to vector<16xf32>
      %mul3A_934 = arith.mulf %mul3A_933, %scan3A_824#9 : vector<16xf32>
      %add3A_935 = arith.addf %add3A_932, %mul3A_934 : vector<16xf32>
      %mul3A_936 = vector.broadcast %reduce_sum3A_20 : f32 to vector<16xf32>
      %mul3A_937 = arith.mulf %mul3A_936, %add3A_796 : vector<16xf32>
      %mul3A_938 = vector.broadcast %mul3A_30 : f32 to vector<16xf32>
      %mul3A_939 = arith.mulf %mul3A_938, %scan3A_812#10 : vector<16xf32>
      %add3A_940 = arith.addf %mul3A_937, %mul3A_939 : vector<16xf32>
      %mul3A_941 = vector.broadcast %mul3A_40 : f32 to vector<16xf32>
      %mul3A_942 = arith.mulf %mul3A_941, %scan3A_818#10 : vector<16xf32>
      %add3A_943 = arith.addf %add3A_940, %mul3A_942 : vector<16xf32>
      %mul3A_944 = vector.broadcast %mul3A_50 : f32 to vector<16xf32>
      %mul3A_945 = arith.mulf %mul3A_944, %scan3A_824#10 : vector<16xf32>
      %add3A_946 = arith.addf %add3A_943, %mul3A_945 : vector<16xf32>
      %mul3A_947 = vector.broadcast %reduce_sum3A_20 : f32 to vector<16xf32>
      %mul3A_948 = arith.mulf %mul3A_947, %add3A_797 : vector<16xf32>
      %mul3A_949 = vector.broadcast %mul3A_30 : f32 to vector<16xf32>
      %mul3A_950 = arith.mulf %mul3A_949, %scan3A_812#11 : vector<16xf32>
      %add3A_951 = arith.addf %mul3A_948, %mul3A_950 : vector<16xf32>
      %mul3A_952 = vector.broadcast %mul3A_40 : f32 to vector<16xf32>
      %mul3A_953 = arith.mulf %mul3A_952, %scan3A_818#11 : vector<16xf32>
      %add3A_954 = arith.addf %add3A_951, %mul3A_953 : vector<16xf32>
      %mul3A_955 = vector.broadcast %mul3A_50 : f32 to vector<16xf32>
      %mul3A_956 = arith.mulf %mul3A_955, %scan3A_824#11 : vector<16xf32>
      %add3A_957 = arith.addf %add3A_954, %mul3A_956 : vector<16xf32>
      %mul3A_958 = vector.broadcast %reduce_sum3A_20 : f32 to vector<16xf32>
      %mul3A_959 = arith.mulf %mul3A_958, %add3A_806 : vector<16xf32>
      %mul3A_960 = vector.broadcast %mul3A_30 : f32 to vector<16xf32>
      %mul3A_961 = arith.mulf %mul3A_960, %scan3A_812#12 : vector<16xf32>
      %add3A_962 = arith.addf %mul3A_959, %mul3A_961 : vector<16xf32>
      %mul3A_963 = vector.broadcast %mul3A_40 : f32 to vector<16xf32>
      %mul3A_964 = arith.mulf %mul3A_963, %scan3A_818#12 : vector<16xf32>
      %add3A_965 = arith.addf %add3A_962, %mul3A_964 : vector<16xf32>
      %mul3A_966 = vector.broadcast %mul3A_50 : f32 to vector<16xf32>
      %mul3A_967 = arith.mulf %mul3A_966, %scan3A_824#12 : vector<16xf32>
      %add3A_968 = arith.addf %add3A_965, %mul3A_967 : vector<16xf32>
      %mul3A_969 = vector.broadcast %reduce_sum3A_20 : f32 to vector<16xf32>
      %mul3A_970 = arith.mulf %mul3A_969, %add3A_807 : vector<16xf32>
      %mul3A_971 = vector.broadcast %mul3A_30 : f32 to vector<16xf32>
      %mul3A_972 = arith.mulf %mul3A_971, %scan3A_812#13 : vector<16xf32>
      %add3A_973 = arith.addf %mul3A_970, %mul3A_972 : vector<16xf32>
      %mul3A_974 = vector.broadcast %mul3A_40 : f32 to vector<16xf32>
      %mul3A_975 = arith.mulf %mul3A_974, %scan3A_818#13 : vector<16xf32>
      %add3A_976 = arith.addf %add3A_973, %mul3A_975 : vector<16xf32>
      %mul3A_977 = vector.broadcast %mul3A_50 : f32 to vector<16xf32>
      %mul3A_978 = arith.mulf %mul3A_977, %scan3A_824#13 : vector<16xf32>
      %add3A_979 = arith.addf %add3A_976, %mul3A_978 : vector<16xf32>
      %get3A_980 = arith.constant 80 : i32
      %get3A_981 = arith.index_cast %get3A_980 : i32 to index
      %get3A_982 = arith.constant 0 : index
      %get3A_983 = tpu.vector_load %arg9[%get3A_981, %get3A_982] {strides = array<i32>} : memref<160x128xf32, #tpu.memory_space<vmem>>, vector<16xf32>,
      %bitcast3A_984 = vector.bitcast %get3A_983 : vector<16xf32> to vector<16xi32>
      %get3A_985 = arith.constant 80 : i32
      %get3A_986 = arith.index_cast %get3A_985 : i32 to index
      %get3A_987 = arith.constant 16 : index
      %get3A_988 = tpu.vector_load %arg9[%get3A_986, %get3A_987] {strides = array<i32>} : memref<160x128xf32, #tpu.memory_space<vmem>>, vector<16xf32>,
      %bitcast3A_989 = vector.bitcast %get3A_988 : vector<16xf32> to vector<16xi32>
      %get3A_990 = arith.constant 80 : i32
      %get3A_991 = arith.index_cast %get3A_990 : i32 to index
      %get3A_992 = arith.constant 32 : index
      %get3A_993 = tpu.vector_load %arg9[%get3A_991, %get3A_992] {strides = array<i32>} : memref<160x128xf32, #tpu.memory_space<vmem>>, vector<16xf32>,
      %bitcast3A_994 = vector.bitcast %get3A_993 : vector<16xf32> to vector<16xi32>
      %get3A_995 = arith.constant 80 : i32
      %get3A_996 = arith.index_cast %get3A_995 : i32 to index
      %get3A_997 = arith.constant 48 : index
      %get3A_998 = tpu.vector_load %arg9[%get3A_996, %get3A_997] {strides = array<i32>} : memref<160x128xf32, #tpu.memory_space<vmem>>, vector<16xf32>,
      %bitcast3A_999 = vector.bitcast %get3A_998 : vector<16xf32> to vector<16xi32>
      %get3A_1000 = arith.constant 80 : i32
      %get3A_1001 = arith.index_cast %get3A_1000 : i32 to index
      %get3A_1002 = arith.constant 64 : index
      %get3A_1003 = tpu.vector_load %arg9[%get3A_1001, %get3A_1002] {strides = array<i32>} : memref<160x128xf32, #tpu.memory_space<vmem>>, vector<16xf32>,
      %bitcast3A_1004 = vector.bitcast %get3A_1003 : vector<16xf32> to vector<16xi32>
      %get3A_1005 = arith.constant 80 : i32
      %get3A_1006 = arith.index_cast %get3A_1005 : i32 to index
      %get3A_1007 = arith.constant 80 : index
      %get3A_1008 = tpu.vector_load %arg9[%get3A_1006, %get3A_1007] {strides = array<i32>} : memref<160x128xf32, #tpu.memory_space<vmem>>, vector<16xf32>,
      %bitcast3A_1009 = vector.bitcast %get3A_1008 : vector<16xf32> to vector<16xi32>
      %get3A_1010 = arith.constant 80 : i32
      %get3A_1011 = arith.index_cast %get3A_1010 : i32 to index
      %get3A_1012 = arith.constant 96 : index
      %get3A_1013 = tpu.vector_load %arg9[%get3A_1011, %get3A_1012] {strides = array<i32>} : memref<160x128xf32, #tpu.memory_space<vmem>>, vector<16xf32>,
      %bitcast3A_1014 = vector.bitcast %get3A_1013 : vector<16xf32> to vector<16xi32>
      %shift_left3A_1015 = arith.constant 16 : i32
      %shift_left3A_1016 = vector.broadcast %shift_left3A_1015 : i32 to vector<16xi32>
      %shift_left3A_1017 = arith.shli %bitcast3A_984, %shift_left3A_1016 : vector<16xi32>
      %bitcast_convert_type3A_1018 = tpu.bitcast %shift_left3A_1017 : vector<16xi32> -> vector<16xf32>
      %and3A_1019 = arith.constant -65536 : i32
      %and3A_1020 = vector.broadcast %and3A_1019 : i32 to vector<16xi32>
      %and3A_1021 = arith.andi %bitcast3A_984, %and3A_1020 : vector<16xi32>
      %bitcast_convert_type3A_1022 = tpu.bitcast %and3A_1021 : vector<16xi32> -> vector<16xf32>
      %add3A_1023 = arith.addf %broadcast_in_dim3A_5, %bitcast_convert_type3A_1018 : vector<16xf32>
      %add3A_1024 = arith.addf %broadcast_in_dim3A_5, %bitcast_convert_type3A_1022 : vector<16xf32>
      %shift_left3A_1025 = arith.constant 16 : i32
      %shift_left3A_1026 = vector.broadcast %shift_left3A_1025 : i32 to vector<16xi32>
      %shift_left3A_1027 = arith.shli %bitcast3A_989, %shift_left3A_1026 : vector<16xi32>
      %bitcast_convert_type3A_1028 = tpu.bitcast %shift_left3A_1027 : vector<16xi32> -> vector<16xf32>
      %and3A_1029 = arith.constant -65536 : i32
      %and3A_1030 = vector.broadcast %and3A_1029 : i32 to vector<16xi32>
      %and3A_1031 = arith.andi %bitcast3A_989, %and3A_1030 : vector<16xi32>
      %bitcast_convert_type3A_1032 = tpu.bitcast %and3A_1031 : vector<16xi32> -> vector<16xf32>
      %add3A_1033 = arith.addf %broadcast_in_dim3A_5, %bitcast_convert_type3A_1028 : vector<16xf32>
      %add3A_1034 = arith.addf %broadcast_in_dim3A_5, %bitcast_convert_type3A_1032 : vector<16xf32>
      %shift_left3A_1035 = arith.constant 16 : i32
      %shift_left3A_1036 = vector.broadcast %shift_left3A_1035 : i32 to vector<16xi32>
      %shift_left3A_1037 = arith.shli %bitcast3A_994, %shift_left3A_1036 : vector<16xi32>
      %bitcast_convert_type3A_1038 = tpu.bitcast %shift_left3A_1037 : vector<16xi32> -> vector<16xf32>
      %and3A_1039 = arith.constant -65536 : i32
      %and3A_1040 = vector.broadcast %and3A_1039 : i32 to vector<16xi32>
      %and3A_1041 = arith.andi %bitcast3A_994, %and3A_1040 : vector<16xi32>
      %bitcast_convert_type3A_1042 = tpu.bitcast %and3A_1041 : vector<16xi32> -> vector<16xf32>
      %add3A_1043 = arith.addf %broadcast_in_dim3A_5, %bitcast_convert_type3A_1038 : vector<16xf32>
      %add3A_1044 = arith.addf %broadcast_in_dim3A_5, %bitcast_convert_type3A_1042 : vector<16xf32>
      %shift_left3A_1045 = arith.constant 16 : i32
      %shift_left3A_1046 = vector.broadcast %shift_left3A_1045 : i32 to vector<16xi32>
      %shift_left3A_1047 = arith.shli %bitcast3A_999, %shift_left3A_1046 : vector<16xi32>
      %bitcast_convert_type3A_1048 = tpu.bitcast %shift_left3A_1047 : vector<16xi32> -> vector<16xf32>
      %and3A_1049 = arith.constant -65536 : i32
      %and3A_1050 = vector.broadcast %and3A_1049 : i32 to vector<16xi32>
      %and3A_1051 = arith.andi %bitcast3A_999, %and3A_1050 : vector<16xi32>
      %bitcast_convert_type3A_1052 = tpu.bitcast %and3A_1051 : vector<16xi32> -> vector<16xf32>
      %add3A_1053 = arith.addf %broadcast_in_dim3A_5, %bitcast_convert_type3A_1048 : vector<16xf32>
      %add3A_1054 = arith.addf %broadcast_in_dim3A_5, %bitcast_convert_type3A_1052 : vector<16xf32>
      %shift_left3A_1055 = arith.constant 16 : i32
      %shift_left3A_1056 = vector.broadcast %shift_left3A_1055 : i32 to vector<16xi32>
      %shift_left3A_1057 = arith.shli %bitcast3A_1004, %shift_left3A_1056 : vector<16xi32>
      %bitcast_convert_type3A_1058 = tpu.bitcast %shift_left3A_1057 : vector<16xi32> -> vector<16xf32>
      %and3A_1059 = arith.constant -65536 : i32
      %and3A_1060 = vector.broadcast %and3A_1059 : i32 to vector<16xi32>
      %and3A_1061 = arith.andi %bitcast3A_1004, %and3A_1060 : vector<16xi32>
      %bitcast_convert_type3A_1062 = tpu.bitcast %and3A_1061 : vector<16xi32> -> vector<16xf32>
      %add3A_1063 = arith.addf %broadcast_in_dim3A_5, %bitcast_convert_type3A_1058 : vector<16xf32>
      %add3A_1064 = arith.addf %broadcast_in_dim3A_5, %bitcast_convert_type3A_1062 : vector<16xf32>
      %shift_left3A_1065 = arith.constant 16 : i32
      %shift_left3A_1066 = vector.broadcast %shift_left3A_1065 : i32 to vector<16xi32>
      %shift_left3A_1067 = arith.shli %bitcast3A_1009, %shift_left3A_1066 : vector<16xi32>
      %bitcast_convert_type3A_1068 = tpu.bitcast %shift_left3A_1067 : vector<16xi32> -> vector<16xf32>
      %and3A_1069 = arith.constant -65536 : i32
      %and3A_1070 = vector.broadcast %and3A_1069 : i32 to vector<16xi32>
      %and3A_1071 = arith.andi %bitcast3A_1009, %and3A_1070 : vector<16xi32>
      %bitcast_convert_type3A_1072 = tpu.bitcast %and3A_1071 : vector<16xi32> -> vector<16xf32>
      %add3A_1073 = arith.addf %broadcast_in_dim3A_5, %bitcast_convert_type3A_1068 : vector<16xf32>
      %add3A_1074 = arith.addf %broadcast_in_dim3A_5, %bitcast_convert_type3A_1072 : vector<16xf32>
      %shift_left3A_1075 = arith.constant 16 : i32
      %shift_left3A_1076 = vector.broadcast %shift_left3A_1075 : i32 to vector<16xi32>
      %shift_left3A_1077 = arith.shli %bitcast3A_1014, %shift_left3A_1076 : vector<16xi32>
      %bitcast_convert_type3A_1078 = tpu.bitcast %shift_left3A_1077 : vector<16xi32> -> vector<16xf32>
      %and3A_1079 = arith.constant -65536 : i32
      %and3A_1080 = vector.broadcast %and3A_1079 : i32 to vector<16xi32>
      %and3A_1081 = arith.andi %bitcast3A_1014, %and3A_1080 : vector<16xi32>
      %bitcast_convert_type3A_1082 = tpu.bitcast %and3A_1081 : vector<16xi32> -> vector<16xf32>
      %add3A_1083 = arith.addf %broadcast_in_dim3A_5, %bitcast_convert_type3A_1078 : vector<16xf32>
      %add3A_1084 = arith.addf %broadcast_in_dim3A_5, %bitcast_convert_type3A_1082 : vector<16xf32>
      %scan3A_1085 = arith.constant 0 : i32
      %scan3A_1086 = arith.constant 25 : i32
      %scan3A_1087 = arith.addi %scan3A_1085, %scan3A_1086 : i32
      %scan3A_1088 = arith.constant 1 : i32
      %scan3A_1089:14 = scf.for %scan3A_1300 = %scan3A_1085 to %scan3A_1087 step %scan3A_1088 iter_args(%scan3A_1301 = %broadcast_in_dim3A_5, %scan3A_1302 = %broadcast_in_dim3A_5, %scan3A_1303 = %broadcast_in_dim3A_5, %scan3A_1304 = %broadcast_in_dim3A_5, %scan3A_1305 = %broadcast_in_dim3A_5, %scan3A_1306 = %broadcast_in_dim3A_5, %scan3A_1307 = %broadcast_in_dim3A_5, %scan3A_1308 = %broadcast_in_dim3A_5, %scan3A_1309 = %broadcast_in_dim3A_5, %scan3A_1310 = %broadcast_in_dim3A_5, %scan3A_1311 = %broadcast_in_dim3A_5, %scan3A_1312 = %broadcast_in_dim3A_5, %scan3A_1313 = %broadcast_in_dim3A_5, %scan3A_1314 = %broadcast_in_dim3A_5) -> (vector<16xf32>, vector<16xf32>, vector<16xf32>, vector<16xf32>, vector<16xf32>, vector<16xf32>, vector<16xf32>, vector<16xf32>, vector<16xf32>, vector<16xf32>, vector<16xf32>, vector<16xf32>, vector<16xf32>, vector<16xf32>)  : i32 {
        %add3A_1315 = arith.constant 1 : i32
        %add3A_1316 = arith.addi %add3A_1315, %scan3A_1300 : i32
        %add3A_1317 = arith.constant 80 : i32
        %add3A_1318 = arith.addi %add3A_1317, %add3A_1316 : i32
        %get3A_1319 = arith.index_cast %add3A_1318 : i32 to index
        %get3A_1320 = arith.constant 0 : index
        %get3A_1321 = tpu.vector_load %arg9[%get3A_1319, %get3A_1320] {strides = array<i32>} : memref<160x128xf32, #tpu.memory_space<vmem>>, vector<16xf32>,
        %bitcast3A_1322 = vector.bitcast %get3A_1321 : vector<16xf32> to vector<16xi32>
        %add3A_1323 = arith.constant 80 : i32
        %add3A_1324 = arith.addi %add3A_1323, %add3A_1316 : i32
        %get3A_1325 = arith.index_cast %add3A_1324 : i32 to index
        %get3A_1326 = arith.constant 16 : index
        %get3A_1327 = tpu.vector_load %arg9[%get3A_1325, %get3A_1326] {strides = array<i32>} : memref<160x128xf32, #tpu.memory_space<vmem>>, vector<16xf32>,
        %bitcast3A_1328 = vector.bitcast %get3A_1327 : vector<16xf32> to vector<16xi32>
        %add3A_1329 = arith.constant 80 : i32
        %add3A_1330 = arith.addi %add3A_1329, %add3A_1316 : i32
        %get3A_1331 = arith.index_cast %add3A_1330 : i32 to index
        %get3A_1332 = arith.constant 32 : index
        %get3A_1333 = tpu.vector_load %arg9[%get3A_1331, %get3A_1332] {strides = array<i32>} : memref<160x128xf32, #tpu.memory_space<vmem>>, vector<16xf32>,
        %bitcast3A_1334 = vector.bitcast %get3A_1333 : vector<16xf32> to vector<16xi32>
        %add3A_1335 = arith.constant 80 : i32
        %add3A_1336 = arith.addi %add3A_1335, %add3A_1316 : i32
        %get3A_1337 = arith.index_cast %add3A_1336 : i32 to index
        %get3A_1338 = arith.constant 48 : index
        %get3A_1339 = tpu.vector_load %arg9[%get3A_1337, %get3A_1338] {strides = array<i32>} : memref<160x128xf32, #tpu.memory_space<vmem>>, vector<16xf32>,
        %bitcast3A_1340 = vector.bitcast %get3A_1339 : vector<16xf32> to vector<16xi32>
        %add3A_1341 = arith.constant 80 : i32
        %add3A_1342 = arith.addi %add3A_1341, %add3A_1316 : i32
        %get3A_1343 = arith.index_cast %add3A_1342 : i32 to index
        %get3A_1344 = arith.constant 64 : index
        %get3A_1345 = tpu.vector_load %arg9[%get3A_1343, %get3A_1344] {strides = array<i32>} : memref<160x128xf32, #tpu.memory_space<vmem>>, vector<16xf32>,
        %bitcast3A_1346 = vector.bitcast %get3A_1345 : vector<16xf32> to vector<16xi32>
        %add3A_1347 = arith.constant 80 : i32
        %add3A_1348 = arith.addi %add3A_1347, %add3A_1316 : i32
        %get3A_1349 = arith.index_cast %add3A_1348 : i32 to index
        %get3A_1350 = arith.constant 80 : index
        %get3A_1351 = tpu.vector_load %arg9[%get3A_1349, %get3A_1350] {strides = array<i32>} : memref<160x128xf32, #tpu.memory_space<vmem>>, vector<16xf32>,
        %bitcast3A_1352 = vector.bitcast %get3A_1351 : vector<16xf32> to vector<16xi32>
        %add3A_1353 = arith.constant 80 : i32
        %add3A_1354 = arith.addi %add3A_1353, %add3A_1316 : i32
        %get3A_1355 = arith.index_cast %add3A_1354 : i32 to index
        %get3A_1356 = arith.constant 96 : index
        %get3A_1357 = tpu.vector_load %arg9[%get3A_1355, %get3A_1356] {strides = array<i32>} : memref<160x128xf32, #tpu.memory_space<vmem>>, vector<16xf32>,
        %bitcast3A_1358 = vector.bitcast %get3A_1357 : vector<16xf32> to vector<16xi32>
        %shift_left3A_1359 = arith.constant 16 : i32
        %shift_left3A_1360 = vector.broadcast %shift_left3A_1359 : i32 to vector<16xi32>
        %shift_left3A_1361 = arith.shli %bitcast3A_1322, %shift_left3A_1360 : vector<16xi32>
        %bitcast_convert_type3A_1362 = tpu.bitcast %shift_left3A_1361 : vector<16xi32> -> vector<16xf32>
        %and3A_1363 = arith.constant -65536 : i32
        %and3A_1364 = vector.broadcast %and3A_1363 : i32 to vector<16xi32>
        %and3A_1365 = arith.andi %bitcast3A_1322, %and3A_1364 : vector<16xi32>
        %bitcast_convert_type3A_1366 = tpu.bitcast %and3A_1365 : vector<16xi32> -> vector<16xf32>
        %add3A_1367 = arith.addf %scan3A_1301, %bitcast_convert_type3A_1362 : vector<16xf32>
        %add3A_1368 = arith.addf %scan3A_1302, %bitcast_convert_type3A_1366 : vector<16xf32>
        %shift_left3A_1369 = arith.constant 16 : i32
        %shift_left3A_1370 = vector.broadcast %shift_left3A_1369 : i32 to vector<16xi32>
        %shift_left3A_1371 = arith.shli %bitcast3A_1328, %shift_left3A_1370 : vector<16xi32>
        %bitcast_convert_type3A_1372 = tpu.bitcast %shift_left3A_1371 : vector<16xi32> -> vector<16xf32>
        %and3A_1373 = arith.constant -65536 : i32
        %and3A_1374 = vector.broadcast %and3A_1373 : i32 to vector<16xi32>
        %and3A_1375 = arith.andi %bitcast3A_1328, %and3A_1374 : vector<16xi32>
        %bitcast_convert_type3A_1376 = tpu.bitcast %and3A_1375 : vector<16xi32> -> vector<16xf32>
        %add3A_1377 = arith.addf %scan3A_1303, %bitcast_convert_type3A_1372 : vector<16xf32>
        %add3A_1378 = arith.addf %scan3A_1304, %bitcast_convert_type3A_1376 : vector<16xf32>
        %shift_left3A_1379 = arith.constant 16 : i32
        %shift_left3A_1380 = vector.broadcast %shift_left3A_1379 : i32 to vector<16xi32>
        %shift_left3A_1381 = arith.shli %bitcast3A_1334, %shift_left3A_1380 : vector<16xi32>
        %bitcast_convert_type3A_1382 = tpu.bitcast %shift_left3A_1381 : vector<16xi32> -> vector<16xf32>
        %and3A_1383 = arith.constant -65536 : i32
        %and3A_1384 = vector.broadcast %and3A_1383 : i32 to vector<16xi32>
        %and3A_1385 = arith.andi %bitcast3A_1334, %and3A_1384 : vector<16xi32>
        %bitcast_convert_type3A_1386 = tpu.bitcast %and3A_1385 : vector<16xi32> -> vector<16xf32>
        %add3A_1387 = arith.addf %scan3A_1305, %bitcast_convert_type3A_1382 : vector<16xf32>
        %add3A_1388 = arith.addf %scan3A_1306, %bitcast_convert_type3A_1386 : vector<16xf32>
        %shift_left3A_1389 = arith.constant 16 : i32
        %shift_left3A_1390 = vector.broadcast %shift_left3A_1389 : i32 to vector<16xi32>
        %shift_left3A_1391 = arith.shli %bitcast3A_1340, %shift_left3A_1390 : vector<16xi32>
        %bitcast_convert_type3A_1392 = tpu.bitcast %shift_left3A_1391 : vector<16xi32> -> vector<16xf32>
        %and3A_1393 = arith.constant -65536 : i32
        %and3A_1394 = vector.broadcast %and3A_1393 : i32 to vector<16xi32>
        %and3A_1395 = arith.andi %bitcast3A_1340, %and3A_1394 : vector<16xi32>
        %bitcast_convert_type3A_1396 = tpu.bitcast %and3A_1395 : vector<16xi32> -> vector<16xf32>
        %add3A_1397 = arith.addf %scan3A_1307, %bitcast_convert_type3A_1392 : vector<16xf32>
        %add3A_1398 = arith.addf %scan3A_1308, %bitcast_convert_type3A_1396 : vector<16xf32>
        %shift_left3A_1399 = arith.constant 16 : i32
        %shift_left3A_1400 = vector.broadcast %shift_left3A_1399 : i32 to vector<16xi32>
        %shift_left3A_1401 = arith.shli %bitcast3A_1346, %shift_left3A_1400 : vector<16xi32>
        %bitcast_convert_type3A_1402 = tpu.bitcast %shift_left3A_1401 : vector<16xi32> -> vector<16xf32>
        %and3A_1403 = arith.constant -65536 : i32
        %and3A_1404 = vector.broadcast %and3A_1403 : i32 to vector<16xi32>
        %and3A_1405 = arith.andi %bitcast3A_1346, %and3A_1404 : vector<16xi32>
        %bitcast_convert_type3A_1406 = tpu.bitcast %and3A_1405 : vector<16xi32> -> vector<16xf32>
        %add3A_1407 = arith.addf %scan3A_1309, %bitcast_convert_type3A_1402 : vector<16xf32>
        %add3A_1408 = arith.addf %scan3A_1310, %bitcast_convert_type3A_1406 : vector<16xf32>
        %shift_left3A_1409 = arith.constant 16 : i32
        %shift_left3A_1410 = vector.broadcast %shift_left3A_1409 : i32 to vector<16xi32>
        %shift_left3A_1411 = arith.shli %bitcast3A_1352, %shift_left3A_1410 : vector<16xi32>
        %bitcast_convert_type3A_1412 = tpu.bitcast %shift_left3A_1411 : vector<16xi32> -> vector<16xf32>
        %and3A_1413 = arith.constant -65536 : i32
        %and3A_1414 = vector.broadcast %and3A_1413 : i32 to vector<16xi32>
        %and3A_1415 = arith.andi %bitcast3A_1352, %and3A_1414 : vector<16xi32>
        %bitcast_convert_type3A_1416 = tpu.bitcast %and3A_1415 : vector<16xi32> -> vector<16xf32>
        %add3A_1417 = arith.addf %scan3A_1311, %bitcast_convert_type3A_1412 : vector<16xf32>
        %add3A_1418 = arith.addf %scan3A_1312, %bitcast_convert_type3A_1416 : vector<16xf32>
        %shift_left3A_1419 = arith.constant 16 : i32
        %shift_left3A_1420 = vector.broadcast %shift_left3A_1419 : i32 to vector<16xi32>
        %shift_left3A_1421 = arith.shli %bitcast3A_1358, %shift_left3A_1420 : vector<16xi32>
        %bitcast_convert_type3A_1422 = tpu.bitcast %shift_left3A_1421 : vector<16xi32> -> vector<16xf32>
        %and3A_1423 = arith.constant -65536 : i32
        %and3A_1424 = vector.broadcast %and3A_1423 : i32 to vector<16xi32>
        %and3A_1425 = arith.andi %bitcast3A_1358, %and3A_1424 : vector<16xi32>
        %bitcast_convert_type3A_1426 = tpu.bitcast %and3A_1425 : vector<16xi32> -> vector<16xf32>
        %add3A_1427 = arith.addf %scan3A_1313, %bitcast_convert_type3A_1422 : vector<16xf32>
        %add3A_1428 = arith.addf %scan3A_1314, %bitcast_convert_type3A_1426 : vector<16xf32>
        scf.yield %add3A_1367, %add3A_1368, %add3A_1377, %add3A_1378, %add3A_1387, %add3A_1388, %add3A_1397, %add3A_1398, %add3A_1407, %add3A_1408, %add3A_1417, %add3A_1418, %add3A_1427, %add3A_1428 : vector<16xf32>, vector<16xf32>, vector<16xf32>, vector<16xf32>, vector<16xf32>, vector<16xf32>, vector<16xf32>, vector<16xf32>, vector<16xf32>, vector<16xf32>, vector<16xf32>, vector<16xf32>, vector<16xf32>, vector<16xf32>
      }
      %scan3A_1090 = arith.constant 25 : i32
      %scan3A_1091 = arith.constant 0 : i32
      %scan3A_1092 = arith.constant 25 : i32
      %scan3A_1093 = arith.addi %scan3A_1091, %scan3A_1092 : i32
      %scan3A_1094 = arith.constant 1 : i32
      %scan3A_1095:14 = scf.for %scan3A_1300 = %scan3A_1091 to %scan3A_1093 step %scan3A_1094 iter_args(%scan3A_1301 = %broadcast_in_dim3A_5, %scan3A_1302 = %broadcast_in_dim3A_5, %scan3A_1303 = %broadcast_in_dim3A_5, %scan3A_1304 = %broadcast_in_dim3A_5, %scan3A_1305 = %broadcast_in_dim3A_5, %scan3A_1306 = %broadcast_in_dim3A_5, %scan3A_1307 = %broadcast_in_dim3A_5, %scan3A_1308 = %broadcast_in_dim3A_5, %scan3A_1309 = %broadcast_in_dim3A_5, %scan3A_1310 = %broadcast_in_dim3A_5, %scan3A_1311 = %broadcast_in_dim3A_5, %scan3A_1312 = %broadcast_in_dim3A_5, %scan3A_1313 = %broadcast_in_dim3A_5, %scan3A_1314 = %broadcast_in_dim3A_5) -> (vector<16xf32>, vector<16xf32>, vector<16xf32>, vector<16xf32>, vector<16xf32>, vector<16xf32>, vector<16xf32>, vector<16xf32>, vector<16xf32>, vector<16xf32>, vector<16xf32>, vector<16xf32>, vector<16xf32>, vector<16xf32>)  : i32 {
        %add3A_1315 = arith.constant 26 : i32
        %add3A_1316 = arith.addi %add3A_1315, %scan3A_1300 : i32
        %add3A_1317 = arith.constant 80 : i32
        %add3A_1318 = arith.addi %add3A_1317, %add3A_1316 : i32
        %get3A_1319 = arith.index_cast %add3A_1318 : i32 to index
        %get3A_1320 = arith.constant 0 : index
        %get3A_1321 = tpu.vector_load %arg9[%get3A_1319, %get3A_1320] {strides = array<i32>} : memref<160x128xf32, #tpu.memory_space<vmem>>, vector<16xf32>,
        %bitcast3A_1322 = vector.bitcast %get3A_1321 : vector<16xf32> to vector<16xi32>
        %add3A_1323 = arith.constant 80 : i32
        %add3A_1324 = arith.addi %add3A_1323, %add3A_1316 : i32
        %get3A_1325 = arith.index_cast %add3A_1324 : i32 to index
        %get3A_1326 = arith.constant 16 : index
        %get3A_1327 = tpu.vector_load %arg9[%get3A_1325, %get3A_1326] {strides = array<i32>} : memref<160x128xf32, #tpu.memory_space<vmem>>, vector<16xf32>,
        %bitcast3A_1328 = vector.bitcast %get3A_1327 : vector<16xf32> to vector<16xi32>
        %add3A_1329 = arith.constant 80 : i32
        %add3A_1330 = arith.addi %add3A_1329, %add3A_1316 : i32
        %get3A_1331 = arith.index_cast %add3A_1330 : i32 to index
        %get3A_1332 = arith.constant 32 : index
        %get3A_1333 = tpu.vector_load %arg9[%get3A_1331, %get3A_1332] {strides = array<i32>} : memref<160x128xf32, #tpu.memory_space<vmem>>, vector<16xf32>,
        %bitcast3A_1334 = vector.bitcast %get3A_1333 : vector<16xf32> to vector<16xi32>
        %add3A_1335 = arith.constant 80 : i32
        %add3A_1336 = arith.addi %add3A_1335, %add3A_1316 : i32
        %get3A_1337 = arith.index_cast %add3A_1336 : i32 to index
        %get3A_1338 = arith.constant 48 : index
        %get3A_1339 = tpu.vector_load %arg9[%get3A_1337, %get3A_1338] {strides = array<i32>} : memref<160x128xf32, #tpu.memory_space<vmem>>, vector<16xf32>,
        %bitcast3A_1340 = vector.bitcast %get3A_1339 : vector<16xf32> to vector<16xi32>
        %add3A_1341 = arith.constant 80 : i32
        %add3A_1342 = arith.addi %add3A_1341, %add3A_1316 : i32
        %get3A_1343 = arith.index_cast %add3A_1342 : i32 to index
        %get3A_1344 = arith.constant 64 : index
        %get3A_1345 = tpu.vector_load %arg9[%get3A_1343, %get3A_1344] {strides = array<i32>} : memref<160x128xf32, #tpu.memory_space<vmem>>, vector<16xf32>,
        %bitcast3A_1346 = vector.bitcast %get3A_1345 : vector<16xf32> to vector<16xi32>
        %add3A_1347 = arith.constant 80 : i32
        %add3A_1348 = arith.addi %add3A_1347, %add3A_1316 : i32
        %get3A_1349 = arith.index_cast %add3A_1348 : i32 to index
        %get3A_1350 = arith.constant 80 : index
        %get3A_1351 = tpu.vector_load %arg9[%get3A_1349, %get3A_1350] {strides = array<i32>} : memref<160x128xf32, #tpu.memory_space<vmem>>, vector<16xf32>,
        %bitcast3A_1352 = vector.bitcast %get3A_1351 : vector<16xf32> to vector<16xi32>
        %add3A_1353 = arith.constant 80 : i32
        %add3A_1354 = arith.addi %add3A_1353, %add3A_1316 : i32
        %get3A_1355 = arith.index_cast %add3A_1354 : i32 to index
        %get3A_1356 = arith.constant 96 : index
        %get3A_1357 = tpu.vector_load %arg9[%get3A_1355, %get3A_1356] {strides = array<i32>} : memref<160x128xf32, #tpu.memory_space<vmem>>, vector<16xf32>,
        %bitcast3A_1358 = vector.bitcast %get3A_1357 : vector<16xf32> to vector<16xi32>
        %shift_left3A_1359 = arith.constant 16 : i32
        %shift_left3A_1360 = vector.broadcast %shift_left3A_1359 : i32 to vector<16xi32>
        %shift_left3A_1361 = arith.shli %bitcast3A_1322, %shift_left3A_1360 : vector<16xi32>
        %bitcast_convert_type3A_1362 = tpu.bitcast %shift_left3A_1361 : vector<16xi32> -> vector<16xf32>
        %and3A_1363 = arith.constant -65536 : i32
        %and3A_1364 = vector.broadcast %and3A_1363 : i32 to vector<16xi32>
        %and3A_1365 = arith.andi %bitcast3A_1322, %and3A_1364 : vector<16xi32>
        %bitcast_convert_type3A_1366 = tpu.bitcast %and3A_1365 : vector<16xi32> -> vector<16xf32>
        %add3A_1367 = arith.addf %scan3A_1301, %bitcast_convert_type3A_1362 : vector<16xf32>
        %add3A_1368 = arith.addf %scan3A_1302, %bitcast_convert_type3A_1366 : vector<16xf32>
        %shift_left3A_1369 = arith.constant 16 : i32
        %shift_left3A_1370 = vector.broadcast %shift_left3A_1369 : i32 to vector<16xi32>
        %shift_left3A_1371 = arith.shli %bitcast3A_1328, %shift_left3A_1370 : vector<16xi32>
        %bitcast_convert_type3A_1372 = tpu.bitcast %shift_left3A_1371 : vector<16xi32> -> vector<16xf32>
        %and3A_1373 = arith.constant -65536 : i32
        %and3A_1374 = vector.broadcast %and3A_1373 : i32 to vector<16xi32>
        %and3A_1375 = arith.andi %bitcast3A_1328, %and3A_1374 : vector<16xi32>
        %bitcast_convert_type3A_1376 = tpu.bitcast %and3A_1375 : vector<16xi32> -> vector<16xf32>
        %add3A_1377 = arith.addf %scan3A_1303, %bitcast_convert_type3A_1372 : vector<16xf32>
        %add3A_1378 = arith.addf %scan3A_1304, %bitcast_convert_type3A_1376 : vector<16xf32>
        %shift_left3A_1379 = arith.constant 16 : i32
        %shift_left3A_1380 = vector.broadcast %shift_left3A_1379 : i32 to vector<16xi32>
        %shift_left3A_1381 = arith.shli %bitcast3A_1334, %shift_left3A_1380 : vector<16xi32>
        %bitcast_convert_type3A_1382 = tpu.bitcast %shift_left3A_1381 : vector<16xi32> -> vector<16xf32>
        %and3A_1383 = arith.constant -65536 : i32
        %and3A_1384 = vector.broadcast %and3A_1383 : i32 to vector<16xi32>
        %and3A_1385 = arith.andi %bitcast3A_1334, %and3A_1384 : vector<16xi32>
        %bitcast_convert_type3A_1386 = tpu.bitcast %and3A_1385 : vector<16xi32> -> vector<16xf32>
        %add3A_1387 = arith.addf %scan3A_1305, %bitcast_convert_type3A_1382 : vector<16xf32>
        %add3A_1388 = arith.addf %scan3A_1306, %bitcast_convert_type3A_1386 : vector<16xf32>
        %shift_left3A_1389 = arith.constant 16 : i32
        %shift_left3A_1390 = vector.broadcast %shift_left3A_1389 : i32 to vector<16xi32>
        %shift_left3A_1391 = arith.shli %bitcast3A_1340, %shift_left3A_1390 : vector<16xi32>
        %bitcast_convert_type3A_1392 = tpu.bitcast %shift_left3A_1391 : vector<16xi32> -> vector<16xf32>
        %and3A_1393 = arith.constant -65536 : i32
        %and3A_1394 = vector.broadcast %and3A_1393 : i32 to vector<16xi32>
        %and3A_1395 = arith.andi %bitcast3A_1340, %and3A_1394 : vector<16xi32>
        %bitcast_convert_type3A_1396 = tpu.bitcast %and3A_1395 : vector<16xi32> -> vector<16xf32>
        %add3A_1397 = arith.addf %scan3A_1307, %bitcast_convert_type3A_1392 : vector<16xf32>
        %add3A_1398 = arith.addf %scan3A_1308, %bitcast_convert_type3A_1396 : vector<16xf32>
        %shift_left3A_1399 = arith.constant 16 : i32
        %shift_left3A_1400 = vector.broadcast %shift_left3A_1399 : i32 to vector<16xi32>
        %shift_left3A_1401 = arith.shli %bitcast3A_1346, %shift_left3A_1400 : vector<16xi32>
        %bitcast_convert_type3A_1402 = tpu.bitcast %shift_left3A_1401 : vector<16xi32> -> vector<16xf32>
        %and3A_1403 = arith.constant -65536 : i32
        %and3A_1404 = vector.broadcast %and3A_1403 : i32 to vector<16xi32>
        %and3A_1405 = arith.andi %bitcast3A_1346, %and3A_1404 : vector<16xi32>
        %bitcast_convert_type3A_1406 = tpu.bitcast %and3A_1405 : vector<16xi32> -> vector<16xf32>
        %add3A_1407 = arith.addf %scan3A_1309, %bitcast_convert_type3A_1402 : vector<16xf32>
        %add3A_1408 = arith.addf %scan3A_1310, %bitcast_convert_type3A_1406 : vector<16xf32>
        %shift_left3A_1409 = arith.constant 16 : i32
        %shift_left3A_1410 = vector.broadcast %shift_left3A_1409 : i32 to vector<16xi32>
        %shift_left3A_1411 = arith.shli %bitcast3A_1352, %shift_left3A_1410 : vector<16xi32>
        %bitcast_convert_type3A_1412 = tpu.bitcast %shift_left3A_1411 : vector<16xi32> -> vector<16xf32>
        %and3A_1413 = arith.constant -65536 : i32
        %and3A_1414 = vector.broadcast %and3A_1413 : i32 to vector<16xi32>
        %and3A_1415 = arith.andi %bitcast3A_1352, %and3A_1414 : vector<16xi32>
        %bitcast_convert_type3A_1416 = tpu.bitcast %and3A_1415 : vector<16xi32> -> vector<16xf32>
        %add3A_1417 = arith.addf %scan3A_1311, %bitcast_convert_type3A_1412 : vector<16xf32>
        %add3A_1418 = arith.addf %scan3A_1312, %bitcast_convert_type3A_1416 : vector<16xf32>
        %shift_left3A_1419 = arith.constant 16 : i32
        %shift_left3A_1420 = vector.broadcast %shift_left3A_1419 : i32 to vector<16xi32>
        %shift_left3A_1421 = arith.shli %bitcast3A_1358, %shift_left3A_1420 : vector<16xi32>
        %bitcast_convert_type3A_1422 = tpu.bitcast %shift_left3A_1421 : vector<16xi32> -> vector<16xf32>
        %and3A_1423 = arith.constant -65536 : i32
        %and3A_1424 = vector.broadcast %and3A_1423 : i32 to vector<16xi32>
        %and3A_1425 = arith.andi %bitcast3A_1358, %and3A_1424 : vector<16xi32>
        %bitcast_convert_type3A_1426 = tpu.bitcast %and3A_1425 : vector<16xi32> -> vector<16xf32>
        %add3A_1427 = arith.addf %scan3A_1313, %bitcast_convert_type3A_1422 : vector<16xf32>
        %add3A_1428 = arith.addf %scan3A_1314, %bitcast_convert_type3A_1426 : vector<16xf32>
        scf.yield %add3A_1367, %add3A_1368, %add3A_1377, %add3A_1378, %add3A_1387, %add3A_1388, %add3A_1397, %add3A_1398, %add3A_1407, %add3A_1408, %add3A_1417, %add3A_1418, %add3A_1427, %add3A_1428 : vector<16xf32>, vector<16xf32>, vector<16xf32>, vector<16xf32>, vector<16xf32>, vector<16xf32>, vector<16xf32>, vector<16xf32>, vector<16xf32>, vector<16xf32>, vector<16xf32>, vector<16xf32>, vector<16xf32>, vector<16xf32>
      }
      %scan3A_1096 = arith.constant 25 : i32
      %scan3A_1097 = arith.constant 0 : i32
      %scan3A_1098 = arith.constant 25 : i32
      %scan3A_1099 = arith.addi %scan3A_1097, %scan3A_1098 : i32
      %scan3A_1100 = arith.constant 1 : i32
      %scan3A_1101:14 = scf.for %scan3A_1300 = %scan3A_1097 to %scan3A_1099 step %scan3A_1100 iter_args(%scan3A_1301 = %broadcast_in_dim3A_5, %scan3A_1302 = %broadcast_in_dim3A_5, %scan3A_1303 = %broadcast_in_dim3A_5, %scan3A_1304 = %broadcast_in_dim3A_5, %scan3A_1305 = %broadcast_in_dim3A_5, %scan3A_1306 = %broadcast_in_dim3A_5, %scan3A_1307 = %broadcast_in_dim3A_5, %scan3A_1308 = %broadcast_in_dim3A_5, %scan3A_1309 = %broadcast_in_dim3A_5, %scan3A_1310 = %broadcast_in_dim3A_5, %scan3A_1311 = %broadcast_in_dim3A_5, %scan3A_1312 = %broadcast_in_dim3A_5, %scan3A_1313 = %broadcast_in_dim3A_5, %scan3A_1314 = %broadcast_in_dim3A_5) -> (vector<16xf32>, vector<16xf32>, vector<16xf32>, vector<16xf32>, vector<16xf32>, vector<16xf32>, vector<16xf32>, vector<16xf32>, vector<16xf32>, vector<16xf32>, vector<16xf32>, vector<16xf32>, vector<16xf32>, vector<16xf32>)  : i32 {
        %add3A_1315 = arith.constant 51 : i32
        %add3A_1316 = arith.addi %add3A_1315, %scan3A_1300 : i32
        %add3A_1317 = arith.constant 80 : i32
        %add3A_1318 = arith.addi %add3A_1317, %add3A_1316 : i32
        %get3A_1319 = arith.index_cast %add3A_1318 : i32 to index
        %get3A_1320 = arith.constant 0 : index
        %get3A_1321 = tpu.vector_load %arg9[%get3A_1319, %get3A_1320] {strides = array<i32>} : memref<160x128xf32, #tpu.memory_space<vmem>>, vector<16xf32>,
        %bitcast3A_1322 = vector.bitcast %get3A_1321 : vector<16xf32> to vector<16xi32>
        %add3A_1323 = arith.constant 80 : i32
        %add3A_1324 = arith.addi %add3A_1323, %add3A_1316 : i32
        %get3A_1325 = arith.index_cast %add3A_1324 : i32 to index
        %get3A_1326 = arith.constant 16 : index
        %get3A_1327 = tpu.vector_load %arg9[%get3A_1325, %get3A_1326] {strides = array<i32>} : memref<160x128xf32, #tpu.memory_space<vmem>>, vector<16xf32>,
        %bitcast3A_1328 = vector.bitcast %get3A_1327 : vector<16xf32> to vector<16xi32>
        %add3A_1329 = arith.constant 80 : i32
        %add3A_1330 = arith.addi %add3A_1329, %add3A_1316 : i32
        %get3A_1331 = arith.index_cast %add3A_1330 : i32 to index
        %get3A_1332 = arith.constant 32 : index
        %get3A_1333 = tpu.vector_load %arg9[%get3A_1331, %get3A_1332] {strides = array<i32>} : memref<160x128xf32, #tpu.memory_space<vmem>>, vector<16xf32>,
        %bitcast3A_1334 = vector.bitcast %get3A_1333 : vector<16xf32> to vector<16xi32>
        %add3A_1335 = arith.constant 80 : i32
        %add3A_1336 = arith.addi %add3A_1335, %add3A_1316 : i32
        %get3A_1337 = arith.index_cast %add3A_1336 : i32 to index
        %get3A_1338 = arith.constant 48 : index
        %get3A_1339 = tpu.vector_load %arg9[%get3A_1337, %get3A_1338] {strides = array<i32>} : memref<160x128xf32, #tpu.memory_space<vmem>>, vector<16xf32>,
        %bitcast3A_1340 = vector.bitcast %get3A_1339 : vector<16xf32> to vector<16xi32>
        %add3A_1341 = arith.constant 80 : i32
        %add3A_1342 = arith.addi %add3A_1341, %add3A_1316 : i32
        %get3A_1343 = arith.index_cast %add3A_1342 : i32 to index
        %get3A_1344 = arith.constant 64 : index
        %get3A_1345 = tpu.vector_load %arg9[%get3A_1343, %get3A_1344] {strides = array<i32>} : memref<160x128xf32, #tpu.memory_space<vmem>>, vector<16xf32>,
        %bitcast3A_1346 = vector.bitcast %get3A_1345 : vector<16xf32> to vector<16xi32>
        %add3A_1347 = arith.constant 80 : i32
        %add3A_1348 = arith.addi %add3A_1347, %add3A_1316 : i32
        %get3A_1349 = arith.index_cast %add3A_1348 : i32 to index
        %get3A_1350 = arith.constant 80 : index
        %get3A_1351 = tpu.vector_load %arg9[%get3A_1349, %get3A_1350] {strides = array<i32>} : memref<160x128xf32, #tpu.memory_space<vmem>>, vector<16xf32>,
        %bitcast3A_1352 = vector.bitcast %get3A_1351 : vector<16xf32> to vector<16xi32>
        %add3A_1353 = arith.constant 80 : i32
        %add3A_1354 = arith.addi %add3A_1353, %add3A_1316 : i32
        %get3A_1355 = arith.index_cast %add3A_1354 : i32 to index
        %get3A_1356 = arith.constant 96 : index
        %get3A_1357 = tpu.vector_load %arg9[%get3A_1355, %get3A_1356] {strides = array<i32>} : memref<160x128xf32, #tpu.memory_space<vmem>>, vector<16xf32>,
        %bitcast3A_1358 = vector.bitcast %get3A_1357 : vector<16xf32> to vector<16xi32>
        %shift_left3A_1359 = arith.constant 16 : i32
        %shift_left3A_1360 = vector.broadcast %shift_left3A_1359 : i32 to vector<16xi32>
        %shift_left3A_1361 = arith.shli %bitcast3A_1322, %shift_left3A_1360 : vector<16xi32>
        %bitcast_convert_type3A_1362 = tpu.bitcast %shift_left3A_1361 : vector<16xi32> -> vector<16xf32>
        %and3A_1363 = arith.constant -65536 : i32
        %and3A_1364 = vector.broadcast %and3A_1363 : i32 to vector<16xi32>
        %and3A_1365 = arith.andi %bitcast3A_1322, %and3A_1364 : vector<16xi32>
        %bitcast_convert_type3A_1366 = tpu.bitcast %and3A_1365 : vector<16xi32> -> vector<16xf32>
        %add3A_1367 = arith.addf %scan3A_1301, %bitcast_convert_type3A_1362 : vector<16xf32>
        %add3A_1368 = arith.addf %scan3A_1302, %bitcast_convert_type3A_1366 : vector<16xf32>
        %shift_left3A_1369 = arith.constant 16 : i32
        %shift_left3A_1370 = vector.broadcast %shift_left3A_1369 : i32 to vector<16xi32>
        %shift_left3A_1371 = arith.shli %bitcast3A_1328, %shift_left3A_1370 : vector<16xi32>
        %bitcast_convert_type3A_1372 = tpu.bitcast %shift_left3A_1371 : vector<16xi32> -> vector<16xf32>
        %and3A_1373 = arith.constant -65536 : i32
        %and3A_1374 = vector.broadcast %and3A_1373 : i32 to vector<16xi32>
        %and3A_1375 = arith.andi %bitcast3A_1328, %and3A_1374 : vector<16xi32>
        %bitcast_convert_type3A_1376 = tpu.bitcast %and3A_1375 : vector<16xi32> -> vector<16xf32>
        %add3A_1377 = arith.addf %scan3A_1303, %bitcast_convert_type3A_1372 : vector<16xf32>
        %add3A_1378 = arith.addf %scan3A_1304, %bitcast_convert_type3A_1376 : vector<16xf32>
        %shift_left3A_1379 = arith.constant 16 : i32
        %shift_left3A_1380 = vector.broadcast %shift_left3A_1379 : i32 to vector<16xi32>
        %shift_left3A_1381 = arith.shli %bitcast3A_1334, %shift_left3A_1380 : vector<16xi32>
        %bitcast_convert_type3A_1382 = tpu.bitcast %shift_left3A_1381 : vector<16xi32> -> vector<16xf32>
        %and3A_1383 = arith.constant -65536 : i32
        %and3A_1384 = vector.broadcast %and3A_1383 : i32 to vector<16xi32>
        %and3A_1385 = arith.andi %bitcast3A_1334, %and3A_1384 : vector<16xi32>
        %bitcast_convert_type3A_1386 = tpu.bitcast %and3A_1385 : vector<16xi32> -> vector<16xf32>
        %add3A_1387 = arith.addf %scan3A_1305, %bitcast_convert_type3A_1382 : vector<16xf32>
        %add3A_1388 = arith.addf %scan3A_1306, %bitcast_convert_type3A_1386 : vector<16xf32>
        %shift_left3A_1389 = arith.constant 16 : i32
        %shift_left3A_1390 = vector.broadcast %shift_left3A_1389 : i32 to vector<16xi32>
        %shift_left3A_1391 = arith.shli %bitcast3A_1340, %shift_left3A_1390 : vector<16xi32>
        %bitcast_convert_type3A_1392 = tpu.bitcast %shift_left3A_1391 : vector<16xi32> -> vector<16xf32>
        %and3A_1393 = arith.constant -65536 : i32
        %and3A_1394 = vector.broadcast %and3A_1393 : i32 to vector<16xi32>
        %and3A_1395 = arith.andi %bitcast3A_1340, %and3A_1394 : vector<16xi32>
        %bitcast_convert_type3A_1396 = tpu.bitcast %and3A_1395 : vector<16xi32> -> vector<16xf32>
        %add3A_1397 = arith.addf %scan3A_1307, %bitcast_convert_type3A_1392 : vector<16xf32>
        %add3A_1398 = arith.addf %scan3A_1308, %bitcast_convert_type3A_1396 : vector<16xf32>
        %shift_left3A_1399 = arith.constant 16 : i32
        %shift_left3A_1400 = vector.broadcast %shift_left3A_1399 : i32 to vector<16xi32>
        %shift_left3A_1401 = arith.shli %bitcast3A_1346, %shift_left3A_1400 : vector<16xi32>
        %bitcast_convert_type3A_1402 = tpu.bitcast %shift_left3A_1401 : vector<16xi32> -> vector<16xf32>
        %and3A_1403 = arith.constant -65536 : i32
        %and3A_1404 = vector.broadcast %and3A_1403 : i32 to vector<16xi32>
        %and3A_1405 = arith.andi %bitcast3A_1346, %and3A_1404 : vector<16xi32>
        %bitcast_convert_type3A_1406 = tpu.bitcast %and3A_1405 : vector<16xi32> -> vector<16xf32>
        %add3A_1407 = arith.addf %scan3A_1309, %bitcast_convert_type3A_1402 : vector<16xf32>
        %add3A_1408 = arith.addf %scan3A_1310, %bitcast_convert_type3A_1406 : vector<16xf32>
        %shift_left3A_1409 = arith.constant 16 : i32
        %shift_left3A_1410 = vector.broadcast %shift_left3A_1409 : i32 to vector<16xi32>
        %shift_left3A_1411 = arith.shli %bitcast3A_1352, %shift_left3A_1410 : vector<16xi32>
        %bitcast_convert_type3A_1412 = tpu.bitcast %shift_left3A_1411 : vector<16xi32> -> vector<16xf32>
        %and3A_1413 = arith.constant -65536 : i32
        %and3A_1414 = vector.broadcast %and3A_1413 : i32 to vector<16xi32>
        %and3A_1415 = arith.andi %bitcast3A_1352, %and3A_1414 : vector<16xi32>
        %bitcast_convert_type3A_1416 = tpu.bitcast %and3A_1415 : vector<16xi32> -> vector<16xf32>
        %add3A_1417 = arith.addf %scan3A_1311, %bitcast_convert_type3A_1412 : vector<16xf32>
        %add3A_1418 = arith.addf %scan3A_1312, %bitcast_convert_type3A_1416 : vector<16xf32>
        %shift_left3A_1419 = arith.constant 16 : i32
        %shift_left3A_1420 = vector.broadcast %shift_left3A_1419 : i32 to vector<16xi32>
        %shift_left3A_1421 = arith.shli %bitcast3A_1358, %shift_left3A_1420 : vector<16xi32>
        %bitcast_convert_type3A_1422 = tpu.bitcast %shift_left3A_1421 : vector<16xi32> -> vector<16xf32>
        %and3A_1423 = arith.constant -65536 : i32
        %and3A_1424 = vector.broadcast %and3A_1423 : i32 to vector<16xi32>
        %and3A_1425 = arith.andi %bitcast3A_1358, %and3A_1424 : vector<16xi32>
        %bitcast_convert_type3A_1426 = tpu.bitcast %and3A_1425 : vector<16xi32> -> vector<16xf32>
        %add3A_1427 = arith.addf %scan3A_1313, %bitcast_convert_type3A_1422 : vector<16xf32>
        %add3A_1428 = arith.addf %scan3A_1314, %bitcast_convert_type3A_1426 : vector<16xf32>
        scf.yield %add3A_1367, %add3A_1368, %add3A_1377, %add3A_1378, %add3A_1387, %add3A_1388, %add3A_1397, %add3A_1398, %add3A_1407, %add3A_1408, %add3A_1417, %add3A_1418, %add3A_1427, %add3A_1428 : vector<16xf32>, vector<16xf32>, vector<16xf32>, vector<16xf32>, vector<16xf32>, vector<16xf32>, vector<16xf32>, vector<16xf32>, vector<16xf32>, vector<16xf32>, vector<16xf32>, vector<16xf32>, vector<16xf32>, vector<16xf32>
      }
      %scan3A_1102 = arith.constant 25 : i32
      %mul3A_1103 = vector.broadcast %reduce_sum3A_20 : f32 to vector<16xf32>
      %mul3A_1104 = arith.mulf %mul3A_1103, %add3A_1023 : vector<16xf32>
      %mul3A_1105 = vector.broadcast %mul3A_30 : f32 to vector<16xf32>
      %mul3A_1106 = arith.mulf %mul3A_1105, %scan3A_1089#0 : vector<16xf32>
      %add3A_1107 = arith.addf %mul3A_1104, %mul3A_1106 : vector<16xf32>
      %mul3A_1108 = vector.broadcast %mul3A_40 : f32 to vector<16xf32>
      %mul3A_1109 = arith.mulf %mul3A_1108, %scan3A_1095#0 : vector<16xf32>
      %add3A_1110 = arith.addf %add3A_1107, %mul3A_1109 : vector<16xf32>
      %mul3A_1111 = vector.broadcast %mul3A_50 : f32 to vector<16xf32>
      %mul3A_1112 = arith.mulf %mul3A_1111, %scan3A_1101#0 : vector<16xf32>
      %add3A_1113 = arith.addf %add3A_1110, %mul3A_1112 : vector<16xf32>
      %mul3A_1114 = vector.broadcast %reduce_sum3A_20 : f32 to vector<16xf32>
      %mul3A_1115 = arith.mulf %mul3A_1114, %add3A_1024 : vector<16xf32>
      %mul3A_1116 = vector.broadcast %mul3A_30 : f32 to vector<16xf32>
      %mul3A_1117 = arith.mulf %mul3A_1116, %scan3A_1089#1 : vector<16xf32>
      %add3A_1118 = arith.addf %mul3A_1115, %mul3A_1117 : vector<16xf32>
      %mul3A_1119 = vector.broadcast %mul3A_40 : f32 to vector<16xf32>
      %mul3A_1120 = arith.mulf %mul3A_1119, %scan3A_1095#1 : vector<16xf32>
      %add3A_1121 = arith.addf %add3A_1118, %mul3A_1120 : vector<16xf32>
      %mul3A_1122 = vector.broadcast %mul3A_50 : f32 to vector<16xf32>
      %mul3A_1123 = arith.mulf %mul3A_1122, %scan3A_1101#1 : vector<16xf32>
      %add3A_1124 = arith.addf %add3A_1121, %mul3A_1123 : vector<16xf32>
      %mul3A_1125 = vector.broadcast %reduce_sum3A_20 : f32 to vector<16xf32>
      %mul3A_1126 = arith.mulf %mul3A_1125, %add3A_1033 : vector<16xf32>
      %mul3A_1127 = vector.broadcast %mul3A_30 : f32 to vector<16xf32>
      %mul3A_1128 = arith.mulf %mul3A_1127, %scan3A_1089#2 : vector<16xf32>
      %add3A_1129 = arith.addf %mul3A_1126, %mul3A_1128 : vector<16xf32>
      %mul3A_1130 = vector.broadcast %mul3A_40 : f32 to vector<16xf32>
      %mul3A_1131 = arith.mulf %mul3A_1130, %scan3A_1095#2 : vector<16xf32>
      %add3A_1132 = arith.addf %add3A_1129, %mul3A_1131 : vector<16xf32>
      %mul3A_1133 = vector.broadcast %mul3A_50 : f32 to vector<16xf32>
      %mul3A_1134 = arith.mulf %mul3A_1133, %scan3A_1101#2 : vector<16xf32>
      %add3A_1135 = arith.addf %add3A_1132, %mul3A_1134 : vector<16xf32>
      %mul3A_1136 = vector.broadcast %reduce_sum3A_20 : f32 to vector<16xf32>
      %mul3A_1137 = arith.mulf %mul3A_1136, %add3A_1034 : vector<16xf32>
      %mul3A_1138 = vector.broadcast %mul3A_30 : f32 to vector<16xf32>
      %mul3A_1139 = arith.mulf %mul3A_1138, %scan3A_1089#3 : vector<16xf32>
      %add3A_1140 = arith.addf %mul3A_1137, %mul3A_1139 : vector<16xf32>
      %mul3A_1141 = vector.broadcast %mul3A_40 : f32 to vector<16xf32>
      %mul3A_1142 = arith.mulf %mul3A_1141, %scan3A_1095#3 : vector<16xf32>
      %add3A_1143 = arith.addf %add3A_1140, %mul3A_1142 : vector<16xf32>
      %mul3A_1144 = vector.broadcast %mul3A_50 : f32 to vector<16xf32>
      %mul3A_1145 = arith.mulf %mul3A_1144, %scan3A_1101#3 : vector<16xf32>
      %add3A_1146 = arith.addf %add3A_1143, %mul3A_1145 : vector<16xf32>
      %mul3A_1147 = vector.broadcast %reduce_sum3A_20 : f32 to vector<16xf32>
      %mul3A_1148 = arith.mulf %mul3A_1147, %add3A_1043 : vector<16xf32>
      %mul3A_1149 = vector.broadcast %mul3A_30 : f32 to vector<16xf32>
      %mul3A_1150 = arith.mulf %mul3A_1149, %scan3A_1089#4 : vector<16xf32>
      %add3A_1151 = arith.addf %mul3A_1148, %mul3A_1150 : vector<16xf32>
      %mul3A_1152 = vector.broadcast %mul3A_40 : f32 to vector<16xf32>
      %mul3A_1153 = arith.mulf %mul3A_1152, %scan3A_1095#4 : vector<16xf32>
      %add3A_1154 = arith.addf %add3A_1151, %mul3A_1153 : vector<16xf32>
      %mul3A_1155 = vector.broadcast %mul3A_50 : f32 to vector<16xf32>
      %mul3A_1156 = arith.mulf %mul3A_1155, %scan3A_1101#4 : vector<16xf32>
      %add3A_1157 = arith.addf %add3A_1154, %mul3A_1156 : vector<16xf32>
      %mul3A_1158 = vector.broadcast %reduce_sum3A_20 : f32 to vector<16xf32>
      %mul3A_1159 = arith.mulf %mul3A_1158, %add3A_1044 : vector<16xf32>
      %mul3A_1160 = vector.broadcast %mul3A_30 : f32 to vector<16xf32>
      %mul3A_1161 = arith.mulf %mul3A_1160, %scan3A_1089#5 : vector<16xf32>
      %add3A_1162 = arith.addf %mul3A_1159, %mul3A_1161 : vector<16xf32>
      %mul3A_1163 = vector.broadcast %mul3A_40 : f32 to vector<16xf32>
      %mul3A_1164 = arith.mulf %mul3A_1163, %scan3A_1095#5 : vector<16xf32>
      %add3A_1165 = arith.addf %add3A_1162, %mul3A_1164 : vector<16xf32>
      %mul3A_1166 = vector.broadcast %mul3A_50 : f32 to vector<16xf32>
      %mul3A_1167 = arith.mulf %mul3A_1166, %scan3A_1101#5 : vector<16xf32>
      %add3A_1168 = arith.addf %add3A_1165, %mul3A_1167 : vector<16xf32>
      %mul3A_1169 = vector.broadcast %reduce_sum3A_20 : f32 to vector<16xf32>
      %mul3A_1170 = arith.mulf %mul3A_1169, %add3A_1053 : vector<16xf32>
      %mul3A_1171 = vector.broadcast %mul3A_30 : f32 to vector<16xf32>
      %mul3A_1172 = arith.mulf %mul3A_1171, %scan3A_1089#6 : vector<16xf32>
      %add3A_1173 = arith.addf %mul3A_1170, %mul3A_1172 : vector<16xf32>
      %mul3A_1174 = vector.broadcast %mul3A_40 : f32 to vector<16xf32>
      %mul3A_1175 = arith.mulf %mul3A_1174, %scan3A_1095#6 : vector<16xf32>
      %add3A_1176 = arith.addf %add3A_1173, %mul3A_1175 : vector<16xf32>
      %mul3A_1177 = vector.broadcast %mul3A_50 : f32 to vector<16xf32>
      %mul3A_1178 = arith.mulf %mul3A_1177, %scan3A_1101#6 : vector<16xf32>
      %add3A_1179 = arith.addf %add3A_1176, %mul3A_1178 : vector<16xf32>
      %mul3A_1180 = vector.broadcast %reduce_sum3A_20 : f32 to vector<16xf32>
      %mul3A_1181 = arith.mulf %mul3A_1180, %add3A_1054 : vector<16xf32>
      %mul3A_1182 = vector.broadcast %mul3A_30 : f32 to vector<16xf32>
      %mul3A_1183 = arith.mulf %mul3A_1182, %scan3A_1089#7 : vector<16xf32>
      %add3A_1184 = arith.addf %mul3A_1181, %mul3A_1183 : vector<16xf32>
      %mul3A_1185 = vector.broadcast %mul3A_40 : f32 to vector<16xf32>
      %mul3A_1186 = arith.mulf %mul3A_1185, %scan3A_1095#7 : vector<16xf32>
      %add3A_1187 = arith.addf %add3A_1184, %mul3A_1186 : vector<16xf32>
      %mul3A_1188 = vector.broadcast %mul3A_50 : f32 to vector<16xf32>
      %mul3A_1189 = arith.mulf %mul3A_1188, %scan3A_1101#7 : vector<16xf32>
      %add3A_1190 = arith.addf %add3A_1187, %mul3A_1189 : vector<16xf32>
      %mul3A_1191 = vector.broadcast %reduce_sum3A_20 : f32 to vector<16xf32>
      %mul3A_1192 = arith.mulf %mul3A_1191, %add3A_1063 : vector<16xf32>
      %mul3A_1193 = vector.broadcast %mul3A_30 : f32 to vector<16xf32>
      %mul3A_1194 = arith.mulf %mul3A_1193, %scan3A_1089#8 : vector<16xf32>
      %add3A_1195 = arith.addf %mul3A_1192, %mul3A_1194 : vector<16xf32>
      %mul3A_1196 = vector.broadcast %mul3A_40 : f32 to vector<16xf32>
      %mul3A_1197 = arith.mulf %mul3A_1196, %scan3A_1095#8 : vector<16xf32>
      %add3A_1198 = arith.addf %add3A_1195, %mul3A_1197 : vector<16xf32>
      %mul3A_1199 = vector.broadcast %mul3A_50 : f32 to vector<16xf32>
      %mul3A_1200 = arith.mulf %mul3A_1199, %scan3A_1101#8 : vector<16xf32>
      %add3A_1201 = arith.addf %add3A_1198, %mul3A_1200 : vector<16xf32>
      %mul3A_1202 = vector.broadcast %reduce_sum3A_20 : f32 to vector<16xf32>
      %mul3A_1203 = arith.mulf %mul3A_1202, %add3A_1064 : vector<16xf32>
      %mul3A_1204 = vector.broadcast %mul3A_30 : f32 to vector<16xf32>
      %mul3A_1205 = arith.mulf %mul3A_1204, %scan3A_1089#9 : vector<16xf32>
      %add3A_1206 = arith.addf %mul3A_1203, %mul3A_1205 : vector<16xf32>
      %mul3A_1207 = vector.broadcast %mul3A_40 : f32 to vector<16xf32>
      %mul3A_1208 = arith.mulf %mul3A_1207, %scan3A_1095#9 : vector<16xf32>
      %add3A_1209 = arith.addf %add3A_1206, %mul3A_1208 : vector<16xf32>
      %mul3A_1210 = vector.broadcast %mul3A_50 : f32 to vector<16xf32>
      %mul3A_1211 = arith.mulf %mul3A_1210, %scan3A_1101#9 : vector<16xf32>
      %add3A_1212 = arith.addf %add3A_1209, %mul3A_1211 : vector<16xf32>
      %mul3A_1213 = vector.broadcast %reduce_sum3A_20 : f32 to vector<16xf32>
      %mul3A_1214 = arith.mulf %mul3A_1213, %add3A_1073 : vector<16xf32>
      %mul3A_1215 = vector.broadcast %mul3A_30 : f32 to vector<16xf32>
      %mul3A_1216 = arith.mulf %mul3A_1215, %scan3A_1089#10 : vector<16xf32>
      %add3A_1217 = arith.addf %mul3A_1214, %mul3A_1216 : vector<16xf32>
      %mul3A_1218 = vector.broadcast %mul3A_40 : f32 to vector<16xf32>
      %mul3A_1219 = arith.mulf %mul3A_1218, %scan3A_1095#10 : vector<16xf32>
      %add3A_1220 = arith.addf %add3A_1217, %mul3A_1219 : vector<16xf32>
      %mul3A_1221 = vector.broadcast %mul3A_50 : f32 to vector<16xf32>
      %mul3A_1222 = arith.mulf %mul3A_1221, %scan3A_1101#10 : vector<16xf32>
      %add3A_1223 = arith.addf %add3A_1220, %mul3A_1222 : vector<16xf32>
      %mul3A_1224 = vector.broadcast %reduce_sum3A_20 : f32 to vector<16xf32>
      %mul3A_1225 = arith.mulf %mul3A_1224, %add3A_1074 : vector<16xf32>
      %mul3A_1226 = vector.broadcast %mul3A_30 : f32 to vector<16xf32>
      %mul3A_1227 = arith.mulf %mul3A_1226, %scan3A_1089#11 : vector<16xf32>
      %add3A_1228 = arith.addf %mul3A_1225, %mul3A_1227 : vector<16xf32>
      %mul3A_1229 = vector.broadcast %mul3A_40 : f32 to vector<16xf32>
      %mul3A_1230 = arith.mulf %mul3A_1229, %scan3A_1095#11 : vector<16xf32>
      %add3A_1231 = arith.addf %add3A_1228, %mul3A_1230 : vector<16xf32>
      %mul3A_1232 = vector.broadcast %mul3A_50 : f32 to vector<16xf32>
      %mul3A_1233 = arith.mulf %mul3A_1232, %scan3A_1101#11 : vector<16xf32>
      %add3A_1234 = arith.addf %add3A_1231, %mul3A_1233 : vector<16xf32>
      %mul3A_1235 = vector.broadcast %reduce_sum3A_20 : f32 to vector<16xf32>
      %mul3A_1236 = arith.mulf %mul3A_1235, %add3A_1083 : vector<16xf32>
      %mul3A_1237 = vector.broadcast %mul3A_30 : f32 to vector<16xf32>
      %mul3A_1238 = arith.mulf %mul3A_1237, %scan3A_1089#12 : vector<16xf32>
      %add3A_1239 = arith.addf %mul3A_1236, %mul3A_1238 : vector<16xf32>
      %mul3A_1240 = vector.broadcast %mul3A_40 : f32 to vector<16xf32>
      %mul3A_1241 = arith.mulf %mul3A_1240, %scan3A_1095#12 : vector<16xf32>
      %add3A_1242 = arith.addf %add3A_1239, %mul3A_1241 : vector<16xf32>
      %mul3A_1243 = vector.broadcast %mul3A_50 : f32 to vector<16xf32>
      %mul3A_1244 = arith.mulf %mul3A_1243, %scan3A_1101#12 : vector<16xf32>
      %add3A_1245 = arith.addf %add3A_1242, %mul3A_1244 : vector<16xf32>
      %mul3A_1246 = vector.broadcast %reduce_sum3A_20 : f32 to vector<16xf32>
      %mul3A_1247 = arith.mulf %mul3A_1246, %add3A_1084 : vector<16xf32>
      %mul3A_1248 = vector.broadcast %mul3A_30 : f32 to vector<16xf32>
      %mul3A_1249 = arith.mulf %mul3A_1248, %scan3A_1089#13 : vector<16xf32>
      %add3A_1250 = arith.addf %mul3A_1247, %mul3A_1249 : vector<16xf32>
      %mul3A_1251 = vector.broadcast %mul3A_40 : f32 to vector<16xf32>
      %mul3A_1252 = arith.mulf %mul3A_1251, %scan3A_1095#13 : vector<16xf32>
      %add3A_1253 = arith.addf %add3A_1250, %mul3A_1252 : vector<16xf32>
      %mul3A_1254 = vector.broadcast %mul3A_50 : f32 to vector<16xf32>
      %mul3A_1255 = arith.mulf %mul3A_1254, %scan3A_1101#13 : vector<16xf32>
      %add3A_1256 = arith.addf %add3A_1253, %mul3A_1255 : vector<16xf32>
      %mul3A_1257 = arith.mulf %add3A_836, %add3A_1113 : vector<16xf32>
      %mul3A_1258 = arith.mulf %add3A_847, %add3A_1124 : vector<16xf32>
      %add3A_1259 = arith.addf %mul3A_1257, %mul3A_1258 : vector<16xf32>
      %mul3A_1260 = arith.mulf %add3A_858, %add3A_1135 : vector<16xf32>
      %add3A_1261 = arith.addf %add3A_1259, %mul3A_1260 : vector<16xf32>
      %mul3A_1262 = arith.mulf %add3A_869, %add3A_1146 : vector<16xf32>
      %add3A_1263 = arith.addf %add3A_1261, %mul3A_1262 : vector<16xf32>
      %mul3A_1264 = arith.mulf %add3A_880, %add3A_1157 : vector<16xf32>
      %add3A_1265 = arith.addf %add3A_1263, %mul3A_1264 : vector<16xf32>
      %mul3A_1266 = arith.mulf %add3A_891, %add3A_1168 : vector<16xf32>
      %add3A_1267 = arith.addf %add3A_1265, %mul3A_1266 : vector<16xf32>
      %mul3A_1268 = arith.mulf %add3A_902, %add3A_1179 : vector<16xf32>
      %add3A_1269 = arith.addf %add3A_1267, %mul3A_1268 : vector<16xf32>
      %mul3A_1270 = arith.mulf %add3A_913, %add3A_1190 : vector<16xf32>
      %add3A_1271 = arith.addf %add3A_1269, %mul3A_1270 : vector<16xf32>
      %mul3A_1272 = arith.mulf %add3A_924, %add3A_1201 : vector<16xf32>
      %add3A_1273 = arith.addf %add3A_1271, %mul3A_1272 : vector<16xf32>
      %mul3A_1274 = arith.mulf %add3A_935, %add3A_1212 : vector<16xf32>
      %add3A_1275 = arith.addf %add3A_1273, %mul3A_1274 : vector<16xf32>
      %mul3A_1276 = arith.mulf %add3A_946, %add3A_1223 : vector<16xf32>
      %add3A_1277 = arith.addf %add3A_1275, %mul3A_1276 : vector<16xf32>
      %mul3A_1278 = arith.mulf %add3A_957, %add3A_1234 : vector<16xf32>
      %add3A_1279 = arith.addf %add3A_1277, %mul3A_1278 : vector<16xf32>
      %mul3A_1280 = arith.mulf %add3A_968, %add3A_1245 : vector<16xf32>
      %add3A_1281 = arith.addf %add3A_1279, %mul3A_1280 : vector<16xf32>
      %mul3A_1282 = arith.mulf %add3A_979, %add3A_1256 : vector<16xf32>
      %add3A_1283 = arith.addf %add3A_1281, %mul3A_1282 : vector<16xf32>
      %reduce_sum3A_1284 = arith.constant true
      %reduce_sum3A_1285 = vector.broadcast %reduce_sum3A_1284 : i1 to vector<16xi1>
      %reduce_sum3A_1286 = tpu.scan <sum>, %add3A_1283 masked %reduce_sum3A_1285 : vector<16xf32>, vector<16xi1> -> vector<16xf32>
      %reduce_sum3A_1287 = vector.extract %reduce_sum3A_1286[15] : f32 from vector<16xf32>
      %broadcast_in_dim3A_1288 = vector.broadcast %add3A_101 : i32 to vector<16xi32>
      %broadcast_in_dim3A_1289 = vector.broadcast %reduce_sum3A_1287 : f32 to vector<16xf32>
      %eq3A_1290 = arith.constant 0 : i32
      %eq3A_1291 = vector.broadcast %eq3A_1290 : i32 to vector<16xi32>
      %eq3A_1292 = arith.cmpi eq, %iota3A, %eq3A_1291 : vector<16xi32>
      tpu.vector_store_idx %arg10[%broadcast_in_dim3A_1288], %broadcast_in_dim3A_1289 masked %eq3A_1292 : memref<128xf32, #tpu.memory_space<vmem>>[vector<16xi32>], vector<16xf32>, vector<16xi1>
      %add3A_1293 = arith.constant 2 : i32
      %add3A_1294 = arith.addi %add3A_101, %add3A_1293 : i32
      %lt3A_1295 = arith.constant 128 : i32
      %lt3A_1296 = arith.cmpi slt, %add3A_1294, %lt3A_1295 : i32
      %convert_element_type3A_1297 = arith.extui %lt3A_1296 : i1 to i32
      %cond3A_1298 = arith.constant 0 : i32
      %cond3A_1299 = arith.cmpi ne, %convert_element_type3A_1297, %cond3A_1298 : i32
      scf.if %cond3A_1299 {
        %add3A_1300 = arith.constant 2 : i32
        %add3A_1301 = arith.addi %add3A_101, %add3A_1300 : i32
        %mul3A_1302 = arith.constant 2 : i32
        %mul3A_1303 = arith.muli %mul3A_1302, %add3A_1301 : i32
        %dma_start3A_1304 = arith.constant 0 : i32
        %dma_start3A_1305 = arith.constant 0 : i32
        %dma_start3A_1306 = tpu.memref_slice %arg9[%dma_start3A_1304, %dma_start3A_1305] : memref<160x128xf32, #tpu.memory_space<vmem>> -> memref<128x128xf32, #tpu.memory_space<vmem>>
        %dma_start3A_1307 = arith.constant 0 : i32
        %dma_start3A_1308 = tpu.memref_slice %arg7[%mul3A_1303, %dma_start3A_1307] : memref<256x128xi32, #tpu.memory_space<vmem>> -> memref<1x128xi32, #tpu.memory_space<vmem>>
        %dma_start3A_1309 = tpu.memref_squeeze %dma_start3A_1308 : memref<1x128xi32, #tpu.memory_space<vmem>> -> memref<128xi32, #tpu.memory_space<vmem>>
        %dma_start3A_1310 = arith.constant 0 : i32
        %dma_start3A_1311 = arith.constant 0 : i32
        %dma_start3A_1312 = tpu.memref_slice %arg2[%dma_start3A_1310, %dma_start3A_1311] : memref<100000x128xf32, #tpu.memory_space<hbm>> -> memref<100000x128xf32, #tpu.memory_space<hbm>>
        tpu.enqueue_indirect_dma source(%dma_start3A_1312 : memref<100000x128xf32, #tpu.memory_space<hbm>>) target(%dma_start3A_1306 : memref<128x128xf32, #tpu.memory_space<vmem>>) offsets(%dma_start3A_1309 : memref<128xi32, #tpu.memory_space<vmem>>) semaphore(%arg12 : memref<!tpu.dma_semaphore, #tpu.memory_space<semaphore_mem>>)
        %mul3A_1313 = arith.constant 2 : i32
        %mul3A_1314 = arith.muli %mul3A_1313, %add3A_1301 : i32
        %add3A_1315 = arith.constant 1 : i32
        %add3A_1316 = arith.addi %mul3A_1314, %add3A_1315 : i32
        %dma_start3A_1317 = arith.constant 128 : i32
        %dma_start3A_1318 = arith.constant 0 : i32
        %dma_start3A_1319 = tpu.memref_slice %arg9[%dma_start3A_1317, %dma_start3A_1318] : memref<160x128xf32, #tpu.memory_space<vmem>> -> memref<32x128xf32, #tpu.memory_space<vmem>>
        %dma_start3A_1320 = arith.constant 0 : i32
        %dma_start3A_1321 = tpu.memref_slice %arg7[%add3A_1316, %dma_start3A_1320] : memref<256x128xi32, #tpu.memory_space<vmem>> -> memref<1x32xi32, #tpu.memory_space<vmem>>
        %dma_start3A_1322 = tpu.memref_squeeze %dma_start3A_1321 : memref<1x32xi32, #tpu.memory_space<vmem>> -> memref<32xi32, #tpu.memory_space<vmem>>
        %dma_start3A_1323 = arith.constant 0 : i32
        %dma_start3A_1324 = arith.constant 0 : i32
        %dma_start3A_1325 = tpu.memref_slice %arg2[%dma_start3A_1323, %dma_start3A_1324] : memref<100000x128xf32, #tpu.memory_space<hbm>> -> memref<100000x128xf32, #tpu.memory_space<hbm>>
        tpu.enqueue_indirect_dma source(%dma_start3A_1325 : memref<100000x128xf32, #tpu.memory_space<hbm>>) target(%dma_start3A_1319 : memref<32x128xf32, #tpu.memory_space<vmem>>) offsets(%dma_start3A_1322 : memref<32xi32, #tpu.memory_space<vmem>>) semaphore(%arg12 : memref<!tpu.dma_semaphore, #tpu.memory_space<semaphore_mem>>)
      } else {
      }
    }
    %scan3A_94 = arith.constant 64 : i32
    "tpu.region"() ({
      %run_scoped3A = tpu.sem_alloc : memref<!tpu.dma_semaphore, #tpu.memory_space<semaphore_mem>>
      %dma_start3A_95 = arith.constant 0 : i32
      %dma_start3A_96 = tpu.memref_slice %arg5[%add3A, %dma_start3A_95] : memref<32x128xf32, #tpu.memory_space<hbm>> -> memref<1x128xf32, #tpu.memory_space<hbm>>
      %dma_start3A_97 = tpu.memref_squeeze %dma_start3A_96 : memref<1x128xf32, #tpu.memory_space<hbm>> -> memref<128xf32, #tpu.memory_space<hbm>>
      %dma_start3A_98 = arith.constant 0 : i32
      %dma_start3A_99 = tpu.memref_slice %arg5[%add3A, %dma_start3A_98] : memref<32x128xf32, #tpu.memory_space<hbm>> -> memref<1x128xf32, #tpu.memory_space<hbm>>
      %dma_start3A_100 = tpu.memref_squeeze %dma_start3A_99 : memref<1x128xf32, #tpu.memory_space<hbm>> -> memref<128xf32, #tpu.memory_space<hbm>>
      tpu.enqueue_dma source(%arg10 : memref<128xf32, #tpu.memory_space<vmem>>) target(%dma_start3A_100 : memref<128xf32, #tpu.memory_space<hbm>>) target_semaphore(%run_scoped3A : memref<!tpu.dma_semaphore, #tpu.memory_space<semaphore_mem>>)
      %dma_wait3A = arith.constant 0 : i32
      %dma_wait3A_101 = tpu.memref_slice %arg5[%add3A, %dma_wait3A] : memref<32x128xf32, #tpu.memory_space<hbm>> -> memref<1x128xf32, #tpu.memory_space<hbm>>
      %dma_wait3A_102 = tpu.memref_squeeze %dma_wait3A_101 : memref<1x128xf32, #tpu.memory_space<hbm>> -> memref<128xf32, #tpu.memory_space<hbm>>
      %dma_wait3A_103 = arith.constant 0 : i32
      %dma_wait3A_104 = tpu.memref_slice %arg5[%add3A, %dma_wait3A_103] : memref<32x128xf32, #tpu.memory_space<hbm>> -> memref<1x128xf32, #tpu.memory_space<hbm>>
      %dma_wait3A_105 = tpu.memref_squeeze %dma_wait3A_104 : memref<1x128xf32, #tpu.memory_space<hbm>> -> memref<128xf32, #tpu.memory_space<hbm>>
      tpu.wait_dma2 semaphore(%run_scoped3A : memref<!tpu.dma_semaphore, #tpu.memory_space<semaphore_mem>>) src(%arg10 : memref<128xf32, #tpu.memory_space<vmem>>) dst(%dma_wait3A_105 : memref<128xf32, #tpu.memory_space<hbm>>)
      tpu.yield
    }) : () -> ()
    return
  }
}

</mosaic_0001>

<sc_bundles>
// kernel: kernel.3.cloned.1.call-start
scs
__scs_entry_jumppad:
0x0: {  	(pc) =	sbr.rel $0x88, $3  }
0x1: {  	(tag) =	ssettag $0x0;
	lr =	simm.s32 $0x1  }
0x2: {  	[smem:$0x3F9B] =	sst lr;
	_ =	strace $0xD0000000  }
0x3: {  	_ = 	snop  }
0x4: {  	_ = 	snop  }
0x5: {  	_ = 	snop  }
0x6: {  	_ = 	snop  }
0x7: {  	_ = 	snop  }
__scs_overlays_trampoline_lowered:
0x8: {  	[smem:$0x3FAA] =	sst s0  }
0x9: {  	[smem:$0x3FAB] =	sst s1  }
0xa: {  	[smem:$0x3FAC] =	sst s2  }
0xb: {  	[smem:$0x3FAD] =	sst s3  }
0xc: {  	[smem:$0x3FAE] =	sst s4  }
0xd: {  	[smem:$0x3FAF] =	sst s5  }
0xe: {  	[smem:$0x3FB0] =	sst s6  }
0xf: {  	[smem:$0x3FB1] =	sst s7  }
0x10: {  	[smem:$0x3FB2] =	sst s8  }
0x11: {  	[smem:$0x3FB3] =	sst s9;
	s0 =	simm.s32 @!p0 $0x0  }
0x12: {  	s1 =	sld [smem:$0x3F99];
	s0 =	simm.s32 @p0 $0x1  }
0x13: {  	[smem:$0x3FB4] =	sst s0;
	s0 =	simm.s32 @!p1 $0x0  }
0x14: {  	s2 =	sld [smem:$0x3F98];
	s0 =	simm.s32 @p1 $0x1  }
0x15: {  	[smem:$0x3FB5] =	sst s0;
	s0 =	simm.s32 @!p2 $0x0  }
0x16: {  	s3 =	sld [smem:$0x3FDB];
	s0 =	simm.s32 @p2 $0x1  }
0x17: {  	s4 =	simm.s32 $0x1BF5;
	[smem:$0x3FB7] =	sst s0  }
0x18: {  	s0 =	sld [smem:$0x3F9A];
	_ =	swait.ge [sflag:s4], $0x0  }
0x19: {  	s7 =	sld [smem:$0x3F9B]  }
0x1a: {  	s8 =	sadd.s32 $0xFFFFE003, lr  }
0x1b: {  	s9 =	sadd.s32 $0xFFFFFEF7, lr;
	s5 =	simm.s32 $0xFFFFFFFF;
	p2 =	slt.u32 s8, $0xFFFFF086  }
0x1c: {  	p1 =	slt.u32 s9, $0xF7A;
	s5 =	simm.s32 @!p2 $0x0  }
0x1d: {  	s5 =	simm.s32 @p1 $0x1;
	p0 =	seq.s32 s7, s2  }
0x1e: {  	s7 =	smul.u32 @!p0 $0xF7A, s2;
	p2 =	seq.s32 @!p0 s5, $0x0  }
0x1f: {  	s9 =	smul.u32 $0xF7A, s1;
	s8 =	simm.s32 @!p0 $0x1BF5;
	p2 =	por !p2, p0  }
0x20: {  	[sflag:s8] =	ssyncset.s32 @!p0 $0xFFFFF086;
	s6 =	sadd.s32 @!p0 s3, s7;
	s7 =	simm.s32 @!p0 $0x108  }
0x21: {  	s3 =	sadd.s32 s3, s9;
	s6 =	sadd.s32 @!p0 $0x88, s6;
	s7 =	simm.s32 @p2 $0x1082  }
0x22: {  	[simem:s7], [sflag:s8] =	dma.local @!p0 [hbm:s6], $0xF7A  }
0x23: {  	s9 =	sor.u32 $0xD0000000, s2;
	s6 =	simm.s32 $0x108;
	_ =	swait.ge @!p0 [sflag:s8], $0x0  }
0x24: {  	s3 =	sadd.s32 $0x88, s3;
	s6 =	simm.s32 @!p1 $0x1082;
	[sflag:s4] =	ssyncset.s32 $0xFFFFF086  }
0x25: {  	[simem:s6], [sflag:s4] =	dma.local [hbm:s3], $0xF7A  }
0x26: {  	[smem:$0x3F9B] =	sst s1;
	(tag) =	ssettag s2;
	_ =	strace s9  }
0x27: {  	s1 =	sld [smem:$0x3FAB]  }
0x28: {  	s2 =	sld [smem:$0x3FAC]  }
0x29: {  	s4 =	sld [smem:$0x3FAE]  }
0x2a: {  	p0 =	seq.s32 s5, $0x0;
	s5 =	sld [smem:$0x3FAF]  }
0x2b: {  	s6 =	sld [smem:$0x3FB0]  }
0x2c: {  	s7 =	sld [smem:$0x3FB1]  }
0x2d: {  	s3 =	simm.s32 $0x108;
	s8 =	sld [smem:$0x3FB2]  }
0x2e: {  	s3 =	simm.s32 @!p0 $0x1082;
	s9 =	sld [smem:$0x3FB3]  }
0x2f: {  	lr =	sadd.s32 s0, s3;
	s0 =	sld [smem:$0x3FAA]  }
0x30: {  	s3 =	sld [smem:$0x3FAD]  }
0x31: {  	[smem:$0x3FB6] =	sst s10  }
0x32: {  	s10 =	sld [smem:$0x3FB4];
	_ =	sdelay $0x3  }
0x33: {  	p0 =	seq.s32 s10, $0x1;
	s10 =	sld [smem:$0x3FB6];
	_ =	sdelay $0x3  }
0x34: {  	[smem:$0x3FB6] =	sst s10  }
0x35: {  	s10 =	sld [smem:$0x3FB5];
	_ =	sdelay $0x3  }
0x36: {  	p1 =	seq.s32 s10, $0x1;
	s10 =	sld [smem:$0x3FB6];
	_ =	sdelay $0x3  }
0x37: {  	[smem:$0x3FB6] =	sst s10  }
0x38: {  	s10 =	sld [smem:$0x3FB7]  }
0x39: {  	_ = 	snop;
	(pc) =	sbr.ind lr, $3  }
0x3a: {  	_ = 	snop  }
0x3b: {  	_ = 	snop  }
0x3c: {  	p2 =	seq.s32 s10, $0x1;
	s10 =	sld [smem:$0x3FB6]  }
0x3d: {  	_ =	shalt  }
0x3e: {  	_ =	shalt  }
0x3f: {  	_ =	shalt  }
0x40: {  	_ =	shalt  }
0x41: {  	_ =	shalt  }
0x42: {  	_ =	shalt  }
0x43: {  	_ =	shalt  }
0x44: {  	_ =	shalt  }
0x45: {  	_ =	shalt  }
0x46: {  	_ =	shalt  }
0x47: {  	_ =	shalt  }
0x48: {  	_ =	shalt  }
0x49: {  	_ =	shalt  }
0x4a: {  	_ =	shalt  }
0x4b: {  	_ =	shalt  }
0x4c: {  	_ =	shalt  }
0x4d: {  	_ =	shalt  }
0x4e: {  	_ =	shalt  }
0x4f: {  	_ =	shalt  }
0x50: {  	_ =	shalt  }
0x51: {  	_ =	shalt  }
0x52: {  	_ =	shalt  }
0x53: {  	_ =	shalt  }
0x54: {  	_ =	shalt  }
0x55: {  	_ =	shalt  }
0x56: {  	_ =	shalt  }
0x57: {  	_ =	shalt  }
0x58: {  	_ =	shalt  }
0x59: {  	_ =	shalt  }
0x5a: {  	_ =	shalt  }
0x5b: {  	_ =	shalt  }
0x5c: {  	_ =	shalt  }
0x5d: {  	_ =	shalt  }
0x5e: {  	_ =	shalt  }
0x5f: {  	_ =	shalt  }
0x60: {  	_ =	shalt  }
0x61: {  	_ =	shalt  }
0x62: {  	_ =	shalt  }
0x63: {  	_ =	shalt  }
0x64: {  	_ =	shalt  }
0x65: {  	_ =	shalt  }
0x66: {  	_ =	shalt  }
0x67: {  	_ =	shalt  }
0x68: {  	_ =	shalt  }
0x69: {  	_ =	shalt  }
0x6a: {  	_ =	shalt  }
0x6b: {  	_ =	shalt  }
0x6c: {  	_ =	shalt  }
0x6d: {  	_ =	shalt  }
0x6e: {  	_ =	shalt  }
0x6f: {  	_ =	shalt  }
0x70: {  	_ =	shalt  }
0x71: {  	_ =	shalt  }
0x72: {  	_ =	shalt  }
0x73: {  	_ =	shalt  }
0x74: {  	_ =	shalt  }
0x75: {  	_ =	shalt  }
0x76: {  	_ =	shalt  }
0x77: {  	_ =	shalt  }
0x78: {  	_ =	shalt  }
0x79: {  	_ =	shalt  }
0x7a: {  	_ =	shalt  }
0x7b: {  	_ =	shalt  }
0x7c: {  	_ =	shalt  }
0x7d: {  	_ =	shalt  }
0x7e: {  	_ =	shalt  }
0x7f: {  	_ =	shalt  }
0x80: {  	_ =	shalt  }
0x81: {  	_ =	shalt  }
0x82: {  	_ =	shalt  }
0x83: {  	_ =	shalt  }
0x84: {  	_ =	shalt  }
0x85: {  	_ =	shalt  }
0x86: {  	_ =	shalt  }
0x87: {  	_ =	shalt  }
.Lfunc_end0:
.L_simem_size_0:
called_computation_lowered:
.L_overlay_start_0:
0x88: {  	s2 =	sld [smem:$0x3FD9]  }
0x89: {  	s3 =	sld [smem:$0x3FFE];
	_ =	sdelay $0x1  }
0x8a: {  	s1 =	srdreg.scid  }
0x8b: {  	s0 =	sand.u32 $0x1, s1  }
0x8c: {  	s17 =	sshll.u32 s0, $0xA;
	s2 =	sadd.s32 s3, s2  }
0x8d: {  	s2 =	sadd.s32 s2, s17  }
0x8e: {  	[smem:$0x3FC2] =	sst s2  }
0x8f: {  	_ = 	snop  }
0x90: {  	s2 =	sld [smem:$0x3FD0];
	(tm) =	ssettm $0x1  }
0x91: {  	s18 =	sld [smem:$0x3FFB];
	_ =	sdelay $0x3  }
0x92: {  	_ =	strace s18  }
0x93: {  	s3 =	sld [smem:$0x3FFC];
	_ =	sdelay $0x3  }
0x94: {  	_ =	strace s3  }
0x95: {  	s3 =	sld [smem:$0x3FFD];
	_ =	sdelay $0x3  }
0x96: {  	_ =	strace s3  }
0x97: {  	_ =	strace $0x8FFFFFFF  }
0x98: {  	s19 =	sld [smem:$0x3FDB];
	_ =	sdelay $0x1  }
0x99: {  	s4 =	simm.s32 $_scs_section_size  }
0x9a: {  	s5 =	simm.s32 $_size__tile_overlayer_lowered;
	s6 =	simm.s32 $_tile_overlayer_lowered  }
0x9b: {  	s22 =	simm.s32 $0x1BFF;
	s21 =	sshll.u32 s6, $0x1;
	s3 =	sadd.s32 s4, s19  }
0x9c: {  	s7 =	simm.s32 $0x0;
	s20 =	sshll.u32 s5, $0x1;
	s5 =	sadd.s32 s21, s3  }
0x9d: {  	[timem:s7], [sflag:s22] =	dma.local [hbm:s5], s20  }
0x9e: {  	_ =	swait.ge [sflag:s22], s20  }
0x9f: {  	s4 =	ssub.s32 $0x0, s20;
	[sflag:s22] =	ssyncset.done $0x0  }
0xa0: {  	[sflag:s22] =	ssyncadd.s32 s4;
	_ =	sdelay $0x1  }
0xa1: {  	s23 =	simm.s32 $0x1B8B  }
0xa2: {  	_ =	swait.ge [sflag:s23], $0x1  }
0xa3: {  	[sflag:s23] =	ssyncset.done $0x0  }
0xa4: {  	s25 =	simm.s32 $0x1B8E;
	s24 =	sld [smem:$0x3FFE];
	[sflag:s23] =	ssyncadd.s32 $0xFFFFFFFF  }
0xa5: {  	s26 =	simm.s32 $execute0_lowered;
	[smem:$0x3FD2] =	sst s25  }
0xa6: {  	s5 =	sshll.u32 s26, $0x1;
	_ =	strace $0x80000046;
	[dreg:$0x1] =	wrdreg $0xFFFFFFFF  }
0xa7: {  	s28 =	simm.s32 $_size_execute0_lowered;
	s3 =	sadd.s32 s3, s5;
	[dreg:$0x0] =	wrdreg $0x0  }
0xa8: {  	s5 =	sshll.u32 s28, $0x1;
	[dreg:$0x2] =	wrdreg s3  }
0xa9: {  	[dreg:$0x3] =	wrdreg s5  }
0xaa: {  	[dreg:$0x4] =	wrdreg $0xC0  }
0xab: {  	_ =	task [dreg:s7], $0x5FFFF  }
0xac: {  	[dreg:$0x1] =	wrdreg $0xFFFFFFFF  }
0xad: {  	[dreg:$0x0] =	wrdreg $0x60  }
0xae: {  	[dreg:$0x2] =	wrdreg s24  }
0xaf: {  	[dreg:$0x3] =	wrdreg s2  }
0xb0: {  	[dreg:$0x4] =	wrdreg $0x9  }
0xb1: {  	_ =	task.clear_ibuf [dreg:s7], $0x5FFFF;
	_ =	strace $0x90000046  }
0xb2: {  	s29 =	simm.s32 $0x9;
	_ =	strace $0x80000048  }
0xb3: {  	_ =	swait.ge [sflag:s29], $0x1  }
0xb4: {  	[sflag:s29] =	ssyncadd.s32 $0xFFFFFFFF  }
0xb5: {  	_ =	strace $0x90000048  }
0xb6: {  	_ =	sfence  }
0xb7: {  	s30 =	sld [smem:$0x0];
	_ =	sdelay $0x2  }
0xb8: {  	s31 =	sshll.u32 s1, $0xD;
	s1 =	sshrl.u32 s1, $0x2  }
0xb9: {  	s3 =	sand.u32 $0x4000, s31;
	s1 =	sadd.s32 s1, s30  }
0xba: {  	s0 =	sor.u32 s3, s0;
	s1 =	sshll.u32 s1, $0x11  }
0xbb: {  	s0 =	sor.u32 s1, s0  }
0xbc: {  	s0 =	sadd.s32 $0x8F2B, s0  }
0xbd: {  	[sflag:s0] =	ssyncadd.remote.s32 $0x1  }
0xbe: {  	_ =	sfence.sel $0xFFFF  }
0xbf: {  	[dreg:$0x0] =	wrdreg $0xFFFFFFFF;
	(pc) =	sbr.abs _section_cstart, $3  }
0xc0: {  	[dreg:$0x1] =	wrdreg $0xFFFFFFFF  }
0xc1: {  	_ =	task.clear_ibuf [dreg:s7], $0x2FFFF;
	_ =	strace $0x9FFFFFFF  }
0xc2: {  	(tm) =	ssettm $0x7FFFFFFF  }
0xc3: {  	_ =	shalt  }
tec
execute0_lowered:
.L_overlay_start_1:
0x0: {  	(tag) =	ssettag $0x1  }
0x1: {  	s5 =	rddreg [dreg:$0x0]  }
0x2: {  	s6 =	rddreg [dreg:$0x1]  }
0x3: {  	s0 =	rddreg [dreg:$0x2];
	s2 =	simm.s32 $0x0;
	s3 =	srdreg.scid  }
0x4: {  	s1 =	stileid.u32;
	s11 =	simm.s32 $0x8010;
	s12 =	simm.s32 $0x20  }
0x5: {  	s13 =	simm.s32 $0x90;
	s14 =	simm.s32 $0xC010;
	s15 =	simm.s32 $0x110  }
0x6: {  	s16 =	simm.s32 $0xD010;
	s17 =	simm.s32 $0x190;
	s18 =	simm.s32 $0x11010  }
0x7: {  	s19 =	simm.s32 $0x1;
	s20 =	simm.s32 $0x12010;
	s21 =	simm.s32 $0x2  }
0x8: {  	s22 =	simm.s32 $0x0;
	[smem:$0x7FF] =	sst s2;
	s4 =	sand.u32 $0x1, s3  }
0x9: {  	s7 =	sshll.u32 s1, $0x1;
	s3 =	sadd.s32 $0x1B400, s5;
	_ =	strace $0x80000047  }
.Ltmp0:
0xa: {  	s7 =	sor.u32 s4, s7;
	s8 =	ssub.s32 $0x2, s4;
	(pc) =	sbr.rel .LBB2_1-.Ltmp0, $4  }
0xb: {  	s4 =	sadd.s32 $0x1400, s5;
	s9 =	sshll.u32 s7, $0xC;
	s10 =	sshrl.u32 s8, $0x1  }
0xc: {  	s7 =	sshll.u32 s7, $0x4;
	s5 =	sadd.s32 s9, s5;
	s8 =	ssub.s32 s8, s10  }
0xd: {  	vm0 =	vmmov $0x1;
	s6 =	sadd.s32 s6, s7;
	s9 =	simm.s32 $0x10;
	s10 =	simm.s32 $0x80  }
0xe: {  	vm1 =	vcmask $0x308;
	vm2 =	vcmask $0x70C;
	vm3 =	vcmask $0xB10;
	s5 =	sadd.s32 $0x1A1E00, s5;
	s7 =	smax.u32 s8, $0x1;
	s8 =	simm.s32 $0x3  }
.LBB2_28:
0xf: {  	s22 =	sadd.s32 $0x1, s22  }
0x10: {  	p0 =	sne.s32 s22, s7  }
.Ltmp1:
0x11: {  	_ = 	snop;
	(pc) =	sbr.rel @!p0 .LBB2_29-.Ltmp1, $4  }
0x12: {  	[hbm4b:s6+s2] =	stream.linear.scatter [tilespmem:s20], [sflag:$0x3], $0x80, $0x38;
	[tilespmem:$0x12090] =	vst v63  }
0x13: {  	_ =	swait.ge [sflag:s8], $0x80  }
0x14: {  	[sflag:s8] =	ssyncset.done $0x0  }
0x15: {  	[sflag:s8] =	ssyncadd.s32 $0xFFFFFF80  }
.LBB2_1:
0x16: {  	[tilespmem:s2], [sflag:$0x3] =	stream.linear.gather [hbm4b:s4+s2], $0x10, $0x38;
	[tilespmem:$0x12090] =	vst v63  }
0x17: {  	_ =	swait.ge [sflag:s8], $0x10  }
0x18: {  	[sflag:s8] =	ssyncset.done $0x0  }
0x19: {  	[sflag:s8] =	ssyncadd.s32 $0xFFFFFFF0  }
0x1a: {  	[tilespmem:s9], [sflag:$0x3] =	stream.linear.gather [hbm4b:s5+s2], $0x8000, $0x38;
	[tilespmem:$0x12090] =	vst v63  }
0x1b: {  	_ =	swait.ge [sflag:s8], $0x8000  }
0x1c: {  	[sflag:s8] =	ssyncset.done $0x0  }
0x1d: {  	[sflag:s8] =	ssyncadd.s32 $0xFFFF8000  }
0x1e: {  	v0 =	vld [tilespmem:$0x0];
	_ =	sdelay $0x4  }
0x1f: {  	(xrf0) =	vmax.scan.msk.f32 $0xffff, v0;
	_ =	sdelay $0x5  }
0x20: {  	v1, _, _ =	vpop (xrf0)  }
0x21: {  	v1 =	vbroadcast v1, $0xF;
	_ =	sdelay $0x1  }
0x22: {  	v0 =	vsub.f32 v0, v1;
	_ =	sdelay $0x1  }
0x23: {  	v0 =	vmul.f32 $1.442695020e+00, v0;
	_ =	sdelay $0x1  }
0x24: {  	(erf) = vpow2.f32 v0;
	_ =	sdelay $0x8  }
0x25: {  	v0 =	vpop (erf)  }
0x26: {  	(xrf2) =	vadd.scan.msk.f32 $0xffff, v0;
	_ =	sdelay $0x9  }
0x27: {  	v1, _, _ =	vpop (xrf2)  }
0x28: {  	v1 =	vbroadcast v1, $0xF;
	_ =	sdelay $0x1  }
0x29: {  	(erf) = vrcp.f32 v1;
	_ =	sdelay $0x8  }
0x2a: {  	v1 =	vpop (erf)  }
0x2b: {  	v0 =	vmul.f32 v1, v0;
	_ =	sdelay $0x1  }
0x2c: {  	v1 =	vnsel vm0, $0x0, v0  }
0x2d: {  	(xrf2) =	vadd.scan.msk.f32 $0xffff, v1;
	v1 =	vsel vm1, $0x0, v0  }
0x2e: {  	(xrf2) =	vadd.scan.msk.f32 $0xffff, v1;
	v1 =	vsel vm2, $0x0, v0  }
0x2f: {  	v0 =	vsel vm3, $0x0, v0;
	(xrf2) =	vadd.scan.msk.f32 $0xffff, v1  }
0x30: {  	(xrf2) =	vadd.scan.msk.f32 $0xffff, v0;
	_ =	sdelay $0x6  }
0x31: {  	v0, _, _ =	vpop (xrf2)  }
0x32: {  	v1, _, _ =	vpop (xrf2)  }
0x33: {  	(v2sf) =	vpush v1, $0xF;
	v1, _, _ =	vpop (xrf2)  }
0x34: {  	(v2sf) =	vpush v1, $0xF;
	v1, _, _ =	vpop (xrf2)  }
0x35: {  	(v2sf) =	vpush v1, $0xF;
	_ =	sdelay $0x7  }
0x36: {  	[tilespmem:s11], [sflag:$0x1] =	stream.indirect.gather [hbm4b:s3+s10], $0x80, s9, s10, $0xb8;
	[tilespmem:$0x12090] =	vst v63  }
0x37: {  	_ = 	snop  }
0x38: {  	[tilespmem:s14], [sflag:$0x1] =	stream.indirect.gather [hbm4b:s3+s12], $0x80, s13, s12, $0xb8;
	[tilespmem:$0x12090] =	vst v63  }
0x39: {  	_ = 	snop  }
0x3a: {  	[tilespmem:s16], [sflag:$0x2] =	stream.indirect.gather [hbm4b:s3+s10], $0x80, s15, s10, $0xb8;
	[tilespmem:$0x12090] =	vst v63  }
0x3b: {  	s23 =	spop (v2sf)  }
0x3c: {  	s24 =	spop (v2sf);
	s23 =	smul.f32 $3.999999910e-02, s23  }
0x3d: {  	s24 =	smul.f32 $3.999999910e-02, s24;
	s25 =	spop (v2sf)  }
0x3e: {  	s25 =	smul.f32 $3.999999910e-02, s25  }
0x3f: {  	[tilespmem:s18], [sflag:$0x2] =	stream.indirect.gather [hbm4b:s3+s12], $0x80, s17, s12, $0xb8;
	v0 =	vbroadcast v0, $0xF;
	[tilespmem:$0x12090] =	vst v63  }
0x40: {  	v1 =	vmov s23;
	s23 =	simm.s32 $0x0;
	v2 =	vmov s24;
	v3 =	vmov s25  }
.LBB2_2:
0x41: {  	_ =	swait.ge [sflag:s19], $0x5000  }
0x42: {  	[sflag:s19] =	ssyncset.done $0x0  }
0x43: {  	[sflag:s19] =	ssyncadd.s32 $0xFFFFB000  }
0x44: {  	v4 =	vld [tilespmem:$0x8010]  }
0x45: {  	v5 =	vld [tilespmem:$0x8030];
	_ =	sdelay $0x1  }
0x46: {  	s25 =	simm.s32 $0xE0  }
0x47: {  	v6 =	vld [tilespmem:s25+$0x7FE0]  }
0x48: {  	[tilespmem:$0x1FF90] =	vst v4;
	v4 =	vld [tilespmem:$0x8020]  }
0x49: {  	[tilespmem:$0x1FFB0] =	vst v5;
	v5 =	vld [tilespmem:$0x8040]  }
0x4a: {  	v9 =	vld [tilespmem:$0x8060];
	_ =	sdelay $0x2  }
0x4b: {  	[tilespmem:$0x1FFA0] =	vst v4;
	v4 =	vld [tilespmem:s25+$0x8010]  }
0x4c: {  	[tilespmem:$0x1FFC0] =	vst v5;
	v5 =	vld [tilespmem:$0x8050]  }
0x4d: {  	[tilespmem:$0x1FFE0] =	vst v9;
	v9 =	vshll.u32 v6, $0x10;
	v24 =	vand.u32 $0xFFFF0000, v6;
	v6 =	vld [tilespmem:$0x8070];
	_ =	sdelay $0x1  }
0x4e: {  	v7 =	vld [tilespmem:s25+$0x7FF0]  }
0x4f: {  	v16 =	vimm.f32 $0.0e+00;
	v21 =	vimm.f32 $0.0e+00;
	v20 =	vimm.f32 $0.0e+00;
	v19 =	vld [tilespmem:s25+$0x7FD0]  }
0x50: {  	v13 =	vimm.f32 $0.0e+00;
	v23 =	vld [tilespmem:s25+$0x7FB0];
	[tilespmem:$0x1FFD0] =	vst v5;
	v5 =	vimm.f32 $0.0e+00;
	v8 =	vshll.u32 v4, $0x10  }
0x51: {  	v14 =	vimm.f32 $0.0e+00;
	v10 =	vimm.f32 $0.0e+00;
	[tilespmem:$0x1FFF0] =	vst v6;
	v6 =	vadd.f32 v8, v5;
	v8 =	vld [tilespmem:s25+$0x8000]  }
0x52: {  	v12 =	vimm.f32 $0.0e+00;
	v15 =	vimm.f32 $0.0e+00;
	v17 =	vimm.f32 $0.0e+00;
	v22 =	vld [tilespmem:s25+$0x7FC0]  }
0x53: {  	v18 =	vimm.f32 $0.0e+00;
	v25 =	vshll.u32 v7, $0x10;
	v4 =	vand.u32 $0xFFFF0000, v4  }
0x54: {  	s24 =	simm.s32 $0x580;
	v4 =	vadd.f32 v4, v5;
	v11 =	vadd.f32 v9, v5;
	v9 =	vimm.f32 $0.0e+00  }
.LBB2_3:
0x55: {  	s25 =	sshra.s32 s24, $0x2;
	p0 =	sne.s32 s24, $0x3380;
	s24 =	sadd.s32 $0x200, s24;
	v16 =	vadd.f32 v24, v16;
	v21 =	vadd.f32 v25, v21  }
0x56: {  	v26 =	vand.u32 $0xFFFF0000, v7;
	v27 =	vand.u32 $0xFFFF0000, v8;
	v24 =	vld [tilespmem:s25+$0x7FE0];
	v25 =	vshll.u32 v23, $0x10  }
0x57: {  	v30 =	vshll.u32 v19, $0x10;
	v31 =	vand.u32 $0xFFFF0000, v19;
	v28 =	vld [tilespmem:s25+$0x8010];
	v29 =	vand.u32 $0xFFFF0000, v22  }
0x58: {  	v23 =	vand.u32 $0xFFFF0000, v23;
	v20 =	vadd.f32 v26, v20;
	v13 =	vadd.f32 v27, v13;
	v7 =	vld [tilespmem:s25+$0x7FF0]  }
0x59: {  	v14 =	vadd.f32 v23, v14;
	v22 =	vshll.u32 v22, $0x10;
	v9 =	vadd.f32 v29, v9;
	v19 =	vld [tilespmem:s25+$0x7FD0]  }
.Ltmp2:
0x5a: {  	v12 =	vadd.f32 v31, v12;
	v10 =	vadd.f32 v25, v10;
	v25 =	vshll.u32 v8, $0x10;
	v8 =	vld [tilespmem:s25+$0x8000];
	(pc) =	sbr.rel @p0 .LBB2_3-.Ltmp2, $4  }
0x5b: {  	v15 =	vadd.f32 v22, v15;
	v17 =	vadd.f32 v25, v17;
	v23 =	vld [tilespmem:s25+$0x7FB0]  }
0x5c: {  	v18 =	vadd.f32 v30, v18;
	v22 =	vld [tilespmem:s25+$0x7FC0];
	v26 =	vshll.u32 v28, $0x10;
	v25 =	vand.u32 $0xFFFF0000, v28  }
0x5d: {  	v27 =	vshll.u32 v24, $0x10;
	v24 =	vand.u32 $0xFFFF0000, v24;
	v4 =	vadd.f32 v25, v4  }
0x5e: {  	v11 =	vadd.f32 v27, v11;
	v25 =	vshll.u32 v7, $0x10;
	v6 =	vadd.f32 v26, v6  }
0x5f: {  	v16 =	vadd.f32 v24, v16;
	v7 =	vand.u32 $0xFFFF0000, v7  }
0x60: {  	v7 =	vadd.f32 v7, v20  }
0x61: {  	[tilespmem:$0x1FEE0] =	vst v16;
	v16 =	vadd.f32 v25, v21;
	v21 =	vand.u32 $0xFFFF0000, v8  }
0x62: {  	v24 =	vand.u32 $0xFFFF0000, v22;
	[tilespmem:$0x1FF00] =	vst v7;
	v7 =	vadd.f32 v21, v13  }
0x63: {  	v8 =	vshll.u32 v8, $0x10;
	v9 =	vadd.f32 v24, v9;
	[tilespmem:$0x1FEF0] =	vst v16  }
0x64: {  	s24 =	simm.s32 $0x0;
	v8 =	vadd.f32 v8, v17;
	v16 =	vshll.u32 v23, $0x10;
	[tilespmem:$0x1FF10] =	vst v7  }
0x65: {  	v20 =	vld [tilespmem:s24+$0x8D70];
	v23 =	vand.u32 $0xFFFF0000, v23;
	[tilespmem:$0x1FF30] =	vst v9;
	v9 =	vadd.f32 v16, v10  }
0x66: {  	v26 =	vshll.u32 v19, $0x10;
	v19 =	vand.u32 $0xFFFF0000, v19;
	v25 =	vld [tilespmem:s24+$0x8D40];
	v7 =	vadd.f32 v23, v14;
	[tilespmem:$0x1FF70] =	vst v8  }
0x67: {  	[tilespmem:$0x1FF40] =	vst v9;
	v9 =	vadd.f32 v19, v12  }
0x68: {  	v13 =	vshll.u32 v22, $0x10;
	v22 =	vimm.f32 $0.0e+00;
	v24 =	vld [tilespmem:s24+$0x8D60];
	v8 =	vadd.f32 v26, v18;
	[tilespmem:$0x1FF20] =	vst v7  }
0x69: {  	v17 =	vimm.f32 $0.0e+00;
	v16 =	vimm.f32 $0.0e+00;
	v7 =	vld [tilespmem:s24+$0x8D30];
	[tilespmem:$0x1FF50] =	vst v9;
	v9 =	vadd.f32 v13, v15  }
0x6a: {  	v23 =	vimm.f32 $0.0e+00;
	v10 =	vimm.f32 $0.0e+00;
	v18 =	vimm.f32 $0.0e+00;
	[tilespmem:$0x1FF80] =	vst v8;
	v13 =	vld [tilespmem:s24+$0x8D50]  }
0x6b: {  	v8 =	vand.u32 $0xFFFF0000, v20;
	v28 =	vand.u32 $0xFFFF0000, v25;
	[tilespmem:$0x1FF60] =	vst v9;
	v9 =	vshll.u32 v25, $0x10;
	v25 =	vld [tilespmem:s24+$0x8D10]  }
0x6c: {  	v26 =	vshll.u32 v20, $0x10;
	v12 =	vimm.f32 $0.0e+00;
	v14 =	vadd.f32 v8, v5;
	v8 =	vld [tilespmem:s24+$0x8D20]  }
0x6d: {  	v20 =	vimm.f32 $0.0e+00;
	v19 =	vimm.f32 $0.0e+00;
	v15 =	vimm.f32 $0.0e+00  }
0x6e: {  	s25 =	simm.s32 $0x200;
	v27 =	vand.u32 $0xFFFF0000, v7;
	v21 =	vadd.f32 v9, v5;
	v9 =	vimm.f32 $0.0e+00  }
.LBB2_5:
0x6f: {  	s26 =	sshra.s32 s25, $0x2;
	p0 =	sne.s32 s25, $0x3000;
	s25 =	sadd.s32 $0x200, s25;
	v5 =	vadd.f32 v28, v5;
	v28 =	vshll.u32 v13, $0x10;
	v16 =	vadd.f32 v26, v16  }
0x70: {  	v23 =	vadd.f32 v27, v23;
	v29 =	vld [tilespmem:s26+$0x8D40];
	v26 =	vshll.u32 v25, $0x10  }
0x71: {  	v30 =	vand.u32 $0xFFFF0000, v8;
	v25 =	vand.u32 $0xFFFF0000, v25;
	v27 =	vld [tilespmem:s26+$0x8D70];
	v31 =	vshll.u32 v24, $0x10  }
0x72: {  	v32 =	vand.u32 $0xFFFF0000, v13;
	v22 =	vadd.f32 v28, v22;
	v24 =	vand.u32 $0xFFFF0000, v24;
	v13 =	vld [tilespmem:s26+$0x8D50]  }
0x73: {  	v28 =	vshll.u32 v8, $0x10;
	v15 =	vadd.f32 v32, v15;
	v17 =	vadd.f32 v24, v17;
	v33 =	vld [tilespmem:s26+$0x8D30]  }
.Ltmp3:
0x74: {  	v9 =	vadd.f32 v25, v9;
	v10 =	vadd.f32 v31, v10;
	v8 =	vld [tilespmem:s26+$0x8D20];
	(pc) =	sbr.rel @p0 .LBB2_5-.Ltmp3, $4  }
0x75: {  	v7 =	vshll.u32 v7, $0x10;
	v20 =	vadd.f32 v30, v20;
	v12 =	vadd.f32 v26, v12;
	v25 =	vld [tilespmem:s26+$0x8D10]  }
0x76: {  	v18 =	vadd.f32 v28, v18;
	v24 =	vld [tilespmem:s26+$0x8D60];
	v26 =	vshll.u32 v27, $0x10;
	v30 =	vand.u32 $0xFFFF0000, v27  }
0x77: {  	v19 =	vadd.f32 v7, v19;
	v31 =	vshll.u32 v29, $0x10;
	v28 =	vand.u32 $0xFFFF0000, v29  }
0x78: {  	v21 =	vadd.f32 v31, v21;
	v14 =	vadd.f32 v30, v14;
	v27 =	vand.u32 $0xFFFF0000, v33;
	v7 =	vmovc v33  }
0x79: {  	v5 =	vadd.f32 v28, v5  }
0x7a: {  	v16 =	vadd.f32 v26, v16  }
0x7b: {  	v23 =	vadd.f32 v27, v23;
	[tilespmem:$0x1FE20] =	vst v5;
	v5 =	vshll.u32 v13, $0x10  }
0x7c: {  	v7 =	vshll.u32 v7, $0x10;
	[tilespmem:$0x1FE30] =	vst v16;
	v13 =	vand.u32 $0xFFFF0000, v13;
	v5 =	vadd.f32 v5, v22  }
0x7d: {  	v26 =	vld [tilespmem:s24+$0x99C0];
	v16 =	vshll.u32 v25, $0x10;
	[tilespmem:$0x1FE40] =	vst v23;
	v23 =	vand.u32 $0xFFFF0000, v25;
	v13 =	vadd.f32 v13, v15  }
0x7e: {  	v25 =	vand.u32 $0xFFFF0000, v8;
	v8 =	vshll.u32 v8, $0x10;
	v9 =	vadd.f32 v23, v9;
	[tilespmem:$0x1FE50] =	vst v5  }
0x7f: {  	v7 =	vadd.f32 v7, v19;
	v22 =	vld [tilespmem:s24+$0x99F0];
	v8 =	vadd.f32 v8, v18;
	v5 =	vand.u32 $0xFFFF0000, v24;
	[tilespmem:$0x1FE60] =	vst v13  }
0x80: {  	v15 =	vimm.f32 $0.0e+00;
	v24 =	vshll.u32 v24, $0x10;
	[tilespmem:$0x1FE80] =	vst v9;
	v5 =	vadd.f32 v5, v17  }
0x81: {  	v19 =	vld [tilespmem:s24+$0x99D0];
	v23 =	vimm.f32 $0.0e+00;
	v18 =	vimm.f32 $0.0e+00;
	[tilespmem:$0x1FEC0] =	vst v8;
	v9 =	vadd.f32 v24, v10  }
0x82: {  	v8 =	vshll.u32 v26, $0x10;
	v29 =	vand.u32 $0xFFFF0000, v26;
	v13 =	vimm.f32 $0.0e+00;
	[tilespmem:$0x1FE70] =	vst v5;
	v5 =	vld [tilespmem:s24+$0x99B0]  }
0x83: {  	v26 =	vld [tilespmem:s24+$0x9990];
	v41 =	vadd.f32 v8, v15;
	v24 =	vimm.f32 $0.0e+00;
	[tilespmem:$0x1FE90] =	vst v9;
	v9 =	vadd.f32 v16, v12  }
0x84: {  	[tilespmem:$0x1FED0] =	vst v7;
	v8 =	vld [tilespmem:s24+$0x99A0];
	v17 =	vimm.f32 $0.0e+00;
	v27 =	vshll.u32 v22, $0x10;
	v7 =	vand.u32 $0xFFFF0000, v22  }
0x85: {  	v22 =	vimm.f32 $0.0e+00;
	v12 =	vimm.f32 $0.0e+00;
	v16 =	vld [tilespmem:s24+$0x99E0];
	[tilespmem:$0x1FEA0] =	vst v9;
	v9 =	vadd.f32 v25, v20  }
0x86: {  	v10 =	vadd.f32 v7, v15;
	v7 =	vimm.f32 $0.0e+00;
	v25 =	vimm.f32 $0.0e+00  }
0x87: {  	s25 =	simm.s32 $0x200;
	v20 =	vimm.f32 $0.0e+00;
	[tilespmem:$0x1FEB0] =	vst v9;
	v9 =	vimm.f32 $0.0e+00;
	v28 =	vand.u32 $0xFFFF0000, v5  }
.LBB2_7:
0x88: {  	s24 =	sshra.s32 s25, $0x2;
	p0 =	sne.s32 s25, $0x3000;
	s25 =	sadd.s32 $0x200, s25;
	v15 =	vadd.f32 v29, v15;
	v29 =	vshll.u32 v19, $0x10;
	v25 =	vadd.f32 v27, v25  }
0x89: {  	v24 =	vadd.f32 v28, v24;
	v30 =	vld [tilespmem:s24+$0x99C0];
	v27 =	vshll.u32 v26, $0x10  }
0x8a: {  	v31 =	vand.u32 $0xFFFF0000, v8;
	v26 =	vand.u32 $0xFFFF0000, v26;
	v28 =	vld [tilespmem:s24+$0x99F0];
	v32 =	vshll.u32 v16, $0x10  }
0x8b: {  	v33 =	vand.u32 $0xFFFF0000, v19;
	v23 =	vadd.f32 v29, v23;
	v16 =	vand.u32 $0xFFFF0000, v16;
	v19 =	vld [tilespmem:s24+$0x99D0]  }
0x8c: {  	v29 =	vshll.u32 v8, $0x10;
	v22 =	vadd.f32 v33, v22;
	v7 =	vadd.f32 v16, v7;
	v34 =	vld [tilespmem:s24+$0x99B0]  }
.Ltmp4:
0x8d: {  	v20 =	vadd.f32 v26, v20;
	v12 =	vadd.f32 v32, v12;
	v8 =	vld [tilespmem:s24+$0x99A0];
	(pc) =	sbr.rel @p0 .LBB2_7-.Ltmp4, $4  }
0x8e: {  	v5 =	vshll.u32 v5, $0x10;
	v18 =	vadd.f32 v31, v18;
	v13 =	vadd.f32 v27, v13;
	v26 =	vld [tilespmem:s24+$0x9990]  }
0x8f: {  	v17 =	vadd.f32 v29, v17;
	v16 =	vld [tilespmem:s24+$0x99E0];
	v27 =	vshll.u32 v28, $0x10;
	v31 =	vand.u32 $0xFFFF0000, v28  }
0x90: {  	v9 =	vadd.f32 v5, v9;
	v32 =	vshll.u32 v30, $0x10;
	v29 =	vand.u32 $0xFFFF0000, v30  }
0x91: {  	v41 =	vadd.f32 v32, v41;
	v10 =	vadd.f32 v31, v10;
	v28 =	vand.u32 $0xFFFF0000, v34;
	v5 =	vmovc v34  }
0x92: {  	v15 =	vadd.f32 v29, v15  }
0x93: {  	v25 =	vadd.f32 v27, v25  }
0x94: {  	v24 =	vadd.f32 v28, v24;
	v5 =	vshll.u32 v5, $0x10;
	[tilespmem:$0x1FD80] =	vst v15  }
0x95: {  	v45 =	vld [tilespmem:$0xA810];
	v5 =	vadd.f32 v5, v9;
	v15 =	vshll.u32 v19, $0x10;
	[tilespmem:$0x1FD90] =	vst v25  }
0x96: {  	v43 =	vld [tilespmem:$0xA820];
	s24 =	simm.s32 $0x0;
	v25 =	vshll.u32 v26, $0x10;
	[tilespmem:$0x1FDA0] =	vst v24;
	v24 =	vand.u32 $0xFFFF0000, v26;
	v15 =	vadd.f32 v15, v23  }
0x97: {  	v27 =	vld [tilespmem:s24+$0xA8F0];
	v26 =	vand.u32 $0xFFFF0000, v8;
	v19 =	vand.u32 $0xFFFF0000, v19;
	v8 =	vshll.u32 v8, $0x10  }
0x98: {  	v19 =	vadd.f32 v19, v22;
	v28 =	vadd.f32 v8, v17;
	v8 =	vld [tilespmem:$0xA860];
	[tilespmem:$0x1FDB0] =	vst v15;
	v15 =	vand.u32 $0xFFFF0000, v16  }
0x99: {  	v44 =	vld [tilespmem:$0xA830];
	[tilespmem:$0x1FDF0] =	vst v5;
	v16 =	vshll.u32 v16, $0x10;
	v7 =	vadd.f32 v15, v7  }
0x9a: {  	[tilespmem:$0x1FDC0] =	vst v19;
	v19 =	vld [tilespmem:s24+$0xA8C0];
	v12 =	vadd.f32 v16, v12  }
0x9b: {  	v33 =	vimm.f32 $0.0e+00;
	v31 =	vimm.f32 $0.0e+00;
	v36 =	vld [tilespmem:s24+$0xA890];
	[tilespmem:$0x1FDD0] =	vst v7  }
0x9c: {  	v30 =	vimm.f32 $0.0e+00;
	v32 =	vadd.f32 v24, v20;
	v35 =	vadd.f32 v25, v13;
	v7 =	vld [tilespmem:s24+$0xA8B0];
	[tilespmem:$0x1FDE0] =	vst v12  }
0x9d: {  	v26 =	vadd.f32 v26, v18;
	v5 =	vimm.f32 $0.0e+00;
	[tilespmem:$0x1FE00] =	vst v8;
	v8 =	vand.u32 $0xFFFF0000, v27;
	v12 =	vld [tilespmem:$0xA870]  }
0x9e: {  	v18 =	vimm.f32 $0.0e+00;
	v13 =	vimm.f32 $0.0e+00;
	v23 =	vadd.f32 v8, v5;
	v8 =	vld [tilespmem:s24+$0xA8D0]  }
0x9f: {  	v17 =	vimm.f32 $0.0e+00;
	v25 =	vimm.f32 $0.0e+00;
	v15 =	vld [tilespmem:s24+$0xA8E0];
	v9 =	vshll.u32 v19, $0x10  }
0xa0: {  	v20 =	vimm.f32 $0.0e+00;
	v24 =	vimm.f32 $0.0e+00;
	v40 =	vadd.f32 v9, v5;
	v9 =	vld [tilespmem:s24+$0xA8A0]  }
0xa1: {  	v38 =	vld [tilespmem:$0xA840];
	v34 =	vshll.u32 v27, $0x10;
	v16 =	vimm.f32 $0.0e+00;
	v42 =	vand.u32 $0xFFFF0000, v19  }
0xa2: {  	v37 =	vld [tilespmem:$0xA850];
	s25 =	simm.s32 $0x200;
	v19 =	vimm.f32 $0.0e+00;
	[tilespmem:$0x1FE10] =	vst v12;
	v39 =	vand.u32 $0xFFFF0000, v7;
	v12 =	vimm.f32 $0.0e+00  }
.LBB2_9:
0xa3: {  	s26 =	sshra.s32 s25, $0x2;
	p0 =	sne.s32 s25, $0x3000;
	s25 =	sadd.s32 $0x200, s25;
	v16 =	vadd.f32 v42, v16;
	v42 =	vshll.u32 v8, $0x10;
	v33 =	vadd.f32 v34, v33  }
0xa4: {  	v31 =	vadd.f32 v39, v31;
	v46 =	vld [tilespmem:s26+$0xA8C0];
	v34 =	vshll.u32 v36, $0x10  }
0xa5: {  	v47 =	vand.u32 $0xFFFF0000, v9;
	v36 =	vand.u32 $0xFFFF0000, v36;
	v39 =	vld [tilespmem:s26+$0xA8F0];
	v48 =	vshll.u32 v15, $0x10  }
0xa6: {  	v49 =	vand.u32 $0xFFFF0000, v8;
	v30 =	vadd.f32 v42, v30;
	v15 =	vand.u32 $0xFFFF0000, v15;
	v8 =	vld [tilespmem:s26+$0xA8D0]  }
0xa7: {  	v42 =	vshll.u32 v9, $0x10;
	v18 =	vadd.f32 v49, v18;
	v19 =	vadd.f32 v15, v19;
	v50 =	vld [tilespmem:s26+$0xA8B0]  }
.Ltmp5:
0xa8: {  	v12 =	vadd.f32 v36, v12;
	v13 =	vadd.f32 v48, v13;
	v9 =	vld [tilespmem:s26+$0xA8A0];
	(pc) =	sbr.rel @p0 .LBB2_9-.Ltmp5, $4  }
0xa9: {  	v7 =	vshll.u32 v7, $0x10;
	v25 =	vadd.f32 v47, v25;
	v17 =	vadd.f32 v34, v17;
	v36 =	vld [tilespmem:s26+$0xA890]  }
0xaa: {  	v20 =	vadd.f32 v42, v20;
	v15 =	vld [tilespmem:s26+$0xA8E0];
	v34 =	vshll.u32 v39, $0x10;
	v47 =	vand.u32 $0xFFFF0000, v39  }
0xab: {  	v24 =	vadd.f32 v7, v24;
	v48 =	vshll.u32 v46, $0x10;
	v42 =	vand.u32 $0xFFFF0000, v46  }
0xac: {  	v40 =	vadd.f32 v48, v40;
	v23 =	vadd.f32 v47, v23;
	v39 =	vand.u32 $0xFFFF0000, v50;
	v7 =	vmovc v50  }
0xad: {  	v16 =	vadd.f32 v42, v16  }
0xae: {  	v22 =	vadd.f32 v34, v33;
	v62 =	vand.u32 $0xFFFF0000, v9  }
0xaf: {  	v9 =	vshll.u32 v9, $0x10;
	v7 =	vshll.u32 v7, $0x10;
	[tilespmem:$0x1FCF0] =	vst v16;
	v16 =	vshll.u32 v8, $0x10  }
0xb0: {  	v33 =	vimm.f32 $0.0e+00;
	v8 =	vand.u32 $0xFFFF0000, v8;
	v16 =	vadd.f32 v16, v30  }
0xb1: {  	v46 =	vld [tilespmem:s24+$0xB570];
	v49 =	vimm.f32 $0.0e+00;
	v48 =	vimm.f32 $0.0e+00;
	[tilespmem:$0x1FD00] =	vst v22;
	v8 =	vadd.f32 v8, v18  }
0xb2: {  	v63 =	vld [tilespmem:s24+$0xB540];
	v61 =	vshll.u32 v36, $0x10;
	v7 =	vadd.f32 v7, v24;
	[tilespmem:$0x1FD20] =	vst v16;
	v16 =	vand.u32 $0xFFFF0000, v15  }
0xb3: {  	v22 =	vadd.f32 v39, v31;
	v31 =	vand.u32 $0xFFFF0000, v36;
	[tilespmem:$0x1FD30] =	vst v8;
	v8 =	vadd.f32 v16, v19  }
0xb4: {  	v24 =	vimm.f32 $0.0e+00;
	v30 =	vadd.f32 v31, v12;
	v31 =	vadd.f32 v9, v20;
	v20 =	vld [tilespmem:s24+$0xB550]  }
0xb5: {  	v34 =	vadd.f32 v61, v17;
	v39 =	vimm.f32 $0.0e+00;
	v15 =	vshll.u32 v15, $0x10;
	[tilespmem:$0x1FD40] =	vst v8;
	v8 =	vld [tilespmem:s24+$0xB530]  }
0xb6: {  	v36 =	vimm.f32 $0.0e+00;
	[tilespmem:$0x1FD70] =	vst v7;
	v18 =	vld [tilespmem:s24+$0xB510];
	v7 =	vand.u32 $0xFFFF0000, v46;
	v12 =	vadd.f32 v15, v13  }
0xb7: {  	v42 =	vshll.u32 v46, $0x10;
	v9 =	vshll.u32 v63, $0x10;
	v47 =	vadd.f32 v7, v5;
	v7 =	vld [tilespmem:s24+$0xB520]  }
0xb8: {  	v46 =	vimm.f32 $0.0e+00;
	v19 =	vand.u32 $0xFFFF0000, v63;
	v15 =	vld [tilespmem:s24+$0xB560];
	[tilespmem:$0x1FD50] =	vst v12;
	v12 =	vadd.f32 v62, v25  }
0xb9: {  	[tilespmem:$0x1FD10] =	vst v22;
	v17 =	vadd.f32 v9, v5;
	v16 =	vimm.f32 $0.0e+00;
	v9 =	vimm.f32 $0.0e+00  }
0xba: {  	s25 =	simm.s32 $0x200;
	v13 =	vimm.f32 $0.0e+00;
	[tilespmem:$0x1FD60] =	vst v12;
	v12 =	vimm.f32 $0.0e+00;
	v50 =	vand.u32 $0xFFFF0000, v8  }
.LBB2_11:
0xbb: {  	s24 =	sshra.s32 s25, $0x2;
	p0 =	sne.s32 s25, $0x3000;
	s25 =	sadd.s32 $0x200, s25;
	v5 =	vadd.f32 v19, v5;
	v19 =	vshll.u32 v20, $0x10;
	v16 =	vadd.f32 v42, v16  }
0xbc: {  	v39 =	vadd.f32 v50, v39;
	v51 =	vld [tilespmem:s24+$0xB540];
	v42 =	vshll.u32 v18, $0x10  }
0xbd: {  	v52 =	vand.u32 $0xFFFF0000, v7;
	v18 =	vand.u32 $0xFFFF0000, v18;
	v50 =	vld [tilespmem:s24+$0xB570];
	v53 =	vshll.u32 v15, $0x10  }
0xbe: {  	v54 =	vand.u32 $0xFFFF0000, v20;
	v36 =	vadd.f32 v19, v36;
	v15 =	vand.u32 $0xFFFF0000, v15;
	v20 =	vld [tilespmem:s24+$0xB550]  }
0xbf: {  	v19 =	vshll.u32 v7, $0x10;
	v24 =	vadd.f32 v54, v24;
	v33 =	vadd.f32 v15, v33;
	v55 =	vld [tilespmem:s24+$0xB530]  }
.Ltmp6:
0xc0: {  	v9 =	vadd.f32 v18, v9;
	v12 =	vadd.f32 v53, v12;
	v7 =	vld [tilespmem:s24+$0xB520];
	(pc) =	sbr.rel @p0 .LBB2_11-.Ltmp6, $4  }
0xc1: {  	v8 =	vshll.u32 v8, $0x10;
	v49 =	vadd.f32 v52, v49;
	v13 =	vadd.f32 v42, v13;
	v18 =	vld [tilespmem:s24+$0xB510]  }
0xc2: {  	v46 =	vadd.f32 v19, v46;
	v15 =	vld [tilespmem:s24+$0xB560];
	v42 =	vshll.u32 v50, $0x10;
	v52 =	vand.u32 $0xFFFF0000, v50  }
0xc3: {  	v48 =	vadd.f32 v8, v48;
	v53 =	vshll.u32 v51, $0x10;
	v19 =	vand.u32 $0xFFFF0000, v51  }
0xc4: {  	v17 =	vadd.f32 v53, v17;
	v47 =	vadd.f32 v52, v47;
	v50 =	vand.u32 $0xFFFF0000, v55;
	v8 =	vmovc v55  }
0xc5: {  	v5 =	vadd.f32 v19, v5  }
0xc6: {  	v19 =	vshll.u32 v20, $0x10;
	v16 =	vadd.f32 v42, v16;
	v42 =	vadd.f32 v50, v39  }
0xc7: {  	v51 =	vand.u32 $0xFFFF0000, v7;
	v20 =	vand.u32 $0xFFFF0000, v20;
	v7 =	vshll.u32 v7, $0x10  }
0xc8: {  	s25 =	simm.s32 $0x0;
	v8 =	vshll.u32 v8, $0x10;
	v63 =	vimm.f32 $0.0e+00;
	v56 =	vimm.f32 $0.0e+00  }
0xc9: {  	v62 =	vimm.f32 $0.0e+00;
	v60 =	vimm.f32 $0.0e+00;
	v58 =	vimm.f32 $0.0e+00;
	v53 =	vld [tilespmem:s25+$0xC1F0]  }
0xca: {  	v61 =	vimm.f32 $0.0e+00;
	v36 =	vadd.f32 v19, v36;
	v39 =	vadd.f32 v20, v24  }
0xcb: {  	v52 =	vld [tilespmem:s25+$0xC1C0];
	v49 =	vadd.f32 v51, v49;
	v48 =	vadd.f32 v8, v48;
	v8 =	vimm.f32 $0.0e+00  }
0xcc: {  	v57 =	vld [tilespmem:s25+$0xC1B0];
	[tilespmem:$0x1FCD0] =	vst v16;
	v16 =	vshll.u32 v18, $0x10;
	v19 =	vand.u32 $0xFFFF0000, v15;
	v15 =	vshll.u32 v15, $0x10  }
0xcd: {  	v59 =	vld [tilespmem:s25+$0xC1A0];
	v18 =	vand.u32 $0xFFFF0000, v18;
	v19 =	vadd.f32 v19, v33;
	v33 =	vadd.f32 v15, v12  }
0xce: {  	v12 =	vadd.f32 v16, v13;
	v55 =	vshll.u32 v53, $0x10;
	v13 =	vand.u32 $0xFFFF0000, v53;
	v53 =	vld [tilespmem:s25+$0xC1D0]  }
0xcf: {  	v51 =	vimm.f32 $0.0e+00;
	v50 =	vadd.f32 v18, v9;
	v9 =	vadd.f32 v7, v46;
	v15 =	vld [tilespmem:s25+$0xC190]  }
0xd0: {  	v46 =	vimm.f32 $0.0e+00;
	v16 =	vimm.f32 $0.0e+00;
	v18 =	vld [tilespmem:s25+$0xC1E0];
	v7 =	vshll.u32 v52, $0x10  }
0xd1: {  	[tilespmem:$0x1FCE0] =	vst v19;
	v54 =	vand.u32 $0xFFFF0000, v52;
	v19 =	vand.u32 $0xFFFF0000, v57;
	v52 =	vimm.f32 $0.0e+00  }
0xd2: {  	s24 =	simm.s32 $0x200;
	v7 =	vadd.f32 v7, v8;
	v20 =	vadd.f32 v13, v8;
	v13 =	vimm.f32 $0.0e+00  }
.LBB2_13:
0xd3: {  	s25 =	sshra.s32 s24, $0x2;
	p0 =	sne.s32 s24, $0x3000;
	s24 =	sadd.s32 $0x200, s24;
	v8 =	vadd.f32 v54, v8;
	v54 =	vshll.u32 v53, $0x10;
	v46 =	vadd.f32 v55, v46  }
0xd4: {  	v52 =	vadd.f32 v19, v52;
	v22 =	vld [tilespmem:s25+$0xC1C0];
	v55 =	vshll.u32 v15, $0x10  }
0xd5: {  	v24 =	vand.u32 $0xFFFF0000, v59;
	v15 =	vand.u32 $0xFFFF0000, v15;
	v19 =	vld [tilespmem:s25+$0xC1F0];
	v25 =	vshll.u32 v18, $0x10  }
0xd6: {  	v27 =	vand.u32 $0xFFFF0000, v53;
	v63 =	vadd.f32 v54, v63;
	v18 =	vand.u32 $0xFFFF0000, v18;
	v53 =	vld [tilespmem:s25+$0xC1D0]  }
0xd7: {  	v54 =	vshll.u32 v59, $0x10;
	v16 =	vadd.f32 v27, v16;
	v56 =	vadd.f32 v18, v56;
	v29 =	vld [tilespmem:s25+$0xC1B0]  }
.Ltmp7:
0xd8: {  	v62 =	vadd.f32 v15, v62;
	v51 =	vadd.f32 v25, v51;
	v59 =	vld [tilespmem:s25+$0xC1A0];
	(pc) =	sbr.rel @p0 .LBB2_13-.Ltmp7, $4  }
0xd9: {  	v58 =	vadd.f32 v24, v58;
	v24 =	vshll.u32 v57, $0x10;
	v60 =	vadd.f32 v55, v60;
	v15 =	vld [tilespmem:s25+$0xC190]  }
0xda: {  	v61 =	vadd.f32 v54, v61;
	v18 =	vld [tilespmem:s25+$0xC1E0];
	v55 =	vshll.u32 v19, $0x10;
	v25 =	vand.u32 $0xFFFF0000, v19  }
0xdb: {  	v13 =	vadd.f32 v24, v13;
	v27 =	vshll.u32 v22, $0x10;
	v54 =	vand.u32 $0xFFFF0000, v22  }
0xdc: {  	v7 =	vadd.f32 v27, v7;
	v20 =	vadd.f32 v25, v20;
	v19 =	vand.u32 $0xFFFF0000, v29;
	v57 =	vmovc v29  }
0xdd: {  	v54 =	vadd.f32 v54, v8  }
0xde: {  	v46 =	vadd.f32 v55, v46;
	v8 =	vshll.u32 v53, $0x10;
	v55 =	vadd.f32 v19, v52;
	v19 =	vld [tilespmem:$0x1FF90]  }
0xdf: {  	v52 =	vadd.f32 v8, v63;
	v8 =	vand.u32 $0xFFFF0000, v53  }
0xe0: {  	v53 =	vadd.f32 v8, v16;
	v8 =	vand.u32 $0xFFFF0000, v18;
	v18 =	vshll.u32 v18, $0x10  }
0xe1: {  	v51 =	vadd.f32 v18, v51;
	v18 =	vld [tilespmem:$0x1FF40]  }
0xe2: {  	v16 =	vand.u32 $0xFFFF0000, v15  }
0xe3: {  	v8 =	vadd.f32 v8, v56;
	v56 =	vadd.f32 v16, v62;
	v16 =	vshll.u32 v19, $0x10  }
0xe4: {  	v16 =	vadd.f32 $0.0e+00, v16;
	_ =	sdelay $0x1  }
0xe5: {  	v16 =	vmul.f32 v16, v0;
	v18 =	vmul.f32 v18, v1;
	_ =	sdelay $0x1  }
0xe6: {  	v16 =	vadd.f32 v18, v16;
	v18 =	vld [tilespmem:$0x1FEA0];
	_ =	sdelay $0x2  }
0xe7: {  	v15 =	vshll.u32 v15, $0x10  }
0xe8: {  	v60 =	vadd.f32 v15, v60;
	v15 =	vand.u32 $0xFFFF0000, v19;
	v19 =	vand.u32 $0xFFFF0000, v59  }
0xe9: {  	v58 =	vadd.f32 v19, v58;
	v19 =	vshll.u32 v59, $0x10;
	v18 =	vmul.f32 v18, v2  }
0xea: {  	v22 =	vld [tilespmem:$0x1FF20];
	v59 =	vadd.f32 v19, v61;
	v19 =	vshll.u32 v57, $0x10  }
0xeb: {  	v57 =	vadd.f32 v19, v13;
	v13 =	vadd.f32 v18, v16;
	v18 =	vld [tilespmem:$0x1FFA0];
	_ =	sdelay $0x1  }
0xec: {  	v15 =	vadd.f32 $0.0e+00, v15  }
0xed: {  	v24 =	vld [tilespmem:$0x1FF60]  }
0xee: {  	v22 =	vmul.f32 v22, v1;
	v15 =	vmul.f32 v15, v0  }
0xef: {  	v16 =	vshll.u32 v18, $0x10  }
0xf0: {  	v15 =	vadd.f32 v22, v15;
	v22 =	vld [tilespmem:$0x1FE80];
	v16 =	vadd.f32 $0.0e+00, v16;
	_ =	sdelay $0x1  }
0xf1: {  	v24 =	vmul.f32 v24, v1;
	v16 =	vmul.f32 v16, v0;
	_ =	sdelay $0x1  }
0xf2: {  	v24 =	vadd.f32 v24, v16;
	v16 =	vld [tilespmem:$0x1FF30]  }
0xf3: {  	v22 =	vmul.f32 v22, v2;
	_ =	sdelay $0x1  }
0xf4: {  	v25 =	vld [tilespmem:$0x1FEC0];
	v19 =	vmul.f32 v35, v3;
	v15 =	vadd.f32 v22, v15;
	v22 =	vmul.f32 v32, v3;
	_ =	sdelay $0x1  }
0xf5: {  	v27 =	vmul.f32 v16, v1;
	v16 =	vadd.f32 v19, v13;
	v13 =	vadd.f32 v22, v15;
	v22 =	vld [tilespmem:$0x1FFB0];
	_ =	sdelay $0x2  }
0xf6: {  	v25 =	vmul.f32 v25, v2  }
0xf7: {  	v18 =	vand.u32 $0xFFFF0000, v18  }
0xf8: {  	v15 =	vadd.f32 v25, v24;
	v24 =	vld [tilespmem:$0x1FEB0];
	v19 =	vshll.u32 v22, $0x10;
	v22 =	vand.u32 $0xFFFF0000, v22  }
0xf9: {  	v18 =	vadd.f32 $0.0e+00, v18;
	v25 =	vmul.f32 v28, v3;
	v22 =	vadd.f32 $0.0e+00, v22;
	_ =	sdelay $0x1  }
0xfa: {  	v18 =	vmul.f32 v18, v0;
	v28 =	vadd.f32 v25, v15;
	v15 =	vmul.f32 v22, v0;
	v22 =	vld [tilespmem:$0x1FF50];
	_ =	sdelay $0x1  }
0xfb: {  	v18 =	vadd.f32 v27, v18;
	v24 =	vmul.f32 v24, v2;
	_ =	sdelay $0x1  }
0xfc: {  	v18 =	vadd.f32 v24, v18;
	v24 =	vld [tilespmem:$0x1FF80]  }
0xfd: {  	v22 =	vmul.f32 v22, v1;
	_ =	sdelay $0x1  }
0xfe: {  	v19 =	vadd.f32 $0.0e+00, v19;
	v15 =	vadd.f32 v22, v15;
	v22 =	vld [tilespmem:$0x1FE40]  }
0xff: {  	v26 =	vmul.f32 v26, v3  }
0x100: {  	v19 =	vmul.f32 v19, v0;
	v24 =	vmul.f32 v24, v1;
	_ =	sdelay $0x1  }
0x101: {  	v26 =	vadd.f32 v26, v18;
	v18 =	vadd.f32 v24, v19;
	v19 =	vld [tilespmem:$0x1FED0]  }
0x102: {  	v25 =	vld [tilespmem:$0x1FFC0];
	v22 =	vmul.f32 v22, v2;
	_ =	sdelay $0x1  }
0x103: {  	v22 =	vadd.f32 v22, v15;
	v15 =	vld [tilespmem:$0x1FDF0];
	_ =	sdelay $0x1  }
0x104: {  	v19 =	vmul.f32 v19, v2  }
0x105: {  	v24 =	vshll.u32 v25, $0x10  }
0x106: {  	v18 =	vadd.f32 v19, v18;
	v19 =	vadd.f32 $0.0e+00, v24;
	v24 =	vld [tilespmem:$0x1FDA0]  }
0x107: {  	v15 =	vmul.f32 v15, v3  }
0x108: {  	v25 =	vand.u32 $0xFFFF0000, v25  }
0x109: {  	v15 =	vadd.f32 v15, v18;
	v18 =	vadd.f32 $0.0e+00, v25;
	v25 =	vld [tilespmem:$0x1FFD0]  }
0x10a: {  	v27 =	vmul.f32 v11, v1  }
0x10b: {  	v19 =	vmul.f32 v19, v0;
	v24 =	vmul.f32 v24, v3;
	_ =	sdelay $0x1  }
0x10c: {  	v21 =	vmul.f32 v21, v2;
	v19 =	vadd.f32 v27, v19;
	v11 =	vadd.f32 v24, v22;
	v22 =	vld [tilespmem:$0x1FEE0]  }
0x10d: {  	v24 =	vshll.u32 v25, $0x10  }
0x10e: {  	v19 =	vadd.f32 v21, v19;
	v21 =	vadd.f32 $0.0e+00, v24;
	v24 =	vld [tilespmem:$0x1FE20];
	_ =	sdelay $0x2  }
0x10f: {  	v18 =	vmul.f32 v18, v0;
	v22 =	vmul.f32 v22, v1;
	_ =	sdelay $0x1  }
0x110: {  	v18 =	vadd.f32 v22, v18;
	v27 =	vmul.f32 v21, v0;
	v21 =	vld [tilespmem:$0x1FEF0];
	v24 =	vmul.f32 v24, v2;
	_ =	sdelay $0x1  }
0x111: {  	v18 =	vadd.f32 v24, v18;
	v24 =	vld [tilespmem:$0x1FE50]  }
0x112: {  	v63 =	vld [tilespmem:$0x1FFE0];
	_ =	sdelay $0x1  }
0x113: {  	v22 =	vmul.f32 v41, v3;
	v29 =	vmul.f32 v21, v1  }
0x114: {  	v25 =	vand.u32 $0xFFFF0000, v25  }
0x115: {  	v21 =	vadd.f32 v22, v19;
	v22 =	vadd.f32 v29, v27;
	v24 =	vmul.f32 v24, v2  }
0x116: {  	v19 =	vadd.f32 $0.0e+00, v25;
	v25 =	vld [tilespmem:$0x1FF00];
	v27 =	vshll.u32 v63, $0x10  }
0x117: {  	v22 =	vadd.f32 v24, v22;
	v24 =	vadd.f32 $0.0e+00, v27;
	v27 =	vld [tilespmem:$0x1FD80];
	_ =	sdelay $0x1  }
0x118: {  	v32 =	vld [tilespmem:$0x1FE60];
	_ =	sdelay $0x1  }
0x119: {  	v19 =	vmul.f32 v19, v0;
	v25 =	vmul.f32 v25, v1  }
0x11a: {  	v27 =	vmul.f32 v27, v3  }
0x11b: {  	v19 =	vadd.f32 v25, v19;
	v25 =	vld [tilespmem:$0x1FDB0]  }
0x11c: {  	v29 =	vmul.f32 v32, v2;
	v32 =	vadd.f32 v27, v18;
	v18 =	vmul.f32 v24, v0;
	v24 =	vld [tilespmem:$0x1FF70];
	_ =	sdelay $0x1  }
0x11d: {  	v27 =	vld [tilespmem:$0x1FE90];
	_ =	sdelay $0x1  }
0x11e: {  	v62 =	vld [tilespmem:$0x1FFF0];
	v25 =	vmul.f32 v25, v3  }
0x11f: {  	v61 =	vld [tilespmem:$0x1FF10];
	v24 =	vmul.f32 v24, v1  }
0x120: {  	v22 =	vadd.f32 v25, v22;
	v25 =	vand.u32 $0xFFFF0000, v63  }
0x121: {  	v27 =	vmul.f32 v27, v2;
	v18 =	vadd.f32 v24, v18;
	v24 =	vadd.f32 $0.0e+00, v25;
	v25 =	vld [tilespmem:$0x1FDC0]  }
0x122: {  	v63 =	vld [tilespmem:$0x1FE70]  }
0x123: {  	v18 =	vadd.f32 v27, v18;
	v27 =	vld [tilespmem:$0x1FDE0]  }
0x124: {  	v35 =	vmul.f32 v61, v1;
	v41 =	vshll.u32 v62, $0x10  }
0x125: {  	v61 =	vmul.f32 v6, v1;
	v19 =	vadd.f32 v29, v19;
	v29 =	vadd.f32 $0.0e+00, v41  }
0x126: {  	v24 =	vmul.f32 v24, v0;
	v25 =	vmul.f32 v25, v3  }
0x127: {  	v29 =	vmul.f32 v29, v0;
	v41 =	vmul.f32 v63, v2  }
0x128: {  	v24 =	vadd.f32 v35, v24;
	v27 =	vmul.f32 v27, v3;
	v35 =	vadd.f32 v25, v19;
	v25 =	vld [tilespmem:$0x1FE30]  }
0x129: {  	v19 =	vadd.f32 v61, v29;
	v61 =	vld [tilespmem:$0x1FDD0]  }
0x12a: {  	v6 =	vadd.f32 v27, v18;
	v18 =	vadd.f32 v41, v24;
	v24 =	vand.u32 $0xFFFF0000, v62;
	v62 =	vld [tilespmem:$0x1FD90];
	_ =	sdelay $0x1  }
0x12b: {  	v24 =	vadd.f32 $0.0e+00, v24  }
0x12c: {  	v27 =	vshll.u32 v45, $0x10;
	v25 =	vmul.f32 v25, v2  }
0x12d: {  	v27 =	vadd.f32 $0.0e+00, v27;
	v29 =	vmul.f32 v61, v3;
	v24 =	vmul.f32 v24, v0  }
0x12e: {  	v61 =	vmul.f32 v62, v3;
	v19 =	vadd.f32 v25, v19;
	v25 =	vmul.f32 v4, v1  }
0x12f: {  	v41 =	vadd.f32 v29, v18;
	v18 =	vmul.f32 v27, v0;
	v27 =	vmul.f32 v34, v1  }
0x130: {  	v4 =	vadd.f32 v61, v19;
	v19 =	vadd.f32 v25, v24;
	v24 =	vand.u32 $0xFFFF0000, v45  }
0x131: {  	v14 =	vmul.f32 v14, v2;
	v24 =	vadd.f32 $0.0e+00, v24  }
0x132: {  	v18 =	vadd.f32 v27, v18;
	v25 =	vmul.f32 v12, v2;
	v27 =	vshll.u32 v43, $0x10  }
0x133: {  	v12 =	vadd.f32 v14, v19;
	v19 =	vmul.f32 v24, v0;
	v24 =	vmul.f32 v30, v1  }
0x134: {  	v14 =	vadd.f32 $0.0e+00, v27;
	v18 =	vadd.f32 v25, v18;
	v25 =	vand.u32 $0xFFFF0000, v43  }
0x135: {  	v19 =	vadd.f32 v24, v19;
	v24 =	vadd.f32 $0.0e+00, v25;
	v25 =	vmul.f32 v60, v3  }
0x136: {  	v27 =	vmul.f32 v31, v1;
	v14 =	vmul.f32 v14, v0  }
0x137: {  	v18 =	vadd.f32 v25, v18;
	v25 =	vld [tilespmem:$0x1FD60]  }
0x138: {  	v14 =	vadd.f32 v27, v14;
	v27 =	vmul.f32 v50, v2;
	_ =	sdelay $0x1  }
0x139: {  	v19 =	vadd.f32 v27, v19;
	v27 =	vmul.f32 v56, v3  }
0x13a: {  	v9 =	vmul.f32 v9, v2  }
0x13b: {  	v24 =	vmul.f32 v24, v0;
	v19 =	vadd.f32 v27, v19;
	v27 =	vld [tilespmem:$0x1FD10];
	v25 =	vmul.f32 v25, v1;
	_ =	sdelay $0x1  }
0x13c: {  	v9 =	vadd.f32 v9, v14;
	v14 =	vadd.f32 v25, v24;
	v25 =	vand.u32 $0xFFFF0000, v44  }
0x13d: {  	v25 =	vadd.f32 $0.0e+00, v25;
	_ =	sdelay $0x1  }
0x13e: {  	v27 =	vmul.f32 v27, v1;
	v25 =	vmul.f32 v25, v0;
	_ =	sdelay $0x1  }
0x13f: {  	v25 =	vadd.f32 v27, v25;
	v27 =	vshll.u32 v38, $0x10  }
0x140: {  	v27 =	vadd.f32 $0.0e+00, v27  }
0x141: {  	v24 =	vshll.u32 v44, $0x10;
	v44 =	vld [tilespmem:$0x1FD70]  }
0x142: {  	v56 =	vmul.f32 v40, v1;
	v27 =	vmul.f32 v27, v0  }
0x143: {  	v24 =	vadd.f32 $0.0e+00, v24  }
0x144: {  	v17 =	vmul.f32 v17, v2;
	v63 =	vmul.f32 v49, v2;
	v61 =	vld [tilespmem:$0x1FD20];
	v27 =	vadd.f32 v56, v27  }
0x145: {  	v49 =	vmul.f32 v57, v3;
	v57 =	vld [tilespmem:$0x1FCF0];
	v24 =	vmul.f32 v24, v0  }
0x146: {  	v29 =	vmul.f32 v44, v1;
	v17 =	vadd.f32 v17, v27;
	v27 =	vshll.u32 v37, $0x10  }
0x147: {  	v7 =	vmul.f32 v7, v3;
	v45 =	vand.u32 $0xFFFF0000, v38;
	v27 =	vadd.f32 $0.0e+00, v27  }
0x148: {  	v34 =	vmul.f32 v59, v3;
	v24 =	vadd.f32 v29, v24;
	v29 =	vadd.f32 $0.0e+00, v45  }
0x149: {  	v31 =	vmul.f32 v61, v1;
	v27 =	vmul.f32 v27, v0  }
0x14a: {  	v9 =	vadd.f32 v34, v9;
	v34 =	vmul.f32 v57, v1;
	v29 =	vmul.f32 v29, v0  }
0x14b: {  	v7 =	vadd.f32 v7, v17;
	v17 =	vadd.f32 v31, v27;
	v27 =	vld [tilespmem:$0x1FD30]  }
0x14c: {  	v5 =	vmul.f32 v5, v2;
	v62 =	vld [tilespmem:$0x1FE00];
	v29 =	vadd.f32 v34, v29  }
0x14d: {  	v59 =	vand.u32 $0xFFFF0000, v37  }
0x14e: {  	v5 =	vadd.f32 v5, v29;
	v29 =	vadd.f32 $0.0e+00, v59  }
0x14f: {  	v16 =	vmul.f32 v18, v16  }
0x150: {  	v18 =	vmul.f32 v29, v0;
	v27 =	vmul.f32 v27, v1  }
0x151: {  	v13 =	vmul.f32 v19, v13;
	v19 =	vshll.u32 v62, $0x10  }
0x152: {  	v19 =	vadd.f32 $0.0e+00, v19;
	v18 =	vadd.f32 v27, v18;
	v27 =	vmul.f32 v39, v2;
	_ =	sdelay $0x1  }
0x153: {  	v13 =	vadd.f32 v13, v16;
	v16 =	vadd.f32 v27, v18;
	v18 =	vmul.f32 v19, v0;
	v19 =	vld [tilespmem:$0x1FD50];
	_ =	sdelay $0x1  }
0x154: {  	v48 =	vmul.f32 v48, v2;
	v43 =	vmul.f32 v58, v3;
	v14 =	vadd.f32 v63, v14  }
0x155: {  	v9 =	vmul.f32 v9, v28  }
0x156: {  	v50 =	vmul.f32 v42, v2;
	v14 =	vadd.f32 v43, v14;
	v24 =	vadd.f32 v48, v24  }
0x157: {  	v58 =	vmul.f32 v55, v3;
	v9 =	vadd.f32 v9, v13;
	v19 =	vmul.f32 v19, v1  }
0x158: {  	v13 =	vmul.f32 v14, v26;
	v25 =	vadd.f32 v50, v25;
	v24 =	vadd.f32 v49, v24  }
0x159: {  	v26 =	vmul.f32 v33, v2;
	v18 =	vadd.f32 v19, v18;
	v19 =	vmul.f32 v53, v3  }
0x15a: {  	v9 =	vadd.f32 v13, v9;
	v25 =	vadd.f32 v58, v25;
	v13 =	vmul.f32 v24, v15  }
0x15b: {  	v15 =	vadd.f32 v19, v16;
	v16 =	vadd.f32 v26, v18;
	v18 =	vld [tilespmem:$0x1FE10]  }
0x15c: {  	v11 =	vmul.f32 v25, v11;
	v9 =	vadd.f32 v13, v9;
	v19 =	vmul.f32 v51, v3  }
0x15d: {  	v63 =	vmul.f32 v36, v2  }
0x15e: {  	v7 =	vmul.f32 v7, v21;
	v9 =	vadd.f32 v11, v9;
	v11 =	vadd.f32 v19, v16;
	v16 =	vld [tilespmem:$0x1FD00]  }
0x15f: {  	v14 =	vmul.f32 v52, v3;
	v24 =	vld [tilespmem:$0x1FD40];
	v17 =	vadd.f32 v63, v17  }
0x160: {  	v60 =	vmul.f32 v54, v3;
	v7 =	vadd.f32 v7, v9;
	v13 =	vshll.u32 v18, $0x10  }
0x161: {  	v9 =	vld [tilespmem:$0x1FCE0];
	v14 =	vadd.f32 v14, v17;
	v17 =	vand.u32 $0xFFFF0000, v62;
	v13 =	vadd.f32 $0.0e+00, v13  }
0x162: {  	v17 =	vadd.f32 $0.0e+00, v17  }
0x163: {  	v5 =	vadd.f32 v60, v5;
	v16 =	vmul.f32 v16, v1;
	v13 =	vmul.f32 v13, v0  }
0x164: {  	v24 =	vmul.f32 v24, v1;
	v17 =	vmul.f32 v17, v0  }
0x165: {  	v5 =	vmul.f32 v5, v32;
	v13 =	vadd.f32 v16, v13;
	v16 =	vld [tilespmem:$0x1FCD0]  }
0x166: {  	v9 =	vmul.f32 v9, v2;
	v17 =	vadd.f32 v24, v17  }
0x167: {  	v5 =	vadd.f32 v5, v7;
	v7 =	vmul.f32 v14, v22;
	v18 =	vand.u32 $0xFFFF0000, v18  }
0x168: {  	v8 =	vmul.f32 v8, v3;
	v9 =	vadd.f32 v9, v17;
	v18 =	vadd.f32 $0.0e+00, v18  }
0x169: {  	v5 =	vadd.f32 v7, v5;
	v17 =	vmul.f32 v23, v1;
	v7 =	vmul.f32 v15, v35  }
0x16a: {  	v8 =	vadd.f32 v8, v9;
	v14 =	vmul.f32 v18, v0;
	v16 =	vmul.f32 v16, v2  }
0x16b: {  	v15 =	vmul.f32 v46, v3;
	v5 =	vadd.f32 v7, v5;
	v6 =	vmul.f32 v11, v6  }
0x16c: {  	v14 =	vadd.f32 v17, v14;
	v13 =	vadd.f32 v16, v13;
	v16 =	vmul.f32 v47, v2  }
0x16d: {  	v7 =	vmul.f32 v10, v3;
	v11 =	vmul.f32 v20, v3;
	v5 =	vadd.f32 v6, v5  }
0x16e: {  	v6 =	vmul.f32 v8, v41;
	v9 =	vadd.f32 v15, v13;
	v10 =	vadd.f32 v16, v14  }
0x16f: {  	v7 =	vadd.f32 v7, v12  }
0x170: {  	v5 =	vadd.f32 v6, v5;
	v8 =	vadd.f32 v11, v10;
	v4 =	vmul.f32 v9, v4;
	_ =	sdelay $0x1  }
0x171: {  	v4 =	vadd.f32 v4, v5;
	v5 =	vmul.f32 v8, v7;
	_ =	sdelay $0x1  }
0x172: {  	v4 =	vadd.f32 v5, v4;
	_ =	sdelay $0x1  }
0x173: {  	(xrf2) =	vadd.scan.msk.f32 $0xffff, v4;
	_ =	sdelay $0x4  }
0x174: {  	s24 =	sshll.u32 s23, $0x1  }
0x175: {  	v4 =	vmov s24  }
0x176: {  	v4 =	vbroadcast v4, $0x0;
	_ =	sdelay $0x2  }
0x177: {  	p0 =	seq.s32 s23, $0x3F;
	v5, _, _ =	vpop (xrf2)  }
0x178: {  	s24 =	sshll.u32 @!p0 s23, $0x9;
	v5 =	vbroadcast v5, $0xF  }
0x179: {  	s24 =	sand.u32 @!p0 $0x3FFFFE00, s24  }
0x17a: {  	s26 =	simm.s32 @!p0 $0x80;
	s28 =	simm.s32 @!p0 $0x8010;
	s25 =	sadd.s32 @!p0 $0x210, s24;
	[tilespmem:v4+s20+$0x0] =	vst.idx.msk $0x1, v5  }
0x17b: {  	[tilespmem:s28], [sflag:$0x1] =	stream.indirect.gather @!p0 [hbm4b:s3+s26], $0x80, s25, s26, $0xb8;
	[tilespmem:$0x12090] =	vst v63  }
0x17c: {  	s24 =	sadd.s32 @!p0 $0x290, s24;
	s25 =	simm.s32 @!p0 $0x20;
	s26 =	simm.s32 @!p0 $0xC010  }
0x17d: {  	[tilespmem:s26], [sflag:$0x1] =	stream.indirect.gather @!p0 [hbm4b:s3+s25], $0x80, s24, s25, $0xb8;
	[tilespmem:$0x12090] =	vst v63  }
0x17e: {  	_ =	swait.ge [sflag:s21], $0x5000  }
0x17f: {  	[sflag:s21] =	ssyncset.done $0x0  }
0x180: {  	[sflag:s21] =	ssyncadd.s32 $0xFFFFB000  }
0x181: {  	v4 =	vld [tilespmem:$0xD010]  }
0x182: {  	v5 =	vld [tilespmem:$0xD030];
	_ =	sdelay $0x1  }
0x183: {  	s31 =	simm.s32 $0xE0  }
0x184: {  	v6 =	vld [tilespmem:s31+$0xCFE0]  }
0x185: {  	[tilespmem:$0x1FC60] =	vst v4;
	v4 =	vld [tilespmem:$0xD020]  }
0x186: {  	[tilespmem:$0x1FC80] =	vst v5;
	v5 =	vld [tilespmem:$0xD040]  }
0x187: {  	v9 =	vld [tilespmem:$0xD060];
	_ =	sdelay $0x2  }
0x188: {  	[tilespmem:$0x1FC70] =	vst v4;
	v4 =	vld [tilespmem:s31+$0xD010]  }
0x189: {  	[tilespmem:$0x1FC90] =	vst v5;
	v5 =	vld [tilespmem:$0xD050]  }
0x18a: {  	[tilespmem:$0x1FCB0] =	vst v9;
	v9 =	vshll.u32 v6, $0x10;
	v24 =	vand.u32 $0xFFFF0000, v6;
	v6 =	vld [tilespmem:$0xD070];
	_ =	sdelay $0x1  }
0x18b: {  	v7 =	vld [tilespmem:s31+$0xCFF0]  }
0x18c: {  	v21 =	vimm.f32 $0.0e+00;
	v20 =	vimm.f32 $0.0e+00;
	v12 =	vimm.f32 $0.0e+00;
	v19 =	vld [tilespmem:s31+$0xCFD0]  }
0x18d: {  	v18 =	vimm.f32 $0.0e+00;
	v23 =	vld [tilespmem:s31+$0xCFB0];
	[tilespmem:$0x1FCA0] =	vst v5;
	v5 =	vimm.f32 $0.0e+00;
	v8 =	vshll.u32 v4, $0x10  }
0x18e: {  	v17 =	vimm.f32 $0.0e+00;
	v15 =	vimm.f32 $0.0e+00;
	[tilespmem:$0x1FCC0] =	vst v6;
	v6 =	vadd.f32 v8, v5;
	v8 =	vld [tilespmem:s31+$0xD000]  }
0x18f: {  	v13 =	vimm.f32 $0.0e+00;
	v14 =	vimm.f32 $0.0e+00;
	v16 =	vimm.f32 $0.0e+00;
	v22 =	vld [tilespmem:s31+$0xCFC0]  }
0x190: {  	v10 =	vimm.f32 $0.0e+00;
	v25 =	vshll.u32 v7, $0x10;
	v4 =	vand.u32 $0xFFFF0000, v4  }
0x191: {  	s24 =	sshllo.u32 s23, $0x1;
	s25 =	simm.s32 $0x580;
	v4 =	vadd.f32 v4, v5;
	v11 =	vadd.f32 v9, v5;
	v9 =	vimm.f32 $0.0e+00  }
.LBB2_15:
0x192: {  	s26 =	sshra.s32 s25, $0x2;
	p1 =	sne.s32 s25, $0x3380;
	s25 =	sadd.s32 $0x200, s25;
	v15 =	vadd.f32 v24, v15;
	v21 =	vadd.f32 v25, v21  }
0x193: {  	v26 =	vand.u32 $0xFFFF0000, v7;
	v27 =	vand.u32 $0xFFFF0000, v8;
	v24 =	vld [tilespmem:s26+$0xCFE0];
	v25 =	vshll.u32 v23, $0x10  }
0x194: {  	v30 =	vshll.u32 v19, $0x10;
	v31 =	vand.u32 $0xFFFF0000, v19;
	v28 =	vld [tilespmem:s26+$0xD010];
	v29 =	vand.u32 $0xFFFF0000, v22  }
0x195: {  	v23 =	vand.u32 $0xFFFF0000, v23;
	v20 =	vadd.f32 v26, v20;
	v13 =	vadd.f32 v27, v13;
	v7 =	vld [tilespmem:s26+$0xCFF0]  }
0x196: {  	v14 =	vadd.f32 v23, v14;
	v22 =	vshll.u32 v22, $0x10;
	v9 =	vadd.f32 v29, v9;
	v19 =	vld [tilespmem:s26+$0xCFD0]  }
.Ltmp8:
0x197: {  	v12 =	vadd.f32 v31, v12;
	v10 =	vadd.f32 v25, v10;
	v25 =	vshll.u32 v8, $0x10;
	v8 =	vld [tilespmem:s26+$0xD000];
	(pc) =	sbr.rel @p1 .LBB2_15-.Ltmp8, $4  }
0x198: {  	v16 =	vadd.f32 v22, v16;
	v17 =	vadd.f32 v25, v17;
	v23 =	vld [tilespmem:s26+$0xCFB0]  }
0x199: {  	v18 =	vadd.f32 v30, v18;
	v22 =	vld [tilespmem:s26+$0xCFC0];
	v26 =	vshll.u32 v28, $0x10;
	v25 =	vand.u32 $0xFFFF0000, v28  }
0x19a: {  	v27 =	vshll.u32 v24, $0x10;
	v24 =	vand.u32 $0xFFFF0000, v24;
	v4 =	vadd.f32 v25, v4  }
0x19b: {  	v11 =	vadd.f32 v27, v11;
	v25 =	vshll.u32 v7, $0x10;
	v6 =	vadd.f32 v26, v6  }
0x19c: {  	v15 =	vadd.f32 v24, v15;
	v7 =	vand.u32 $0xFFFF0000, v7  }
0x19d: {  	v7 =	vadd.f32 v7, v20  }
0x19e: {  	[tilespmem:$0x1FBB0] =	vst v15;
	v15 =	vadd.f32 v25, v21;
	v21 =	vand.u32 $0xFFFF0000, v8  }
0x19f: {  	v24 =	vand.u32 $0xFFFF0000, v22;
	[tilespmem:$0x1FBD0] =	vst v7;
	v7 =	vadd.f32 v21, v13  }
0x1a0: {  	v8 =	vshll.u32 v8, $0x10;
	v9 =	vadd.f32 v24, v9;
	[tilespmem:$0x1FBC0] =	vst v15  }
0x1a1: {  	s25 =	simm.s32 $0x0;
	v8 =	vadd.f32 v8, v17;
	v15 =	vshll.u32 v23, $0x10;
	[tilespmem:$0x1FBE0] =	vst v7  }
0x1a2: {  	v20 =	vld [tilespmem:s25+$0xDD70];
	v23 =	vand.u32 $0xFFFF0000, v23;
	[tilespmem:$0x1FC00] =	vst v9;
	v9 =	vadd.f32 v15, v10  }
0x1a3: {  	v26 =	vshll.u32 v19, $0x10;
	v19 =	vand.u32 $0xFFFF0000, v19;
	v25 =	vld [tilespmem:s25+$0xDD40];
	v7 =	vadd.f32 v23, v14;
	[tilespmem:$0x1FC40] =	vst v8  }
0x1a4: {  	[tilespmem:$0x1FC10] =	vst v9;
	v9 =	vadd.f32 v19, v12  }
0x1a5: {  	v13 =	vshll.u32 v22, $0x10;
	v22 =	vimm.f32 $0.0e+00;
	v24 =	vld [tilespmem:s25+$0xDD60];
	v8 =	vadd.f32 v26, v18;
	[tilespmem:$0x1FBF0] =	vst v7  }
0x1a6: {  	v17 =	vimm.f32 $0.0e+00;
	v15 =	vimm.f32 $0.0e+00;
	v7 =	vld [tilespmem:s25+$0xDD30];
	[tilespmem:$0x1FC20] =	vst v9;
	v9 =	vadd.f32 v13, v16  }
0x1a7: {  	v23 =	vimm.f32 $0.0e+00;
	v10 =	vimm.f32 $0.0e+00;
	v18 =	vimm.f32 $0.0e+00;
	[tilespmem:$0x1FC50] =	vst v8;
	v13 =	vld [tilespmem:s25+$0xDD50]  }
0x1a8: {  	v8 =	vand.u32 $0xFFFF0000, v20;
	v28 =	vand.u32 $0xFFFF0000, v25;
	[tilespmem:$0x1FC30] =	vst v9;
	v9 =	vshll.u32 v25, $0x10;
	v25 =	vld [tilespmem:s25+$0xDD10]  }
0x1a9: {  	v26 =	vshll.u32 v20, $0x10;
	v12 =	vimm.f32 $0.0e+00;
	v14 =	vadd.f32 v8, v5;
	v8 =	vld [tilespmem:s25+$0xDD20]  }
0x1aa: {  	v20 =	vimm.f32 $0.0e+00;
	v19 =	vimm.f32 $0.0e+00;
	v16 =	vimm.f32 $0.0e+00  }
0x1ab: {  	s26 =	simm.s32 $0x200;
	v27 =	vand.u32 $0xFFFF0000, v7;
	v21 =	vadd.f32 v9, v5;
	v9 =	vimm.f32 $0.0e+00  }
.LBB2_17:
0x1ac: {  	s28 =	sshra.s32 s26, $0x2;
	p1 =	sne.s32 s26, $0x3000;
	s26 =	sadd.s32 $0x200, s26;
	v5 =	vadd.f32 v28, v5;
	v28 =	vshll.u32 v13, $0x10;
	v15 =	vadd.f32 v26, v15  }
0x1ad: {  	v23 =	vadd.f32 v27, v23;
	v29 =	vld [tilespmem:s28+$0xDD40];
	v26 =	vshll.u32 v25, $0x10  }
0x1ae: {  	v30 =	vand.u32 $0xFFFF0000, v8;
	v25 =	vand.u32 $0xFFFF0000, v25;
	v27 =	vld [tilespmem:s28+$0xDD70];
	v31 =	vshll.u32 v24, $0x10  }
0x1af: {  	v32 =	vand.u32 $0xFFFF0000, v13;
	v22 =	vadd.f32 v28, v22;
	v24 =	vand.u32 $0xFFFF0000, v24;
	v13 =	vld [tilespmem:s28+$0xDD50]  }
0x1b0: {  	v28 =	vshll.u32 v8, $0x10;
	v16 =	vadd.f32 v32, v16;
	v17 =	vadd.f32 v24, v17;
	v33 =	vld [tilespmem:s28+$0xDD30]  }
.Ltmp9:
0x1b1: {  	v9 =	vadd.f32 v25, v9;
	v10 =	vadd.f32 v31, v10;
	v8 =	vld [tilespmem:s28+$0xDD20];
	(pc) =	sbr.rel @p1 .LBB2_17-.Ltmp9, $4  }
0x1b2: {  	v7 =	vshll.u32 v7, $0x10;
	v20 =	vadd.f32 v30, v20;
	v12 =	vadd.f32 v26, v12;
	v25 =	vld [tilespmem:s28+$0xDD10]  }
0x1b3: {  	v18 =	vadd.f32 v28, v18;
	v24 =	vld [tilespmem:s28+$0xDD60];
	v26 =	vshll.u32 v27, $0x10;
	v30 =	vand.u32 $0xFFFF0000, v27  }
0x1b4: {  	v19 =	vadd.f32 v7, v19;
	v31 =	vshll.u32 v29, $0x10;
	v28 =	vand.u32 $0xFFFF0000, v29  }
0x1b5: {  	v21 =	vadd.f32 v31, v21;
	v14 =	vadd.f32 v30, v14;
	v27 =	vand.u32 $0xFFFF0000, v33;
	v7 =	vmovc v33  }
0x1b6: {  	v5 =	vadd.f32 v28, v5  }
0x1b7: {  	v15 =	vadd.f32 v26, v15  }
0x1b8: {  	v23 =	vadd.f32 v27, v23;
	[tilespmem:$0x1FAF0] =	vst v5;
	v5 =	vshll.u32 v13, $0x10  }
0x1b9: {  	v7 =	vshll.u32 v7, $0x10;
	[tilespmem:$0x1FB00] =	vst v15;
	v13 =	vand.u32 $0xFFFF0000, v13;
	v5 =	vadd.f32 v5, v22  }
0x1ba: {  	v26 =	vld [tilespmem:s25+$0xE9C0];
	v15 =	vshll.u32 v25, $0x10;
	[tilespmem:$0x1FB10] =	vst v23;
	v23 =	vand.u32 $0xFFFF0000, v25;
	v13 =	vadd.f32 v13, v16  }
0x1bb: {  	v25 =	vand.u32 $0xFFFF0000, v8;
	v8 =	vshll.u32 v8, $0x10;
	v9 =	vadd.f32 v23, v9;
	[tilespmem:$0x1FB20] =	vst v5  }
0x1bc: {  	v7 =	vadd.f32 v7, v19;
	v22 =	vld [tilespmem:s25+$0xE9F0];
	v8 =	vadd.f32 v8, v18;
	v5 =	vand.u32 $0xFFFF0000, v24;
	[tilespmem:$0x1FB30] =	vst v13  }
0x1bd: {  	v16 =	vimm.f32 $0.0e+00;
	v24 =	vshll.u32 v24, $0x10;
	[tilespmem:$0x1FB50] =	vst v9;
	v5 =	vadd.f32 v5, v17  }
0x1be: {  	v19 =	vld [tilespmem:s25+$0xE9D0];
	v23 =	vimm.f32 $0.0e+00;
	v18 =	vimm.f32 $0.0e+00;
	[tilespmem:$0x1FB90] =	vst v8;
	v9 =	vadd.f32 v24, v10  }
0x1bf: {  	v8 =	vshll.u32 v26, $0x10;
	v29 =	vand.u32 $0xFFFF0000, v26;
	v13 =	vimm.f32 $0.0e+00;
	[tilespmem:$0x1FB40] =	vst v5;
	v5 =	vld [tilespmem:s25+$0xE9B0]  }
0x1c0: {  	v26 =	vld [tilespmem:s25+$0xE990];
	v40 =	vadd.f32 v8, v16;
	v24 =	vimm.f32 $0.0e+00;
	[tilespmem:$0x1FB60] =	vst v9;
	v9 =	vadd.f32 v15, v12  }
0x1c1: {  	[tilespmem:$0x1FBA0] =	vst v7;
	v8 =	vld [tilespmem:s25+$0xE9A0];
	v17 =	vimm.f32 $0.0e+00;
	v10 =	vimm.f32 $0.0e+00;
	v27 =	vshll.u32 v22, $0x10  }
0x1c2: {  	v7 =	vand.u32 $0xFFFF0000, v22;
	v22 =	vimm.f32 $0.0e+00;
	v15 =	vld [tilespmem:s25+$0xE9E0];
	[tilespmem:$0x1FB70] =	vst v9;
	v9 =	vadd.f32 v25, v20  }
0x1c3: {  	v12 =	vimm.f32 $0.0e+00;
	v25 =	vimm.f32 $0.0e+00;
	v20 =	vimm.f32 $0.0e+00  }
0x1c4: {  	s26 =	simm.s32 $0x200;
	[tilespmem:$0x1FB80] =	vst v9;
	v9 =	vadd.f32 v7, v16;
	v7 =	vimm.f32 $0.0e+00;
	v28 =	vand.u32 $0xFFFF0000, v5  }
.LBB2_19:
0x1c5: {  	s25 =	sshra.s32 s26, $0x2;
	p1 =	sne.s32 s26, $0x3000;
	s26 =	sadd.s32 $0x200, s26;
	v16 =	vadd.f32 v29, v16;
	v29 =	vshll.u32 v19, $0x10;
	v25 =	vadd.f32 v27, v25  }
0x1c6: {  	v24 =	vadd.f32 v28, v24;
	v30 =	vld [tilespmem:s25+$0xE9C0];
	v27 =	vshll.u32 v26, $0x10  }
0x1c7: {  	v31 =	vand.u32 $0xFFFF0000, v8;
	v26 =	vand.u32 $0xFFFF0000, v26;
	v28 =	vld [tilespmem:s25+$0xE9F0];
	v32 =	vshll.u32 v15, $0x10  }
0x1c8: {  	v33 =	vand.u32 $0xFFFF0000, v19;
	v23 =	vadd.f32 v29, v23;
	v15 =	vand.u32 $0xFFFF0000, v15;
	v19 =	vld [tilespmem:s25+$0xE9D0]  }
0x1c9: {  	v29 =	vshll.u32 v8, $0x10;
	v22 =	vadd.f32 v33, v22;
	v7 =	vadd.f32 v15, v7;
	v34 =	vld [tilespmem:s25+$0xE9B0]  }
.Ltmp10:
0x1ca: {  	v20 =	vadd.f32 v26, v20;
	v12 =	vadd.f32 v32, v12;
	v8 =	vld [tilespmem:s25+$0xE9A0];
	(pc) =	sbr.rel @p1 .LBB2_19-.Ltmp10, $4  }
0x1cb: {  	v5 =	vshll.u32 v5, $0x10;
	v18 =	vadd.f32 v31, v18;
	v13 =	vadd.f32 v27, v13;
	v26 =	vld [tilespmem:s25+$0xE990]  }
0x1cc: {  	v17 =	vadd.f32 v29, v17;
	v15 =	vld [tilespmem:s25+$0xE9E0];
	v27 =	vshll.u32 v28, $0x10;
	v31 =	vand.u32 $0xFFFF0000, v28  }
0x1cd: {  	v10 =	vadd.f32 v5, v10;
	v32 =	vshll.u32 v30, $0x10;
	v29 =	vand.u32 $0xFFFF0000, v30  }
0x1ce: {  	v40 =	vadd.f32 v32, v40;
	v9 =	vadd.f32 v31, v9;
	v28 =	vand.u32 $0xFFFF0000, v34;
	v5 =	vmovc v34  }
0x1cf: {  	v16 =	vadd.f32 v29, v16  }
0x1d0: {  	v25 =	vadd.f32 v27, v25  }
0x1d1: {  	v24 =	vadd.f32 v28, v24;
	v5 =	vshll.u32 v5, $0x10;
	[tilespmem:$0x1FA50] =	vst v16  }
0x1d2: {  	v45 =	vld [tilespmem:$0xF810];
	v5 =	vadd.f32 v5, v10;
	v16 =	vshll.u32 v19, $0x10;
	[tilespmem:$0x1FA60] =	vst v25  }
0x1d3: {  	v42 =	vld [tilespmem:$0xF820];
	s25 =	simm.s32 $0x0;
	v25 =	vshll.u32 v26, $0x10;
	[tilespmem:$0x1FA70] =	vst v24;
	v24 =	vand.u32 $0xFFFF0000, v26;
	v16 =	vadd.f32 v16, v23  }
0x1d4: {  	v29 =	vld [tilespmem:s25+$0xF8F0];
	v26 =	vand.u32 $0xFFFF0000, v8;
	v19 =	vand.u32 $0xFFFF0000, v19;
	v8 =	vshll.u32 v8, $0x10  }
0x1d5: {  	v19 =	vadd.f32 v19, v22;
	v32 =	vadd.f32 v8, v17;
	v8 =	vld [tilespmem:$0xF860];
	[tilespmem:$0x1FA80] =	vst v16;
	v16 =	vand.u32 $0xFFFF0000, v15  }
0x1d6: {  	v43 =	vld [tilespmem:$0xF830];
	[tilespmem:$0x1FAC0] =	vst v5;
	v15 =	vshll.u32 v15, $0x10;
	v7 =	vadd.f32 v16, v7  }
0x1d7: {  	[tilespmem:$0x1FA90] =	vst v19;
	v19 =	vld [tilespmem:s25+$0xF8C0];
	v12 =	vadd.f32 v15, v12  }
0x1d8: {  	v33 =	vimm.f32 $0.0e+00;
	v36 =	vld [tilespmem:s25+$0xF890];
	v30 =	vadd.f32 v24, v20;
	[tilespmem:$0x1FAA0] =	vst v7  }
0x1d9: {  	v31 =	vimm.f32 $0.0e+00;
	v35 =	vadd.f32 v25, v13;
	v28 =	vadd.f32 v26, v18;
	v7 =	vld [tilespmem:s25+$0xF8B0];
	[tilespmem:$0x1FAB0] =	vst v12  }
0x1da: {  	v5 =	vimm.f32 $0.0e+00;
	v18 =	vimm.f32 $0.0e+00;
	[tilespmem:$0x1FAD0] =	vst v8;
	v8 =	vand.u32 $0xFFFF0000, v29;
	v12 =	vld [tilespmem:$0xF870]  }
0x1db: {  	v13 =	vimm.f32 $0.0e+00;
	v17 =	vimm.f32 $0.0e+00;
	v23 =	vadd.f32 v8, v5;
	v8 =	vld [tilespmem:s25+$0xF8D0]  }
0x1dc: {  	v22 =	vimm.f32 $0.0e+00;
	v20 =	vimm.f32 $0.0e+00;
	v16 =	vld [tilespmem:s25+$0xF8E0];
	v10 =	vshll.u32 v19, $0x10  }
0x1dd: {  	v24 =	vimm.f32 $0.0e+00;
	v34 =	vshll.u32 v29, $0x10;
	v41 =	vadd.f32 v10, v5;
	v10 =	vld [tilespmem:s25+$0xF8A0]  }
0x1de: {  	v39 =	vld [tilespmem:$0xF840];
	v15 =	vimm.f32 $0.0e+00;
	v29 =	vimm.f32 $0.0e+00;
	v44 =	vand.u32 $0xFFFF0000, v19  }
0x1df: {  	v37 =	vld [tilespmem:$0xF850];
	s26 =	simm.s32 $0x200;
	v19 =	vimm.f32 $0.0e+00;
	[tilespmem:$0x1FAE0] =	vst v12;
	v38 =	vand.u32 $0xFFFF0000, v7;
	v12 =	vimm.f32 $0.0e+00  }
.LBB2_21:
0x1e0: {  	s28 =	sshra.s32 s26, $0x2;
	p1 =	sne.s32 s26, $0x3000;
	s26 =	sadd.s32 $0x200, s26;
	v15 =	vadd.f32 v44, v15;
	v44 =	vshll.u32 v8, $0x10;
	v33 =	vadd.f32 v34, v33  }
0x1e1: {  	v31 =	vadd.f32 v38, v31;
	v46 =	vld [tilespmem:s28+$0xF8C0];
	v34 =	vshll.u32 v36, $0x10  }
0x1e2: {  	v47 =	vand.u32 $0xFFFF0000, v10;
	v36 =	vand.u32 $0xFFFF0000, v36;
	v38 =	vld [tilespmem:s28+$0xF8F0];
	v48 =	vshll.u32 v16, $0x10  }
0x1e3: {  	v49 =	vand.u32 $0xFFFF0000, v8;
	v29 =	vadd.f32 v44, v29;
	v16 =	vand.u32 $0xFFFF0000, v16;
	v8 =	vld [tilespmem:s28+$0xF8D0]  }
0x1e4: {  	v44 =	vshll.u32 v10, $0x10;
	v18 =	vadd.f32 v49, v18;
	v19 =	vadd.f32 v16, v19;
	v50 =	vld [tilespmem:s28+$0xF8B0]  }
.Ltmp11:
0x1e5: {  	v12 =	vadd.f32 v36, v12;
	v13 =	vadd.f32 v48, v13;
	v10 =	vld [tilespmem:s28+$0xF8A0];
	(pc) =	sbr.rel @p1 .LBB2_21-.Ltmp11, $4  }
0x1e6: {  	v7 =	vshll.u32 v7, $0x10;
	v22 =	vadd.f32 v47, v22;
	v17 =	vadd.f32 v34, v17;
	v36 =	vld [tilespmem:s28+$0xF890]  }
0x1e7: {  	v20 =	vadd.f32 v44, v20;
	v16 =	vld [tilespmem:s28+$0xF8E0];
	v34 =	vshll.u32 v38, $0x10;
	v47 =	vand.u32 $0xFFFF0000, v38  }
0x1e8: {  	v24 =	vadd.f32 v7, v24;
	v48 =	vshll.u32 v46, $0x10;
	v44 =	vand.u32 $0xFFFF0000, v46  }
0x1e9: {  	v41 =	vadd.f32 v48, v41;
	v23 =	vadd.f32 v47, v23;
	v38 =	vand.u32 $0xFFFF0000, v50;
	v7 =	vmovc v50  }
0x1ea: {  	v15 =	vadd.f32 v44, v15  }
0x1eb: {  	v25 =	vadd.f32 v34, v33;
	v61 =	vand.u32 $0xFFFF0000, v10  }
0x1ec: {  	v10 =	vshll.u32 v10, $0x10;
	v7 =	vshll.u32 v7, $0x10;
	[tilespmem:$0x1F9C0] =	vst v15;
	v15 =	vshll.u32 v8, $0x10  }
0x1ed: {  	v44 =	vimm.f32 $0.0e+00;
	v8 =	vand.u32 $0xFFFF0000, v8;
	v15 =	vadd.f32 v15, v29  }
0x1ee: {  	v63 =	vld [tilespmem:s25+$0x10570];
	v33 =	vimm.f32 $0.0e+00;
	v49 =	vimm.f32 $0.0e+00;
	v8 =	vadd.f32 v8, v18  }
0x1ef: {  	v47 =	vimm.f32 $0.0e+00;
	v48 =	vimm.f32 $0.0e+00;
	[tilespmem:$0x1F9F0] =	vst v15;
	v15 =	vand.u32 $0xFFFF0000, v16  }
0x1f0: {  	v62 =	vld [tilespmem:s25+$0x10540];
	v60 =	vshll.u32 v36, $0x10;
	v7 =	vadd.f32 v7, v24;
	[tilespmem:$0x1FA00] =	vst v8;
	v8 =	vadd.f32 v15, v19  }
0x1f1: {  	v24 =	vimm.f32 $0.0e+00;
	[tilespmem:$0x1F9D0] =	vst v25;
	v25 =	vadd.f32 v38, v31;
	v31 =	vand.u32 $0xFFFF0000, v36;
	v18 =	vld [tilespmem:s25+$0x10510]  }
0x1f2: {  	v34 =	vadd.f32 v60, v17;
	v36 =	vimm.f32 $0.0e+00;
	v16 =	vshll.u32 v16, $0x10;
	[tilespmem:$0x1FA10] =	vst v8;
	v8 =	vld [tilespmem:s25+$0x10530]  }
0x1f3: {  	v29 =	vadd.f32 v31, v12;
	[tilespmem:$0x1FA40] =	vst v7;
	v7 =	vand.u32 $0xFFFF0000, v63;
	v12 =	vadd.f32 v16, v13;
	v13 =	vld [tilespmem:s25+$0x10550]  }
0x1f4: {  	v31 =	vadd.f32 v10, v20;
	v50 =	vshll.u32 v63, $0x10;
	v46 =	vadd.f32 v7, v5;
	v7 =	vld [tilespmem:s25+$0x10520]  }
0x1f5: {  	v10 =	vshll.u32 v62, $0x10;
	v20 =	vand.u32 $0xFFFF0000, v62;
	v16 =	vld [tilespmem:s25+$0x10560];
	[tilespmem:$0x1FA20] =	vst v12;
	v12 =	vadd.f32 v61, v22  }
0x1f6: {  	[tilespmem:$0x1F9E0] =	vst v25;
	v17 =	vadd.f32 v10, v5;
	v15 =	vimm.f32 $0.0e+00;
	v10 =	vimm.f32 $0.0e+00  }
0x1f7: {  	s26 =	simm.s32 $0x200;
	v19 =	vimm.f32 $0.0e+00;
	[tilespmem:$0x1FA30] =	vst v12;
	v12 =	vimm.f32 $0.0e+00;
	v51 =	vand.u32 $0xFFFF0000, v8  }
.LBB2_23:
0x1f8: {  	s25 =	sshra.s32 s26, $0x2;
	p1 =	sne.s32 s26, $0x3000;
	s26 =	sadd.s32 $0x200, s26;
	v5 =	vadd.f32 v20, v5;
	v20 =	vshll.u32 v13, $0x10;
	v15 =	vadd.f32 v50, v15  }
0x1f9: {  	v44 =	vadd.f32 v51, v44;
	v38 =	vld [tilespmem:s25+$0x10540];
	v50 =	vshll.u32 v18, $0x10  }
0x1fa: {  	v52 =	vand.u32 $0xFFFF0000, v7;
	v18 =	vand.u32 $0xFFFF0000, v18;
	v51 =	vld [tilespmem:s25+$0x10570];
	v53 =	vshll.u32 v16, $0x10  }
0x1fb: {  	v54 =	vand.u32 $0xFFFF0000, v13;
	v36 =	vadd.f32 v20, v36;
	v16 =	vand.u32 $0xFFFF0000, v16;
	v13 =	vld [tilespmem:s25+$0x10550]  }
0x1fc: {  	v20 =	vshll.u32 v7, $0x10;
	v24 =	vadd.f32 v54, v24;
	v33 =	vadd.f32 v16, v33;
	v55 =	vld [tilespmem:s25+$0x10530]  }
.Ltmp12:
0x1fd: {  	v10 =	vadd.f32 v18, v10;
	v12 =	vadd.f32 v53, v12;
	v7 =	vld [tilespmem:s25+$0x10520];
	(pc) =	sbr.rel @p1 .LBB2_23-.Ltmp12, $4  }
0x1fe: {  	v8 =	vshll.u32 v8, $0x10;
	v49 =	vadd.f32 v52, v49;
	v19 =	vadd.f32 v50, v19;
	v18 =	vld [tilespmem:s25+$0x10510]  }
0x1ff: {  	v47 =	vadd.f32 v20, v47;
	v16 =	vld [tilespmem:s25+$0x10560];
	v50 =	vshll.u32 v51, $0x10;
	v52 =	vand.u32 $0xFFFF0000, v51  }
0x200: {  	v48 =	vadd.f32 v8, v48;
	v53 =	vshll.u32 v38, $0x10;
	v20 =	vand.u32 $0xFFFF0000, v38  }
0x201: {  	v17 =	vadd.f32 v53, v17;
	v46 =	vadd.f32 v52, v46;
	v51 =	vand.u32 $0xFFFF0000, v55;
	v8 =	vmovc v55  }
0x202: {  	v38 =	vadd.f32 v20, v5  }
0x203: {  	v5 =	vshll.u32 v13, $0x10;
	v15 =	vadd.f32 v50, v15;
	v44 =	vadd.f32 v51, v44  }
0x204: {  	v20 =	vand.u32 $0xFFFF0000, v7;
	v13 =	vand.u32 $0xFFFF0000, v13;
	v7 =	vshll.u32 v7, $0x10  }
0x205: {  	v8 =	vshll.u32 v8, $0x10;
	v57 =	vimm.f32 $0.0e+00;
	v51 =	vimm.f32 $0.0e+00  }
0x206: {  	s26 =	simm.s32 $0x0;
	v59 =	vimm.f32 $0.0e+00;
	v56 =	vimm.f32 $0.0e+00;
	v5 =	vadd.f32 v5, v36  }
0x207: {  	v53 =	vld [tilespmem:s26+$0x111F0];
	v36 =	vadd.f32 v13, v24;
	v49 =	vadd.f32 v20, v49;
	v63 =	vand.u32 $0xFFFF0000, v16  }
0x208: {  	v61 =	vimm.f32 $0.0e+00;
	v62 =	vld [tilespmem:s26+$0x111C0];
	v8 =	vadd.f32 v8, v48;
	v13 =	vadd.f32 v63, v33  }
0x209: {  	v48 =	vld [tilespmem:s26+$0x111D0];
	[tilespmem:$0x1F9A0] =	vst v15;
	v15 =	vshll.u32 v18, $0x10;
	v18 =	vand.u32 $0xFFFF0000, v18;
	v16 =	vshll.u32 v16, $0x10  }
0x20a: {  	v60 =	vimm.f32 $0.0e+00;
	v50 =	vadd.f32 v18, v10;
	v33 =	vadd.f32 v16, v12;
	[tilespmem:$0x1F9B0] =	vst v13;
	v13 =	vld [tilespmem:s26+$0x111B0]  }
0x20b: {  	v58 =	vld [tilespmem:s26+$0x111A0];
	v52 =	vadd.f32 v15, v19;
	v10 =	vadd.f32 v7, v47;
	v12 =	vimm.f32 $0.0e+00  }
0x20c: {  	v47 =	vimm.f32 $0.0e+00;
	v63 =	vimm.f32 $0.0e+00;
	v16 =	vld [tilespmem:s26+$0x11190];
	v55 =	vshll.u32 v53, $0x10  }
0x20d: {  	v18 =	vld [tilespmem:s26+$0x111E0];
	v15 =	vand.u32 $0xFFFF0000, v53;
	v7 =	vshll.u32 v62, $0x10;
	v54 =	vand.u32 $0xFFFF0000, v62  }
0x20e: {  	v53 =	vimm.f32 $0.0e+00;
	v62 =	vimm.f32 $0.0e+00;
	v7 =	vadd.f32 v7, v12  }
0x20f: {  	s25 =	simm.s32 $0x200;
	v19 =	vadd.f32 v15, v12;
	v15 =	vimm.f32 $0.0e+00;
	v20 =	vand.u32 $0xFFFF0000, v13  }
.LBB2_25:
0x210: {  	s26 =	sshra.s32 s25, $0x2;
	p1 =	sne.s32 s25, $0x3000;
	s25 =	sadd.s32 $0x200, s25;
	v12 =	vadd.f32 v54, v12;
	v54 =	vshll.u32 v48, $0x10;
	v47 =	vadd.f32 v55, v47  }
0x211: {  	v53 =	vadd.f32 v20, v53;
	v22 =	vld [tilespmem:s26+$0x111C0];
	v55 =	vshll.u32 v16, $0x10  }
0x212: {  	v24 =	vand.u32 $0xFFFF0000, v58;
	v16 =	vand.u32 $0xFFFF0000, v16;
	v20 =	vld [tilespmem:s26+$0x111F0];
	v26 =	vshll.u32 v18, $0x10  }
0x213: {  	v25 =	vand.u32 $0xFFFF0000, v48;
	v63 =	vadd.f32 v54, v63;
	v18 =	vand.u32 $0xFFFF0000, v18;
	v48 =	vld [tilespmem:s26+$0x111D0]  }
0x214: {  	v54 =	vshll.u32 v58, $0x10;
	v15 =	vadd.f32 v25, v15;
	v57 =	vadd.f32 v18, v57;
	v27 =	vld [tilespmem:s26+$0x111B0]  }
.Ltmp13:
0x215: {  	v62 =	vadd.f32 v16, v62;
	v51 =	vadd.f32 v26, v51;
	v58 =	vld [tilespmem:s26+$0x111A0];
	(pc) =	sbr.rel @p1 .LBB2_25-.Ltmp13, $4  }
0x216: {  	v13 =	vshll.u32 v13, $0x10;
	v56 =	vadd.f32 v24, v56;
	v59 =	vadd.f32 v55, v59;
	v16 =	vld [tilespmem:s26+$0x11190]  }
0x217: {  	v61 =	vadd.f32 v54, v61;
	v18 =	vld [tilespmem:s26+$0x111E0];
	v55 =	vshll.u32 v20, $0x10;
	v24 =	vand.u32 $0xFFFF0000, v20  }
0x218: {  	v60 =	vadd.f32 v13, v60;
	v25 =	vshll.u32 v22, $0x10;
	v54 =	vand.u32 $0xFFFF0000, v22  }
0x219: {  	v7 =	vadd.f32 v25, v7;
	v19 =	vadd.f32 v24, v19;
	v20 =	vand.u32 $0xFFFF0000, v27;
	v13 =	vmovc v27  }
0x21a: {  	v25 =	vld [tilespmem:$0x1FC60];
	_ =	sdelay $0x1  }
0x21b: {  	v54 =	vadd.f32 v54, v12;
	v47 =	vadd.f32 v55, v47  }
0x21c: {  	v27 =	vshll.u32 v48, $0x10;
	v55 =	vadd.f32 v20, v53;
	v48 =	vand.u32 $0xFFFF0000, v48  }
0x21d: {  	v53 =	vadd.f32 v27, v63;
	v12 =	vadd.f32 v48, v15;
	v24 =	vand.u32 $0xFFFF0000, v18  }
0x21e: {  	v63 =	vand.u32 $0xFFFF0000, v16;
	v48 =	vadd.f32 v24, v57;
	v26 =	vshll.u32 v25, $0x10  }
0x21f: {  	v57 =	vadd.f32 v63, v62;
	v15 =	vadd.f32 $0.0e+00, v26;
	v26 =	vshll.u32 v58, $0x10  }
0x220: {  	v63 =	vand.u32 $0xFFFF0000, v25;
	v25 =	vand.u32 $0xFFFF0000, v58;
	v58 =	vadd.f32 v26, v61;
	v61 =	vld [tilespmem:$0x1FBF0]  }
0x221: {  	v27 =	vshll.u32 v16, $0x10;
	v24 =	vld [tilespmem:$0x1FC10]  }
0x222: {  	v59 =	vadd.f32 v27, v59;
	v27 =	vld [tilespmem:$0x1FB70]  }
0x223: {  	v56 =	vadd.f32 v25, v56;
	v25 =	vld [tilespmem:$0x1FC70]  }
0x224: {  	v26 =	vld [tilespmem:$0x1FB90]  }
0x225: {  	v16 =	vadd.f32 $0.0e+00, v63;
	v20 =	vmul.f32 v61, v1;
	v61 =	vld [tilespmem:$0x1FB50]  }
0x226: {  	v62 =	vshll.u32 v18, $0x10;
	v15 =	vmul.f32 v15, v0;
	v18 =	vmul.f32 v24, v1  }
0x227: {  	v16 =	vmul.f32 v16, v0;
	v24 =	vld [tilespmem:$0x1FC30]  }
0x228: {  	v13 =	vshll.u32 v13, $0x10;
	v15 =	vadd.f32 v18, v15;
	v18 =	vmul.f32 v27, v2  }
0x229: {  	v22 =	vshll.u32 v25, $0x10;
	v16 =	vadd.f32 v20, v16;
	v20 =	vmul.f32 v26, v2;
	v26 =	vld [tilespmem:$0x1FC80]  }
0x22a: {  	v51 =	vadd.f32 v62, v51;
	v62 =	vadd.f32 $0.0e+00, v22;
	v22 =	vmul.f32 v61, v2  }
0x22b: {  	v30 =	vmul.f32 v30, v3;
	v63 =	vmul.f32 v35, v3;
	v15 =	vadd.f32 v18, v15;
	v61 =	vld [tilespmem:$0x1FC00]  }
0x22c: {  	v24 =	vmul.f32 v24, v1;
	v18 =	vmul.f32 v62, v0;
	v62 =	vadd.f32 v22, v16  }
0x22d: {  	v35 =	vadd.f32 v13, v60;
	v15 =	vadd.f32 v63, v15  }
0x22e: {  	v63 =	vadd.f32 v24, v18;
	v27 =	vshll.u32 v26, $0x10;
	v13 =	vadd.f32 v30, v62;
	v62 =	vld [tilespmem:$0x1FC50]  }
0x22f: {  	v25 =	vand.u32 $0xFFFF0000, v25;
	v22 =	vadd.f32 $0.0e+00, v27;
	v27 =	vld [tilespmem:$0x1FB80]  }
0x230: {  	v18 =	vadd.f32 $0.0e+00, v25;
	v16 =	vadd.f32 v20, v63;
	v20 =	vmul.f32 v61, v1;
	v61 =	vld [tilespmem:$0x1FBA0];
	_ =	sdelay $0x1  }
0x231: {  	v18 =	vmul.f32 v18, v0  }
0x232: {  	v22 =	vmul.f32 v22, v0;
	v24 =	vmul.f32 v62, v1  }
0x233: {  	v60 =	vmul.f32 v32, v3;
	v63 =	vadd.f32 v20, v18;
	v18 =	vmul.f32 v27, v2  }
0x234: {  	v32 =	vadd.f32 v24, v22;
	v24 =	vmul.f32 v61, v2  }
0x235: {  	v30 =	vadd.f32 v60, v16;
	v16 =	vadd.f32 v18, v63;
	v63 =	vmul.f32 v28, v3;
	v28 =	vld [tilespmem:$0x1FAC0]  }
0x236: {  	v20 =	vadd.f32 v24, v32;
	v32 =	vld [tilespmem:$0x1FC20]  }
0x237: {  	v61 =	vld [tilespmem:$0x1FC90]  }
0x238: {  	v60 =	vand.u32 $0xFFFF0000, v26;
	v26 =	vld [tilespmem:$0x1FB10]  }
0x239: {  	v62 =	vadd.f32 $0.0e+00, v60  }
0x23a: {  	v24 =	vmul.f32 v28, v3  }
0x23b: {  	v18 =	vmul.f32 v62, v0;
	v60 =	vmul.f32 v32, v1  }
0x23c: {  	v62 =	vshll.u32 v61, $0x10;
	v28 =	vand.u32 $0xFFFF0000, v61;
	v25 =	vadd.f32 v24, v20  }
0x23d: {  	v61 =	vld [tilespmem:$0x1FBB0];
	v20 =	vmul.f32 v26, v2;
	v32 =	vadd.f32 $0.0e+00, v28;
	v18 =	vadd.f32 v60, v18  }
0x23e: {  	v27 =	vadd.f32 v63, v16;
	v63 =	vadd.f32 $0.0e+00, v62;
	v62 =	vld [tilespmem:$0x1FCA0]  }
0x23f: {  	v18 =	vadd.f32 v20, v18;
	v20 =	vmul.f32 v32, v0;
	v32 =	vld [tilespmem:$0x1FAF0]  }
0x240: {  	v11 =	vmul.f32 v11, v1;
	v16 =	vmul.f32 v63, v0;
	v60 =	vld [tilespmem:$0x1FA70];
	_ =	sdelay $0x1  }
0x241: {  	v21 =	vmul.f32 v21, v2;
	v16 =	vadd.f32 v11, v16;
	_ =	sdelay $0x1  }
0x242: {  	v63 =	vshll.u32 v62, $0x10;
	v16 =	vadd.f32 v21, v16;
	v21 =	vmul.f32 v32, v2;
	v32 =	vld [tilespmem:$0x1FB20]  }
0x243: {  	v22 =	vmul.f32 v61, v1;
	v61 =	vld [tilespmem:$0x1FBC0];
	v28 =	vadd.f32 $0.0e+00, v63;
	v11 =	vmul.f32 v60, v3  }
0x244: {  	v63 =	vmul.f32 v40, v3;
	v40 =	vld [tilespmem:$0x1FBD0]  }
0x245: {  	v60 =	vand.u32 $0xFFFF0000, v62;
	v11 =	vadd.f32 v11, v18;
	v18 =	vmul.f32 v28, v0;
	v28 =	vld [tilespmem:$0x1FA50]  }
0x246: {  	v20 =	vadd.f32 v22, v20;
	v62 =	vadd.f32 $0.0e+00, v60  }
0x247: {  	v26 =	vmul.f32 v32, v2;
	v32 =	vadd.f32 v63, v16;
	v63 =	vld [tilespmem:$0x1FCB0]  }
0x248: {  	v24 =	vmul.f32 v61, v1;
	v20 =	vadd.f32 v21, v20;
	v21 =	vmul.f32 v62, v0;
	v62 =	vld [tilespmem:$0x1FA80]  }
0x249: {  	v60 =	vmul.f32 v40, v1;
	v40 =	vld [tilespmem:$0x1FB30]  }
0x24a: {  	v18 =	vadd.f32 v24, v18;
	v24 =	vmul.f32 v28, v3;
	_ =	sdelay $0x1  }
0x24b: {  	v61 =	vadd.f32 v60, v21;
	v16 =	vadd.f32 v24, v20;
	v24 =	vand.u32 $0xFFFF0000, v63  }
0x24c: {  	v18 =	vadd.f32 v26, v18;
	v21 =	vmul.f32 v62, v3;
	v60 =	vadd.f32 $0.0e+00, v24  }
0x24d: {  	v26 =	vmul.f32 v40, v2  }
0x24e: {  	v21 =	vadd.f32 v21, v18;
	v18 =	vmul.f32 v60, v0;
	v60 =	vld [tilespmem:$0x1FA90]  }
0x24f: {  	v20 =	vadd.f32 v26, v61;
	v61 =	vld [tilespmem:$0x1FC40]  }
0x250: {  	v62 =	vld [tilespmem:$0x1FBE0]  }
0x251: {  	v28 =	vshll.u32 v63, $0x10  }
0x252: {  	v22 =	vadd.f32 $0.0e+00, v28;
	v28 =	vld [tilespmem:$0x1FCC0]  }
0x253: {  	v40 =	vmul.f32 v60, v3;
	v60 =	vld [tilespmem:$0x1FB40]  }
0x254: {  	v6 =	vmul.f32 v6, v1;
	v24 =	vmul.f32 v61, v1;
	v61 =	vld [tilespmem:$0x1FB60]  }
0x255: {  	v26 =	vmul.f32 v62, v1;
	v22 =	vmul.f32 v22, v0  }
0x256: {  	v14 =	vmul.f32 v14, v2;
	v29 =	vmul.f32 v29, v1  }
0x257: {  	v18 =	vadd.f32 v26, v18;
	v63 =	vshll.u32 v28, $0x10;
	v22 =	vadd.f32 v24, v22  }
0x258: {  	v24 =	vadd.f32 $0.0e+00, v63;
	v63 =	vand.u32 $0xFFFF0000, v28;
	v28 =	vld [tilespmem:$0x1FAB0];
	v60 =	vmul.f32 v60, v2  }
0x259: {  	v50 =	vmul.f32 v50, v2;
	v26 =	vmul.f32 v61, v2;
	v61 =	vld [tilespmem:$0x1FAA0]  }
0x25a: {  	v10 =	vmul.f32 v10, v2;
	v62 =	vmul.f32 v24, v0;
	v18 =	vadd.f32 v60, v18;
	v60 =	vld [tilespmem:$0x1FB00]  }
0x25b: {  	v8 =	vmul.f32 v8, v2;
	v17 =	vmul.f32 v17, v2;
	v40 =	vadd.f32 v40, v20  }
0x25c: {  	v5 =	vmul.f32 v5, v2;
	v20 =	vadd.f32 $0.0e+00, v63;
	v6 =	vadd.f32 v6, v62;
	v62 =	vld [tilespmem:$0x1FA60]  }
0x25d: {  	v7 =	vmul.f32 v7, v3;
	v12 =	vmul.f32 v12, v3  }
0x25e: {  	v22 =	vadd.f32 v26, v22;
	v24 =	vmul.f32 v28, v3;
	v20 =	vmul.f32 v20, v0  }
0x25f: {  	v61 =	vmul.f32 v61, v3;
	v26 =	vmul.f32 v60, v2;
	v60 =	vshll.u32 v45, $0x10  }
0x260: {  	v28 =	vmul.f32 v4, v1;
	v63 =	vadd.f32 $0.0e+00, v60;
	v60 =	vadd.f32 v24, v22  }
0x261: {  	v62 =	vmul.f32 v62, v3;
	v26 =	vadd.f32 v26, v6;
	v6 =	vadd.f32 v61, v18  }
0x262: {  	v18 =	vadd.f32 v28, v20;
	v22 =	vmul.f32 v63, v0;
	v63 =	vmul.f32 v34, v1  }
0x263: {  	v45 =	vand.u32 $0xFFFF0000, v45;
	v61 =	vmul.f32 v52, v2;
	v4 =	vadd.f32 v62, v26  }
0x264: {  	v62 =	vshll.u32 v42, $0x10;
	v14 =	vadd.f32 v14, v18;
	v34 =	vadd.f32 v63, v22  }
0x265: {  	v52 =	vand.u32 $0xFFFF0000, v42;
	v22 =	vadd.f32 $0.0e+00, v45;
	v26 =	vadd.f32 $0.0e+00, v62  }
0x266: {  	v63 =	vmul.f32 v59, v3;
	v59 =	vadd.f32 $0.0e+00, v52;
	v52 =	vand.u32 $0xFFFF0000, v43  }
0x267: {  	v45 =	vmul.f32 v31, v1;
	v62 =	vmul.f32 v58, v3;
	v58 =	vadd.f32 $0.0e+00, v52  }
0x268: {  	v20 =	vadd.f32 v61, v34;
	v22 =	vmul.f32 v22, v0;
	v34 =	vmul.f32 v26, v0  }
0x269: {  	v52 =	vshll.u32 v37, $0x10;
	v61 =	vmul.f32 v57, v3;
	v24 =	vmul.f32 v59, v0  }
0x26a: {  	v59 =	vmul.f32 v56, v3;
	v56 =	vmul.f32 v38, v2;
	v22 =	vadd.f32 v29, v22  }
0x26b: {  	v20 =	vadd.f32 v63, v20;
	v18 =	vadd.f32 v45, v34;
	v63 =	vshll.u32 v43, $0x10  }
0x26c: {  	v34 =	vld [tilespmem:$0x1FA30];
	v43 =	vmul.f32 v41, v1;
	v42 =	vadd.f32 $0.0e+00, v63;
	v22 =	vadd.f32 v50, v22  }
0x26d: {  	v41 =	vld [tilespmem:$0x1FAE0];
	v10 =	vadd.f32 v10, v18;
	v50 =	vmul.f32 v49, v2;
	v49 =	vmul.f32 v55, v3  }
0x26e: {  	v55 =	vand.u32 $0xFFFF0000, v37;
	v15 =	vmul.f32 v20, v15;
	v37 =	vmul.f32 v33, v2  }
0x26f: {  	v57 =	vld [tilespmem:$0x1FA40];
	v26 =	vmul.f32 v42, v0;
	v42 =	vand.u32 $0xFFFF0000, v39;
	v22 =	vadd.f32 v61, v22  }
0x270: {  	v10 =	vadd.f32 v62, v10;
	v61 =	vshll.u32 v39, $0x10;
	v39 =	vmul.f32 v51, v3  }
0x271: {  	v62 =	vld [tilespmem:$0x1F9E0];
	v29 =	vmul.f32 v34, v1;
	v63 =	vadd.f32 $0.0e+00, v61;
	v34 =	vmul.f32 v44, v2  }
0x272: {  	v44 =	vadd.f32 $0.0e+00, v42;
	v42 =	vshll.u32 v41, $0x10;
	v13 =	vmul.f32 v22, v13  }
0x273: {  	v10 =	vmul.f32 v10, v30;
	v30 =	vmul.f32 v36, v2;
	v45 =	vadd.f32 v29, v24  }
0x274: {  	v51 =	vand.u32 $0xFFFF0000, v41;
	v29 =	vmul.f32 v57, v1;
	v28 =	vmul.f32 v63, v0  }
0x275: {  	v24 =	vmul.f32 v58, v0;
	v63 =	vld [tilespmem:$0x1FAD0];
	v13 =	vadd.f32 v13, v15;
	v18 =	vadd.f32 v50, v45  }
0x276: {  	v26 =	vadd.f32 v29, v26;
	v31 =	vmul.f32 v62, v1;
	v28 =	vadd.f32 v43, v28;
	v50 =	vld [tilespmem:$0x1F9C0]  }
0x277: {  	v58 =	vmul.f32 v54, v3;
	v10 =	vadd.f32 v10, v13;
	v18 =	vadd.f32 v59, v18  }
0x278: {  	v57 =	vld [tilespmem:$0x1F9F0];
	v45 =	vmul.f32 v35, v3;
	v8 =	vadd.f32 v8, v26;
	v24 =	vadd.f32 v31, v24  }
0x279: {  	v26 =	vmul.f32 v44, v0;
	v17 =	vadd.f32 v17, v28;
	v28 =	vadd.f32 $0.0e+00, v52  }
0x27a: {  	v59 =	vld [tilespmem:$0x1FA00];
	v31 =	vmul.f32 v53, v3;
	v44 =	vadd.f32 $0.0e+00, v42;
	v53 =	vadd.f32 $0.0e+00, v51  }
0x27b: {  	v38 =	vand.u32 $0xFFFF0000, v63;
	v24 =	vadd.f32 v34, v24;
	v29 =	vmul.f32 v50, v1  }
0x27c: {  	v8 =	vadd.f32 v45, v8;
	v28 =	vmul.f32 v28, v0;
	v7 =	vadd.f32 v7, v17  }
0x27d: {  	v52 =	vld [tilespmem:$0x1F9B0];
	v34 =	vmul.f32 v57, v1;
	v26 =	vadd.f32 v29, v26;
	v29 =	vadd.f32 $0.0e+00, v55  }
0x27e: {  	v35 =	vmul.f32 v18, v27;
	v13 =	vadd.f32 $0.0e+00, v38;
	v45 =	vmul.f32 v44, v0  }
0x27f: {  	v28 =	vadd.f32 v34, v28;
	v34 =	vmul.f32 v59, v1;
	v29 =	vmul.f32 v29, v0  }
0x280: {  	v24 =	vadd.f32 v49, v24;
	v10 =	vadd.f32 v35, v10;
	v8 =	vmul.f32 v8, v25;
	v49 =	vld [tilespmem:$0x1F9D0]  }
0x281: {  	v57 =	vmul.f32 v48, v3;
	v13 =	vmul.f32 v13, v0;
	v62 =	vadd.f32 v34, v29;
	v34 =	vld [tilespmem:$0x1FA20]  }
0x282: {  	v7 =	vmul.f32 v7, v32;
	v17 =	vmul.f32 v52, v2;
	v8 =	vadd.f32 v8, v10  }
0x283: {  	v43 =	vld [tilespmem:$0x1FA10];
	v11 =	vmul.f32 v24, v11;
	v26 =	vadd.f32 v56, v26;
	v29 =	vshll.u32 v63, $0x10  }
0x284: {  	v55 =	vmul.f32 v23, v1;
	v5 =	vadd.f32 v5, v28;
	v20 =	vadd.f32 $0.0e+00, v29  }
0x285: {  	v8 =	vadd.f32 v11, v8;
	v61 =	vadd.f32 v58, v26;
	v11 =	vmul.f32 v49, v1  }
0x286: {  	v54 =	vld [tilespmem:$0x1F9A0];
	v5 =	vadd.f32 v31, v5;
	v20 =	vmul.f32 v20, v0;
	v26 =	vmul.f32 v34, v1  }
0x287: {  	v7 =	vadd.f32 v7, v8;
	v22 =	vadd.f32 v30, v62;
	v50 =	vmul.f32 v61, v16  }
0x288: {  	v8 =	vadd.f32 v11, v45;
	v36 =	vadd.f32 v26, v20;
	v20 =	vmul.f32 v43, v1  }
0x289: {  	v5 =	vmul.f32 v5, v21;
	v12 =	vadd.f32 v12, v22;
	v7 =	vadd.f32 v50, v7  }
0x28a: {  	v59 =	vmul.f32 v46, v2;
	v15 =	vadd.f32 v37, v36;
	v13 =	vadd.f32 v20, v13  }
0x28b: {  	v16 =	vmul.f32 v54, v2;
	v11 =	vmul.f32 v53, v0;
	v5 =	vadd.f32 v5, v7  }
0x28c: {  	v56 =	vmul.f32 v12, v40;
	v10 =	vadd.f32 v39, v15;
	v13 =	vadd.f32 v17, v13  }
0x28d: {  	v58 =	vmul.f32 v47, v3;
	v8 =	vadd.f32 v16, v8;
	v11 =	vadd.f32 v55, v11  }
0x28e: {  	v5 =	vadd.f32 v56, v5;
	v12 =	vadd.f32 v57, v13;
	v61 =	vmul.f32 v10, v60  }
0x28f: {  	v9 =	vmul.f32 v9, v3;
	v63 =	vmul.f32 v19, v3;
	v8 =	vadd.f32 v58, v8  }
0x290: {  	v62 =	vadd.f32 v59, v11;
	v5 =	vadd.f32 v61, v5;
	v6 =	vmul.f32 v12, v6  }
0x291: {  	v9 =	vadd.f32 v9, v14  }
0x292: {  	v7 =	vadd.f32 v63, v62;
	v4 =	vmul.f32 v8, v4;
	v5 =	vadd.f32 v6, v5;
	_ =	sdelay $0x1  }
0x293: {  	v4 =	vadd.f32 v4, v5;
	v5 =	vmul.f32 v7, v9;
	_ =	sdelay $0x1  }
0x294: {  	v4 =	vadd.f32 v5, v4;
	_ =	sdelay $0x1  }
0x295: {  	(xrf2) =	vadd.scan.msk.f32 $0xffff, v4;
	_ =	sdelay $0x7  }
0x296: {  	v4 =	vmov s24  }
.Ltmp14:
0x297: {  	_ = 	snop;
	(pc) =	sbr.rel @p0 .LBB2_28-.Ltmp14, $3  }
0x298: {  	v5, _, _ =	vpop (xrf2)  }
0x299: {  	v5 =	vbroadcast v5, $0xF;
	_ =	sdelay $0x1  }
0x29a: {  	[tilespmem:v4+s20+$0x0] =	vst.idx.msk $0x1, v5  }
0x29b: {  	s24 =	sshll.u32 s23, $0x9  }
.Ltmp15:
0x29c: {  	s24 =	sand.u32 $0x3FFFFE00, s24;
	(pc) =	sbr.rel .LBB2_2-.Ltmp15, $4  }
0x29d: {  	s25 =	sadd.s32 $0x310, s24  }
0x29e: {  	[tilespmem:s16], [sflag:$0x2] =	stream.indirect.gather [hbm4b:s3+s10], $0x80, s25, s10, $0xb8;
	[tilespmem:$0x12090] =	vst v63  }
0x29f: {  	s23 =	sadd.s32 $0x1, s23;
	s24 =	sadd.s32 $0x390, s24  }
0x2a0: {  	[tilespmem:s18], [sflag:$0x2] =	stream.indirect.gather [hbm4b:s3+s12], $0x80, s24, s12, $0xb8;
	[tilespmem:$0x12090] =	vst v63  }
.LBB2_29:
0x2a1: {  	_ =	sfence.sel $0x180000  }
0x2a2: {  	[bflag:$0x0] =	sbarrier.arrive $0xFFFF  }
0x2a3: {  	p0 =	sne.s32 s1, $0x0;
	_ =	strace $0x90000047  }
0x2a4: {  	s0 =	sadd.s32 @!p0 $0x100000, s0;
	[bflag:$0x2] =	sbarrier.arrive $0xFFFF  }
0x2a5: {  	[sflag:s0] =	ssyncadd.tile.s32 @!p0 $0x1;
	_ =	shalt  }
.Lfunc_end2:
_tile_overlayer_lowered:
.L_overlay_start_2:
0x2a6: {  	(tag) =	ssettag $0x2  }
0x2a7: {  	s0 =	rddreg [dreg:$0x0];
	s2 =	stileid.u32  }
0x2a8: {  	s1 =	rddreg [dreg:$0x1];
	p0 =	sne.s32 s2, $0x0  }
0x2a9: {  	s3 =	rddreg [dreg:$0x2];
	[bflag:$0x3] =	sbarrier.arrive $0xFFFF;
	s2 =	simm.s32 @!p0 $0x1C03  }
0x2aa: {  	[timem:s3], [sflag:s2] =	dma.local @!p0 [hbm:s0], s1  }
0x2ab: {  	s0 =	simm.s32 @!p0 $0x3  }
0x2ac: {  	_ =	swait.ge @!p0 [sflag:s0], s1  }
0x2ad: {  	s1 =	ssub.s32 @!p0 $0x0, s1;
	[sflag:s0] =	ssyncset.done @!p0 $0x0  }
0x2ae: {  	[sflag:s0] =	ssyncadd.s32 @!p0 s1  }
0x2af: {  	[bflag:$0x3] =	sbarrier.arrive $0xFFFF  }
0x2b0: {  	_ =	shalt  }

</sc_bundles>
